<compile_context>
chip_gen: v7x
topology: tpu7x:2x2x1
jax: 0.10.2.dev20260603
libtpu: 0.0.44.dev20260713+nightly
codegen_flags: <defaults>
</compile_context>

<pallas_src>
import functools

import jax
import jax.numpy as jnp
from jax import lax
from jax.experimental import pallas as pl
from jax.experimental.pallas import tpu as pltpu
from jax.experimental.pallas import tpu_sc as plsc

_NC = 2
_NS = 16
_NW = _NC * _NS
_CH = 640


def _stage1_body(t, x4_ref, we4_ref, wself4_ref, table_ref, xself_ref):
    xb = x4_ref[...]
    for tt in range(t):
        table_ref[tt] = jnp.dot(xb, we4_ref[tt], preferred_element_type=jnp.float32)
    xself_ref[...] = jnp.dot(xb, wself4_ref[...], preferred_element_type=jnp.float32)


def _stage3_body(p0_ref, p1_ref, xs_ref, b_ref, wc_ref, bc_ref, out_ref):
    h = p0_ref[...] + p1_ref[...] + xs_ref[...] + b_ref[...]
    g = jax.nn.gelu(h)
    out_ref[...] = jnp.dot(g, wc_ref[...], preferred_element_type=jnp.float32) + bc_ref[...]


def _make_sc_agg(np_, n, e, t, c_out):
    nch = e // _CH
    rpt = (n // _NS) // 8 * 8
    tail = n - _NS * rpt
    mesh = plsc.VectorSubcoreMesh(core_axis_name="c", subcore_axis_name="s")

    @functools.partial(
        pl.kernel,
        mesh=mesh,
        out_type=jax.ShapeDtypeStruct((_NC * np_, c_out), jnp.float32),
        scratch_types=[
            pltpu.VMEM((_CH,), jnp.int32),
            pltpu.VMEM((_CH,), jnp.int32),
            pltpu.VMEM((_CH,), jnp.int32),
            pltpu.VMEM((_CH,), jnp.int32),
            pltpu.VMEM((_CH,), jnp.int32),
            pltpu.VMEM((_CH,), jnp.int32),
            pltpu.VMEM((_CH,), jnp.int32),
            pltpu.VMEM((_CH,), jnp.int32),
            pltpu.VMEM((_CH, c_out), jnp.float32),
            pltpu.VMEM((_CH, c_out), jnp.float32),
            pltpu.VMEM_SHARED((n, c_out), jnp.float32),
            pltpu.SemaphoreType.DMA,
            pltpu.SemaphoreType.DMA,
            pltpu.SemaphoreType.DMA,
            pltpu.SemaphoreType.DMA,
        ],
        compiler_params=pltpu.CompilerParams(use_tc_tiling_on_sc=False),
    )
    def sc_agg(table_hbm, src_hbm, et_hbm, dst_hbm, zeros_hbm, out_hbm,
               s0, s1, e0, e1, d0, d1, g0, g1, r0, r1, acc,
               si0, si1, sg0, sg1):
        sb, eb, db, gb = (s0, s1), (e0, e1), (d0, d1), (g0, g1)
        rb, si, sg = (r0, r1), (si0, si1), (sg0, sg1)
        cid = lax.axis_index("c")
        sid = lax.axis_index("s")
        wid = sid * _NC + cid

        pltpu.sync_copy(zeros_hbm.at[pl.ds(sid * rpt, rpt)],
                        acc.at[pl.ds(sid * rpt, rpt)])
        if tail:
            @pl.when(sid == _NS - 1)
            def _init_tail():
                pltpu.sync_copy(zeros_hbm.at[pl.ds(_NS * rpt, tail)],
                                acc.at[pl.ds(_NS * rpt, tail)])
        plsc.subcore_barrier()

        nk = (nch - wid + _NW - 1) // _NW

        def fire_idx(b, k):
            base = (wid + k * _NW) * _CH
            pltpu.async_copy(src_hbm.at[pl.ds(base, _CH)], sb[b], si[b])
            pltpu.async_copy(et_hbm.at[pl.ds(base, _CH)], eb[b], si[b])
            pltpu.async_copy(dst_hbm.at[pl.ds(base, _CH)], db[b], si[b])

        def wait_idx_fire_gather(b):
            pltpu.make_async_copy(src_hbm.at[pl.ds(0, _CH)], sb[b], si[b]).wait()
            pltpu.make_async_copy(et_hbm.at[pl.ds(0, _CH)], eb[b], si[b]).wait()
            pltpu.make_async_copy(dst_hbm.at[pl.ds(0, _CH)], db[b], si[b]).wait()
            for i in range(_CH // 16):
                sl = pl.ds(i * 16, 16)
                gb[b][sl] = eb[b][sl] * np_ + sb[b][sl]
            pltpu.async_copy(table_hbm.at[gb[b]], rb[b], sg[b])

        def wait_gather_scatter(b):
            pltpu.make_async_copy(table_hbm.at[gb[b]], rb[b], sg[b]).wait()
            pltpu.sync_copy(rb[b], acc.at[db[b]], add=True)

        fire_idx(0, 0)
        wait_idx_fire_gather(0)

        @pl.when(nk > 1)
        def _prefetch1():
            fire_idx(1, 1)

        def body(p, carry):
            k1 = 2 * p + 1
            k2 = 2 * p + 2
            k3 = 2 * p + 3

            @pl.when(k1 < nk)
            def _():
                wait_idx_fire_gather(1)

            wait_gather_scatter(0)

            @pl.when(k2 < nk)
            def _():
                fire_idx(0, k2)

            @pl.when(k1 < nk)
            def _():
                wait_gather_scatter(1)

            @pl.when(k2 < nk)
            def _():
                wait_idx_fire_gather(0)

            @pl.when(k3 < nk)
            def _():
                fire_idx(1, k3)

            return carry

        lax.fori_loop(0, (nk + 1) // 2, body, 0)
        plsc.subcore_barrier()
        pltpu.sync_copy(acc.at[pl.ds(sid * rpt, rpt)],
                        out_hbm.at[pl.ds(cid * np_ + sid * rpt, rpt)])
        if tail:
            @pl.when(sid == _NS - 1)
            def _drain_tail():
                pltpu.sync_copy(acc.at[pl.ds(_NS * rpt, tail)],
                                out_hbm.at[pl.ds(cid * np_ + _NS * rpt, tail)])

    return sc_agg


def kernel(x, edge_index, edge_type, W_edge, W_self, b, W_kl, b_kl, W_post, b_post):
    n, c_in = x.shape
    t, _, c_out = W_edge.shape
    e = edge_type.shape[0]
    embed = W_post.shape[0]
    avg_degree = 7.0
    pack = 128 // c_out

    blk = 2048
    np_ = 10240
    g = np_ // blk

    assert e % _CH == 0 and _CH % 16 == 0 and n % _NS == 0 and np_ % blk == 0

    we = W_edge / avg_degree
    we4 = jnp.stack([jax.scipy.linalg.block_diag(*([we[tt]] * pack))
                     for tt in range(t)])
    wself4 = jax.scipy.linalg.block_diag(*([W_self] * pack))
    wc = W_kl[:, :embed] @ W_post
    wc4 = jax.scipy.linalg.block_diag(*([wc] * pack))
    bc = b_kl[:embed] @ W_post + b_post
    bc4 = jnp.tile(bc, pack).reshape(1, 128)
    b4 = jnp.tile(b, pack).reshape(1, 128)

    x4 = jnp.pad(x, ((0, np_ - n), (0, 0))).reshape(np_ // 4, pack * c_in)

    table, xself = pl.pallas_call(
        functools.partial(_stage1_body, t),
        grid=(g,),
        in_specs=[
            pl.BlockSpec((blk // 4, pack * c_in), lambda i: (i, 0)),
            pl.BlockSpec((t, pack * c_in, 128), lambda i: (0, 0, 0)),
            pl.BlockSpec((pack * c_in, 128), lambda i: (0, 0)),
        ],
        out_specs=[
            pl.BlockSpec((t, blk // 4, 128), lambda i: (0, i, 0)),
            pl.BlockSpec((blk // 4, 128), lambda i: (i, 0)),
        ],
        out_shape=[
            jax.ShapeDtypeStruct((t, np_ // 4, 128), jnp.float32),
            jax.ShapeDtypeStruct((np_ // 4, 128), jnp.float32),
        ],
    )(x4, we4, wself4)
    table = table.reshape(t * np_, c_out)

    zeros = jnp.zeros((n, c_out), jnp.float32)
    partials = _make_sc_agg(np_, n, e, t, c_out)(
        table, edge_index[0], edge_type, edge_index[1], zeros)
    packed = partials.reshape(_NC * np_ // 4, 128)

    recon = pl.pallas_call(
        _stage3_body,
        grid=(g,),
        in_specs=[
            pl.BlockSpec((blk // 4, 128), lambda i: (i, 0)),
            pl.BlockSpec((blk // 4, 128), lambda i: (i, 0)),
            pl.BlockSpec((blk // 4, 128), lambda i: (i, 0)),
            pl.BlockSpec((1, 128), lambda i: (0, 0)),
            pl.BlockSpec((128, 128), lambda i: (0, 0)),
            pl.BlockSpec((1, 128), lambda i: (0, 0)),
        ],
        out_specs=pl.BlockSpec((blk // 4, 128), lambda i: (i, 0)),
        out_shape=jax.ShapeDtypeStruct((np_ // 4, 128), jnp.float32),
    )(packed[:np_ // 4], packed[np_ // 4:], xself, b4, wc4, bc4)
    return recon.reshape(np_, c_out)[:n]

# --- scband reference (transcript-rebuilt; emitter-appended) ---
"""Pipeline reference for scband-graph-vae-5815385719161 (READ-ONLY COPY).

The authoritative reference and input builder live on the scoring server;
editing this copy changes nothing except your own understanding.
"""

import jax, jax.numpy as jnp
import numpy as np

N = 10000
E = 320000
C_IN = 128
C_OUT = 32
N_EDGE_TYPE = 7
AVG_DEGREE = 7.0
EMBED = 3


def setup_inputs(seed: int = 0) -> dict:
    key = jax.random.key(seed)
    ks = jax.random.split(key, 10)
    x = jax.random.normal(ks[0], (N, C_IN), dtype=jnp.float32)
    edge_index = jax.random.randint(ks[1], (2, E), 0, N, dtype=jnp.int32)
    edge_type = jax.random.randint(ks[2], (E,), 0, N_EDGE_TYPE, dtype=jnp.int32)
    W_edge = jax.random.normal(ks[3], (N_EDGE_TYPE, C_IN, C_OUT), dtype=jnp.float32) * 0.05
    W_self = jax.random.normal(ks[4], (C_IN, C_OUT), dtype=jnp.float32) * 0.05
    b = jnp.zeros((C_OUT,), dtype=jnp.float32)
    W_kl = jax.random.normal(ks[5], (C_OUT, 2 * EMBED), dtype=jnp.float32) * 0.05
    b_kl = jnp.zeros((2 * EMBED,), dtype=jnp.float32)
    W_post = jax.random.normal(ks[6], (EMBED, C_OUT), dtype=jnp.float32) * 0.05
    b_post = jnp.zeros((C_OUT,), dtype=jnp.float32)
    return {"x": x, "edge_index": edge_index, "edge_type": edge_type,
            "W_edge": W_edge, "W_self": W_self, "b": b,
            "W_kl": W_kl, "b_kl": b_kl, "W_post": W_post, "b_post": b_post}


def reference(x, edge_index, edge_type, W_edge, W_self, b, W_kl, b_kl, W_post, b_post):
    # Typed graph convolution (dual-octree GraphConv): for each edge (src, dst, t):
    #   out[dst] += W_edge[t] @ x[src]
    # computed efficiently as per-type scatter-add followed by a dense matmul.
    src = edge_index[0]
    dst = edge_index[1]
    n = x.shape[0]
    xs = jnp.take(x, src, axis=0)  # gather, [E, C_IN]
    out = jnp.zeros((n, W_edge.shape[2]), dtype=x.dtype)
    for t in range(W_edge.shape[0]):
        mask = (edge_type == t).astype(x.dtype)[:, None]
        agg = jax.ops.segment_sum(xs * mask, dst, num_segments=n)  # scatter-add
        out = out + agg @ W_edge[t]
    h = out / AVG_DEGREE + x @ W_self + b
    # encoder output nonlinearity
    h = jax.nn.gelu(h)
    # KL_conv: 1x1 conv -> (mu, logvar)
    code = h @ W_kl + b_kl
    mu, logvar = jnp.split(code, 2, axis=-1)
    # deterministic posterior mode, then post_KL_conv back to decoder width
    recon = mu @ W_post + b_post
    return recon

if __name__ == "__main__":
    import jax
    _d = setup_inputs()
    print(jax.jit(kernel)(*tuple(_d.values())))

</pallas_src>

<mosaic_0001>
#map = affine_map<(d0, d1) -> (0, 0)>
#map1 = affine_map<(d0, d1) -> (0)>
module attributes {stable_mosaic.version = 14 : i64} {
  func.func @sc_agg(%arg0: i32, %arg1: i32, %arg2: memref<71680x32xf32, #tpu.memory_space<hbm>>, %arg3: memref<320000xi32, #tpu.memory_space<hbm>>, %arg4: memref<320000xi32, #tpu.memory_space<hbm>>, %arg5: memref<320000xi32, #tpu.memory_space<hbm>>, %arg6: memref<10000x32xf32, #tpu.memory_space<hbm>>, %arg7: memref<20480x32xf32, #tpu.memory_space<hbm>>, %arg8: memref<640xi32, #tpu.memory_space<vmem>>, %arg9: memref<640xi32, #tpu.memory_space<vmem>>, %arg10: memref<640xi32, #tpu.memory_space<vmem>>, %arg11: memref<640xi32, #tpu.memory_space<vmem>>, %arg12: memref<640xi32, #tpu.memory_space<vmem>>, %arg13: memref<640xi32, #tpu.memory_space<vmem>>, %arg14: memref<640xi32, #tpu.memory_space<vmem>>, %arg15: memref<640xi32, #tpu.memory_space<vmem>>, %arg16: memref<640x32xf32, #tpu.memory_space<vmem>>, %arg17: memref<640x32xf32, #tpu.memory_space<vmem>>, %arg18: memref<10000x32xf32, #tpu.memory_space<vmem_shared>>, %arg19: memref<!tpu.dma_semaphore, #tpu.memory_space<semaphore_mem>>, %arg20: memref<!tpu.dma_semaphore, #tpu.memory_space<semaphore_mem>>, %arg21: memref<!tpu.dma_semaphore, #tpu.memory_space<semaphore_mem>>, %arg22: memref<!tpu.dma_semaphore, #tpu.memory_space<semaphore_mem>>) attributes {dimension_semantics = [#tpu.dimension_semantics<core_parallel>, #tpu.dimension_semantics<subcore_parallel>], iteration_bounds = array<i64: 2, 16>, scalar_prefetch = 0 : i64, scratch_operands = 15 : i64, tpu.core_type = #tpu.core_type<sc_vector_subcore>, window_params = [{transform_indices = #map}, {transform_indices = #map1}, {transform_indices = #map1}, {transform_indices = #map1}, {transform_indices = #map}, {transform_indices = #map}]} {
    %mul3A = arith.constant 2 : i32
    %mul3A_0 = arith.muli %arg1, %mul3A : i32
    %add3A = arith.addi %mul3A_0, %arg0 : i32
    %mul3A_1 = arith.constant 624 : i32
    %mul3A_2 = arith.muli %arg1, %mul3A_1 : i32
    %mul3A_3 = arith.constant 624 : i32
    %mul3A_4 = arith.muli %arg1, %mul3A_3 : i32
    "tpu.region"() ({
      %run_scoped3A = tpu.sem_alloc : memref<!tpu.dma_semaphore, #tpu.memory_space<semaphore_mem>>
      %dma_start3A_662 = arith.constant 0 : i32
      %dma_start3A_663 = tpu.memref_slice %arg18[%mul3A_4, %dma_start3A_662] : memref<10000x32xf32, #tpu.memory_space<vmem_shared>> -> memref<624x32xf32, #tpu.memory_space<vmem_shared>>
      %dma_start3A_664 = arith.constant 0 : i32
      %dma_start3A_665 = tpu.memref_slice %arg6[%mul3A_2, %dma_start3A_664] : memref<10000x32xf32, #tpu.memory_space<hbm>> -> memref<624x32xf32, #tpu.memory_space<hbm>>
      tpu.enqueue_dma source(%dma_start3A_665 : memref<624x32xf32, #tpu.memory_space<hbm>>) target(%dma_start3A_663 : memref<624x32xf32, #tpu.memory_space<vmem_shared>>) target_semaphore(%run_scoped3A : memref<!tpu.dma_semaphore, #tpu.memory_space<semaphore_mem>>)
      %dma_wait3A_666 = arith.constant 0 : i32
      %dma_wait3A_667 = tpu.memref_slice %arg18[%mul3A_4, %dma_wait3A_666] : memref<10000x32xf32, #tpu.memory_space<vmem_shared>> -> memref<624x32xf32, #tpu.memory_space<vmem_shared>>
      %dma_wait3A_668 = arith.constant 0 : i32
      %dma_wait3A_669 = tpu.memref_slice %arg6[%mul3A_2, %dma_wait3A_668] : memref<10000x32xf32, #tpu.memory_space<hbm>> -> memref<624x32xf32, #tpu.memory_space<hbm>>
      tpu.wait_dma2 semaphore(%run_scoped3A : memref<!tpu.dma_semaphore, #tpu.memory_space<semaphore_mem>>) src(%dma_wait3A_669 : memref<624x32xf32, #tpu.memory_space<hbm>>) dst(%dma_wait3A_667 : memref<624x32xf32, #tpu.memory_space<vmem_shared>>)
      tpu.yield
    }) : () -> ()
    %eq3A = arith.constant 15 : i32
    %eq3A_5 = arith.cmpi eq, %arg1, %eq3A : i32
    %convert_element_type3A = arith.extui %eq3A_5 : i1 to i32
    %cond3A = arith.constant 0 : i32
    %cond3A_6 = arith.cmpi ne, %convert_element_type3A, %cond3A : i32
    scf.if %cond3A_6 {
      "tpu.region"() ({
        %run_scoped3A = tpu.sem_alloc : memref<!tpu.dma_semaphore, #tpu.memory_space<semaphore_mem>>
        %dma_start3A_662 = arith.constant 9984 : i32
        %dma_start3A_663 = arith.constant 0 : i32
        %dma_start3A_664 = tpu.memref_slice %arg18[%dma_start3A_662, %dma_start3A_663] : memref<10000x32xf32, #tpu.memory_space<vmem_shared>> -> memref<16x32xf32, #tpu.memory_space<vmem_shared>>
        %dma_start3A_665 = arith.constant 9984 : i32
        %dma_start3A_666 = arith.constant 0 : i32
        %dma_start3A_667 = tpu.memref_slice %arg6[%dma_start3A_665, %dma_start3A_666] : memref<10000x32xf32, #tpu.memory_space<hbm>> -> memref<16x32xf32, #tpu.memory_space<hbm>>
        tpu.enqueue_dma source(%dma_start3A_667 : memref<16x32xf32, #tpu.memory_space<hbm>>) target(%dma_start3A_664 : memref<16x32xf32, #tpu.memory_space<vmem_shared>>) target_semaphore(%run_scoped3A : memref<!tpu.dma_semaphore, #tpu.memory_space<semaphore_mem>>)
        %dma_wait3A_668 = arith.constant 9984 : i32
        %dma_wait3A_669 = arith.constant 0 : i32
        %dma_wait3A_670 = tpu.memref_slice %arg18[%dma_wait3A_668, %dma_wait3A_669] : memref<10000x32xf32, #tpu.memory_space<vmem_shared>> -> memref<16x32xf32, #tpu.memory_space<vmem_shared>>
        %dma_wait3A_671 = arith.constant 9984 : i32
        %dma_wait3A_672 = arith.constant 0 : i32
        %dma_wait3A_673 = tpu.memref_slice %arg6[%dma_wait3A_671, %dma_wait3A_672] : memref<10000x32xf32, #tpu.memory_space<hbm>> -> memref<16x32xf32, #tpu.memory_space<hbm>>
        tpu.wait_dma2 semaphore(%run_scoped3A : memref<!tpu.dma_semaphore, #tpu.memory_space<semaphore_mem>>) src(%dma_wait3A_673 : memref<16x32xf32, #tpu.memory_space<hbm>>) dst(%dma_wait3A_670 : memref<16x32xf32, #tpu.memory_space<vmem_shared>>)
        tpu.yield
      }) : () -> ()
    } else {
    }
    %barrier3A = arith.constant 0 : index
    tpu.barrier barrier_id(%barrier3A)
    %sub3A = arith.constant 500 : i32
    %sub3A_7 = arith.subi %sub3A, %add3A : i32
    %add3A_8 = arith.constant 32 : i32
    %add3A_9 = arith.addi %sub3A_7, %add3A_8 : i32
    %sub3A_10 = arith.constant 1 : i32
    %sub3A_11 = arith.subi %add3A_9, %sub3A_10 : i32
    %jit3A = arith.constant 32 : i32
    %div3A = arith.divsi %sub3A_11, %jit3A : i32
    %sign3A = arith.constant 0 : i32
    %sign3A_12 = arith.cmpi sgt, %sub3A_11, %sign3A : i32
    %sign3A_13 = arith.extui %sign3A_12 : i1 to i32
    %sign3A_14 = arith.constant 0 : i32
    %sign3A_15 = arith.cmpi slt, %sub3A_11, %sign3A_14 : i32
    %sign3A_16 = arith.extui %sign3A_15 : i1 to i32
    %sign3A_17 = arith.subi %sign3A_13, %sign3A_16 : i32
    %sign3A_18 = arith.constant 0 : i32
    %sign3A_19 = arith.cmpi sgt, %jit3A, %sign3A_18 : i32
    %sign3A_20 = arith.extui %sign3A_19 : i1 to i32
    %sign3A_21 = arith.constant 0 : i32
    %sign3A_22 = arith.cmpi slt, %jit3A, %sign3A_21 : i32
    %sign3A_23 = arith.extui %sign3A_22 : i1 to i32
    %sign3A_24 = arith.subi %sign3A_20, %sign3A_23 : i32
    %ne3A = arith.cmpi ne, %sign3A_17, %sign3A_24 : i32
    %rem3A = arith.remsi %sub3A_11, %jit3A : i32
    %ne3A_25 = arith.constant 0 : i32
    %ne3A_26 = arith.cmpi ne, %rem3A, %ne3A_25 : i32
    %and3A = arith.andi %ne3A, %ne3A_26 : i1
    %sub3A_27 = arith.constant 1 : i32
    %sub3A_28 = arith.subi %div3A, %sub3A_27 : i32
    %select_n3A = arith.select %and3A, %sub3A_28, %div3A : i32
    %add3A_29 = arith.constant 0 : i32
    %add3A_30 = arith.addi %add3A, %add3A_29 : i32
    %mul3A_31 = arith.constant 640 : i32
    %mul3A_32 = arith.muli %add3A_30, %mul3A_31 : i32
    %dma_start3A = tpu.memref_slice %arg3[%mul3A_32] : memref<320000xi32, #tpu.memory_space<hbm>> -> memref<640xi32, #tpu.memory_space<hbm>>
    %dma_start3A_33 = tpu.memref_slice %arg3[%mul3A_32] : memref<320000xi32, #tpu.memory_space<hbm>> -> memref<640xi32, #tpu.memory_space<hbm>>
    tpu.enqueue_dma source(%dma_start3A_33 : memref<640xi32, #tpu.memory_space<hbm>>) target(%arg8 : memref<640xi32, #tpu.memory_space<vmem>>) target_semaphore(%arg19 : memref<!tpu.dma_semaphore, #tpu.memory_space<semaphore_mem>>)
    %dma_start3A_34 = tpu.memref_slice %arg4[%mul3A_32] : memref<320000xi32, #tpu.memory_space<hbm>> -> memref<640xi32, #tpu.memory_space<hbm>>
    %dma_start3A_35 = tpu.memref_slice %arg4[%mul3A_32] : memref<320000xi32, #tpu.memory_space<hbm>> -> memref<640xi32, #tpu.memory_space<hbm>>
    tpu.enqueue_dma source(%dma_start3A_35 : memref<640xi32, #tpu.memory_space<hbm>>) target(%arg10 : memref<640xi32, #tpu.memory_space<vmem>>) target_semaphore(%arg19 : memref<!tpu.dma_semaphore, #tpu.memory_space<semaphore_mem>>)
    %dma_start3A_36 = tpu.memref_slice %arg5[%mul3A_32] : memref<320000xi32, #tpu.memory_space<hbm>> -> memref<640xi32, #tpu.memory_space<hbm>>
    %dma_start3A_37 = tpu.memref_slice %arg5[%mul3A_32] : memref<320000xi32, #tpu.memory_space<hbm>> -> memref<640xi32, #tpu.memory_space<hbm>>
    tpu.enqueue_dma source(%dma_start3A_37 : memref<640xi32, #tpu.memory_space<hbm>>) target(%arg12 : memref<640xi32, #tpu.memory_space<vmem>>) target_semaphore(%arg19 : memref<!tpu.dma_semaphore, #tpu.memory_space<semaphore_mem>>)
    %dma_wait3A = arith.constant 0 : i32
    %dma_wait3A_38 = tpu.memref_slice %arg3[%dma_wait3A] : memref<320000xi32, #tpu.memory_space<hbm>> -> memref<640xi32, #tpu.memory_space<hbm>>
    %dma_wait3A_39 = arith.constant 0 : i32
    %dma_wait3A_40 = tpu.memref_slice %arg3[%dma_wait3A_39] : memref<320000xi32, #tpu.memory_space<hbm>> -> memref<640xi32, #tpu.memory_space<hbm>>
    tpu.wait_dma2 semaphore(%arg19 : memref<!tpu.dma_semaphore, #tpu.memory_space<semaphore_mem>>) src(%dma_wait3A_40 : memref<640xi32, #tpu.memory_space<hbm>>) dst(%arg8 : memref<640xi32, #tpu.memory_space<vmem>>)
    %dma_wait3A_41 = arith.constant 0 : i32
    %dma_wait3A_42 = tpu.memref_slice %arg4[%dma_wait3A_41] : memref<320000xi32, #tpu.memory_space<hbm>> -> memref<640xi32, #tpu.memory_space<hbm>>
    %dma_wait3A_43 = arith.constant 0 : i32
    %dma_wait3A_44 = tpu.memref_slice %arg4[%dma_wait3A_43] : memref<320000xi32, #tpu.memory_space<hbm>> -> memref<640xi32, #tpu.memory_space<hbm>>
    tpu.wait_dma2 semaphore(%arg19 : memref<!tpu.dma_semaphore, #tpu.memory_space<semaphore_mem>>) src(%dma_wait3A_44 : memref<640xi32, #tpu.memory_space<hbm>>) dst(%arg10 : memref<640xi32, #tpu.memory_space<vmem>>)
    %dma_wait3A_45 = arith.constant 0 : i32
    %dma_wait3A_46 = tpu.memref_slice %arg5[%dma_wait3A_45] : memref<320000xi32, #tpu.memory_space<hbm>> -> memref<640xi32, #tpu.memory_space<hbm>>
    %dma_wait3A_47 = arith.constant 0 : i32
    %dma_wait3A_48 = tpu.memref_slice %arg5[%dma_wait3A_47] : memref<320000xi32, #tpu.memory_space<hbm>> -> memref<640xi32, #tpu.memory_space<hbm>>
    tpu.wait_dma2 semaphore(%arg19 : memref<!tpu.dma_semaphore, #tpu.memory_space<semaphore_mem>>) src(%dma_wait3A_48 : memref<640xi32, #tpu.memory_space<hbm>>) dst(%arg12 : memref<640xi32, #tpu.memory_space<vmem>>)
    %get3A = arith.constant 0 : index
    %get3A_49 = tpu.vector_load %arg10[%get3A] {strides = array<i32>} : memref<640xi32, #tpu.memory_space<vmem>>, vector<16xi32>,
    %get3A_50 = vector.shape_cast %get3A_49 : vector<16xi32> to vector<16xi32>
    %mul3A_51 = arith.constant 10240 : i32
    %mul3A_52 = vector.broadcast %mul3A_51 : i32 to vector<16xi32>
    %mul3A_53 = arith.muli %get3A_50, %mul3A_52 : vector<16xi32>
    %get3A_54 = arith.constant 0 : index
    %get3A_55 = tpu.vector_load %arg8[%get3A_54] {strides = array<i32>} : memref<640xi32, #tpu.memory_space<vmem>>, vector<16xi32>,
    %get3A_56 = vector.shape_cast %get3A_55 : vector<16xi32> to vector<16xi32>
    %add3A_57 = arith.addi %mul3A_53, %get3A_56 : vector<16xi32>
    %swap3A = arith.constant 0 : index
    %swap3A_58 = tpu.vector_load %arg14[%swap3A] {strides = array<i32>} : memref<640xi32, #tpu.memory_space<vmem>>, vector<16xi32>,
    %swap3A_59 = vector.shape_cast %swap3A_58 : vector<16xi32> to vector<16xi32>
    %swap3A_60 = vector.shape_cast %add3A_57 : vector<16xi32> to vector<16xi32>
    tpu.vector_store %arg14[%swap3A], %swap3A_60 {strides = array<i32>} : memref<640xi32, #tpu.memory_space<vmem>>, vector<16xi32>,
    %get3A_61 = arith.constant 16 : index
    %get3A_62 = tpu.vector_load %arg10[%get3A_61] {strides = array<i32>} : memref<640xi32, #tpu.memory_space<vmem>>, vector<16xi32>,
    %get3A_63 = vector.shape_cast %get3A_62 : vector<16xi32> to vector<16xi32>
    %mul3A_64 = arith.constant 10240 : i32
    %mul3A_65 = vector.broadcast %mul3A_64 : i32 to vector<16xi32>
    %mul3A_66 = arith.muli %get3A_63, %mul3A_65 : vector<16xi32>
    %get3A_67 = arith.constant 16 : index
    %get3A_68 = tpu.vector_load %arg8[%get3A_67] {strides = array<i32>} : memref<640xi32, #tpu.memory_space<vmem>>, vector<16xi32>,
    %get3A_69 = vector.shape_cast %get3A_68 : vector<16xi32> to vector<16xi32>
    %add3A_70 = arith.addi %mul3A_66, %get3A_69 : vector<16xi32>
    %swap3A_71 = arith.constant 16 : index
    %swap3A_72 = tpu.vector_load %arg14[%swap3A_71] {strides = array<i32>} : memref<640xi32, #tpu.memory_space<vmem>>, vector<16xi32>,
    %swap3A_73 = vector.shape_cast %swap3A_72 : vector<16xi32> to vector<16xi32>
    %swap3A_74 = vector.shape_cast %add3A_70 : vector<16xi32> to vector<16xi32>
    tpu.vector_store %arg14[%swap3A_71], %swap3A_74 {strides = array<i32>} : memref<640xi32, #tpu.memory_space<vmem>>, vector<16xi32>,
    %get3A_75 = arith.constant 32 : index
    %get3A_76 = tpu.vector_load %arg10[%get3A_75] {strides = array<i32>} : memref<640xi32, #tpu.memory_space<vmem>>, vector<16xi32>,
    %get3A_77 = vector.shape_cast %get3A_76 : vector<16xi32> to vector<16xi32>
    %mul3A_78 = arith.constant 10240 : i32
    %mul3A_79 = vector.broadcast %mul3A_78 : i32 to vector<16xi32>
    %mul3A_80 = arith.muli %get3A_77, %mul3A_79 : vector<16xi32>
    %get3A_81 = arith.constant 32 : index
    %get3A_82 = tpu.vector_load %arg8[%get3A_81] {strides = array<i32>} : memref<640xi32, #tpu.memory_space<vmem>>, vector<16xi32>,
    %get3A_83 = vector.shape_cast %get3A_82 : vector<16xi32> to vector<16xi32>
    %add3A_84 = arith.addi %mul3A_80, %get3A_83 : vector<16xi32>
    %swap3A_85 = arith.constant 32 : index
    %swap3A_86 = tpu.vector_load %arg14[%swap3A_85] {strides = array<i32>} : memref<640xi32, #tpu.memory_space<vmem>>, vector<16xi32>,
    %swap3A_87 = vector.shape_cast %swap3A_86 : vector<16xi32> to vector<16xi32>
    %swap3A_88 = vector.shape_cast %add3A_84 : vector<16xi32> to vector<16xi32>
    tpu.vector_store %arg14[%swap3A_85], %swap3A_88 {strides = array<i32>} : memref<640xi32, #tpu.memory_space<vmem>>, vector<16xi32>,
    %get3A_89 = arith.constant 48 : index
    %get3A_90 = tpu.vector_load %arg10[%get3A_89] {strides = array<i32>} : memref<640xi32, #tpu.memory_space<vmem>>, vector<16xi32>,
    %get3A_91 = vector.shape_cast %get3A_90 : vector<16xi32> to vector<16xi32>
    %mul3A_92 = arith.constant 10240 : i32
    %mul3A_93 = vector.broadcast %mul3A_92 : i32 to vector<16xi32>
    %mul3A_94 = arith.muli %get3A_91, %mul3A_93 : vector<16xi32>
    %get3A_95 = arith.constant 48 : index
    %get3A_96 = tpu.vector_load %arg8[%get3A_95] {strides = array<i32>} : memref<640xi32, #tpu.memory_space<vmem>>, vector<16xi32>,
    %get3A_97 = vector.shape_cast %get3A_96 : vector<16xi32> to vector<16xi32>
    %add3A_98 = arith.addi %mul3A_94, %get3A_97 : vector<16xi32>
    %swap3A_99 = arith.constant 48 : index
    %swap3A_100 = tpu.vector_load %arg14[%swap3A_99] {strides = array<i32>} : memref<640xi32, #tpu.memory_space<vmem>>, vector<16xi32>,
    %swap3A_101 = vector.shape_cast %swap3A_100 : vector<16xi32> to vector<16xi32>
    %swap3A_102 = vector.shape_cast %add3A_98 : vector<16xi32> to vector<16xi32>
    tpu.vector_store %arg14[%swap3A_99], %swap3A_102 {strides = array<i32>} : memref<640xi32, #tpu.memory_space<vmem>>, vector<16xi32>,
    %get3A_103 = arith.constant 64 : index
    %get3A_104 = tpu.vector_load %arg10[%get3A_103] {strides = array<i32>} : memref<640xi32, #tpu.memory_space<vmem>>, vector<16xi32>,
    %get3A_105 = vector.shape_cast %get3A_104 : vector<16xi32> to vector<16xi32>
    %mul3A_106 = arith.constant 10240 : i32
    %mul3A_107 = vector.broadcast %mul3A_106 : i32 to vector<16xi32>
    %mul3A_108 = arith.muli %get3A_105, %mul3A_107 : vector<16xi32>
    %get3A_109 = arith.constant 64 : index
    %get3A_110 = tpu.vector_load %arg8[%get3A_109] {strides = array<i32>} : memref<640xi32, #tpu.memory_space<vmem>>, vector<16xi32>,
    %get3A_111 = vector.shape_cast %get3A_110 : vector<16xi32> to vector<16xi32>
    %add3A_112 = arith.addi %mul3A_108, %get3A_111 : vector<16xi32>
    %swap3A_113 = arith.constant 64 : index
    %swap3A_114 = tpu.vector_load %arg14[%swap3A_113] {strides = array<i32>} : memref<640xi32, #tpu.memory_space<vmem>>, vector<16xi32>,
    %swap3A_115 = vector.shape_cast %swap3A_114 : vector<16xi32> to vector<16xi32>
    %swap3A_116 = vector.shape_cast %add3A_112 : vector<16xi32> to vector<16xi32>
    tpu.vector_store %arg14[%swap3A_113], %swap3A_116 {strides = array<i32>} : memref<640xi32, #tpu.memory_space<vmem>>, vector<16xi32>,
    %get3A_117 = arith.constant 80 : index
    %get3A_118 = tpu.vector_load %arg10[%get3A_117] {strides = array<i32>} : memref<640xi32, #tpu.memory_space<vmem>>, vector<16xi32>,
    %get3A_119 = vector.shape_cast %get3A_118 : vector<16xi32> to vector<16xi32>
    %mul3A_120 = arith.constant 10240 : i32
    %mul3A_121 = vector.broadcast %mul3A_120 : i32 to vector<16xi32>
    %mul3A_122 = arith.muli %get3A_119, %mul3A_121 : vector<16xi32>
    %get3A_123 = arith.constant 80 : index
    %get3A_124 = tpu.vector_load %arg8[%get3A_123] {strides = array<i32>} : memref<640xi32, #tpu.memory_space<vmem>>, vector<16xi32>,
    %get3A_125 = vector.shape_cast %get3A_124 : vector<16xi32> to vector<16xi32>
    %add3A_126 = arith.addi %mul3A_122, %get3A_125 : vector<16xi32>
    %swap3A_127 = arith.constant 80 : index
    %swap3A_128 = tpu.vector_load %arg14[%swap3A_127] {strides = array<i32>} : memref<640xi32, #tpu.memory_space<vmem>>, vector<16xi32>,
    %swap3A_129 = vector.shape_cast %swap3A_128 : vector<16xi32> to vector<16xi32>
    %swap3A_130 = vector.shape_cast %add3A_126 : vector<16xi32> to vector<16xi32>
    tpu.vector_store %arg14[%swap3A_127], %swap3A_130 {strides = array<i32>} : memref<640xi32, #tpu.memory_space<vmem>>, vector<16xi32>,
    %get3A_131 = arith.constant 96 : index
    %get3A_132 = tpu.vector_load %arg10[%get3A_131] {strides = array<i32>} : memref<640xi32, #tpu.memory_space<vmem>>, vector<16xi32>,
    %get3A_133 = vector.shape_cast %get3A_132 : vector<16xi32> to vector<16xi32>
    %mul3A_134 = arith.constant 10240 : i32
    %mul3A_135 = vector.broadcast %mul3A_134 : i32 to vector<16xi32>
    %mul3A_136 = arith.muli %get3A_133, %mul3A_135 : vector<16xi32>
    %get3A_137 = arith.constant 96 : index
    %get3A_138 = tpu.vector_load %arg8[%get3A_137] {strides = array<i32>} : memref<640xi32, #tpu.memory_space<vmem>>, vector<16xi32>,
    %get3A_139 = vector.shape_cast %get3A_138 : vector<16xi32> to vector<16xi32>
    %add3A_140 = arith.addi %mul3A_136, %get3A_139 : vector<16xi32>
    %swap3A_141 = arith.constant 96 : index
    %swap3A_142 = tpu.vector_load %arg14[%swap3A_141] {strides = array<i32>} : memref<640xi32, #tpu.memory_space<vmem>>, vector<16xi32>,
    %swap3A_143 = vector.shape_cast %swap3A_142 : vector<16xi32> to vector<16xi32>
    %swap3A_144 = vector.shape_cast %add3A_140 : vector<16xi32> to vector<16xi32>
    tpu.vector_store %arg14[%swap3A_141], %swap3A_144 {strides = array<i32>} : memref<640xi32, #tpu.memory_space<vmem>>, vector<16xi32>,
    %get3A_145 = arith.constant 112 : index
    %get3A_146 = tpu.vector_load %arg10[%get3A_145] {strides = array<i32>} : memref<640xi32, #tpu.memory_space<vmem>>, vector<16xi32>,
    %get3A_147 = vector.shape_cast %get3A_146 : vector<16xi32> to vector<16xi32>
    %mul3A_148 = arith.constant 10240 : i32
    %mul3A_149 = vector.broadcast %mul3A_148 : i32 to vector<16xi32>
    %mul3A_150 = arith.muli %get3A_147, %mul3A_149 : vector<16xi32>
    %get3A_151 = arith.constant 112 : index
    %get3A_152 = tpu.vector_load %arg8[%get3A_151] {strides = array<i32>} : memref<640xi32, #tpu.memory_space<vmem>>, vector<16xi32>,
    %get3A_153 = vector.shape_cast %get3A_152 : vector<16xi32> to vector<16xi32>
    %add3A_154 = arith.addi %mul3A_150, %get3A_153 : vector<16xi32>
    %swap3A_155 = arith.constant 112 : index
    %swap3A_156 = tpu.vector_load %arg14[%swap3A_155] {strides = array<i32>} : memref<640xi32, #tpu.memory_space<vmem>>, vector<16xi32>,
    %swap3A_157 = vector.shape_cast %swap3A_156 : vector<16xi32> to vector<16xi32>
    %swap3A_158 = vector.shape_cast %add3A_154 : vector<16xi32> to vector<16xi32>
    tpu.vector_store %arg14[%swap3A_155], %swap3A_158 {strides = array<i32>} : memref<640xi32, #tpu.memory_space<vmem>>, vector<16xi32>,
    %get3A_159 = arith.constant 128 : index
    %get3A_160 = tpu.vector_load %arg10[%get3A_159] {strides = array<i32>} : memref<640xi32, #tpu.memory_space<vmem>>, vector<16xi32>,
    %get3A_161 = vector.shape_cast %get3A_160 : vector<16xi32> to vector<16xi32>
    %mul3A_162 = arith.constant 10240 : i32
    %mul3A_163 = vector.broadcast %mul3A_162 : i32 to vector<16xi32>
    %mul3A_164 = arith.muli %get3A_161, %mul3A_163 : vector<16xi32>
    %get3A_165 = arith.constant 128 : index
    %get3A_166 = tpu.vector_load %arg8[%get3A_165] {strides = array<i32>} : memref<640xi32, #tpu.memory_space<vmem>>, vector<16xi32>,
    %get3A_167 = vector.shape_cast %get3A_166 : vector<16xi32> to vector<16xi32>
    %add3A_168 = arith.addi %mul3A_164, %get3A_167 : vector<16xi32>
    %swap3A_169 = arith.constant 128 : index
    %swap3A_170 = tpu.vector_load %arg14[%swap3A_169] {strides = array<i32>} : memref<640xi32, #tpu.memory_space<vmem>>, vector<16xi32>,
    %swap3A_171 = vector.shape_cast %swap3A_170 : vector<16xi32> to vector<16xi32>
    %swap3A_172 = vector.shape_cast %add3A_168 : vector<16xi32> to vector<16xi32>
    tpu.vector_store %arg14[%swap3A_169], %swap3A_172 {strides = array<i32>} : memref<640xi32, #tpu.memory_space<vmem>>, vector<16xi32>,
    %get3A_173 = arith.constant 144 : index
    %get3A_174 = tpu.vector_load %arg10[%get3A_173] {strides = array<i32>} : memref<640xi32, #tpu.memory_space<vmem>>, vector<16xi32>,
    %get3A_175 = vector.shape_cast %get3A_174 : vector<16xi32> to vector<16xi32>
    %mul3A_176 = arith.constant 10240 : i32
    %mul3A_177 = vector.broadcast %mul3A_176 : i32 to vector<16xi32>
    %mul3A_178 = arith.muli %get3A_175, %mul3A_177 : vector<16xi32>
    %get3A_179 = arith.constant 144 : index
    %get3A_180 = tpu.vector_load %arg8[%get3A_179] {strides = array<i32>} : memref<640xi32, #tpu.memory_space<vmem>>, vector<16xi32>,
    %get3A_181 = vector.shape_cast %get3A_180 : vector<16xi32> to vector<16xi32>
    %add3A_182 = arith.addi %mul3A_178, %get3A_181 : vector<16xi32>
    %swap3A_183 = arith.constant 144 : index
    %swap3A_184 = tpu.vector_load %arg14[%swap3A_183] {strides = array<i32>} : memref<640xi32, #tpu.memory_space<vmem>>, vector<16xi32>,
    %swap3A_185 = vector.shape_cast %swap3A_184 : vector<16xi32> to vector<16xi32>
    %swap3A_186 = vector.shape_cast %add3A_182 : vector<16xi32> to vector<16xi32>
    tpu.vector_store %arg14[%swap3A_183], %swap3A_186 {strides = array<i32>} : memref<640xi32, #tpu.memory_space<vmem>>, vector<16xi32>,
    %get3A_187 = arith.constant 160 : index
    %get3A_188 = tpu.vector_load %arg10[%get3A_187] {strides = array<i32>} : memref<640xi32, #tpu.memory_space<vmem>>, vector<16xi32>,
    %get3A_189 = vector.shape_cast %get3A_188 : vector<16xi32> to vector<16xi32>
    %mul3A_190 = arith.constant 10240 : i32
    %mul3A_191 = vector.broadcast %mul3A_190 : i32 to vector<16xi32>
    %mul3A_192 = arith.muli %get3A_189, %mul3A_191 : vector<16xi32>
    %get3A_193 = arith.constant 160 : index
    %get3A_194 = tpu.vector_load %arg8[%get3A_193] {strides = array<i32>} : memref<640xi32, #tpu.memory_space<vmem>>, vector<16xi32>,
    %get3A_195 = vector.shape_cast %get3A_194 : vector<16xi32> to vector<16xi32>
    %add3A_196 = arith.addi %mul3A_192, %get3A_195 : vector<16xi32>
    %swap3A_197 = arith.constant 160 : index
    %swap3A_198 = tpu.vector_load %arg14[%swap3A_197] {strides = array<i32>} : memref<640xi32, #tpu.memory_space<vmem>>, vector<16xi32>,
    %swap3A_199 = vector.shape_cast %swap3A_198 : vector<16xi32> to vector<16xi32>
    %swap3A_200 = vector.shape_cast %add3A_196 : vector<16xi32> to vector<16xi32>
    tpu.vector_store %arg14[%swap3A_197], %swap3A_200 {strides = array<i32>} : memref<640xi32, #tpu.memory_space<vmem>>, vector<16xi32>,
    %get3A_201 = arith.constant 176 : index
    %get3A_202 = tpu.vector_load %arg10[%get3A_201] {strides = array<i32>} : memref<640xi32, #tpu.memory_space<vmem>>, vector<16xi32>,
    %get3A_203 = vector.shape_cast %get3A_202 : vector<16xi32> to vector<16xi32>
    %mul3A_204 = arith.constant 10240 : i32
    %mul3A_205 = vector.broadcast %mul3A_204 : i32 to vector<16xi32>
    %mul3A_206 = arith.muli %get3A_203, %mul3A_205 : vector<16xi32>
    %get3A_207 = arith.constant 176 : index
    %get3A_208 = tpu.vector_load %arg8[%get3A_207] {strides = array<i32>} : memref<640xi32, #tpu.memory_space<vmem>>, vector<16xi32>,
    %get3A_209 = vector.shape_cast %get3A_208 : vector<16xi32> to vector<16xi32>
    %add3A_210 = arith.addi %mul3A_206, %get3A_209 : vector<16xi32>
    %swap3A_211 = arith.constant 176 : index
    %swap3A_212 = tpu.vector_load %arg14[%swap3A_211] {strides = array<i32>} : memref<640xi32, #tpu.memory_space<vmem>>, vector<16xi32>,
    %swap3A_213 = vector.shape_cast %swap3A_212 : vector<16xi32> to vector<16xi32>
    %swap3A_214 = vector.shape_cast %add3A_210 : vector<16xi32> to vector<16xi32>
    tpu.vector_store %arg14[%swap3A_211], %swap3A_214 {strides = array<i32>} : memref<640xi32, #tpu.memory_space<vmem>>, vector<16xi32>,
    %get3A_215 = arith.constant 192 : index
    %get3A_216 = tpu.vector_load %arg10[%get3A_215] {strides = array<i32>} : memref<640xi32, #tpu.memory_space<vmem>>, vector<16xi32>,
    %get3A_217 = vector.shape_cast %get3A_216 : vector<16xi32> to vector<16xi32>
    %mul3A_218 = arith.constant 10240 : i32
    %mul3A_219 = vector.broadcast %mul3A_218 : i32 to vector<16xi32>
    %mul3A_220 = arith.muli %get3A_217, %mul3A_219 : vector<16xi32>
    %get3A_221 = arith.constant 192 : index
    %get3A_222 = tpu.vector_load %arg8[%get3A_221] {strides = array<i32>} : memref<640xi32, #tpu.memory_space<vmem>>, vector<16xi32>,
    %get3A_223 = vector.shape_cast %get3A_222 : vector<16xi32> to vector<16xi32>
    %add3A_224 = arith.addi %mul3A_220, %get3A_223 : vector<16xi32>
    %swap3A_225 = arith.constant 192 : index
    %swap3A_226 = tpu.vector_load %arg14[%swap3A_225] {strides = array<i32>} : memref<640xi32, #tpu.memory_space<vmem>>, vector<16xi32>,
    %swap3A_227 = vector.shape_cast %swap3A_226 : vector<16xi32> to vector<16xi32>
    %swap3A_228 = vector.shape_cast %add3A_224 : vector<16xi32> to vector<16xi32>
    tpu.vector_store %arg14[%swap3A_225], %swap3A_228 {strides = array<i32>} : memref<640xi32, #tpu.memory_space<vmem>>, vector<16xi32>,
    %get3A_229 = arith.constant 208 : index
    %get3A_230 = tpu.vector_load %arg10[%get3A_229] {strides = array<i32>} : memref<640xi32, #tpu.memory_space<vmem>>, vector<16xi32>,
    %get3A_231 = vector.shape_cast %get3A_230 : vector<16xi32> to vector<16xi32>
    %mul3A_232 = arith.constant 10240 : i32
    %mul3A_233 = vector.broadcast %mul3A_232 : i32 to vector<16xi32>
    %mul3A_234 = arith.muli %get3A_231, %mul3A_233 : vector<16xi32>
    %get3A_235 = arith.constant 208 : index
    %get3A_236 = tpu.vector_load %arg8[%get3A_235] {strides = array<i32>} : memref<640xi32, #tpu.memory_space<vmem>>, vector<16xi32>,
    %get3A_237 = vector.shape_cast %get3A_236 : vector<16xi32> to vector<16xi32>
    %add3A_238 = arith.addi %mul3A_234, %get3A_237 : vector<16xi32>
    %swap3A_239 = arith.constant 208 : index
    %swap3A_240 = tpu.vector_load %arg14[%swap3A_239] {strides = array<i32>} : memref<640xi32, #tpu.memory_space<vmem>>, vector<16xi32>,
    %swap3A_241 = vector.shape_cast %swap3A_240 : vector<16xi32> to vector<16xi32>
    %swap3A_242 = vector.shape_cast %add3A_238 : vector<16xi32> to vector<16xi32>
    tpu.vector_store %arg14[%swap3A_239], %swap3A_242 {strides = array<i32>} : memref<640xi32, #tpu.memory_space<vmem>>, vector<16xi32>,
    %get3A_243 = arith.constant 224 : index
    %get3A_244 = tpu.vector_load %arg10[%get3A_243] {strides = array<i32>} : memref<640xi32, #tpu.memory_space<vmem>>, vector<16xi32>,
    %get3A_245 = vector.shape_cast %get3A_244 : vector<16xi32> to vector<16xi32>
    %mul3A_246 = arith.constant 10240 : i32
    %mul3A_247 = vector.broadcast %mul3A_246 : i32 to vector<16xi32>
    %mul3A_248 = arith.muli %get3A_245, %mul3A_247 : vector<16xi32>
    %get3A_249 = arith.constant 224 : index
    %get3A_250 = tpu.vector_load %arg8[%get3A_249] {strides = array<i32>} : memref<640xi32, #tpu.memory_space<vmem>>, vector<16xi32>,
    %get3A_251 = vector.shape_cast %get3A_250 : vector<16xi32> to vector<16xi32>
    %add3A_252 = arith.addi %mul3A_248, %get3A_251 : vector<16xi32>
    %swap3A_253 = arith.constant 224 : index
    %swap3A_254 = tpu.vector_load %arg14[%swap3A_253] {strides = array<i32>} : memref<640xi32, #tpu.memory_space<vmem>>, vector<16xi32>,
    %swap3A_255 = vector.shape_cast %swap3A_254 : vector<16xi32> to vector<16xi32>
    %swap3A_256 = vector.shape_cast %add3A_252 : vector<16xi32> to vector<16xi32>
    tpu.vector_store %arg14[%swap3A_253], %swap3A_256 {strides = array<i32>} : memref<640xi32, #tpu.memory_space<vmem>>, vector<16xi32>,
    %get3A_257 = arith.constant 240 : index
    %get3A_258 = tpu.vector_load %arg10[%get3A_257] {strides = array<i32>} : memref<640xi32, #tpu.memory_space<vmem>>, vector<16xi32>,
    %get3A_259 = vector.shape_cast %get3A_258 : vector<16xi32> to vector<16xi32>
    %mul3A_260 = arith.constant 10240 : i32
    %mul3A_261 = vector.broadcast %mul3A_260 : i32 to vector<16xi32>
    %mul3A_262 = arith.muli %get3A_259, %mul3A_261 : vector<16xi32>
    %get3A_263 = arith.constant 240 : index
    %get3A_264 = tpu.vector_load %arg8[%get3A_263] {strides = array<i32>} : memref<640xi32, #tpu.memory_space<vmem>>, vector<16xi32>,
    %get3A_265 = vector.shape_cast %get3A_264 : vector<16xi32> to vector<16xi32>
    %add3A_266 = arith.addi %mul3A_262, %get3A_265 : vector<16xi32>
    %swap3A_267 = arith.constant 240 : index
    %swap3A_268 = tpu.vector_load %arg14[%swap3A_267] {strides = array<i32>} : memref<640xi32, #tpu.memory_space<vmem>>, vector<16xi32>,
    %swap3A_269 = vector.shape_cast %swap3A_268 : vector<16xi32> to vector<16xi32>
    %swap3A_270 = vector.shape_cast %add3A_266 : vector<16xi32> to vector<16xi32>
    tpu.vector_store %arg14[%swap3A_267], %swap3A_270 {strides = array<i32>} : memref<640xi32, #tpu.memory_space<vmem>>, vector<16xi32>,
    %get3A_271 = arith.constant 256 : index
    %get3A_272 = tpu.vector_load %arg10[%get3A_271] {strides = array<i32>} : memref<640xi32, #tpu.memory_space<vmem>>, vector<16xi32>,
    %get3A_273 = vector.shape_cast %get3A_272 : vector<16xi32> to vector<16xi32>
    %mul3A_274 = arith.constant 10240 : i32
    %mul3A_275 = vector.broadcast %mul3A_274 : i32 to vector<16xi32>
    %mul3A_276 = arith.muli %get3A_273, %mul3A_275 : vector<16xi32>
    %get3A_277 = arith.constant 256 : index
    %get3A_278 = tpu.vector_load %arg8[%get3A_277] {strides = array<i32>} : memref<640xi32, #tpu.memory_space<vmem>>, vector<16xi32>,
    %get3A_279 = vector.shape_cast %get3A_278 : vector<16xi32> to vector<16xi32>
    %add3A_280 = arith.addi %mul3A_276, %get3A_279 : vector<16xi32>
    %swap3A_281 = arith.constant 256 : index
    %swap3A_282 = tpu.vector_load %arg14[%swap3A_281] {strides = array<i32>} : memref<640xi32, #tpu.memory_space<vmem>>, vector<16xi32>,
    %swap3A_283 = vector.shape_cast %swap3A_282 : vector<16xi32> to vector<16xi32>
    %swap3A_284 = vector.shape_cast %add3A_280 : vector<16xi32> to vector<16xi32>
    tpu.vector_store %arg14[%swap3A_281], %swap3A_284 {strides = array<i32>} : memref<640xi32, #tpu.memory_space<vmem>>, vector<16xi32>,
    %get3A_285 = arith.constant 272 : index
    %get3A_286 = tpu.vector_load %arg10[%get3A_285] {strides = array<i32>} : memref<640xi32, #tpu.memory_space<vmem>>, vector<16xi32>,
    %get3A_287 = vector.shape_cast %get3A_286 : vector<16xi32> to vector<16xi32>
    %mul3A_288 = arith.constant 10240 : i32
    %mul3A_289 = vector.broadcast %mul3A_288 : i32 to vector<16xi32>
    %mul3A_290 = arith.muli %get3A_287, %mul3A_289 : vector<16xi32>
    %get3A_291 = arith.constant 272 : index
    %get3A_292 = tpu.vector_load %arg8[%get3A_291] {strides = array<i32>} : memref<640xi32, #tpu.memory_space<vmem>>, vector<16xi32>,
    %get3A_293 = vector.shape_cast %get3A_292 : vector<16xi32> to vector<16xi32>
    %add3A_294 = arith.addi %mul3A_290, %get3A_293 : vector<16xi32>
    %swap3A_295 = arith.constant 272 : index
    %swap3A_296 = tpu.vector_load %arg14[%swap3A_295] {strides = array<i32>} : memref<640xi32, #tpu.memory_space<vmem>>, vector<16xi32>,
    %swap3A_297 = vector.shape_cast %swap3A_296 : vector<16xi32> to vector<16xi32>
    %swap3A_298 = vector.shape_cast %add3A_294 : vector<16xi32> to vector<16xi32>
    tpu.vector_store %arg14[%swap3A_295], %swap3A_298 {strides = array<i32>} : memref<640xi32, #tpu.memory_space<vmem>>, vector<16xi32>,
    %get3A_299 = arith.constant 288 : index
    %get3A_300 = tpu.vector_load %arg10[%get3A_299] {strides = array<i32>} : memref<640xi32, #tpu.memory_space<vmem>>, vector<16xi32>,
    %get3A_301 = vector.shape_cast %get3A_300 : vector<16xi32> to vector<16xi32>
    %mul3A_302 = arith.constant 10240 : i32
    %mul3A_303 = vector.broadcast %mul3A_302 : i32 to vector<16xi32>
    %mul3A_304 = arith.muli %get3A_301, %mul3A_303 : vector<16xi32>
    %get3A_305 = arith.constant 288 : index
    %get3A_306 = tpu.vector_load %arg8[%get3A_305] {strides = array<i32>} : memref<640xi32, #tpu.memory_space<vmem>>, vector<16xi32>,
    %get3A_307 = vector.shape_cast %get3A_306 : vector<16xi32> to vector<16xi32>
    %add3A_308 = arith.addi %mul3A_304, %get3A_307 : vector<16xi32>
    %swap3A_309 = arith.constant 288 : index
    %swap3A_310 = tpu.vector_load %arg14[%swap3A_309] {strides = array<i32>} : memref<640xi32, #tpu.memory_space<vmem>>, vector<16xi32>,
    %swap3A_311 = vector.shape_cast %swap3A_310 : vector<16xi32> to vector<16xi32>
    %swap3A_312 = vector.shape_cast %add3A_308 : vector<16xi32> to vector<16xi32>
    tpu.vector_store %arg14[%swap3A_309], %swap3A_312 {strides = array<i32>} : memref<640xi32, #tpu.memory_space<vmem>>, vector<16xi32>,
    %get3A_313 = arith.constant 304 : index
    %get3A_314 = tpu.vector_load %arg10[%get3A_313] {strides = array<i32>} : memref<640xi32, #tpu.memory_space<vmem>>, vector<16xi32>,
    %get3A_315 = vector.shape_cast %get3A_314 : vector<16xi32> to vector<16xi32>
    %mul3A_316 = arith.constant 10240 : i32
    %mul3A_317 = vector.broadcast %mul3A_316 : i32 to vector<16xi32>
    %mul3A_318 = arith.muli %get3A_315, %mul3A_317 : vector<16xi32>
    %get3A_319 = arith.constant 304 : index
    %get3A_320 = tpu.vector_load %arg8[%get3A_319] {strides = array<i32>} : memref<640xi32, #tpu.memory_space<vmem>>, vector<16xi32>,
    %get3A_321 = vector.shape_cast %get3A_320 : vector<16xi32> to vector<16xi32>
    %add3A_322 = arith.addi %mul3A_318, %get3A_321 : vector<16xi32>
    %swap3A_323 = arith.constant 304 : index
    %swap3A_324 = tpu.vector_load %arg14[%swap3A_323] {strides = array<i32>} : memref<640xi32, #tpu.memory_space<vmem>>, vector<16xi32>,
    %swap3A_325 = vector.shape_cast %swap3A_324 : vector<16xi32> to vector<16xi32>
    %swap3A_326 = vector.shape_cast %add3A_322 : vector<16xi32> to vector<16xi32>
    tpu.vector_store %arg14[%swap3A_323], %swap3A_326 {strides = array<i32>} : memref<640xi32, #tpu.memory_space<vmem>>, vector<16xi32>,
    %get3A_327 = arith.constant 320 : index
    %get3A_328 = tpu.vector_load %arg10[%get3A_327] {strides = array<i32>} : memref<640xi32, #tpu.memory_space<vmem>>, vector<16xi32>,
    %get3A_329 = vector.shape_cast %get3A_328 : vector<16xi32> to vector<16xi32>
    %mul3A_330 = arith.constant 10240 : i32
    %mul3A_331 = vector.broadcast %mul3A_330 : i32 to vector<16xi32>
    %mul3A_332 = arith.muli %get3A_329, %mul3A_331 : vector<16xi32>
    %get3A_333 = arith.constant 320 : index
    %get3A_334 = tpu.vector_load %arg8[%get3A_333] {strides = array<i32>} : memref<640xi32, #tpu.memory_space<vmem>>, vector<16xi32>,
    %get3A_335 = vector.shape_cast %get3A_334 : vector<16xi32> to vector<16xi32>
    %add3A_336 = arith.addi %mul3A_332, %get3A_335 : vector<16xi32>
    %swap3A_337 = arith.constant 320 : index
    %swap3A_338 = tpu.vector_load %arg14[%swap3A_337] {strides = array<i32>} : memref<640xi32, #tpu.memory_space<vmem>>, vector<16xi32>,
    %swap3A_339 = vector.shape_cast %swap3A_338 : vector<16xi32> to vector<16xi32>
    %swap3A_340 = vector.shape_cast %add3A_336 : vector<16xi32> to vector<16xi32>
    tpu.vector_store %arg14[%swap3A_337], %swap3A_340 {strides = array<i32>} : memref<640xi32, #tpu.memory_space<vmem>>, vector<16xi32>,
    %get3A_341 = arith.constant 336 : index
    %get3A_342 = tpu.vector_load %arg10[%get3A_341] {strides = array<i32>} : memref<640xi32, #tpu.memory_space<vmem>>, vector<16xi32>,
    %get3A_343 = vector.shape_cast %get3A_342 : vector<16xi32> to vector<16xi32>
    %mul3A_344 = arith.constant 10240 : i32
    %mul3A_345 = vector.broadcast %mul3A_344 : i32 to vector<16xi32>
    %mul3A_346 = arith.muli %get3A_343, %mul3A_345 : vector<16xi32>
    %get3A_347 = arith.constant 336 : index
    %get3A_348 = tpu.vector_load %arg8[%get3A_347] {strides = array<i32>} : memref<640xi32, #tpu.memory_space<vmem>>, vector<16xi32>,
    %get3A_349 = vector.shape_cast %get3A_348 : vector<16xi32> to vector<16xi32>
    %add3A_350 = arith.addi %mul3A_346, %get3A_349 : vector<16xi32>
    %swap3A_351 = arith.constant 336 : index
    %swap3A_352 = tpu.vector_load %arg14[%swap3A_351] {strides = array<i32>} : memref<640xi32, #tpu.memory_space<vmem>>, vector<16xi32>,
    %swap3A_353 = vector.shape_cast %swap3A_352 : vector<16xi32> to vector<16xi32>
    %swap3A_354 = vector.shape_cast %add3A_350 : vector<16xi32> to vector<16xi32>
    tpu.vector_store %arg14[%swap3A_351], %swap3A_354 {strides = array<i32>} : memref<640xi32, #tpu.memory_space<vmem>>, vector<16xi32>,
    %get3A_355 = arith.constant 352 : index
    %get3A_356 = tpu.vector_load %arg10[%get3A_355] {strides = array<i32>} : memref<640xi32, #tpu.memory_space<vmem>>, vector<16xi32>,
    %get3A_357 = vector.shape_cast %get3A_356 : vector<16xi32> to vector<16xi32>
    %mul3A_358 = arith.constant 10240 : i32
    %mul3A_359 = vector.broadcast %mul3A_358 : i32 to vector<16xi32>
    %mul3A_360 = arith.muli %get3A_357, %mul3A_359 : vector<16xi32>
    %get3A_361 = arith.constant 352 : index
    %get3A_362 = tpu.vector_load %arg8[%get3A_361] {strides = array<i32>} : memref<640xi32, #tpu.memory_space<vmem>>, vector<16xi32>,
    %get3A_363 = vector.shape_cast %get3A_362 : vector<16xi32> to vector<16xi32>
    %add3A_364 = arith.addi %mul3A_360, %get3A_363 : vector<16xi32>
    %swap3A_365 = arith.constant 352 : index
    %swap3A_366 = tpu.vector_load %arg14[%swap3A_365] {strides = array<i32>} : memref<640xi32, #tpu.memory_space<vmem>>, vector<16xi32>,
    %swap3A_367 = vector.shape_cast %swap3A_366 : vector<16xi32> to vector<16xi32>
    %swap3A_368 = vector.shape_cast %add3A_364 : vector<16xi32> to vector<16xi32>
    tpu.vector_store %arg14[%swap3A_365], %swap3A_368 {strides = array<i32>} : memref<640xi32, #tpu.memory_space<vmem>>, vector<16xi32>,
    %get3A_369 = arith.constant 368 : index
    %get3A_370 = tpu.vector_load %arg10[%get3A_369] {strides = array<i32>} : memref<640xi32, #tpu.memory_space<vmem>>, vector<16xi32>,
    %get3A_371 = vector.shape_cast %get3A_370 : vector<16xi32> to vector<16xi32>
    %mul3A_372 = arith.constant 10240 : i32
    %mul3A_373 = vector.broadcast %mul3A_372 : i32 to vector<16xi32>
    %mul3A_374 = arith.muli %get3A_371, %mul3A_373 : vector<16xi32>
    %get3A_375 = arith.constant 368 : index
    %get3A_376 = tpu.vector_load %arg8[%get3A_375] {strides = array<i32>} : memref<640xi32, #tpu.memory_space<vmem>>, vector<16xi32>,
    %get3A_377 = vector.shape_cast %get3A_376 : vector<16xi32> to vector<16xi32>
    %add3A_378 = arith.addi %mul3A_374, %get3A_377 : vector<16xi32>
    %swap3A_379 = arith.constant 368 : index
    %swap3A_380 = tpu.vector_load %arg14[%swap3A_379] {strides = array<i32>} : memref<640xi32, #tpu.memory_space<vmem>>, vector<16xi32>,
    %swap3A_381 = vector.shape_cast %swap3A_380 : vector<16xi32> to vector<16xi32>
    %swap3A_382 = vector.shape_cast %add3A_378 : vector<16xi32> to vector<16xi32>
    tpu.vector_store %arg14[%swap3A_379], %swap3A_382 {strides = array<i32>} : memref<640xi32, #tpu.memory_space<vmem>>, vector<16xi32>,
    %get3A_383 = arith.constant 384 : index
    %get3A_384 = tpu.vector_load %arg10[%get3A_383] {strides = array<i32>} : memref<640xi32, #tpu.memory_space<vmem>>, vector<16xi32>,
    %get3A_385 = vector.shape_cast %get3A_384 : vector<16xi32> to vector<16xi32>
    %mul3A_386 = arith.constant 10240 : i32
    %mul3A_387 = vector.broadcast %mul3A_386 : i32 to vector<16xi32>
    %mul3A_388 = arith.muli %get3A_385, %mul3A_387 : vector<16xi32>
    %get3A_389 = arith.constant 384 : index
    %get3A_390 = tpu.vector_load %arg8[%get3A_389] {strides = array<i32>} : memref<640xi32, #tpu.memory_space<vmem>>, vector<16xi32>,
    %get3A_391 = vector.shape_cast %get3A_390 : vector<16xi32> to vector<16xi32>
    %add3A_392 = arith.addi %mul3A_388, %get3A_391 : vector<16xi32>
    %swap3A_393 = arith.constant 384 : index
    %swap3A_394 = tpu.vector_load %arg14[%swap3A_393] {strides = array<i32>} : memref<640xi32, #tpu.memory_space<vmem>>, vector<16xi32>,
    %swap3A_395 = vector.shape_cast %swap3A_394 : vector<16xi32> to vector<16xi32>
    %swap3A_396 = vector.shape_cast %add3A_392 : vector<16xi32> to vector<16xi32>
    tpu.vector_store %arg14[%swap3A_393], %swap3A_396 {strides = array<i32>} : memref<640xi32, #tpu.memory_space<vmem>>, vector<16xi32>,
    %get3A_397 = arith.constant 400 : index
    %get3A_398 = tpu.vector_load %arg10[%get3A_397] {strides = array<i32>} : memref<640xi32, #tpu.memory_space<vmem>>, vector<16xi32>,
    %get3A_399 = vector.shape_cast %get3A_398 : vector<16xi32> to vector<16xi32>
    %mul3A_400 = arith.constant 10240 : i32
    %mul3A_401 = vector.broadcast %mul3A_400 : i32 to vector<16xi32>
    %mul3A_402 = arith.muli %get3A_399, %mul3A_401 : vector<16xi32>
    %get3A_403 = arith.constant 400 : index
    %get3A_404 = tpu.vector_load %arg8[%get3A_403] {strides = array<i32>} : memref<640xi32, #tpu.memory_space<vmem>>, vector<16xi32>,
    %get3A_405 = vector.shape_cast %get3A_404 : vector<16xi32> to vector<16xi32>
    %add3A_406 = arith.addi %mul3A_402, %get3A_405 : vector<16xi32>
    %swap3A_407 = arith.constant 400 : index
    %swap3A_408 = tpu.vector_load %arg14[%swap3A_407] {strides = array<i32>} : memref<640xi32, #tpu.memory_space<vmem>>, vector<16xi32>,
    %swap3A_409 = vector.shape_cast %swap3A_408 : vector<16xi32> to vector<16xi32>
    %swap3A_410 = vector.shape_cast %add3A_406 : vector<16xi32> to vector<16xi32>
    tpu.vector_store %arg14[%swap3A_407], %swap3A_410 {strides = array<i32>} : memref<640xi32, #tpu.memory_space<vmem>>, vector<16xi32>,
    %get3A_411 = arith.constant 416 : index
    %get3A_412 = tpu.vector_load %arg10[%get3A_411] {strides = array<i32>} : memref<640xi32, #tpu.memory_space<vmem>>, vector<16xi32>,
    %get3A_413 = vector.shape_cast %get3A_412 : vector<16xi32> to vector<16xi32>
    %mul3A_414 = arith.constant 10240 : i32
    %mul3A_415 = vector.broadcast %mul3A_414 : i32 to vector<16xi32>
    %mul3A_416 = arith.muli %get3A_413, %mul3A_415 : vector<16xi32>
    %get3A_417 = arith.constant 416 : index
    %get3A_418 = tpu.vector_load %arg8[%get3A_417] {strides = array<i32>} : memref<640xi32, #tpu.memory_space<vmem>>, vector<16xi32>,
    %get3A_419 = vector.shape_cast %get3A_418 : vector<16xi32> to vector<16xi32>
    %add3A_420 = arith.addi %mul3A_416, %get3A_419 : vector<16xi32>
    %swap3A_421 = arith.constant 416 : index
    %swap3A_422 = tpu.vector_load %arg14[%swap3A_421] {strides = array<i32>} : memref<640xi32, #tpu.memory_space<vmem>>, vector<16xi32>,
    %swap3A_423 = vector.shape_cast %swap3A_422 : vector<16xi32> to vector<16xi32>
    %swap3A_424 = vector.shape_cast %add3A_420 : vector<16xi32> to vector<16xi32>
    tpu.vector_store %arg14[%swap3A_421], %swap3A_424 {strides = array<i32>} : memref<640xi32, #tpu.memory_space<vmem>>, vector<16xi32>,
    %get3A_425 = arith.constant 432 : index
    %get3A_426 = tpu.vector_load %arg10[%get3A_425] {strides = array<i32>} : memref<640xi32, #tpu.memory_space<vmem>>, vector<16xi32>,
    %get3A_427 = vector.shape_cast %get3A_426 : vector<16xi32> to vector<16xi32>
    %mul3A_428 = arith.constant 10240 : i32
    %mul3A_429 = vector.broadcast %mul3A_428 : i32 to vector<16xi32>
    %mul3A_430 = arith.muli %get3A_427, %mul3A_429 : vector<16xi32>
    %get3A_431 = arith.constant 432 : index
    %get3A_432 = tpu.vector_load %arg8[%get3A_431] {strides = array<i32>} : memref<640xi32, #tpu.memory_space<vmem>>, vector<16xi32>,
    %get3A_433 = vector.shape_cast %get3A_432 : vector<16xi32> to vector<16xi32>
    %add3A_434 = arith.addi %mul3A_430, %get3A_433 : vector<16xi32>
    %swap3A_435 = arith.constant 432 : index
    %swap3A_436 = tpu.vector_load %arg14[%swap3A_435] {strides = array<i32>} : memref<640xi32, #tpu.memory_space<vmem>>, vector<16xi32>,
    %swap3A_437 = vector.shape_cast %swap3A_436 : vector<16xi32> to vector<16xi32>
    %swap3A_438 = vector.shape_cast %add3A_434 : vector<16xi32> to vector<16xi32>
    tpu.vector_store %arg14[%swap3A_435], %swap3A_438 {strides = array<i32>} : memref<640xi32, #tpu.memory_space<vmem>>, vector<16xi32>,
    %get3A_439 = arith.constant 448 : index
    %get3A_440 = tpu.vector_load %arg10[%get3A_439] {strides = array<i32>} : memref<640xi32, #tpu.memory_space<vmem>>, vector<16xi32>,
    %get3A_441 = vector.shape_cast %get3A_440 : vector<16xi32> to vector<16xi32>
    %mul3A_442 = arith.constant 10240 : i32
    %mul3A_443 = vector.broadcast %mul3A_442 : i32 to vector<16xi32>
    %mul3A_444 = arith.muli %get3A_441, %mul3A_443 : vector<16xi32>
    %get3A_445 = arith.constant 448 : index
    %get3A_446 = tpu.vector_load %arg8[%get3A_445] {strides = array<i32>} : memref<640xi32, #tpu.memory_space<vmem>>, vector<16xi32>,
    %get3A_447 = vector.shape_cast %get3A_446 : vector<16xi32> to vector<16xi32>
    %add3A_448 = arith.addi %mul3A_444, %get3A_447 : vector<16xi32>
    %swap3A_449 = arith.constant 448 : index
    %swap3A_450 = tpu.vector_load %arg14[%swap3A_449] {strides = array<i32>} : memref<640xi32, #tpu.memory_space<vmem>>, vector<16xi32>,
    %swap3A_451 = vector.shape_cast %swap3A_450 : vector<16xi32> to vector<16xi32>
    %swap3A_452 = vector.shape_cast %add3A_448 : vector<16xi32> to vector<16xi32>
    tpu.vector_store %arg14[%swap3A_449], %swap3A_452 {strides = array<i32>} : memref<640xi32, #tpu.memory_space<vmem>>, vector<16xi32>,
    %get3A_453 = arith.constant 464 : index
    %get3A_454 = tpu.vector_load %arg10[%get3A_453] {strides = array<i32>} : memref<640xi32, #tpu.memory_space<vmem>>, vector<16xi32>,
    %get3A_455 = vector.shape_cast %get3A_454 : vector<16xi32> to vector<16xi32>
    %mul3A_456 = arith.constant 10240 : i32
    %mul3A_457 = vector.broadcast %mul3A_456 : i32 to vector<16xi32>
    %mul3A_458 = arith.muli %get3A_455, %mul3A_457 : vector<16xi32>
    %get3A_459 = arith.constant 464 : index
    %get3A_460 = tpu.vector_load %arg8[%get3A_459] {strides = array<i32>} : memref<640xi32, #tpu.memory_space<vmem>>, vector<16xi32>,
    %get3A_461 = vector.shape_cast %get3A_460 : vector<16xi32> to vector<16xi32>
    %add3A_462 = arith.addi %mul3A_458, %get3A_461 : vector<16xi32>
    %swap3A_463 = arith.constant 464 : index
    %swap3A_464 = tpu.vector_load %arg14[%swap3A_463] {strides = array<i32>} : memref<640xi32, #tpu.memory_space<vmem>>, vector<16xi32>,
    %swap3A_465 = vector.shape_cast %swap3A_464 : vector<16xi32> to vector<16xi32>
    %swap3A_466 = vector.shape_cast %add3A_462 : vector<16xi32> to vector<16xi32>
    tpu.vector_store %arg14[%swap3A_463], %swap3A_466 {strides = array<i32>} : memref<640xi32, #tpu.memory_space<vmem>>, vector<16xi32>,
    %get3A_467 = arith.constant 480 : index
    %get3A_468 = tpu.vector_load %arg10[%get3A_467] {strides = array<i32>} : memref<640xi32, #tpu.memory_space<vmem>>, vector<16xi32>,
    %get3A_469 = vector.shape_cast %get3A_468 : vector<16xi32> to vector<16xi32>
    %mul3A_470 = arith.constant 10240 : i32
    %mul3A_471 = vector.broadcast %mul3A_470 : i32 to vector<16xi32>
    %mul3A_472 = arith.muli %get3A_469, %mul3A_471 : vector<16xi32>
    %get3A_473 = arith.constant 480 : index
    %get3A_474 = tpu.vector_load %arg8[%get3A_473] {strides = array<i32>} : memref<640xi32, #tpu.memory_space<vmem>>, vector<16xi32>,
    %get3A_475 = vector.shape_cast %get3A_474 : vector<16xi32> to vector<16xi32>
    %add3A_476 = arith.addi %mul3A_472, %get3A_475 : vector<16xi32>
    %swap3A_477 = arith.constant 480 : index
    %swap3A_478 = tpu.vector_load %arg14[%swap3A_477] {strides = array<i32>} : memref<640xi32, #tpu.memory_space<vmem>>, vector<16xi32>,
    %swap3A_479 = vector.shape_cast %swap3A_478 : vector<16xi32> to vector<16xi32>
    %swap3A_480 = vector.shape_cast %add3A_476 : vector<16xi32> to vector<16xi32>
    tpu.vector_store %arg14[%swap3A_477], %swap3A_480 {strides = array<i32>} : memref<640xi32, #tpu.memory_space<vmem>>, vector<16xi32>,
    %get3A_481 = arith.constant 496 : index
    %get3A_482 = tpu.vector_load %arg10[%get3A_481] {strides = array<i32>} : memref<640xi32, #tpu.memory_space<vmem>>, vector<16xi32>,
    %get3A_483 = vector.shape_cast %get3A_482 : vector<16xi32> to vector<16xi32>
    %mul3A_484 = arith.constant 10240 : i32
    %mul3A_485 = vector.broadcast %mul3A_484 : i32 to vector<16xi32>
    %mul3A_486 = arith.muli %get3A_483, %mul3A_485 : vector<16xi32>
    %get3A_487 = arith.constant 496 : index
    %get3A_488 = tpu.vector_load %arg8[%get3A_487] {strides = array<i32>} : memref<640xi32, #tpu.memory_space<vmem>>, vector<16xi32>,
    %get3A_489 = vector.shape_cast %get3A_488 : vector<16xi32> to vector<16xi32>
    %add3A_490 = arith.addi %mul3A_486, %get3A_489 : vector<16xi32>
    %swap3A_491 = arith.constant 496 : index
    %swap3A_492 = tpu.vector_load %arg14[%swap3A_491] {strides = array<i32>} : memref<640xi32, #tpu.memory_space<vmem>>, vector<16xi32>,
    %swap3A_493 = vector.shape_cast %swap3A_492 : vector<16xi32> to vector<16xi32>
    %swap3A_494 = vector.shape_cast %add3A_490 : vector<16xi32> to vector<16xi32>
    tpu.vector_store %arg14[%swap3A_491], %swap3A_494 {strides = array<i32>} : memref<640xi32, #tpu.memory_space<vmem>>, vector<16xi32>,
    %get3A_495 = arith.constant 512 : index
    %get3A_496 = tpu.vector_load %arg10[%get3A_495] {strides = array<i32>} : memref<640xi32, #tpu.memory_space<vmem>>, vector<16xi32>,
    %get3A_497 = vector.shape_cast %get3A_496 : vector<16xi32> to vector<16xi32>
    %mul3A_498 = arith.constant 10240 : i32
    %mul3A_499 = vector.broadcast %mul3A_498 : i32 to vector<16xi32>
    %mul3A_500 = arith.muli %get3A_497, %mul3A_499 : vector<16xi32>
    %get3A_501 = arith.constant 512 : index
    %get3A_502 = tpu.vector_load %arg8[%get3A_501] {strides = array<i32>} : memref<640xi32, #tpu.memory_space<vmem>>, vector<16xi32>,
    %get3A_503 = vector.shape_cast %get3A_502 : vector<16xi32> to vector<16xi32>
    %add3A_504 = arith.addi %mul3A_500, %get3A_503 : vector<16xi32>
    %swap3A_505 = arith.constant 512 : index
    %swap3A_506 = tpu.vector_load %arg14[%swap3A_505] {strides = array<i32>} : memref<640xi32, #tpu.memory_space<vmem>>, vector<16xi32>,
    %swap3A_507 = vector.shape_cast %swap3A_506 : vector<16xi32> to vector<16xi32>
    %swap3A_508 = vector.shape_cast %add3A_504 : vector<16xi32> to vector<16xi32>
    tpu.vector_store %arg14[%swap3A_505], %swap3A_508 {strides = array<i32>} : memref<640xi32, #tpu.memory_space<vmem>>, vector<16xi32>,
    %get3A_509 = arith.constant 528 : index
    %get3A_510 = tpu.vector_load %arg10[%get3A_509] {strides = array<i32>} : memref<640xi32, #tpu.memory_space<vmem>>, vector<16xi32>,
    %get3A_511 = vector.shape_cast %get3A_510 : vector<16xi32> to vector<16xi32>
    %mul3A_512 = arith.constant 10240 : i32
    %mul3A_513 = vector.broadcast %mul3A_512 : i32 to vector<16xi32>
    %mul3A_514 = arith.muli %get3A_511, %mul3A_513 : vector<16xi32>
    %get3A_515 = arith.constant 528 : index
    %get3A_516 = tpu.vector_load %arg8[%get3A_515] {strides = array<i32>} : memref<640xi32, #tpu.memory_space<vmem>>, vector<16xi32>,
    %get3A_517 = vector.shape_cast %get3A_516 : vector<16xi32> to vector<16xi32>
    %add3A_518 = arith.addi %mul3A_514, %get3A_517 : vector<16xi32>
    %swap3A_519 = arith.constant 528 : index
    %swap3A_520 = tpu.vector_load %arg14[%swap3A_519] {strides = array<i32>} : memref<640xi32, #tpu.memory_space<vmem>>, vector<16xi32>,
    %swap3A_521 = vector.shape_cast %swap3A_520 : vector<16xi32> to vector<16xi32>
    %swap3A_522 = vector.shape_cast %add3A_518 : vector<16xi32> to vector<16xi32>
    tpu.vector_store %arg14[%swap3A_519], %swap3A_522 {strides = array<i32>} : memref<640xi32, #tpu.memory_space<vmem>>, vector<16xi32>,
    %get3A_523 = arith.constant 544 : index
    %get3A_524 = tpu.vector_load %arg10[%get3A_523] {strides = array<i32>} : memref<640xi32, #tpu.memory_space<vmem>>, vector<16xi32>,
    %get3A_525 = vector.shape_cast %get3A_524 : vector<16xi32> to vector<16xi32>
    %mul3A_526 = arith.constant 10240 : i32
    %mul3A_527 = vector.broadcast %mul3A_526 : i32 to vector<16xi32>
    %mul3A_528 = arith.muli %get3A_525, %mul3A_527 : vector<16xi32>
    %get3A_529 = arith.constant 544 : index
    %get3A_530 = tpu.vector_load %arg8[%get3A_529] {strides = array<i32>} : memref<640xi32, #tpu.memory_space<vmem>>, vector<16xi32>,
    %get3A_531 = vector.shape_cast %get3A_530 : vector<16xi32> to vector<16xi32>
    %add3A_532 = arith.addi %mul3A_528, %get3A_531 : vector<16xi32>
    %swap3A_533 = arith.constant 544 : index
    %swap3A_534 = tpu.vector_load %arg14[%swap3A_533] {strides = array<i32>} : memref<640xi32, #tpu.memory_space<vmem>>, vector<16xi32>,
    %swap3A_535 = vector.shape_cast %swap3A_534 : vector<16xi32> to vector<16xi32>
    %swap3A_536 = vector.shape_cast %add3A_532 : vector<16xi32> to vector<16xi32>
    tpu.vector_store %arg14[%swap3A_533], %swap3A_536 {strides = array<i32>} : memref<640xi32, #tpu.memory_space<vmem>>, vector<16xi32>,
    %get3A_537 = arith.constant 560 : index
    %get3A_538 = tpu.vector_load %arg10[%get3A_537] {strides = array<i32>} : memref<640xi32, #tpu.memory_space<vmem>>, vector<16xi32>,
    %get3A_539 = vector.shape_cast %get3A_538 : vector<16xi32> to vector<16xi32>
    %mul3A_540 = arith.constant 10240 : i32
    %mul3A_541 = vector.broadcast %mul3A_540 : i32 to vector<16xi32>
    %mul3A_542 = arith.muli %get3A_539, %mul3A_541 : vector<16xi32>
    %get3A_543 = arith.constant 560 : index
    %get3A_544 = tpu.vector_load %arg8[%get3A_543] {strides = array<i32>} : memref<640xi32, #tpu.memory_space<vmem>>, vector<16xi32>,
    %get3A_545 = vector.shape_cast %get3A_544 : vector<16xi32> to vector<16xi32>
    %add3A_546 = arith.addi %mul3A_542, %get3A_545 : vector<16xi32>
    %swap3A_547 = arith.constant 560 : index
    %swap3A_548 = tpu.vector_load %arg14[%swap3A_547] {strides = array<i32>} : memref<640xi32, #tpu.memory_space<vmem>>, vector<16xi32>,
    %swap3A_549 = vector.shape_cast %swap3A_548 : vector<16xi32> to vector<16xi32>
    %swap3A_550 = vector.shape_cast %add3A_546 : vector<16xi32> to vector<16xi32>
    tpu.vector_store %arg14[%swap3A_547], %swap3A_550 {strides = array<i32>} : memref<640xi32, #tpu.memory_space<vmem>>, vector<16xi32>,
    %get3A_551 = arith.constant 576 : index
    %get3A_552 = tpu.vector_load %arg10[%get3A_551] {strides = array<i32>} : memref<640xi32, #tpu.memory_space<vmem>>, vector<16xi32>,
    %get3A_553 = vector.shape_cast %get3A_552 : vector<16xi32> to vector<16xi32>
    %mul3A_554 = arith.constant 10240 : i32
    %mul3A_555 = vector.broadcast %mul3A_554 : i32 to vector<16xi32>
    %mul3A_556 = arith.muli %get3A_553, %mul3A_555 : vector<16xi32>
    %get3A_557 = arith.constant 576 : index
    %get3A_558 = tpu.vector_load %arg8[%get3A_557] {strides = array<i32>} : memref<640xi32, #tpu.memory_space<vmem>>, vector<16xi32>,
    %get3A_559 = vector.shape_cast %get3A_558 : vector<16xi32> to vector<16xi32>
    %add3A_560 = arith.addi %mul3A_556, %get3A_559 : vector<16xi32>
    %swap3A_561 = arith.constant 576 : index
    %swap3A_562 = tpu.vector_load %arg14[%swap3A_561] {strides = array<i32>} : memref<640xi32, #tpu.memory_space<vmem>>, vector<16xi32>,
    %swap3A_563 = vector.shape_cast %swap3A_562 : vector<16xi32> to vector<16xi32>
    %swap3A_564 = vector.shape_cast %add3A_560 : vector<16xi32> to vector<16xi32>
    tpu.vector_store %arg14[%swap3A_561], %swap3A_564 {strides = array<i32>} : memref<640xi32, #tpu.memory_space<vmem>>, vector<16xi32>,
    %get3A_565 = arith.constant 592 : index
    %get3A_566 = tpu.vector_load %arg10[%get3A_565] {strides = array<i32>} : memref<640xi32, #tpu.memory_space<vmem>>, vector<16xi32>,
    %get3A_567 = vector.shape_cast %get3A_566 : vector<16xi32> to vector<16xi32>
    %mul3A_568 = arith.constant 10240 : i32
    %mul3A_569 = vector.broadcast %mul3A_568 : i32 to vector<16xi32>
    %mul3A_570 = arith.muli %get3A_567, %mul3A_569 : vector<16xi32>
    %get3A_571 = arith.constant 592 : index
    %get3A_572 = tpu.vector_load %arg8[%get3A_571] {strides = array<i32>} : memref<640xi32, #tpu.memory_space<vmem>>, vector<16xi32>,
    %get3A_573 = vector.shape_cast %get3A_572 : vector<16xi32> to vector<16xi32>
    %add3A_574 = arith.addi %mul3A_570, %get3A_573 : vector<16xi32>
    %swap3A_575 = arith.constant 592 : index
    %swap3A_576 = tpu.vector_load %arg14[%swap3A_575] {strides = array<i32>} : memref<640xi32, #tpu.memory_space<vmem>>, vector<16xi32>,
    %swap3A_577 = vector.shape_cast %swap3A_576 : vector<16xi32> to vector<16xi32>
    %swap3A_578 = vector.shape_cast %add3A_574 : vector<16xi32> to vector<16xi32>
    tpu.vector_store %arg14[%swap3A_575], %swap3A_578 {strides = array<i32>} : memref<640xi32, #tpu.memory_space<vmem>>, vector<16xi32>,
    %get3A_579 = arith.constant 608 : index
    %get3A_580 = tpu.vector_load %arg10[%get3A_579] {strides = array<i32>} : memref<640xi32, #tpu.memory_space<vmem>>, vector<16xi32>,
    %get3A_581 = vector.shape_cast %get3A_580 : vector<16xi32> to vector<16xi32>
    %mul3A_582 = arith.constant 10240 : i32
    %mul3A_583 = vector.broadcast %mul3A_582 : i32 to vector<16xi32>
    %mul3A_584 = arith.muli %get3A_581, %mul3A_583 : vector<16xi32>
    %get3A_585 = arith.constant 608 : index
    %get3A_586 = tpu.vector_load %arg8[%get3A_585] {strides = array<i32>} : memref<640xi32, #tpu.memory_space<vmem>>, vector<16xi32>,
    %get3A_587 = vector.shape_cast %get3A_586 : vector<16xi32> to vector<16xi32>
    %add3A_588 = arith.addi %mul3A_584, %get3A_587 : vector<16xi32>
    %swap3A_589 = arith.constant 608 : index
    %swap3A_590 = tpu.vector_load %arg14[%swap3A_589] {strides = array<i32>} : memref<640xi32, #tpu.memory_space<vmem>>, vector<16xi32>,
    %swap3A_591 = vector.shape_cast %swap3A_590 : vector<16xi32> to vector<16xi32>
    %swap3A_592 = vector.shape_cast %add3A_588 : vector<16xi32> to vector<16xi32>
    tpu.vector_store %arg14[%swap3A_589], %swap3A_592 {strides = array<i32>} : memref<640xi32, #tpu.memory_space<vmem>>, vector<16xi32>,
    %get3A_593 = arith.constant 624 : index
    %get3A_594 = tpu.vector_load %arg10[%get3A_593] {strides = array<i32>} : memref<640xi32, #tpu.memory_space<vmem>>, vector<16xi32>,
    %get3A_595 = vector.shape_cast %get3A_594 : vector<16xi32> to vector<16xi32>
    %mul3A_596 = arith.constant 10240 : i32
    %mul3A_597 = vector.broadcast %mul3A_596 : i32 to vector<16xi32>
    %mul3A_598 = arith.muli %get3A_595, %mul3A_597 : vector<16xi32>
    %get3A_599 = arith.constant 624 : index
    %get3A_600 = tpu.vector_load %arg8[%get3A_599] {strides = array<i32>} : memref<640xi32, #tpu.memory_space<vmem>>, vector<16xi32>,
    %get3A_601 = vector.shape_cast %get3A_600 : vector<16xi32> to vector<16xi32>
    %add3A_602 = arith.addi %mul3A_598, %get3A_601 : vector<16xi32>
    %swap3A_603 = arith.constant 624 : index
    %swap3A_604 = tpu.vector_load %arg14[%swap3A_603] {strides = array<i32>} : memref<640xi32, #tpu.memory_space<vmem>>, vector<16xi32>,
    %swap3A_605 = vector.shape_cast %swap3A_604 : vector<16xi32> to vector<16xi32>
    %swap3A_606 = vector.shape_cast %add3A_602 : vector<16xi32> to vector<16xi32>
    tpu.vector_store %arg14[%swap3A_603], %swap3A_606 {strides = array<i32>} : memref<640xi32, #tpu.memory_space<vmem>>, vector<16xi32>,
    %dma_start3A_607 = arith.constant 0 : i32
    %dma_start3A_608 = arith.constant 0 : i32
    %dma_start3A_609 = tpu.memref_slice %arg2[%dma_start3A_607, %dma_start3A_608] : memref<71680x32xf32, #tpu.memory_space<hbm>> -> memref<71680x32xf32, #tpu.memory_space<hbm>>
    tpu.enqueue_indirect_dma source(%dma_start3A_609 : memref<71680x32xf32, #tpu.memory_space<hbm>>) target(%arg16 : memref<640x32xf32, #tpu.memory_space<vmem>>) offsets(%arg14 : memref<640xi32, #tpu.memory_space<vmem>>) semaphore(%arg21 : memref<!tpu.dma_semaphore, #tpu.memory_space<semaphore_mem>>)
    %gt3A = arith.constant 1 : i32
    %gt3A_610 = arith.cmpi sgt, %select_n3A, %gt3A : i32
    %convert_element_type3A_611 = arith.extui %gt3A_610 : i1 to i32
    %cond3A_612 = arith.constant 0 : i32
    %cond3A_613 = arith.cmpi ne, %convert_element_type3A_611, %cond3A_612 : i32
    scf.if %cond3A_613 {
      %add3A_662 = arith.constant 32 : i32
      %add3A_663 = arith.addi %add3A, %add3A_662 : i32
      %mul3A_664 = arith.constant 640 : i32
      %mul3A_665 = arith.muli %add3A_663, %mul3A_664 : i32
      %dma_start3A_666 = tpu.memref_slice %arg3[%mul3A_665] : memref<320000xi32, #tpu.memory_space<hbm>> -> memref<640xi32, #tpu.memory_space<hbm>>
      %dma_start3A_667 = tpu.memref_slice %arg3[%mul3A_665] : memref<320000xi32, #tpu.memory_space<hbm>> -> memref<640xi32, #tpu.memory_space<hbm>>
      tpu.enqueue_dma source(%dma_start3A_667 : memref<640xi32, #tpu.memory_space<hbm>>) target(%arg9 : memref<640xi32, #tpu.memory_space<vmem>>) target_semaphore(%arg20 : memref<!tpu.dma_semaphore, #tpu.memory_space<semaphore_mem>>)
      %dma_start3A_668 = tpu.memref_slice %arg4[%mul3A_665] : memref<320000xi32, #tpu.memory_space<hbm>> -> memref<640xi32, #tpu.memory_space<hbm>>
      %dma_start3A_669 = tpu.memref_slice %arg4[%mul3A_665] : memref<320000xi32, #tpu.memory_space<hbm>> -> memref<640xi32, #tpu.memory_space<hbm>>
      tpu.enqueue_dma source(%dma_start3A_669 : memref<640xi32, #tpu.memory_space<hbm>>) target(%arg11 : memref<640xi32, #tpu.memory_space<vmem>>) target_semaphore(%arg20 : memref<!tpu.dma_semaphore, #tpu.memory_space<semaphore_mem>>)
      %dma_start3A_670 = tpu.memref_slice %arg5[%mul3A_665] : memref<320000xi32, #tpu.memory_space<hbm>> -> memref<640xi32, #tpu.memory_space<hbm>>
      %dma_start3A_671 = tpu.memref_slice %arg5[%mul3A_665] : memref<320000xi32, #tpu.memory_space<hbm>> -> memref<640xi32, #tpu.memory_space<hbm>>
      tpu.enqueue_dma source(%dma_start3A_671 : memref<640xi32, #tpu.memory_space<hbm>>) target(%arg13 : memref<640xi32, #tpu.memory_space<vmem>>) target_semaphore(%arg20 : memref<!tpu.dma_semaphore, #tpu.memory_space<semaphore_mem>>)
    } else {
    }
    %add3A_614 = arith.constant 1 : i32
    %add3A_615 = arith.addi %select_n3A, %add3A_614 : i32
    %jit3A_616 = arith.constant 2 : i32
    %div3A_617 = arith.divsi %add3A_615, %jit3A_616 : i32
    %sign3A_618 = arith.constant 0 : i32
    %sign3A_619 = arith.cmpi sgt, %add3A_615, %sign3A_618 : i32
    %sign3A_620 = arith.extui %sign3A_619 : i1 to i32
    %sign3A_621 = arith.constant 0 : i32
    %sign3A_622 = arith.cmpi slt, %add3A_615, %sign3A_621 : i32
    %sign3A_623 = arith.extui %sign3A_622 : i1 to i32
    %sign3A_624 = arith.subi %sign3A_620, %sign3A_623 : i32
    %sign3A_625 = arith.constant 0 : i32
    %sign3A_626 = arith.cmpi sgt, %jit3A_616, %sign3A_625 : i32
    %sign3A_627 = arith.extui %sign3A_626 : i1 to i32
    %sign3A_628 = arith.constant 0 : i32
    %sign3A_629 = arith.cmpi slt, %jit3A_616, %sign3A_628 : i32
    %sign3A_630 = arith.extui %sign3A_629 : i1 to i32
    %sign3A_631 = arith.subi %sign3A_627, %sign3A_630 : i32
    %ne3A_632 = arith.cmpi ne, %sign3A_624, %sign3A_631 : i32
    %rem3A_633 = arith.remsi %add3A_615, %jit3A_616 : i32
    %ne3A_634 = arith.constant 0 : i32
    %ne3A_635 = arith.cmpi ne, %rem3A_633, %ne3A_634 : i32
    %and3A_636 = arith.andi %ne3A_632, %ne3A_635 : i1
    %sub3A_637 = arith.constant 1 : i32
    %sub3A_638 = arith.subi %div3A_617, %sub3A_637 : i32
    %select_n3A_639 = arith.select %and3A_636, %sub3A_638, %div3A_617 : i32
    %while3A = arith.constant 0 : i32
    %while3A_640 = arith.constant 0 : i32
    %while3A_641 = arith.subi %select_n3A_639, %while3A_640 : i32
    %while3A_642 = arith.addi %while3A_640, %while3A_641 : i32
    %while3A_643 = arith.constant 1 : i32
    %while3A_644 = arith.divsi %while3A_641, %while3A_643 : i32
    %while3A_645 = arith.muli %while3A_644, %while3A_643 : i32
    %while3A_646 = arith.addi %while3A_640, %while3A_645 : i32
    %while3A_647 = arith.constant 1 : i32
    scf.for %while3A_662 = %while3A_640 to %while3A_646 step %while3A_647  : i32 {
      %mul3A_663 = arith.constant 2 : i32
      %mul3A_664 = arith.muli %mul3A_663, %while3A_662 : i32
      %add3A_665 = arith.constant 1 : i32
      %add3A_666 = arith.addi %mul3A_664, %add3A_665 : i32
      %mul3A_667 = arith.constant 2 : i32
      %mul3A_668 = arith.muli %mul3A_667, %while3A_662 : i32
      %add3A_669 = arith.constant 2 : i32
      %add3A_670 = arith.addi %mul3A_668, %add3A_669 : i32
      %mul3A_671 = arith.constant 2 : i32
      %mul3A_672 = arith.muli %mul3A_671, %while3A_662 : i32
      %add3A_673 = arith.constant 3 : i32
      %add3A_674 = arith.addi %mul3A_672, %add3A_673 : i32
      %lt3A = arith.cmpi slt, %add3A_666, %select_n3A : i32
      %convert_element_type3A_675 = arith.extui %lt3A : i1 to i32
      %cond3A_676 = arith.constant 0 : i32
      %cond3A_677 = arith.cmpi ne, %convert_element_type3A_675, %cond3A_676 : i32
      scf.if %cond3A_677 {
        %dma_wait3A_697 = arith.constant 0 : i32
        %dma_wait3A_698 = tpu.memref_slice %arg3[%dma_wait3A_697] : memref<320000xi32, #tpu.memory_space<hbm>> -> memref<640xi32, #tpu.memory_space<hbm>>
        %dma_wait3A_699 = arith.constant 0 : i32
        %dma_wait3A_700 = tpu.memref_slice %arg3[%dma_wait3A_699] : memref<320000xi32, #tpu.memory_space<hbm>> -> memref<640xi32, #tpu.memory_space<hbm>>
        tpu.wait_dma2 semaphore(%arg20 : memref<!tpu.dma_semaphore, #tpu.memory_space<semaphore_mem>>) src(%dma_wait3A_700 : memref<640xi32, #tpu.memory_space<hbm>>) dst(%arg9 : memref<640xi32, #tpu.memory_space<vmem>>)
        %dma_wait3A_701 = arith.constant 0 : i32
        %dma_wait3A_702 = tpu.memref_slice %arg4[%dma_wait3A_701] : memref<320000xi32, #tpu.memory_space<hbm>> -> memref<640xi32, #tpu.memory_space<hbm>>
        %dma_wait3A_703 = arith.constant 0 : i32
        %dma_wait3A_704 = tpu.memref_slice %arg4[%dma_wait3A_703] : memref<320000xi32, #tpu.memory_space<hbm>> -> memref<640xi32, #tpu.memory_space<hbm>>
        tpu.wait_dma2 semaphore(%arg20 : memref<!tpu.dma_semaphore, #tpu.memory_space<semaphore_mem>>) src(%dma_wait3A_704 : memref<640xi32, #tpu.memory_space<hbm>>) dst(%arg11 : memref<640xi32, #tpu.memory_space<vmem>>)
        %dma_wait3A_705 = arith.constant 0 : i32
        %dma_wait3A_706 = tpu.memref_slice %arg5[%dma_wait3A_705] : memref<320000xi32, #tpu.memory_space<hbm>> -> memref<640xi32, #tpu.memory_space<hbm>>
        %dma_wait3A_707 = arith.constant 0 : i32
        %dma_wait3A_708 = tpu.memref_slice %arg5[%dma_wait3A_707] : memref<320000xi32, #tpu.memory_space<hbm>> -> memref<640xi32, #tpu.memory_space<hbm>>
        tpu.wait_dma2 semaphore(%arg20 : memref<!tpu.dma_semaphore, #tpu.memory_space<semaphore_mem>>) src(%dma_wait3A_708 : memref<640xi32, #tpu.memory_space<hbm>>) dst(%arg13 : memref<640xi32, #tpu.memory_space<vmem>>)
        %get3A_709 = arith.constant 0 : index
        %get3A_710 = tpu.vector_load %arg11[%get3A_709] {strides = array<i32>} : memref<640xi32, #tpu.memory_space<vmem>>, vector<16xi32>,
        %get3A_711 = vector.shape_cast %get3A_710 : vector<16xi32> to vector<16xi32>
        %mul3A_712 = arith.constant 10240 : i32
        %mul3A_713 = vector.broadcast %mul3A_712 : i32 to vector<16xi32>
        %mul3A_714 = arith.muli %get3A_711, %mul3A_713 : vector<16xi32>
        %get3A_715 = arith.constant 0 : index
        %get3A_716 = tpu.vector_load %arg9[%get3A_715] {strides = array<i32>} : memref<640xi32, #tpu.memory_space<vmem>>, vector<16xi32>,
        %get3A_717 = vector.shape_cast %get3A_716 : vector<16xi32> to vector<16xi32>
        %add3A_718 = arith.addi %mul3A_714, %get3A_717 : vector<16xi32>
        %swap3A_719 = arith.constant 0 : index
        %swap3A_720 = tpu.vector_load %arg15[%swap3A_719] {strides = array<i32>} : memref<640xi32, #tpu.memory_space<vmem>>, vector<16xi32>,
        %swap3A_721 = vector.shape_cast %swap3A_720 : vector<16xi32> to vector<16xi32>
        %swap3A_722 = vector.shape_cast %add3A_718 : vector<16xi32> to vector<16xi32>
        tpu.vector_store %arg15[%swap3A_719], %swap3A_722 {strides = array<i32>} : memref<640xi32, #tpu.memory_space<vmem>>, vector<16xi32>,
        %get3A_723 = arith.constant 16 : index
        %get3A_724 = tpu.vector_load %arg11[%get3A_723] {strides = array<i32>} : memref<640xi32, #tpu.memory_space<vmem>>, vector<16xi32>,
        %get3A_725 = vector.shape_cast %get3A_724 : vector<16xi32> to vector<16xi32>
        %mul3A_726 = arith.constant 10240 : i32
        %mul3A_727 = vector.broadcast %mul3A_726 : i32 to vector<16xi32>
        %mul3A_728 = arith.muli %get3A_725, %mul3A_727 : vector<16xi32>
        %get3A_729 = arith.constant 16 : index
        %get3A_730 = tpu.vector_load %arg9[%get3A_729] {strides = array<i32>} : memref<640xi32, #tpu.memory_space<vmem>>, vector<16xi32>,
        %get3A_731 = vector.shape_cast %get3A_730 : vector<16xi32> to vector<16xi32>
        %add3A_732 = arith.addi %mul3A_728, %get3A_731 : vector<16xi32>
        %swap3A_733 = arith.constant 16 : index
        %swap3A_734 = tpu.vector_load %arg15[%swap3A_733] {strides = array<i32>} : memref<640xi32, #tpu.memory_space<vmem>>, vector<16xi32>,
        %swap3A_735 = vector.shape_cast %swap3A_734 : vector<16xi32> to vector<16xi32>
        %swap3A_736 = vector.shape_cast %add3A_732 : vector<16xi32> to vector<16xi32>
        tpu.vector_store %arg15[%swap3A_733], %swap3A_736 {strides = array<i32>} : memref<640xi32, #tpu.memory_space<vmem>>, vector<16xi32>,
        %get3A_737 = arith.constant 32 : index
        %get3A_738 = tpu.vector_load %arg11[%get3A_737] {strides = array<i32>} : memref<640xi32, #tpu.memory_space<vmem>>, vector<16xi32>,
        %get3A_739 = vector.shape_cast %get3A_738 : vector<16xi32> to vector<16xi32>
        %mul3A_740 = arith.constant 10240 : i32
        %mul3A_741 = vector.broadcast %mul3A_740 : i32 to vector<16xi32>
        %mul3A_742 = arith.muli %get3A_739, %mul3A_741 : vector<16xi32>
        %get3A_743 = arith.constant 32 : index
        %get3A_744 = tpu.vector_load %arg9[%get3A_743] {strides = array<i32>} : memref<640xi32, #tpu.memory_space<vmem>>, vector<16xi32>,
        %get3A_745 = vector.shape_cast %get3A_744 : vector<16xi32> to vector<16xi32>
        %add3A_746 = arith.addi %mul3A_742, %get3A_745 : vector<16xi32>
        %swap3A_747 = arith.constant 32 : index
        %swap3A_748 = tpu.vector_load %arg15[%swap3A_747] {strides = array<i32>} : memref<640xi32, #tpu.memory_space<vmem>>, vector<16xi32>,
        %swap3A_749 = vector.shape_cast %swap3A_748 : vector<16xi32> to vector<16xi32>
        %swap3A_750 = vector.shape_cast %add3A_746 : vector<16xi32> to vector<16xi32>
        tpu.vector_store %arg15[%swap3A_747], %swap3A_750 {strides = array<i32>} : memref<640xi32, #tpu.memory_space<vmem>>, vector<16xi32>,
        %get3A_751 = arith.constant 48 : index
        %get3A_752 = tpu.vector_load %arg11[%get3A_751] {strides = array<i32>} : memref<640xi32, #tpu.memory_space<vmem>>, vector<16xi32>,
        %get3A_753 = vector.shape_cast %get3A_752 : vector<16xi32> to vector<16xi32>
        %mul3A_754 = arith.constant 10240 : i32
        %mul3A_755 = vector.broadcast %mul3A_754 : i32 to vector<16xi32>
        %mul3A_756 = arith.muli %get3A_753, %mul3A_755 : vector<16xi32>
        %get3A_757 = arith.constant 48 : index
        %get3A_758 = tpu.vector_load %arg9[%get3A_757] {strides = array<i32>} : memref<640xi32, #tpu.memory_space<vmem>>, vector<16xi32>,
        %get3A_759 = vector.shape_cast %get3A_758 : vector<16xi32> to vector<16xi32>
        %add3A_760 = arith.addi %mul3A_756, %get3A_759 : vector<16xi32>
        %swap3A_761 = arith.constant 48 : index
        %swap3A_762 = tpu.vector_load %arg15[%swap3A_761] {strides = array<i32>} : memref<640xi32, #tpu.memory_space<vmem>>, vector<16xi32>,
        %swap3A_763 = vector.shape_cast %swap3A_762 : vector<16xi32> to vector<16xi32>
        %swap3A_764 = vector.shape_cast %add3A_760 : vector<16xi32> to vector<16xi32>
        tpu.vector_store %arg15[%swap3A_761], %swap3A_764 {strides = array<i32>} : memref<640xi32, #tpu.memory_space<vmem>>, vector<16xi32>,
        %get3A_765 = arith.constant 64 : index
        %get3A_766 = tpu.vector_load %arg11[%get3A_765] {strides = array<i32>} : memref<640xi32, #tpu.memory_space<vmem>>, vector<16xi32>,
        %get3A_767 = vector.shape_cast %get3A_766 : vector<16xi32> to vector<16xi32>
        %mul3A_768 = arith.constant 10240 : i32
        %mul3A_769 = vector.broadcast %mul3A_768 : i32 to vector<16xi32>
        %mul3A_770 = arith.muli %get3A_767, %mul3A_769 : vector<16xi32>
        %get3A_771 = arith.constant 64 : index
        %get3A_772 = tpu.vector_load %arg9[%get3A_771] {strides = array<i32>} : memref<640xi32, #tpu.memory_space<vmem>>, vector<16xi32>,
        %get3A_773 = vector.shape_cast %get3A_772 : vector<16xi32> to vector<16xi32>
        %add3A_774 = arith.addi %mul3A_770, %get3A_773 : vector<16xi32>
        %swap3A_775 = arith.constant 64 : index
        %swap3A_776 = tpu.vector_load %arg15[%swap3A_775] {strides = array<i32>} : memref<640xi32, #tpu.memory_space<vmem>>, vector<16xi32>,
        %swap3A_777 = vector.shape_cast %swap3A_776 : vector<16xi32> to vector<16xi32>
        %swap3A_778 = vector.shape_cast %add3A_774 : vector<16xi32> to vector<16xi32>
        tpu.vector_store %arg15[%swap3A_775], %swap3A_778 {strides = array<i32>} : memref<640xi32, #tpu.memory_space<vmem>>, vector<16xi32>,
        %get3A_779 = arith.constant 80 : index
        %get3A_780 = tpu.vector_load %arg11[%get3A_779] {strides = array<i32>} : memref<640xi32, #tpu.memory_space<vmem>>, vector<16xi32>,
        %get3A_781 = vector.shape_cast %get3A_780 : vector<16xi32> to vector<16xi32>
        %mul3A_782 = arith.constant 10240 : i32
        %mul3A_783 = vector.broadcast %mul3A_782 : i32 to vector<16xi32>
        %mul3A_784 = arith.muli %get3A_781, %mul3A_783 : vector<16xi32>
        %get3A_785 = arith.constant 80 : index
        %get3A_786 = tpu.vector_load %arg9[%get3A_785] {strides = array<i32>} : memref<640xi32, #tpu.memory_space<vmem>>, vector<16xi32>,
        %get3A_787 = vector.shape_cast %get3A_786 : vector<16xi32> to vector<16xi32>
        %add3A_788 = arith.addi %mul3A_784, %get3A_787 : vector<16xi32>
        %swap3A_789 = arith.constant 80 : index
        %swap3A_790 = tpu.vector_load %arg15[%swap3A_789] {strides = array<i32>} : memref<640xi32, #tpu.memory_space<vmem>>, vector<16xi32>,
        %swap3A_791 = vector.shape_cast %swap3A_790 : vector<16xi32> to vector<16xi32>
        %swap3A_792 = vector.shape_cast %add3A_788 : vector<16xi32> to vector<16xi32>
        tpu.vector_store %arg15[%swap3A_789], %swap3A_792 {strides = array<i32>} : memref<640xi32, #tpu.memory_space<vmem>>, vector<16xi32>,
        %get3A_793 = arith.constant 96 : index
        %get3A_794 = tpu.vector_load %arg11[%get3A_793] {strides = array<i32>} : memref<640xi32, #tpu.memory_space<vmem>>, vector<16xi32>,
        %get3A_795 = vector.shape_cast %get3A_794 : vector<16xi32> to vector<16xi32>
        %mul3A_796 = arith.constant 10240 : i32
        %mul3A_797 = vector.broadcast %mul3A_796 : i32 to vector<16xi32>
        %mul3A_798 = arith.muli %get3A_795, %mul3A_797 : vector<16xi32>
        %get3A_799 = arith.constant 96 : index
        %get3A_800 = tpu.vector_load %arg9[%get3A_799] {strides = array<i32>} : memref<640xi32, #tpu.memory_space<vmem>>, vector<16xi32>,
        %get3A_801 = vector.shape_cast %get3A_800 : vector<16xi32> to vector<16xi32>
        %add3A_802 = arith.addi %mul3A_798, %get3A_801 : vector<16xi32>
        %swap3A_803 = arith.constant 96 : index
        %swap3A_804 = tpu.vector_load %arg15[%swap3A_803] {strides = array<i32>} : memref<640xi32, #tpu.memory_space<vmem>>, vector<16xi32>,
        %swap3A_805 = vector.shape_cast %swap3A_804 : vector<16xi32> to vector<16xi32>
        %swap3A_806 = vector.shape_cast %add3A_802 : vector<16xi32> to vector<16xi32>
        tpu.vector_store %arg15[%swap3A_803], %swap3A_806 {strides = array<i32>} : memref<640xi32, #tpu.memory_space<vmem>>, vector<16xi32>,
        %get3A_807 = arith.constant 112 : index
        %get3A_808 = tpu.vector_load %arg11[%get3A_807] {strides = array<i32>} : memref<640xi32, #tpu.memory_space<vmem>>, vector<16xi32>,
        %get3A_809 = vector.shape_cast %get3A_808 : vector<16xi32> to vector<16xi32>
        %mul3A_810 = arith.constant 10240 : i32
        %mul3A_811 = vector.broadcast %mul3A_810 : i32 to vector<16xi32>
        %mul3A_812 = arith.muli %get3A_809, %mul3A_811 : vector<16xi32>
        %get3A_813 = arith.constant 112 : index
        %get3A_814 = tpu.vector_load %arg9[%get3A_813] {strides = array<i32>} : memref<640xi32, #tpu.memory_space<vmem>>, vector<16xi32>,
        %get3A_815 = vector.shape_cast %get3A_814 : vector<16xi32> to vector<16xi32>
        %add3A_816 = arith.addi %mul3A_812, %get3A_815 : vector<16xi32>
        %swap3A_817 = arith.constant 112 : index
        %swap3A_818 = tpu.vector_load %arg15[%swap3A_817] {strides = array<i32>} : memref<640xi32, #tpu.memory_space<vmem>>, vector<16xi32>,
        %swap3A_819 = vector.shape_cast %swap3A_818 : vector<16xi32> to vector<16xi32>
        %swap3A_820 = vector.shape_cast %add3A_816 : vector<16xi32> to vector<16xi32>
        tpu.vector_store %arg15[%swap3A_817], %swap3A_820 {strides = array<i32>} : memref<640xi32, #tpu.memory_space<vmem>>, vector<16xi32>,
        %get3A_821 = arith.constant 128 : index
        %get3A_822 = tpu.vector_load %arg11[%get3A_821] {strides = array<i32>} : memref<640xi32, #tpu.memory_space<vmem>>, vector<16xi32>,
        %get3A_823 = vector.shape_cast %get3A_822 : vector<16xi32> to vector<16xi32>
        %mul3A_824 = arith.constant 10240 : i32
        %mul3A_825 = vector.broadcast %mul3A_824 : i32 to vector<16xi32>
        %mul3A_826 = arith.muli %get3A_823, %mul3A_825 : vector<16xi32>
        %get3A_827 = arith.constant 128 : index
        %get3A_828 = tpu.vector_load %arg9[%get3A_827] {strides = array<i32>} : memref<640xi32, #tpu.memory_space<vmem>>, vector<16xi32>,
        %get3A_829 = vector.shape_cast %get3A_828 : vector<16xi32> to vector<16xi32>
        %add3A_830 = arith.addi %mul3A_826, %get3A_829 : vector<16xi32>
        %swap3A_831 = arith.constant 128 : index
        %swap3A_832 = tpu.vector_load %arg15[%swap3A_831] {strides = array<i32>} : memref<640xi32, #tpu.memory_space<vmem>>, vector<16xi32>,
        %swap3A_833 = vector.shape_cast %swap3A_832 : vector<16xi32> to vector<16xi32>
        %swap3A_834 = vector.shape_cast %add3A_830 : vector<16xi32> to vector<16xi32>
        tpu.vector_store %arg15[%swap3A_831], %swap3A_834 {strides = array<i32>} : memref<640xi32, #tpu.memory_space<vmem>>, vector<16xi32>,
        %get3A_835 = arith.constant 144 : index
        %get3A_836 = tpu.vector_load %arg11[%get3A_835] {strides = array<i32>} : memref<640xi32, #tpu.memory_space<vmem>>, vector<16xi32>,
        %get3A_837 = vector.shape_cast %get3A_836 : vector<16xi32> to vector<16xi32>
        %mul3A_838 = arith.constant 10240 : i32
        %mul3A_839 = vector.broadcast %mul3A_838 : i32 to vector<16xi32>
        %mul3A_840 = arith.muli %get3A_837, %mul3A_839 : vector<16xi32>
        %get3A_841 = arith.constant 144 : index
        %get3A_842 = tpu.vector_load %arg9[%get3A_841] {strides = array<i32>} : memref<640xi32, #tpu.memory_space<vmem>>, vector<16xi32>,
        %get3A_843 = vector.shape_cast %get3A_842 : vector<16xi32> to vector<16xi32>
        %add3A_844 = arith.addi %mul3A_840, %get3A_843 : vector<16xi32>
        %swap3A_845 = arith.constant 144 : index
        %swap3A_846 = tpu.vector_load %arg15[%swap3A_845] {strides = array<i32>} : memref<640xi32, #tpu.memory_space<vmem>>, vector<16xi32>,
        %swap3A_847 = vector.shape_cast %swap3A_846 : vector<16xi32> to vector<16xi32>
        %swap3A_848 = vector.shape_cast %add3A_844 : vector<16xi32> to vector<16xi32>
        tpu.vector_store %arg15[%swap3A_845], %swap3A_848 {strides = array<i32>} : memref<640xi32, #tpu.memory_space<vmem>>, vector<16xi32>,
        %get3A_849 = arith.constant 160 : index
        %get3A_850 = tpu.vector_load %arg11[%get3A_849] {strides = array<i32>} : memref<640xi32, #tpu.memory_space<vmem>>, vector<16xi32>,
        %get3A_851 = vector.shape_cast %get3A_850 : vector<16xi32> to vector<16xi32>
        %mul3A_852 = arith.constant 10240 : i32
        %mul3A_853 = vector.broadcast %mul3A_852 : i32 to vector<16xi32>
        %mul3A_854 = arith.muli %get3A_851, %mul3A_853 : vector<16xi32>
        %get3A_855 = arith.constant 160 : index
        %get3A_856 = tpu.vector_load %arg9[%get3A_855] {strides = array<i32>} : memref<640xi32, #tpu.memory_space<vmem>>, vector<16xi32>,
        %get3A_857 = vector.shape_cast %get3A_856 : vector<16xi32> to vector<16xi32>
        %add3A_858 = arith.addi %mul3A_854, %get3A_857 : vector<16xi32>
        %swap3A_859 = arith.constant 160 : index
        %swap3A_860 = tpu.vector_load %arg15[%swap3A_859] {strides = array<i32>} : memref<640xi32, #tpu.memory_space<vmem>>, vector<16xi32>,
        %swap3A_861 = vector.shape_cast %swap3A_860 : vector<16xi32> to vector<16xi32>
        %swap3A_862 = vector.shape_cast %add3A_858 : vector<16xi32> to vector<16xi32>
        tpu.vector_store %arg15[%swap3A_859], %swap3A_862 {strides = array<i32>} : memref<640xi32, #tpu.memory_space<vmem>>, vector<16xi32>,
        %get3A_863 = arith.constant 176 : index
        %get3A_864 = tpu.vector_load %arg11[%get3A_863] {strides = array<i32>} : memref<640xi32, #tpu.memory_space<vmem>>, vector<16xi32>,
        %get3A_865 = vector.shape_cast %get3A_864 : vector<16xi32> to vector<16xi32>
        %mul3A_866 = arith.constant 10240 : i32
        %mul3A_867 = vector.broadcast %mul3A_866 : i32 to vector<16xi32>
        %mul3A_868 = arith.muli %get3A_865, %mul3A_867 : vector<16xi32>
        %get3A_869 = arith.constant 176 : index
        %get3A_870 = tpu.vector_load %arg9[%get3A_869] {strides = array<i32>} : memref<640xi32, #tpu.memory_space<vmem>>, vector<16xi32>,
        %get3A_871 = vector.shape_cast %get3A_870 : vector<16xi32> to vector<16xi32>
        %add3A_872 = arith.addi %mul3A_868, %get3A_871 : vector<16xi32>
        %swap3A_873 = arith.constant 176 : index
        %swap3A_874 = tpu.vector_load %arg15[%swap3A_873] {strides = array<i32>} : memref<640xi32, #tpu.memory_space<vmem>>, vector<16xi32>,
        %swap3A_875 = vector.shape_cast %swap3A_874 : vector<16xi32> to vector<16xi32>
        %swap3A_876 = vector.shape_cast %add3A_872 : vector<16xi32> to vector<16xi32>
        tpu.vector_store %arg15[%swap3A_873], %swap3A_876 {strides = array<i32>} : memref<640xi32, #tpu.memory_space<vmem>>, vector<16xi32>,
        %get3A_877 = arith.constant 192 : index
        %get3A_878 = tpu.vector_load %arg11[%get3A_877] {strides = array<i32>} : memref<640xi32, #tpu.memory_space<vmem>>, vector<16xi32>,
        %get3A_879 = vector.shape_cast %get3A_878 : vector<16xi32> to vector<16xi32>
        %mul3A_880 = arith.constant 10240 : i32
        %mul3A_881 = vector.broadcast %mul3A_880 : i32 to vector<16xi32>
        %mul3A_882 = arith.muli %get3A_879, %mul3A_881 : vector<16xi32>
        %get3A_883 = arith.constant 192 : index
        %get3A_884 = tpu.vector_load %arg9[%get3A_883] {strides = array<i32>} : memref<640xi32, #tpu.memory_space<vmem>>, vector<16xi32>,
        %get3A_885 = vector.shape_cast %get3A_884 : vector<16xi32> to vector<16xi32>
        %add3A_886 = arith.addi %mul3A_882, %get3A_885 : vector<16xi32>
        %swap3A_887 = arith.constant 192 : index
        %swap3A_888 = tpu.vector_load %arg15[%swap3A_887] {strides = array<i32>} : memref<640xi32, #tpu.memory_space<vmem>>, vector<16xi32>,
        %swap3A_889 = vector.shape_cast %swap3A_888 : vector<16xi32> to vector<16xi32>
        %swap3A_890 = vector.shape_cast %add3A_886 : vector<16xi32> to vector<16xi32>
        tpu.vector_store %arg15[%swap3A_887], %swap3A_890 {strides = array<i32>} : memref<640xi32, #tpu.memory_space<vmem>>, vector<16xi32>,
        %get3A_891 = arith.constant 208 : index
        %get3A_892 = tpu.vector_load %arg11[%get3A_891] {strides = array<i32>} : memref<640xi32, #tpu.memory_space<vmem>>, vector<16xi32>,
        %get3A_893 = vector.shape_cast %get3A_892 : vector<16xi32> to vector<16xi32>
        %mul3A_894 = arith.constant 10240 : i32
        %mul3A_895 = vector.broadcast %mul3A_894 : i32 to vector<16xi32>
        %mul3A_896 = arith.muli %get3A_893, %mul3A_895 : vector<16xi32>
        %get3A_897 = arith.constant 208 : index
        %get3A_898 = tpu.vector_load %arg9[%get3A_897] {strides = array<i32>} : memref<640xi32, #tpu.memory_space<vmem>>, vector<16xi32>,
        %get3A_899 = vector.shape_cast %get3A_898 : vector<16xi32> to vector<16xi32>
        %add3A_900 = arith.addi %mul3A_896, %get3A_899 : vector<16xi32>
        %swap3A_901 = arith.constant 208 : index
        %swap3A_902 = tpu.vector_load %arg15[%swap3A_901] {strides = array<i32>} : memref<640xi32, #tpu.memory_space<vmem>>, vector<16xi32>,
        %swap3A_903 = vector.shape_cast %swap3A_902 : vector<16xi32> to vector<16xi32>
        %swap3A_904 = vector.shape_cast %add3A_900 : vector<16xi32> to vector<16xi32>
        tpu.vector_store %arg15[%swap3A_901], %swap3A_904 {strides = array<i32>} : memref<640xi32, #tpu.memory_space<vmem>>, vector<16xi32>,
        %get3A_905 = arith.constant 224 : index
        %get3A_906 = tpu.vector_load %arg11[%get3A_905] {strides = array<i32>} : memref<640xi32, #tpu.memory_space<vmem>>, vector<16xi32>,
        %get3A_907 = vector.shape_cast %get3A_906 : vector<16xi32> to vector<16xi32>
        %mul3A_908 = arith.constant 10240 : i32
        %mul3A_909 = vector.broadcast %mul3A_908 : i32 to vector<16xi32>
        %mul3A_910 = arith.muli %get3A_907, %mul3A_909 : vector<16xi32>
        %get3A_911 = arith.constant 224 : index
        %get3A_912 = tpu.vector_load %arg9[%get3A_911] {strides = array<i32>} : memref<640xi32, #tpu.memory_space<vmem>>, vector<16xi32>,
        %get3A_913 = vector.shape_cast %get3A_912 : vector<16xi32> to vector<16xi32>
        %add3A_914 = arith.addi %mul3A_910, %get3A_913 : vector<16xi32>
        %swap3A_915 = arith.constant 224 : index
        %swap3A_916 = tpu.vector_load %arg15[%swap3A_915] {strides = array<i32>} : memref<640xi32, #tpu.memory_space<vmem>>, vector<16xi32>,
        %swap3A_917 = vector.shape_cast %swap3A_916 : vector<16xi32> to vector<16xi32>
        %swap3A_918 = vector.shape_cast %add3A_914 : vector<16xi32> to vector<16xi32>
        tpu.vector_store %arg15[%swap3A_915], %swap3A_918 {strides = array<i32>} : memref<640xi32, #tpu.memory_space<vmem>>, vector<16xi32>,
        %get3A_919 = arith.constant 240 : index
        %get3A_920 = tpu.vector_load %arg11[%get3A_919] {strides = array<i32>} : memref<640xi32, #tpu.memory_space<vmem>>, vector<16xi32>,
        %get3A_921 = vector.shape_cast %get3A_920 : vector<16xi32> to vector<16xi32>
        %mul3A_922 = arith.constant 10240 : i32
        %mul3A_923 = vector.broadcast %mul3A_922 : i32 to vector<16xi32>
        %mul3A_924 = arith.muli %get3A_921, %mul3A_923 : vector<16xi32>
        %get3A_925 = arith.constant 240 : index
        %get3A_926 = tpu.vector_load %arg9[%get3A_925] {strides = array<i32>} : memref<640xi32, #tpu.memory_space<vmem>>, vector<16xi32>,
        %get3A_927 = vector.shape_cast %get3A_926 : vector<16xi32> to vector<16xi32>
        %add3A_928 = arith.addi %mul3A_924, %get3A_927 : vector<16xi32>
        %swap3A_929 = arith.constant 240 : index
        %swap3A_930 = tpu.vector_load %arg15[%swap3A_929] {strides = array<i32>} : memref<640xi32, #tpu.memory_space<vmem>>, vector<16xi32>,
        %swap3A_931 = vector.shape_cast %swap3A_930 : vector<16xi32> to vector<16xi32>
        %swap3A_932 = vector.shape_cast %add3A_928 : vector<16xi32> to vector<16xi32>
        tpu.vector_store %arg15[%swap3A_929], %swap3A_932 {strides = array<i32>} : memref<640xi32, #tpu.memory_space<vmem>>, vector<16xi32>,
        %get3A_933 = arith.constant 256 : index
        %get3A_934 = tpu.vector_load %arg11[%get3A_933] {strides = array<i32>} : memref<640xi32, #tpu.memory_space<vmem>>, vector<16xi32>,
        %get3A_935 = vector.shape_cast %get3A_934 : vector<16xi32> to vector<16xi32>
        %mul3A_936 = arith.constant 10240 : i32
        %mul3A_937 = vector.broadcast %mul3A_936 : i32 to vector<16xi32>
        %mul3A_938 = arith.muli %get3A_935, %mul3A_937 : vector<16xi32>
        %get3A_939 = arith.constant 256 : index
        %get3A_940 = tpu.vector_load %arg9[%get3A_939] {strides = array<i32>} : memref<640xi32, #tpu.memory_space<vmem>>, vector<16xi32>,
        %get3A_941 = vector.shape_cast %get3A_940 : vector<16xi32> to vector<16xi32>
        %add3A_942 = arith.addi %mul3A_938, %get3A_941 : vector<16xi32>
        %swap3A_943 = arith.constant 256 : index
        %swap3A_944 = tpu.vector_load %arg15[%swap3A_943] {strides = array<i32>} : memref<640xi32, #tpu.memory_space<vmem>>, vector<16xi32>,
        %swap3A_945 = vector.shape_cast %swap3A_944 : vector<16xi32> to vector<16xi32>
        %swap3A_946 = vector.shape_cast %add3A_942 : vector<16xi32> to vector<16xi32>
        tpu.vector_store %arg15[%swap3A_943], %swap3A_946 {strides = array<i32>} : memref<640xi32, #tpu.memory_space<vmem>>, vector<16xi32>,
        %get3A_947 = arith.constant 272 : index
        %get3A_948 = tpu.vector_load %arg11[%get3A_947] {strides = array<i32>} : memref<640xi32, #tpu.memory_space<vmem>>, vector<16xi32>,
        %get3A_949 = vector.shape_cast %get3A_948 : vector<16xi32> to vector<16xi32>
        %mul3A_950 = arith.constant 10240 : i32
        %mul3A_951 = vector.broadcast %mul3A_950 : i32 to vector<16xi32>
        %mul3A_952 = arith.muli %get3A_949, %mul3A_951 : vector<16xi32>
        %get3A_953 = arith.constant 272 : index
        %get3A_954 = tpu.vector_load %arg9[%get3A_953] {strides = array<i32>} : memref<640xi32, #tpu.memory_space<vmem>>, vector<16xi32>,
        %get3A_955 = vector.shape_cast %get3A_954 : vector<16xi32> to vector<16xi32>
        %add3A_956 = arith.addi %mul3A_952, %get3A_955 : vector<16xi32>
        %swap3A_957 = arith.constant 272 : index
        %swap3A_958 = tpu.vector_load %arg15[%swap3A_957] {strides = array<i32>} : memref<640xi32, #tpu.memory_space<vmem>>, vector<16xi32>,
        %swap3A_959 = vector.shape_cast %swap3A_958 : vector<16xi32> to vector<16xi32>
        %swap3A_960 = vector.shape_cast %add3A_956 : vector<16xi32> to vector<16xi32>
        tpu.vector_store %arg15[%swap3A_957], %swap3A_960 {strides = array<i32>} : memref<640xi32, #tpu.memory_space<vmem>>, vector<16xi32>,
        %get3A_961 = arith.constant 288 : index
        %get3A_962 = tpu.vector_load %arg11[%get3A_961] {strides = array<i32>} : memref<640xi32, #tpu.memory_space<vmem>>, vector<16xi32>,
        %get3A_963 = vector.shape_cast %get3A_962 : vector<16xi32> to vector<16xi32>
        %mul3A_964 = arith.constant 10240 : i32
        %mul3A_965 = vector.broadcast %mul3A_964 : i32 to vector<16xi32>
        %mul3A_966 = arith.muli %get3A_963, %mul3A_965 : vector<16xi32>
        %get3A_967 = arith.constant 288 : index
        %get3A_968 = tpu.vector_load %arg9[%get3A_967] {strides = array<i32>} : memref<640xi32, #tpu.memory_space<vmem>>, vector<16xi32>,
        %get3A_969 = vector.shape_cast %get3A_968 : vector<16xi32> to vector<16xi32>
        %add3A_970 = arith.addi %mul3A_966, %get3A_969 : vector<16xi32>
        %swap3A_971 = arith.constant 288 : index
        %swap3A_972 = tpu.vector_load %arg15[%swap3A_971] {strides = array<i32>} : memref<640xi32, #tpu.memory_space<vmem>>, vector<16xi32>,
        %swap3A_973 = vector.shape_cast %swap3A_972 : vector<16xi32> to vector<16xi32>
        %swap3A_974 = vector.shape_cast %add3A_970 : vector<16xi32> to vector<16xi32>
        tpu.vector_store %arg15[%swap3A_971], %swap3A_974 {strides = array<i32>} : memref<640xi32, #tpu.memory_space<vmem>>, vector<16xi32>,
        %get3A_975 = arith.constant 304 : index
        %get3A_976 = tpu.vector_load %arg11[%get3A_975] {strides = array<i32>} : memref<640xi32, #tpu.memory_space<vmem>>, vector<16xi32>,
        %get3A_977 = vector.shape_cast %get3A_976 : vector<16xi32> to vector<16xi32>
        %mul3A_978 = arith.constant 10240 : i32
        %mul3A_979 = vector.broadcast %mul3A_978 : i32 to vector<16xi32>
        %mul3A_980 = arith.muli %get3A_977, %mul3A_979 : vector<16xi32>
        %get3A_981 = arith.constant 304 : index
        %get3A_982 = tpu.vector_load %arg9[%get3A_981] {strides = array<i32>} : memref<640xi32, #tpu.memory_space<vmem>>, vector<16xi32>,
        %get3A_983 = vector.shape_cast %get3A_982 : vector<16xi32> to vector<16xi32>
        %add3A_984 = arith.addi %mul3A_980, %get3A_983 : vector<16xi32>
        %swap3A_985 = arith.constant 304 : index
        %swap3A_986 = tpu.vector_load %arg15[%swap3A_985] {strides = array<i32>} : memref<640xi32, #tpu.memory_space<vmem>>, vector<16xi32>,
        %swap3A_987 = vector.shape_cast %swap3A_986 : vector<16xi32> to vector<16xi32>
        %swap3A_988 = vector.shape_cast %add3A_984 : vector<16xi32> to vector<16xi32>
        tpu.vector_store %arg15[%swap3A_985], %swap3A_988 {strides = array<i32>} : memref<640xi32, #tpu.memory_space<vmem>>, vector<16xi32>,
        %get3A_989 = arith.constant 320 : index
        %get3A_990 = tpu.vector_load %arg11[%get3A_989] {strides = array<i32>} : memref<640xi32, #tpu.memory_space<vmem>>, vector<16xi32>,
        %get3A_991 = vector.shape_cast %get3A_990 : vector<16xi32> to vector<16xi32>
        %mul3A_992 = arith.constant 10240 : i32
        %mul3A_993 = vector.broadcast %mul3A_992 : i32 to vector<16xi32>
        %mul3A_994 = arith.muli %get3A_991, %mul3A_993 : vector<16xi32>
        %get3A_995 = arith.constant 320 : index
        %get3A_996 = tpu.vector_load %arg9[%get3A_995] {strides = array<i32>} : memref<640xi32, #tpu.memory_space<vmem>>, vector<16xi32>,
        %get3A_997 = vector.shape_cast %get3A_996 : vector<16xi32> to vector<16xi32>
        %add3A_998 = arith.addi %mul3A_994, %get3A_997 : vector<16xi32>
        %swap3A_999 = arith.constant 320 : index
        %swap3A_1000 = tpu.vector_load %arg15[%swap3A_999] {strides = array<i32>} : memref<640xi32, #tpu.memory_space<vmem>>, vector<16xi32>,
        %swap3A_1001 = vector.shape_cast %swap3A_1000 : vector<16xi32> to vector<16xi32>
        %swap3A_1002 = vector.shape_cast %add3A_998 : vector<16xi32> to vector<16xi32>
        tpu.vector_store %arg15[%swap3A_999], %swap3A_1002 {strides = array<i32>} : memref<640xi32, #tpu.memory_space<vmem>>, vector<16xi32>,
        %get3A_1003 = arith.constant 336 : index
        %get3A_1004 = tpu.vector_load %arg11[%get3A_1003] {strides = array<i32>} : memref<640xi32, #tpu.memory_space<vmem>>, vector<16xi32>,
        %get3A_1005 = vector.shape_cast %get3A_1004 : vector<16xi32> to vector<16xi32>
        %mul3A_1006 = arith.constant 10240 : i32
        %mul3A_1007 = vector.broadcast %mul3A_1006 : i32 to vector<16xi32>
        %mul3A_1008 = arith.muli %get3A_1005, %mul3A_1007 : vector<16xi32>
        %get3A_1009 = arith.constant 336 : index
        %get3A_1010 = tpu.vector_load %arg9[%get3A_1009] {strides = array<i32>} : memref<640xi32, #tpu.memory_space<vmem>>, vector<16xi32>,
        %get3A_1011 = vector.shape_cast %get3A_1010 : vector<16xi32> to vector<16xi32>
        %add3A_1012 = arith.addi %mul3A_1008, %get3A_1011 : vector<16xi32>
        %swap3A_1013 = arith.constant 336 : index
        %swap3A_1014 = tpu.vector_load %arg15[%swap3A_1013] {strides = array<i32>} : memref<640xi32, #tpu.memory_space<vmem>>, vector<16xi32>,
        %swap3A_1015 = vector.shape_cast %swap3A_1014 : vector<16xi32> to vector<16xi32>
        %swap3A_1016 = vector.shape_cast %add3A_1012 : vector<16xi32> to vector<16xi32>
        tpu.vector_store %arg15[%swap3A_1013], %swap3A_1016 {strides = array<i32>} : memref<640xi32, #tpu.memory_space<vmem>>, vector<16xi32>,
        %get3A_1017 = arith.constant 352 : index
        %get3A_1018 = tpu.vector_load %arg11[%get3A_1017] {strides = array<i32>} : memref<640xi32, #tpu.memory_space<vmem>>, vector<16xi32>,
        %get3A_1019 = vector.shape_cast %get3A_1018 : vector<16xi32> to vector<16xi32>
        %mul3A_1020 = arith.constant 10240 : i32
        %mul3A_1021 = vector.broadcast %mul3A_1020 : i32 to vector<16xi32>
        %mul3A_1022 = arith.muli %get3A_1019, %mul3A_1021 : vector<16xi32>
        %get3A_1023 = arith.constant 352 : index
        %get3A_1024 = tpu.vector_load %arg9[%get3A_1023] {strides = array<i32>} : memref<640xi32, #tpu.memory_space<vmem>>, vector<16xi32>,
        %get3A_1025 = vector.shape_cast %get3A_1024 : vector<16xi32> to vector<16xi32>
        %add3A_1026 = arith.addi %mul3A_1022, %get3A_1025 : vector<16xi32>
        %swap3A_1027 = arith.constant 352 : index
        %swap3A_1028 = tpu.vector_load %arg15[%swap3A_1027] {strides = array<i32>} : memref<640xi32, #tpu.memory_space<vmem>>, vector<16xi32>,
        %swap3A_1029 = vector.shape_cast %swap3A_1028 : vector<16xi32> to vector<16xi32>
        %swap3A_1030 = vector.shape_cast %add3A_1026 : vector<16xi32> to vector<16xi32>
        tpu.vector_store %arg15[%swap3A_1027], %swap3A_1030 {strides = array<i32>} : memref<640xi32, #tpu.memory_space<vmem>>, vector<16xi32>,
        %get3A_1031 = arith.constant 368 : index
        %get3A_1032 = tpu.vector_load %arg11[%get3A_1031] {strides = array<i32>} : memref<640xi32, #tpu.memory_space<vmem>>, vector<16xi32>,
        %get3A_1033 = vector.shape_cast %get3A_1032 : vector<16xi32> to vector<16xi32>
        %mul3A_1034 = arith.constant 10240 : i32
        %mul3A_1035 = vector.broadcast %mul3A_1034 : i32 to vector<16xi32>
        %mul3A_1036 = arith.muli %get3A_1033, %mul3A_1035 : vector<16xi32>
        %get3A_1037 = arith.constant 368 : index
        %get3A_1038 = tpu.vector_load %arg9[%get3A_1037] {strides = array<i32>} : memref<640xi32, #tpu.memory_space<vmem>>, vector<16xi32>,
        %get3A_1039 = vector.shape_cast %get3A_1038 : vector<16xi32> to vector<16xi32>
        %add3A_1040 = arith.addi %mul3A_1036, %get3A_1039 : vector<16xi32>
        %swap3A_1041 = arith.constant 368 : index
        %swap3A_1042 = tpu.vector_load %arg15[%swap3A_1041] {strides = array<i32>} : memref<640xi32, #tpu.memory_space<vmem>>, vector<16xi32>,
        %swap3A_1043 = vector.shape_cast %swap3A_1042 : vector<16xi32> to vector<16xi32>
        %swap3A_1044 = vector.shape_cast %add3A_1040 : vector<16xi32> to vector<16xi32>
        tpu.vector_store %arg15[%swap3A_1041], %swap3A_1044 {strides = array<i32>} : memref<640xi32, #tpu.memory_space<vmem>>, vector<16xi32>,
        %get3A_1045 = arith.constant 384 : index
        %get3A_1046 = tpu.vector_load %arg11[%get3A_1045] {strides = array<i32>} : memref<640xi32, #tpu.memory_space<vmem>>, vector<16xi32>,
        %get3A_1047 = vector.shape_cast %get3A_1046 : vector<16xi32> to vector<16xi32>
        %mul3A_1048 = arith.constant 10240 : i32
        %mul3A_1049 = vector.broadcast %mul3A_1048 : i32 to vector<16xi32>
        %mul3A_1050 = arith.muli %get3A_1047, %mul3A_1049 : vector<16xi32>
        %get3A_1051 = arith.constant 384 : index
        %get3A_1052 = tpu.vector_load %arg9[%get3A_1051] {strides = array<i32>} : memref<640xi32, #tpu.memory_space<vmem>>, vector<16xi32>,
        %get3A_1053 = vector.shape_cast %get3A_1052 : vector<16xi32> to vector<16xi32>
        %add3A_1054 = arith.addi %mul3A_1050, %get3A_1053 : vector<16xi32>
        %swap3A_1055 = arith.constant 384 : index
        %swap3A_1056 = tpu.vector_load %arg15[%swap3A_1055] {strides = array<i32>} : memref<640xi32, #tpu.memory_space<vmem>>, vector<16xi32>,
        %swap3A_1057 = vector.shape_cast %swap3A_1056 : vector<16xi32> to vector<16xi32>
        %swap3A_1058 = vector.shape_cast %add3A_1054 : vector<16xi32> to vector<16xi32>
        tpu.vector_store %arg15[%swap3A_1055], %swap3A_1058 {strides = array<i32>} : memref<640xi32, #tpu.memory_space<vmem>>, vector<16xi32>,
        %get3A_1059 = arith.constant 400 : index
        %get3A_1060 = tpu.vector_load %arg11[%get3A_1059] {strides = array<i32>} : memref<640xi32, #tpu.memory_space<vmem>>, vector<16xi32>,
        %get3A_1061 = vector.shape_cast %get3A_1060 : vector<16xi32> to vector<16xi32>
        %mul3A_1062 = arith.constant 10240 : i32
        %mul3A_1063 = vector.broadcast %mul3A_1062 : i32 to vector<16xi32>
        %mul3A_1064 = arith.muli %get3A_1061, %mul3A_1063 : vector<16xi32>
        %get3A_1065 = arith.constant 400 : index
        %get3A_1066 = tpu.vector_load %arg9[%get3A_1065] {strides = array<i32>} : memref<640xi32, #tpu.memory_space<vmem>>, vector<16xi32>,
        %get3A_1067 = vector.shape_cast %get3A_1066 : vector<16xi32> to vector<16xi32>
        %add3A_1068 = arith.addi %mul3A_1064, %get3A_1067 : vector<16xi32>
        %swap3A_1069 = arith.constant 400 : index
        %swap3A_1070 = tpu.vector_load %arg15[%swap3A_1069] {strides = array<i32>} : memref<640xi32, #tpu.memory_space<vmem>>, vector<16xi32>,
        %swap3A_1071 = vector.shape_cast %swap3A_1070 : vector<16xi32> to vector<16xi32>
        %swap3A_1072 = vector.shape_cast %add3A_1068 : vector<16xi32> to vector<16xi32>
        tpu.vector_store %arg15[%swap3A_1069], %swap3A_1072 {strides = array<i32>} : memref<640xi32, #tpu.memory_space<vmem>>, vector<16xi32>,
        %get3A_1073 = arith.constant 416 : index
        %get3A_1074 = tpu.vector_load %arg11[%get3A_1073] {strides = array<i32>} : memref<640xi32, #tpu.memory_space<vmem>>, vector<16xi32>,
        %get3A_1075 = vector.shape_cast %get3A_1074 : vector<16xi32> to vector<16xi32>
        %mul3A_1076 = arith.constant 10240 : i32
        %mul3A_1077 = vector.broadcast %mul3A_1076 : i32 to vector<16xi32>
        %mul3A_1078 = arith.muli %get3A_1075, %mul3A_1077 : vector<16xi32>
        %get3A_1079 = arith.constant 416 : index
        %get3A_1080 = tpu.vector_load %arg9[%get3A_1079] {strides = array<i32>} : memref<640xi32, #tpu.memory_space<vmem>>, vector<16xi32>,
        %get3A_1081 = vector.shape_cast %get3A_1080 : vector<16xi32> to vector<16xi32>
        %add3A_1082 = arith.addi %mul3A_1078, %get3A_1081 : vector<16xi32>
        %swap3A_1083 = arith.constant 416 : index
        %swap3A_1084 = tpu.vector_load %arg15[%swap3A_1083] {strides = array<i32>} : memref<640xi32, #tpu.memory_space<vmem>>, vector<16xi32>,
        %swap3A_1085 = vector.shape_cast %swap3A_1084 : vector<16xi32> to vector<16xi32>
        %swap3A_1086 = vector.shape_cast %add3A_1082 : vector<16xi32> to vector<16xi32>
        tpu.vector_store %arg15[%swap3A_1083], %swap3A_1086 {strides = array<i32>} : memref<640xi32, #tpu.memory_space<vmem>>, vector<16xi32>,
        %get3A_1087 = arith.constant 432 : index
        %get3A_1088 = tpu.vector_load %arg11[%get3A_1087] {strides = array<i32>} : memref<640xi32, #tpu.memory_space<vmem>>, vector<16xi32>,
        %get3A_1089 = vector.shape_cast %get3A_1088 : vector<16xi32> to vector<16xi32>
        %mul3A_1090 = arith.constant 10240 : i32
        %mul3A_1091 = vector.broadcast %mul3A_1090 : i32 to vector<16xi32>
        %mul3A_1092 = arith.muli %get3A_1089, %mul3A_1091 : vector<16xi32>
        %get3A_1093 = arith.constant 432 : index
        %get3A_1094 = tpu.vector_load %arg9[%get3A_1093] {strides = array<i32>} : memref<640xi32, #tpu.memory_space<vmem>>, vector<16xi32>,
        %get3A_1095 = vector.shape_cast %get3A_1094 : vector<16xi32> to vector<16xi32>
        %add3A_1096 = arith.addi %mul3A_1092, %get3A_1095 : vector<16xi32>
        %swap3A_1097 = arith.constant 432 : index
        %swap3A_1098 = tpu.vector_load %arg15[%swap3A_1097] {strides = array<i32>} : memref<640xi32, #tpu.memory_space<vmem>>, vector<16xi32>,
        %swap3A_1099 = vector.shape_cast %swap3A_1098 : vector<16xi32> to vector<16xi32>
        %swap3A_1100 = vector.shape_cast %add3A_1096 : vector<16xi32> to vector<16xi32>
        tpu.vector_store %arg15[%swap3A_1097], %swap3A_1100 {strides = array<i32>} : memref<640xi32, #tpu.memory_space<vmem>>, vector<16xi32>,
        %get3A_1101 = arith.constant 448 : index
        %get3A_1102 = tpu.vector_load %arg11[%get3A_1101] {strides = array<i32>} : memref<640xi32, #tpu.memory_space<vmem>>, vector<16xi32>,
        %get3A_1103 = vector.shape_cast %get3A_1102 : vector<16xi32> to vector<16xi32>
        %mul3A_1104 = arith.constant 10240 : i32
        %mul3A_1105 = vector.broadcast %mul3A_1104 : i32 to vector<16xi32>
        %mul3A_1106 = arith.muli %get3A_1103, %mul3A_1105 : vector<16xi32>
        %get3A_1107 = arith.constant 448 : index
        %get3A_1108 = tpu.vector_load %arg9[%get3A_1107] {strides = array<i32>} : memref<640xi32, #tpu.memory_space<vmem>>, vector<16xi32>,
        %get3A_1109 = vector.shape_cast %get3A_1108 : vector<16xi32> to vector<16xi32>
        %add3A_1110 = arith.addi %mul3A_1106, %get3A_1109 : vector<16xi32>
        %swap3A_1111 = arith.constant 448 : index
        %swap3A_1112 = tpu.vector_load %arg15[%swap3A_1111] {strides = array<i32>} : memref<640xi32, #tpu.memory_space<vmem>>, vector<16xi32>,
        %swap3A_1113 = vector.shape_cast %swap3A_1112 : vector<16xi32> to vector<16xi32>
        %swap3A_1114 = vector.shape_cast %add3A_1110 : vector<16xi32> to vector<16xi32>
        tpu.vector_store %arg15[%swap3A_1111], %swap3A_1114 {strides = array<i32>} : memref<640xi32, #tpu.memory_space<vmem>>, vector<16xi32>,
        %get3A_1115 = arith.constant 464 : index
        %get3A_1116 = tpu.vector_load %arg11[%get3A_1115] {strides = array<i32>} : memref<640xi32, #tpu.memory_space<vmem>>, vector<16xi32>,
        %get3A_1117 = vector.shape_cast %get3A_1116 : vector<16xi32> to vector<16xi32>
        %mul3A_1118 = arith.constant 10240 : i32
        %mul3A_1119 = vector.broadcast %mul3A_1118 : i32 to vector<16xi32>
        %mul3A_1120 = arith.muli %get3A_1117, %mul3A_1119 : vector<16xi32>
        %get3A_1121 = arith.constant 464 : index
        %get3A_1122 = tpu.vector_load %arg9[%get3A_1121] {strides = array<i32>} : memref<640xi32, #tpu.memory_space<vmem>>, vector<16xi32>,
        %get3A_1123 = vector.shape_cast %get3A_1122 : vector<16xi32> to vector<16xi32>
        %add3A_1124 = arith.addi %mul3A_1120, %get3A_1123 : vector<16xi32>
        %swap3A_1125 = arith.constant 464 : index
        %swap3A_1126 = tpu.vector_load %arg15[%swap3A_1125] {strides = array<i32>} : memref<640xi32, #tpu.memory_space<vmem>>, vector<16xi32>,
        %swap3A_1127 = vector.shape_cast %swap3A_1126 : vector<16xi32> to vector<16xi32>
        %swap3A_1128 = vector.shape_cast %add3A_1124 : vector<16xi32> to vector<16xi32>
        tpu.vector_store %arg15[%swap3A_1125], %swap3A_1128 {strides = array<i32>} : memref<640xi32, #tpu.memory_space<vmem>>, vector<16xi32>,
        %get3A_1129 = arith.constant 480 : index
        %get3A_1130 = tpu.vector_load %arg11[%get3A_1129] {strides = array<i32>} : memref<640xi32, #tpu.memory_space<vmem>>, vector<16xi32>,
        %get3A_1131 = vector.shape_cast %get3A_1130 : vector<16xi32> to vector<16xi32>
        %mul3A_1132 = arith.constant 10240 : i32
        %mul3A_1133 = vector.broadcast %mul3A_1132 : i32 to vector<16xi32>
        %mul3A_1134 = arith.muli %get3A_1131, %mul3A_1133 : vector<16xi32>
        %get3A_1135 = arith.constant 480 : index
        %get3A_1136 = tpu.vector_load %arg9[%get3A_1135] {strides = array<i32>} : memref<640xi32, #tpu.memory_space<vmem>>, vector<16xi32>,
        %get3A_1137 = vector.shape_cast %get3A_1136 : vector<16xi32> to vector<16xi32>
        %add3A_1138 = arith.addi %mul3A_1134, %get3A_1137 : vector<16xi32>
        %swap3A_1139 = arith.constant 480 : index
        %swap3A_1140 = tpu.vector_load %arg15[%swap3A_1139] {strides = array<i32>} : memref<640xi32, #tpu.memory_space<vmem>>, vector<16xi32>,
        %swap3A_1141 = vector.shape_cast %swap3A_1140 : vector<16xi32> to vector<16xi32>
        %swap3A_1142 = vector.shape_cast %add3A_1138 : vector<16xi32> to vector<16xi32>
        tpu.vector_store %arg15[%swap3A_1139], %swap3A_1142 {strides = array<i32>} : memref<640xi32, #tpu.memory_space<vmem>>, vector<16xi32>,
        %get3A_1143 = arith.constant 496 : index
        %get3A_1144 = tpu.vector_load %arg11[%get3A_1143] {strides = array<i32>} : memref<640xi32, #tpu.memory_space<vmem>>, vector<16xi32>,
        %get3A_1145 = vector.shape_cast %get3A_1144 : vector<16xi32> to vector<16xi32>
        %mul3A_1146 = arith.constant 10240 : i32
        %mul3A_1147 = vector.broadcast %mul3A_1146 : i32 to vector<16xi32>
        %mul3A_1148 = arith.muli %get3A_1145, %mul3A_1147 : vector<16xi32>
        %get3A_1149 = arith.constant 496 : index
        %get3A_1150 = tpu.vector_load %arg9[%get3A_1149] {strides = array<i32>} : memref<640xi32, #tpu.memory_space<vmem>>, vector<16xi32>,
        %get3A_1151 = vector.shape_cast %get3A_1150 : vector<16xi32> to vector<16xi32>
        %add3A_1152 = arith.addi %mul3A_1148, %get3A_1151 : vector<16xi32>
        %swap3A_1153 = arith.constant 496 : index
        %swap3A_1154 = tpu.vector_load %arg15[%swap3A_1153] {strides = array<i32>} : memref<640xi32, #tpu.memory_space<vmem>>, vector<16xi32>,
        %swap3A_1155 = vector.shape_cast %swap3A_1154 : vector<16xi32> to vector<16xi32>
        %swap3A_1156 = vector.shape_cast %add3A_1152 : vector<16xi32> to vector<16xi32>
        tpu.vector_store %arg15[%swap3A_1153], %swap3A_1156 {strides = array<i32>} : memref<640xi32, #tpu.memory_space<vmem>>, vector<16xi32>,
        %get3A_1157 = arith.constant 512 : index
        %get3A_1158 = tpu.vector_load %arg11[%get3A_1157] {strides = array<i32>} : memref<640xi32, #tpu.memory_space<vmem>>, vector<16xi32>,
        %get3A_1159 = vector.shape_cast %get3A_1158 : vector<16xi32> to vector<16xi32>
        %mul3A_1160 = arith.constant 10240 : i32
        %mul3A_1161 = vector.broadcast %mul3A_1160 : i32 to vector<16xi32>
        %mul3A_1162 = arith.muli %get3A_1159, %mul3A_1161 : vector<16xi32>
        %get3A_1163 = arith.constant 512 : index
        %get3A_1164 = tpu.vector_load %arg9[%get3A_1163] {strides = array<i32>} : memref<640xi32, #tpu.memory_space<vmem>>, vector<16xi32>,
        %get3A_1165 = vector.shape_cast %get3A_1164 : vector<16xi32> to vector<16xi32>
        %add3A_1166 = arith.addi %mul3A_1162, %get3A_1165 : vector<16xi32>
        %swap3A_1167 = arith.constant 512 : index
        %swap3A_1168 = tpu.vector_load %arg15[%swap3A_1167] {strides = array<i32>} : memref<640xi32, #tpu.memory_space<vmem>>, vector<16xi32>,
        %swap3A_1169 = vector.shape_cast %swap3A_1168 : vector<16xi32> to vector<16xi32>
        %swap3A_1170 = vector.shape_cast %add3A_1166 : vector<16xi32> to vector<16xi32>
        tpu.vector_store %arg15[%swap3A_1167], %swap3A_1170 {strides = array<i32>} : memref<640xi32, #tpu.memory_space<vmem>>, vector<16xi32>,
        %get3A_1171 = arith.constant 528 : index
        %get3A_1172 = tpu.vector_load %arg11[%get3A_1171] {strides = array<i32>} : memref<640xi32, #tpu.memory_space<vmem>>, vector<16xi32>,
        %get3A_1173 = vector.shape_cast %get3A_1172 : vector<16xi32> to vector<16xi32>
        %mul3A_1174 = arith.constant 10240 : i32
        %mul3A_1175 = vector.broadcast %mul3A_1174 : i32 to vector<16xi32>
        %mul3A_1176 = arith.muli %get3A_1173, %mul3A_1175 : vector<16xi32>
        %get3A_1177 = arith.constant 528 : index
        %get3A_1178 = tpu.vector_load %arg9[%get3A_1177] {strides = array<i32>} : memref<640xi32, #tpu.memory_space<vmem>>, vector<16xi32>,
        %get3A_1179 = vector.shape_cast %get3A_1178 : vector<16xi32> to vector<16xi32>
        %add3A_1180 = arith.addi %mul3A_1176, %get3A_1179 : vector<16xi32>
        %swap3A_1181 = arith.constant 528 : index
        %swap3A_1182 = tpu.vector_load %arg15[%swap3A_1181] {strides = array<i32>} : memref<640xi32, #tpu.memory_space<vmem>>, vector<16xi32>,
        %swap3A_1183 = vector.shape_cast %swap3A_1182 : vector<16xi32> to vector<16xi32>
        %swap3A_1184 = vector.shape_cast %add3A_1180 : vector<16xi32> to vector<16xi32>
        tpu.vector_store %arg15[%swap3A_1181], %swap3A_1184 {strides = array<i32>} : memref<640xi32, #tpu.memory_space<vmem>>, vector<16xi32>,
        %get3A_1185 = arith.constant 544 : index
        %get3A_1186 = tpu.vector_load %arg11[%get3A_1185] {strides = array<i32>} : memref<640xi32, #tpu.memory_space<vmem>>, vector<16xi32>,
        %get3A_1187 = vector.shape_cast %get3A_1186 : vector<16xi32> to vector<16xi32>
        %mul3A_1188 = arith.constant 10240 : i32
        %mul3A_1189 = vector.broadcast %mul3A_1188 : i32 to vector<16xi32>
        %mul3A_1190 = arith.muli %get3A_1187, %mul3A_1189 : vector<16xi32>
        %get3A_1191 = arith.constant 544 : index
        %get3A_1192 = tpu.vector_load %arg9[%get3A_1191] {strides = array<i32>} : memref<640xi32, #tpu.memory_space<vmem>>, vector<16xi32>,
        %get3A_1193 = vector.shape_cast %get3A_1192 : vector<16xi32> to vector<16xi32>
        %add3A_1194 = arith.addi %mul3A_1190, %get3A_1193 : vector<16xi32>
        %swap3A_1195 = arith.constant 544 : index
        %swap3A_1196 = tpu.vector_load %arg15[%swap3A_1195] {strides = array<i32>} : memref<640xi32, #tpu.memory_space<vmem>>, vector<16xi32>,
        %swap3A_1197 = vector.shape_cast %swap3A_1196 : vector<16xi32> to vector<16xi32>
        %swap3A_1198 = vector.shape_cast %add3A_1194 : vector<16xi32> to vector<16xi32>
        tpu.vector_store %arg15[%swap3A_1195], %swap3A_1198 {strides = array<i32>} : memref<640xi32, #tpu.memory_space<vmem>>, vector<16xi32>,
        %get3A_1199 = arith.constant 560 : index
        %get3A_1200 = tpu.vector_load %arg11[%get3A_1199] {strides = array<i32>} : memref<640xi32, #tpu.memory_space<vmem>>, vector<16xi32>,
        %get3A_1201 = vector.shape_cast %get3A_1200 : vector<16xi32> to vector<16xi32>
        %mul3A_1202 = arith.constant 10240 : i32
        %mul3A_1203 = vector.broadcast %mul3A_1202 : i32 to vector<16xi32>
        %mul3A_1204 = arith.muli %get3A_1201, %mul3A_1203 : vector<16xi32>
        %get3A_1205 = arith.constant 560 : index
        %get3A_1206 = tpu.vector_load %arg9[%get3A_1205] {strides = array<i32>} : memref<640xi32, #tpu.memory_space<vmem>>, vector<16xi32>,
        %get3A_1207 = vector.shape_cast %get3A_1206 : vector<16xi32> to vector<16xi32>
        %add3A_1208 = arith.addi %mul3A_1204, %get3A_1207 : vector<16xi32>
        %swap3A_1209 = arith.constant 560 : index
        %swap3A_1210 = tpu.vector_load %arg15[%swap3A_1209] {strides = array<i32>} : memref<640xi32, #tpu.memory_space<vmem>>, vector<16xi32>,
        %swap3A_1211 = vector.shape_cast %swap3A_1210 : vector<16xi32> to vector<16xi32>
        %swap3A_1212 = vector.shape_cast %add3A_1208 : vector<16xi32> to vector<16xi32>
        tpu.vector_store %arg15[%swap3A_1209], %swap3A_1212 {strides = array<i32>} : memref<640xi32, #tpu.memory_space<vmem>>, vector<16xi32>,
        %get3A_1213 = arith.constant 576 : index
        %get3A_1214 = tpu.vector_load %arg11[%get3A_1213] {strides = array<i32>} : memref<640xi32, #tpu.memory_space<vmem>>, vector<16xi32>,
        %get3A_1215 = vector.shape_cast %get3A_1214 : vector<16xi32> to vector<16xi32>
        %mul3A_1216 = arith.constant 10240 : i32
        %mul3A_1217 = vector.broadcast %mul3A_1216 : i32 to vector<16xi32>
        %mul3A_1218 = arith.muli %get3A_1215, %mul3A_1217 : vector<16xi32>
        %get3A_1219 = arith.constant 576 : index
        %get3A_1220 = tpu.vector_load %arg9[%get3A_1219] {strides = array<i32>} : memref<640xi32, #tpu.memory_space<vmem>>, vector<16xi32>,
        %get3A_1221 = vector.shape_cast %get3A_1220 : vector<16xi32> to vector<16xi32>
        %add3A_1222 = arith.addi %mul3A_1218, %get3A_1221 : vector<16xi32>
        %swap3A_1223 = arith.constant 576 : index
        %swap3A_1224 = tpu.vector_load %arg15[%swap3A_1223] {strides = array<i32>} : memref<640xi32, #tpu.memory_space<vmem>>, vector<16xi32>,
        %swap3A_1225 = vector.shape_cast %swap3A_1224 : vector<16xi32> to vector<16xi32>
        %swap3A_1226 = vector.shape_cast %add3A_1222 : vector<16xi32> to vector<16xi32>
        tpu.vector_store %arg15[%swap3A_1223], %swap3A_1226 {strides = array<i32>} : memref<640xi32, #tpu.memory_space<vmem>>, vector<16xi32>,
        %get3A_1227 = arith.constant 592 : index
        %get3A_1228 = tpu.vector_load %arg11[%get3A_1227] {strides = array<i32>} : memref<640xi32, #tpu.memory_space<vmem>>, vector<16xi32>,
        %get3A_1229 = vector.shape_cast %get3A_1228 : vector<16xi32> to vector<16xi32>
        %mul3A_1230 = arith.constant 10240 : i32
        %mul3A_1231 = vector.broadcast %mul3A_1230 : i32 to vector<16xi32>
        %mul3A_1232 = arith.muli %get3A_1229, %mul3A_1231 : vector<16xi32>
        %get3A_1233 = arith.constant 592 : index
        %get3A_1234 = tpu.vector_load %arg9[%get3A_1233] {strides = array<i32>} : memref<640xi32, #tpu.memory_space<vmem>>, vector<16xi32>,
        %get3A_1235 = vector.shape_cast %get3A_1234 : vector<16xi32> to vector<16xi32>
        %add3A_1236 = arith.addi %mul3A_1232, %get3A_1235 : vector<16xi32>
        %swap3A_1237 = arith.constant 592 : index
        %swap3A_1238 = tpu.vector_load %arg15[%swap3A_1237] {strides = array<i32>} : memref<640xi32, #tpu.memory_space<vmem>>, vector<16xi32>,
        %swap3A_1239 = vector.shape_cast %swap3A_1238 : vector<16xi32> to vector<16xi32>
        %swap3A_1240 = vector.shape_cast %add3A_1236 : vector<16xi32> to vector<16xi32>
        tpu.vector_store %arg15[%swap3A_1237], %swap3A_1240 {strides = array<i32>} : memref<640xi32, #tpu.memory_space<vmem>>, vector<16xi32>,
        %get3A_1241 = arith.constant 608 : index
        %get3A_1242 = tpu.vector_load %arg11[%get3A_1241] {strides = array<i32>} : memref<640xi32, #tpu.memory_space<vmem>>, vector<16xi32>,
        %get3A_1243 = vector.shape_cast %get3A_1242 : vector<16xi32> to vector<16xi32>
        %mul3A_1244 = arith.constant 10240 : i32
        %mul3A_1245 = vector.broadcast %mul3A_1244 : i32 to vector<16xi32>
        %mul3A_1246 = arith.muli %get3A_1243, %mul3A_1245 : vector<16xi32>
        %get3A_1247 = arith.constant 608 : index
        %get3A_1248 = tpu.vector_load %arg9[%get3A_1247] {strides = array<i32>} : memref<640xi32, #tpu.memory_space<vmem>>, vector<16xi32>,
        %get3A_1249 = vector.shape_cast %get3A_1248 : vector<16xi32> to vector<16xi32>
        %add3A_1250 = arith.addi %mul3A_1246, %get3A_1249 : vector<16xi32>
        %swap3A_1251 = arith.constant 608 : index
        %swap3A_1252 = tpu.vector_load %arg15[%swap3A_1251] {strides = array<i32>} : memref<640xi32, #tpu.memory_space<vmem>>, vector<16xi32>,
        %swap3A_1253 = vector.shape_cast %swap3A_1252 : vector<16xi32> to vector<16xi32>
        %swap3A_1254 = vector.shape_cast %add3A_1250 : vector<16xi32> to vector<16xi32>
        tpu.vector_store %arg15[%swap3A_1251], %swap3A_1254 {strides = array<i32>} : memref<640xi32, #tpu.memory_space<vmem>>, vector<16xi32>,
        %get3A_1255 = arith.constant 624 : index
        %get3A_1256 = tpu.vector_load %arg11[%get3A_1255] {strides = array<i32>} : memref<640xi32, #tpu.memory_space<vmem>>, vector<16xi32>,
        %get3A_1257 = vector.shape_cast %get3A_1256 : vector<16xi32> to vector<16xi32>
        %mul3A_1258 = arith.constant 10240 : i32
        %mul3A_1259 = vector.broadcast %mul3A_1258 : i32 to vector<16xi32>
        %mul3A_1260 = arith.muli %get3A_1257, %mul3A_1259 : vector<16xi32>
        %get3A_1261 = arith.constant 624 : index
        %get3A_1262 = tpu.vector_load %arg9[%get3A_1261] {strides = array<i32>} : memref<640xi32, #tpu.memory_space<vmem>>, vector<16xi32>,
        %get3A_1263 = vector.shape_cast %get3A_1262 : vector<16xi32> to vector<16xi32>
        %add3A_1264 = arith.addi %mul3A_1260, %get3A_1263 : vector<16xi32>
        %swap3A_1265 = arith.constant 624 : index
        %swap3A_1266 = tpu.vector_load %arg15[%swap3A_1265] {strides = array<i32>} : memref<640xi32, #tpu.memory_space<vmem>>, vector<16xi32>,
        %swap3A_1267 = vector.shape_cast %swap3A_1266 : vector<16xi32> to vector<16xi32>
        %swap3A_1268 = vector.shape_cast %add3A_1264 : vector<16xi32> to vector<16xi32>
        tpu.vector_store %arg15[%swap3A_1265], %swap3A_1268 {strides = array<i32>} : memref<640xi32, #tpu.memory_space<vmem>>, vector<16xi32>,
        %dma_start3A_1269 = arith.constant 0 : i32
        %dma_start3A_1270 = arith.constant 0 : i32
        %dma_start3A_1271 = tpu.memref_slice %arg2[%dma_start3A_1269, %dma_start3A_1270] : memref<71680x32xf32, #tpu.memory_space<hbm>> -> memref<71680x32xf32, #tpu.memory_space<hbm>>
        tpu.enqueue_indirect_dma source(%dma_start3A_1271 : memref<71680x32xf32, #tpu.memory_space<hbm>>) target(%arg17 : memref<640x32xf32, #tpu.memory_space<vmem>>) offsets(%arg15 : memref<640xi32, #tpu.memory_space<vmem>>) semaphore(%arg22 : memref<!tpu.dma_semaphore, #tpu.memory_space<semaphore_mem>>)
      } else {
      }
      %dma_wait3A_678 = arith.constant 0 : i32
      %dma_wait3A_679 = arith.constant 0 : i32
      %dma_wait3A_680 = tpu.memref_slice %arg2[%dma_wait3A_678, %dma_wait3A_679] : memref<71680x32xf32, #tpu.memory_space<hbm>> -> memref<71680x32xf32, #tpu.memory_space<hbm>>
      tpu.wait_indirect_dma semaphore(%arg21 : memref<!tpu.dma_semaphore, #tpu.memory_space<semaphore_mem>>) src(%dma_wait3A_680 : memref<71680x32xf32, #tpu.memory_space<hbm>>) dst(%arg16 : memref<640x32xf32, #tpu.memory_space<vmem>>)
      "tpu.region"() ({
        %run_scoped3A = tpu.sem_alloc : memref<!tpu.dma_semaphore, #tpu.memory_space<semaphore_mem>>
        %dma_start3A_697 = arith.constant 0 : i32
        %dma_start3A_698 = arith.constant 0 : i32
        %dma_start3A_699 = tpu.memref_slice %arg18[%dma_start3A_697, %dma_start3A_698] : memref<10000x32xf32, #tpu.memory_space<vmem_shared>> -> memref<10000x32xf32, #tpu.memory_space<vmem_shared>>
        tpu.enqueue_indirect_dma source(%arg16 : memref<640x32xf32, #tpu.memory_space<vmem>>) target(%dma_start3A_699 : memref<10000x32xf32, #tpu.memory_space<vmem_shared>>) offsets(%arg12 : memref<640xi32, #tpu.memory_space<vmem>>) semaphore(%run_scoped3A : memref<!tpu.dma_semaphore, #tpu.memory_space<semaphore_mem>>) {add = true}
        %dma_wait3A_700 = arith.constant 0 : i32
        %dma_wait3A_701 = arith.constant 0 : i32
        %dma_wait3A_702 = tpu.memref_slice %arg18[%dma_wait3A_700, %dma_wait3A_701] : memref<10000x32xf32, #tpu.memory_space<vmem_shared>> -> memref<10000x32xf32, #tpu.memory_space<vmem_shared>>
        tpu.wait_indirect_dma semaphore(%run_scoped3A : memref<!tpu.dma_semaphore, #tpu.memory_space<semaphore_mem>>) src(%arg16 : memref<640x32xf32, #tpu.memory_space<vmem>>) dst(%dma_wait3A_702 : memref<10000x32xf32, #tpu.memory_space<vmem_shared>>)
        tpu.yield
      }) : () -> ()
      %lt3A_681 = arith.cmpi slt, %add3A_670, %select_n3A : i32
      %convert_element_type3A_682 = arith.extui %lt3A_681 : i1 to i32
      %cond3A_683 = arith.constant 0 : i32
      %cond3A_684 = arith.cmpi ne, %convert_element_type3A_682, %cond3A_683 : i32
      scf.if %cond3A_684 {
        %mul3A_697 = arith.constant 32 : i32
        %mul3A_698 = arith.muli %add3A_670, %mul3A_697 : i32
        %add3A_699 = arith.addi %add3A, %mul3A_698 : i32
        %mul3A_700 = arith.constant 640 : i32
        %mul3A_701 = arith.muli %add3A_699, %mul3A_700 : i32
        %dma_start3A_702 = tpu.memref_slice %arg3[%mul3A_701] : memref<320000xi32, #tpu.memory_space<hbm>> -> memref<640xi32, #tpu.memory_space<hbm>>
        %dma_start3A_703 = tpu.memref_slice %arg3[%mul3A_701] : memref<320000xi32, #tpu.memory_space<hbm>> -> memref<640xi32, #tpu.memory_space<hbm>>
        tpu.enqueue_dma source(%dma_start3A_703 : memref<640xi32, #tpu.memory_space<hbm>>) target(%arg8 : memref<640xi32, #tpu.memory_space<vmem>>) target_semaphore(%arg19 : memref<!tpu.dma_semaphore, #tpu.memory_space<semaphore_mem>>)
        %dma_start3A_704 = tpu.memref_slice %arg4[%mul3A_701] : memref<320000xi32, #tpu.memory_space<hbm>> -> memref<640xi32, #tpu.memory_space<hbm>>
        %dma_start3A_705 = tpu.memref_slice %arg4[%mul3A_701] : memref<320000xi32, #tpu.memory_space<hbm>> -> memref<640xi32, #tpu.memory_space<hbm>>
        tpu.enqueue_dma source(%dma_start3A_705 : memref<640xi32, #tpu.memory_space<hbm>>) target(%arg10 : memref<640xi32, #tpu.memory_space<vmem>>) target_semaphore(%arg19 : memref<!tpu.dma_semaphore, #tpu.memory_space<semaphore_mem>>)
        %dma_start3A_706 = tpu.memref_slice %arg5[%mul3A_701] : memref<320000xi32, #tpu.memory_space<hbm>> -> memref<640xi32, #tpu.memory_space<hbm>>
        %dma_start3A_707 = tpu.memref_slice %arg5[%mul3A_701] : memref<320000xi32, #tpu.memory_space<hbm>> -> memref<640xi32, #tpu.memory_space<hbm>>
        tpu.enqueue_dma source(%dma_start3A_707 : memref<640xi32, #tpu.memory_space<hbm>>) target(%arg12 : memref<640xi32, #tpu.memory_space<vmem>>) target_semaphore(%arg19 : memref<!tpu.dma_semaphore, #tpu.memory_space<semaphore_mem>>)
      } else {
      }
      %lt3A_685 = arith.cmpi slt, %add3A_666, %select_n3A : i32
      %convert_element_type3A_686 = arith.extui %lt3A_685 : i1 to i32
      %cond3A_687 = arith.constant 0 : i32
      %cond3A_688 = arith.cmpi ne, %convert_element_type3A_686, %cond3A_687 : i32
      scf.if %cond3A_688 {
        %dma_wait3A_697 = arith.constant 0 : i32
        %dma_wait3A_698 = arith.constant 0 : i32
        %dma_wait3A_699 = tpu.memref_slice %arg2[%dma_wait3A_697, %dma_wait3A_698] : memref<71680x32xf32, #tpu.memory_space<hbm>> -> memref<71680x32xf32, #tpu.memory_space<hbm>>
        tpu.wait_indirect_dma semaphore(%arg22 : memref<!tpu.dma_semaphore, #tpu.memory_space<semaphore_mem>>) src(%dma_wait3A_699 : memref<71680x32xf32, #tpu.memory_space<hbm>>) dst(%arg17 : memref<640x32xf32, #tpu.memory_space<vmem>>)
        "tpu.region"() ({
          %run_scoped3A = tpu.sem_alloc : memref<!tpu.dma_semaphore, #tpu.memory_space<semaphore_mem>>
          %dma_start3A_700 = arith.constant 0 : i32
          %dma_start3A_701 = arith.constant 0 : i32
          %dma_start3A_702 = tpu.memref_slice %arg18[%dma_start3A_700, %dma_start3A_701] : memref<10000x32xf32, #tpu.memory_space<vmem_shared>> -> memref<10000x32xf32, #tpu.memory_space<vmem_shared>>
          tpu.enqueue_indirect_dma source(%arg17 : memref<640x32xf32, #tpu.memory_space<vmem>>) target(%dma_start3A_702 : memref<10000x32xf32, #tpu.memory_space<vmem_shared>>) offsets(%arg13 : memref<640xi32, #tpu.memory_space<vmem>>) semaphore(%run_scoped3A : memref<!tpu.dma_semaphore, #tpu.memory_space<semaphore_mem>>) {add = true}
          %dma_wait3A_703 = arith.constant 0 : i32
          %dma_wait3A_704 = arith.constant 0 : i32
          %dma_wait3A_705 = tpu.memref_slice %arg18[%dma_wait3A_703, %dma_wait3A_704] : memref<10000x32xf32, #tpu.memory_space<vmem_shared>> -> memref<10000x32xf32, #tpu.memory_space<vmem_shared>>
          tpu.wait_indirect_dma semaphore(%run_scoped3A : memref<!tpu.dma_semaphore, #tpu.memory_space<semaphore_mem>>) src(%arg17 : memref<640x32xf32, #tpu.memory_space<vmem>>) dst(%dma_wait3A_705 : memref<10000x32xf32, #tpu.memory_space<vmem_shared>>)
          tpu.yield
        }) : () -> ()
      } else {
      }
      %lt3A_689 = arith.cmpi slt, %add3A_670, %select_n3A : i32
      %convert_element_type3A_690 = arith.extui %lt3A_689 : i1 to i32
      %cond3A_691 = arith.constant 0 : i32
      %cond3A_692 = arith.cmpi ne, %convert_element_type3A_690, %cond3A_691 : i32
      scf.if %cond3A_692 {
        %dma_wait3A_697 = arith.constant 0 : i32
        %dma_wait3A_698 = tpu.memref_slice %arg3[%dma_wait3A_697] : memref<320000xi32, #tpu.memory_space<hbm>> -> memref<640xi32, #tpu.memory_space<hbm>>
        %dma_wait3A_699 = arith.constant 0 : i32
        %dma_wait3A_700 = tpu.memref_slice %arg3[%dma_wait3A_699] : memref<320000xi32, #tpu.memory_space<hbm>> -> memref<640xi32, #tpu.memory_space<hbm>>
        tpu.wait_dma2 semaphore(%arg19 : memref<!tpu.dma_semaphore, #tpu.memory_space<semaphore_mem>>) src(%dma_wait3A_700 : memref<640xi32, #tpu.memory_space<hbm>>) dst(%arg8 : memref<640xi32, #tpu.memory_space<vmem>>)
        %dma_wait3A_701 = arith.constant 0 : i32
        %dma_wait3A_702 = tpu.memref_slice %arg4[%dma_wait3A_701] : memref<320000xi32, #tpu.memory_space<hbm>> -> memref<640xi32, #tpu.memory_space<hbm>>
        %dma_wait3A_703 = arith.constant 0 : i32
        %dma_wait3A_704 = tpu.memref_slice %arg4[%dma_wait3A_703] : memref<320000xi32, #tpu.memory_space<hbm>> -> memref<640xi32, #tpu.memory_space<hbm>>
        tpu.wait_dma2 semaphore(%arg19 : memref<!tpu.dma_semaphore, #tpu.memory_space<semaphore_mem>>) src(%dma_wait3A_704 : memref<640xi32, #tpu.memory_space<hbm>>) dst(%arg10 : memref<640xi32, #tpu.memory_space<vmem>>)
        %dma_wait3A_705 = arith.constant 0 : i32
        %dma_wait3A_706 = tpu.memref_slice %arg5[%dma_wait3A_705] : memref<320000xi32, #tpu.memory_space<hbm>> -> memref<640xi32, #tpu.memory_space<hbm>>
        %dma_wait3A_707 = arith.constant 0 : i32
        %dma_wait3A_708 = tpu.memref_slice %arg5[%dma_wait3A_707] : memref<320000xi32, #tpu.memory_space<hbm>> -> memref<640xi32, #tpu.memory_space<hbm>>
        tpu.wait_dma2 semaphore(%arg19 : memref<!tpu.dma_semaphore, #tpu.memory_space<semaphore_mem>>) src(%dma_wait3A_708 : memref<640xi32, #tpu.memory_space<hbm>>) dst(%arg12 : memref<640xi32, #tpu.memory_space<vmem>>)
        %get3A_709 = arith.constant 0 : index
        %get3A_710 = tpu.vector_load %arg10[%get3A_709] {strides = array<i32>} : memref<640xi32, #tpu.memory_space<vmem>>, vector<16xi32>,
        %get3A_711 = vector.shape_cast %get3A_710 : vector<16xi32> to vector<16xi32>
        %mul3A_712 = arith.constant 10240 : i32
        %mul3A_713 = vector.broadcast %mul3A_712 : i32 to vector<16xi32>
        %mul3A_714 = arith.muli %get3A_711, %mul3A_713 : vector<16xi32>
        %get3A_715 = arith.constant 0 : index
        %get3A_716 = tpu.vector_load %arg8[%get3A_715] {strides = array<i32>} : memref<640xi32, #tpu.memory_space<vmem>>, vector<16xi32>,
        %get3A_717 = vector.shape_cast %get3A_716 : vector<16xi32> to vector<16xi32>
        %add3A_718 = arith.addi %mul3A_714, %get3A_717 : vector<16xi32>
        %swap3A_719 = arith.constant 0 : index
        %swap3A_720 = tpu.vector_load %arg14[%swap3A_719] {strides = array<i32>} : memref<640xi32, #tpu.memory_space<vmem>>, vector<16xi32>,
        %swap3A_721 = vector.shape_cast %swap3A_720 : vector<16xi32> to vector<16xi32>
        %swap3A_722 = vector.shape_cast %add3A_718 : vector<16xi32> to vector<16xi32>
        tpu.vector_store %arg14[%swap3A_719], %swap3A_722 {strides = array<i32>} : memref<640xi32, #tpu.memory_space<vmem>>, vector<16xi32>,
        %get3A_723 = arith.constant 16 : index
        %get3A_724 = tpu.vector_load %arg10[%get3A_723] {strides = array<i32>} : memref<640xi32, #tpu.memory_space<vmem>>, vector<16xi32>,
        %get3A_725 = vector.shape_cast %get3A_724 : vector<16xi32> to vector<16xi32>
        %mul3A_726 = arith.constant 10240 : i32
        %mul3A_727 = vector.broadcast %mul3A_726 : i32 to vector<16xi32>
        %mul3A_728 = arith.muli %get3A_725, %mul3A_727 : vector<16xi32>
        %get3A_729 = arith.constant 16 : index
        %get3A_730 = tpu.vector_load %arg8[%get3A_729] {strides = array<i32>} : memref<640xi32, #tpu.memory_space<vmem>>, vector<16xi32>,
        %get3A_731 = vector.shape_cast %get3A_730 : vector<16xi32> to vector<16xi32>
        %add3A_732 = arith.addi %mul3A_728, %get3A_731 : vector<16xi32>
        %swap3A_733 = arith.constant 16 : index
        %swap3A_734 = tpu.vector_load %arg14[%swap3A_733] {strides = array<i32>} : memref<640xi32, #tpu.memory_space<vmem>>, vector<16xi32>,
        %swap3A_735 = vector.shape_cast %swap3A_734 : vector<16xi32> to vector<16xi32>
        %swap3A_736 = vector.shape_cast %add3A_732 : vector<16xi32> to vector<16xi32>
        tpu.vector_store %arg14[%swap3A_733], %swap3A_736 {strides = array<i32>} : memref<640xi32, #tpu.memory_space<vmem>>, vector<16xi32>,
        %get3A_737 = arith.constant 32 : index
        %get3A_738 = tpu.vector_load %arg10[%get3A_737] {strides = array<i32>} : memref<640xi32, #tpu.memory_space<vmem>>, vector<16xi32>,
        %get3A_739 = vector.shape_cast %get3A_738 : vector<16xi32> to vector<16xi32>
        %mul3A_740 = arith.constant 10240 : i32
        %mul3A_741 = vector.broadcast %mul3A_740 : i32 to vector<16xi32>
        %mul3A_742 = arith.muli %get3A_739, %mul3A_741 : vector<16xi32>
        %get3A_743 = arith.constant 32 : index
        %get3A_744 = tpu.vector_load %arg8[%get3A_743] {strides = array<i32>} : memref<640xi32, #tpu.memory_space<vmem>>, vector<16xi32>,
        %get3A_745 = vector.shape_cast %get3A_744 : vector<16xi32> to vector<16xi32>
        %add3A_746 = arith.addi %mul3A_742, %get3A_745 : vector<16xi32>
        %swap3A_747 = arith.constant 32 : index
        %swap3A_748 = tpu.vector_load %arg14[%swap3A_747] {strides = array<i32>} : memref<640xi32, #tpu.memory_space<vmem>>, vector<16xi32>,
        %swap3A_749 = vector.shape_cast %swap3A_748 : vector<16xi32> to vector<16xi32>
        %swap3A_750 = vector.shape_cast %add3A_746 : vector<16xi32> to vector<16xi32>
        tpu.vector_store %arg14[%swap3A_747], %swap3A_750 {strides = array<i32>} : memref<640xi32, #tpu.memory_space<vmem>>, vector<16xi32>,
        %get3A_751 = arith.constant 48 : index
        %get3A_752 = tpu.vector_load %arg10[%get3A_751] {strides = array<i32>} : memref<640xi32, #tpu.memory_space<vmem>>, vector<16xi32>,
        %get3A_753 = vector.shape_cast %get3A_752 : vector<16xi32> to vector<16xi32>
        %mul3A_754 = arith.constant 10240 : i32
        %mul3A_755 = vector.broadcast %mul3A_754 : i32 to vector<16xi32>
        %mul3A_756 = arith.muli %get3A_753, %mul3A_755 : vector<16xi32>
        %get3A_757 = arith.constant 48 : index
        %get3A_758 = tpu.vector_load %arg8[%get3A_757] {strides = array<i32>} : memref<640xi32, #tpu.memory_space<vmem>>, vector<16xi32>,
        %get3A_759 = vector.shape_cast %get3A_758 : vector<16xi32> to vector<16xi32>
        %add3A_760 = arith.addi %mul3A_756, %get3A_759 : vector<16xi32>
        %swap3A_761 = arith.constant 48 : index
        %swap3A_762 = tpu.vector_load %arg14[%swap3A_761] {strides = array<i32>} : memref<640xi32, #tpu.memory_space<vmem>>, vector<16xi32>,
        %swap3A_763 = vector.shape_cast %swap3A_762 : vector<16xi32> to vector<16xi32>
        %swap3A_764 = vector.shape_cast %add3A_760 : vector<16xi32> to vector<16xi32>
        tpu.vector_store %arg14[%swap3A_761], %swap3A_764 {strides = array<i32>} : memref<640xi32, #tpu.memory_space<vmem>>, vector<16xi32>,
        %get3A_765 = arith.constant 64 : index
        %get3A_766 = tpu.vector_load %arg10[%get3A_765] {strides = array<i32>} : memref<640xi32, #tpu.memory_space<vmem>>, vector<16xi32>,
        %get3A_767 = vector.shape_cast %get3A_766 : vector<16xi32> to vector<16xi32>
        %mul3A_768 = arith.constant 10240 : i32
        %mul3A_769 = vector.broadcast %mul3A_768 : i32 to vector<16xi32>
        %mul3A_770 = arith.muli %get3A_767, %mul3A_769 : vector<16xi32>
        %get3A_771 = arith.constant 64 : index
        %get3A_772 = tpu.vector_load %arg8[%get3A_771] {strides = array<i32>} : memref<640xi32, #tpu.memory_space<vmem>>, vector<16xi32>,
        %get3A_773 = vector.shape_cast %get3A_772 : vector<16xi32> to vector<16xi32>
        %add3A_774 = arith.addi %mul3A_770, %get3A_773 : vector<16xi32>
        %swap3A_775 = arith.constant 64 : index
        %swap3A_776 = tpu.vector_load %arg14[%swap3A_775] {strides = array<i32>} : memref<640xi32, #tpu.memory_space<vmem>>, vector<16xi32>,
        %swap3A_777 = vector.shape_cast %swap3A_776 : vector<16xi32> to vector<16xi32>
        %swap3A_778 = vector.shape_cast %add3A_774 : vector<16xi32> to vector<16xi32>
        tpu.vector_store %arg14[%swap3A_775], %swap3A_778 {strides = array<i32>} : memref<640xi32, #tpu.memory_space<vmem>>, vector<16xi32>,
        %get3A_779 = arith.constant 80 : index
        %get3A_780 = tpu.vector_load %arg10[%get3A_779] {strides = array<i32>} : memref<640xi32, #tpu.memory_space<vmem>>, vector<16xi32>,
        %get3A_781 = vector.shape_cast %get3A_780 : vector<16xi32> to vector<16xi32>
        %mul3A_782 = arith.constant 10240 : i32
        %mul3A_783 = vector.broadcast %mul3A_782 : i32 to vector<16xi32>
        %mul3A_784 = arith.muli %get3A_781, %mul3A_783 : vector<16xi32>
        %get3A_785 = arith.constant 80 : index
        %get3A_786 = tpu.vector_load %arg8[%get3A_785] {strides = array<i32>} : memref<640xi32, #tpu.memory_space<vmem>>, vector<16xi32>,
        %get3A_787 = vector.shape_cast %get3A_786 : vector<16xi32> to vector<16xi32>
        %add3A_788 = arith.addi %mul3A_784, %get3A_787 : vector<16xi32>
        %swap3A_789 = arith.constant 80 : index
        %swap3A_790 = tpu.vector_load %arg14[%swap3A_789] {strides = array<i32>} : memref<640xi32, #tpu.memory_space<vmem>>, vector<16xi32>,
        %swap3A_791 = vector.shape_cast %swap3A_790 : vector<16xi32> to vector<16xi32>
        %swap3A_792 = vector.shape_cast %add3A_788 : vector<16xi32> to vector<16xi32>
        tpu.vector_store %arg14[%swap3A_789], %swap3A_792 {strides = array<i32>} : memref<640xi32, #tpu.memory_space<vmem>>, vector<16xi32>,
        %get3A_793 = arith.constant 96 : index
        %get3A_794 = tpu.vector_load %arg10[%get3A_793] {strides = array<i32>} : memref<640xi32, #tpu.memory_space<vmem>>, vector<16xi32>,
        %get3A_795 = vector.shape_cast %get3A_794 : vector<16xi32> to vector<16xi32>
        %mul3A_796 = arith.constant 10240 : i32
        %mul3A_797 = vector.broadcast %mul3A_796 : i32 to vector<16xi32>
        %mul3A_798 = arith.muli %get3A_795, %mul3A_797 : vector<16xi32>
        %get3A_799 = arith.constant 96 : index
        %get3A_800 = tpu.vector_load %arg8[%get3A_799] {strides = array<i32>} : memref<640xi32, #tpu.memory_space<vmem>>, vector<16xi32>,
        %get3A_801 = vector.shape_cast %get3A_800 : vector<16xi32> to vector<16xi32>
        %add3A_802 = arith.addi %mul3A_798, %get3A_801 : vector<16xi32>
        %swap3A_803 = arith.constant 96 : index
        %swap3A_804 = tpu.vector_load %arg14[%swap3A_803] {strides = array<i32>} : memref<640xi32, #tpu.memory_space<vmem>>, vector<16xi32>,
        %swap3A_805 = vector.shape_cast %swap3A_804 : vector<16xi32> to vector<16xi32>
        %swap3A_806 = vector.shape_cast %add3A_802 : vector<16xi32> to vector<16xi32>
        tpu.vector_store %arg14[%swap3A_803], %swap3A_806 {strides = array<i32>} : memref<640xi32, #tpu.memory_space<vmem>>, vector<16xi32>,
        %get3A_807 = arith.constant 112 : index
        %get3A_808 = tpu.vector_load %arg10[%get3A_807] {strides = array<i32>} : memref<640xi32, #tpu.memory_space<vmem>>, vector<16xi32>,
        %get3A_809 = vector.shape_cast %get3A_808 : vector<16xi32> to vector<16xi32>
        %mul3A_810 = arith.constant 10240 : i32
        %mul3A_811 = vector.broadcast %mul3A_810 : i32 to vector<16xi32>
        %mul3A_812 = arith.muli %get3A_809, %mul3A_811 : vector<16xi32>
        %get3A_813 = arith.constant 112 : index
        %get3A_814 = tpu.vector_load %arg8[%get3A_813] {strides = array<i32>} : memref<640xi32, #tpu.memory_space<vmem>>, vector<16xi32>,
        %get3A_815 = vector.shape_cast %get3A_814 : vector<16xi32> to vector<16xi32>
        %add3A_816 = arith.addi %mul3A_812, %get3A_815 : vector<16xi32>
        %swap3A_817 = arith.constant 112 : index
        %swap3A_818 = tpu.vector_load %arg14[%swap3A_817] {strides = array<i32>} : memref<640xi32, #tpu.memory_space<vmem>>, vector<16xi32>,
        %swap3A_819 = vector.shape_cast %swap3A_818 : vector<16xi32> to vector<16xi32>
        %swap3A_820 = vector.shape_cast %add3A_816 : vector<16xi32> to vector<16xi32>
        tpu.vector_store %arg14[%swap3A_817], %swap3A_820 {strides = array<i32>} : memref<640xi32, #tpu.memory_space<vmem>>, vector<16xi32>,
        %get3A_821 = arith.constant 128 : index
        %get3A_822 = tpu.vector_load %arg10[%get3A_821] {strides = array<i32>} : memref<640xi32, #tpu.memory_space<vmem>>, vector<16xi32>,
        %get3A_823 = vector.shape_cast %get3A_822 : vector<16xi32> to vector<16xi32>
        %mul3A_824 = arith.constant 10240 : i32
        %mul3A_825 = vector.broadcast %mul3A_824 : i32 to vector<16xi32>
        %mul3A_826 = arith.muli %get3A_823, %mul3A_825 : vector<16xi32>
        %get3A_827 = arith.constant 128 : index
        %get3A_828 = tpu.vector_load %arg8[%get3A_827] {strides = array<i32>} : memref<640xi32, #tpu.memory_space<vmem>>, vector<16xi32>,
        %get3A_829 = vector.shape_cast %get3A_828 : vector<16xi32> to vector<16xi32>
        %add3A_830 = arith.addi %mul3A_826, %get3A_829 : vector<16xi32>
        %swap3A_831 = arith.constant 128 : index
        %swap3A_832 = tpu.vector_load %arg14[%swap3A_831] {strides = array<i32>} : memref<640xi32, #tpu.memory_space<vmem>>, vector<16xi32>,
        %swap3A_833 = vector.shape_cast %swap3A_832 : vector<16xi32> to vector<16xi32>
        %swap3A_834 = vector.shape_cast %add3A_830 : vector<16xi32> to vector<16xi32>
        tpu.vector_store %arg14[%swap3A_831], %swap3A_834 {strides = array<i32>} : memref<640xi32, #tpu.memory_space<vmem>>, vector<16xi32>,
        %get3A_835 = arith.constant 144 : index
        %get3A_836 = tpu.vector_load %arg10[%get3A_835] {strides = array<i32>} : memref<640xi32, #tpu.memory_space<vmem>>, vector<16xi32>,
        %get3A_837 = vector.shape_cast %get3A_836 : vector<16xi32> to vector<16xi32>
        %mul3A_838 = arith.constant 10240 : i32
        %mul3A_839 = vector.broadcast %mul3A_838 : i32 to vector<16xi32>
        %mul3A_840 = arith.muli %get3A_837, %mul3A_839 : vector<16xi32>
        %get3A_841 = arith.constant 144 : index
        %get3A_842 = tpu.vector_load %arg8[%get3A_841] {strides = array<i32>} : memref<640xi32, #tpu.memory_space<vmem>>, vector<16xi32>,
        %get3A_843 = vector.shape_cast %get3A_842 : vector<16xi32> to vector<16xi32>
        %add3A_844 = arith.addi %mul3A_840, %get3A_843 : vector<16xi32>
        %swap3A_845 = arith.constant 144 : index
        %swap3A_846 = tpu.vector_load %arg14[%swap3A_845] {strides = array<i32>} : memref<640xi32, #tpu.memory_space<vmem>>, vector<16xi32>,
        %swap3A_847 = vector.shape_cast %swap3A_846 : vector<16xi32> to vector<16xi32>
        %swap3A_848 = vector.shape_cast %add3A_844 : vector<16xi32> to vector<16xi32>
        tpu.vector_store %arg14[%swap3A_845], %swap3A_848 {strides = array<i32>} : memref<640xi32, #tpu.memory_space<vmem>>, vector<16xi32>,
        %get3A_849 = arith.constant 160 : index
        %get3A_850 = tpu.vector_load %arg10[%get3A_849] {strides = array<i32>} : memref<640xi32, #tpu.memory_space<vmem>>, vector<16xi32>,
        %get3A_851 = vector.shape_cast %get3A_850 : vector<16xi32> to vector<16xi32>
        %mul3A_852 = arith.constant 10240 : i32
        %mul3A_853 = vector.broadcast %mul3A_852 : i32 to vector<16xi32>
        %mul3A_854 = arith.muli %get3A_851, %mul3A_853 : vector<16xi32>
        %get3A_855 = arith.constant 160 : index
        %get3A_856 = tpu.vector_load %arg8[%get3A_855] {strides = array<i32>} : memref<640xi32, #tpu.memory_space<vmem>>, vector<16xi32>,
        %get3A_857 = vector.shape_cast %get3A_856 : vector<16xi32> to vector<16xi32>
        %add3A_858 = arith.addi %mul3A_854, %get3A_857 : vector<16xi32>
        %swap3A_859 = arith.constant 160 : index
        %swap3A_860 = tpu.vector_load %arg14[%swap3A_859] {strides = array<i32>} : memref<640xi32, #tpu.memory_space<vmem>>, vector<16xi32>,
        %swap3A_861 = vector.shape_cast %swap3A_860 : vector<16xi32> to vector<16xi32>
        %swap3A_862 = vector.shape_cast %add3A_858 : vector<16xi32> to vector<16xi32>
        tpu.vector_store %arg14[%swap3A_859], %swap3A_862 {strides = array<i32>} : memref<640xi32, #tpu.memory_space<vmem>>, vector<16xi32>,
        %get3A_863 = arith.constant 176 : index
        %get3A_864 = tpu.vector_load %arg10[%get3A_863] {strides = array<i32>} : memref<640xi32, #tpu.memory_space<vmem>>, vector<16xi32>,
        %get3A_865 = vector.shape_cast %get3A_864 : vector<16xi32> to vector<16xi32>
        %mul3A_866 = arith.constant 10240 : i32
        %mul3A_867 = vector.broadcast %mul3A_866 : i32 to vector<16xi32>
        %mul3A_868 = arith.muli %get3A_865, %mul3A_867 : vector<16xi32>
        %get3A_869 = arith.constant 176 : index
        %get3A_870 = tpu.vector_load %arg8[%get3A_869] {strides = array<i32>} : memref<640xi32, #tpu.memory_space<vmem>>, vector<16xi32>,
        %get3A_871 = vector.shape_cast %get3A_870 : vector<16xi32> to vector<16xi32>
        %add3A_872 = arith.addi %mul3A_868, %get3A_871 : vector<16xi32>
        %swap3A_873 = arith.constant 176 : index
        %swap3A_874 = tpu.vector_load %arg14[%swap3A_873] {strides = array<i32>} : memref<640xi32, #tpu.memory_space<vmem>>, vector<16xi32>,
        %swap3A_875 = vector.shape_cast %swap3A_874 : vector<16xi32> to vector<16xi32>
        %swap3A_876 = vector.shape_cast %add3A_872 : vector<16xi32> to vector<16xi32>
        tpu.vector_store %arg14[%swap3A_873], %swap3A_876 {strides = array<i32>} : memref<640xi32, #tpu.memory_space<vmem>>, vector<16xi32>,
        %get3A_877 = arith.constant 192 : index
        %get3A_878 = tpu.vector_load %arg10[%get3A_877] {strides = array<i32>} : memref<640xi32, #tpu.memory_space<vmem>>, vector<16xi32>,
        %get3A_879 = vector.shape_cast %get3A_878 : vector<16xi32> to vector<16xi32>
        %mul3A_880 = arith.constant 10240 : i32
        %mul3A_881 = vector.broadcast %mul3A_880 : i32 to vector<16xi32>
        %mul3A_882 = arith.muli %get3A_879, %mul3A_881 : vector<16xi32>
        %get3A_883 = arith.constant 192 : index
        %get3A_884 = tpu.vector_load %arg8[%get3A_883] {strides = array<i32>} : memref<640xi32, #tpu.memory_space<vmem>>, vector<16xi32>,
        %get3A_885 = vector.shape_cast %get3A_884 : vector<16xi32> to vector<16xi32>
        %add3A_886 = arith.addi %mul3A_882, %get3A_885 : vector<16xi32>
        %swap3A_887 = arith.constant 192 : index
        %swap3A_888 = tpu.vector_load %arg14[%swap3A_887] {strides = array<i32>} : memref<640xi32, #tpu.memory_space<vmem>>, vector<16xi32>,
        %swap3A_889 = vector.shape_cast %swap3A_888 : vector<16xi32> to vector<16xi32>
        %swap3A_890 = vector.shape_cast %add3A_886 : vector<16xi32> to vector<16xi32>
        tpu.vector_store %arg14[%swap3A_887], %swap3A_890 {strides = array<i32>} : memref<640xi32, #tpu.memory_space<vmem>>, vector<16xi32>,
        %get3A_891 = arith.constant 208 : index
        %get3A_892 = tpu.vector_load %arg10[%get3A_891] {strides = array<i32>} : memref<640xi32, #tpu.memory_space<vmem>>, vector<16xi32>,
        %get3A_893 = vector.shape_cast %get3A_892 : vector<16xi32> to vector<16xi32>
        %mul3A_894 = arith.constant 10240 : i32
        %mul3A_895 = vector.broadcast %mul3A_894 : i32 to vector<16xi32>
        %mul3A_896 = arith.muli %get3A_893, %mul3A_895 : vector<16xi32>
        %get3A_897 = arith.constant 208 : index
        %get3A_898 = tpu.vector_load %arg8[%get3A_897] {strides = array<i32>} : memref<640xi32, #tpu.memory_space<vmem>>, vector<16xi32>,
        %get3A_899 = vector.shape_cast %get3A_898 : vector<16xi32> to vector<16xi32>
        %add3A_900 = arith.addi %mul3A_896, %get3A_899 : vector<16xi32>
        %swap3A_901 = arith.constant 208 : index
        %swap3A_902 = tpu.vector_load %arg14[%swap3A_901] {strides = array<i32>} : memref<640xi32, #tpu.memory_space<vmem>>, vector<16xi32>,
        %swap3A_903 = vector.shape_cast %swap3A_902 : vector<16xi32> to vector<16xi32>
        %swap3A_904 = vector.shape_cast %add3A_900 : vector<16xi32> to vector<16xi32>
        tpu.vector_store %arg14[%swap3A_901], %swap3A_904 {strides = array<i32>} : memref<640xi32, #tpu.memory_space<vmem>>, vector<16xi32>,
        %get3A_905 = arith.constant 224 : index
        %get3A_906 = tpu.vector_load %arg10[%get3A_905] {strides = array<i32>} : memref<640xi32, #tpu.memory_space<vmem>>, vector<16xi32>,
        %get3A_907 = vector.shape_cast %get3A_906 : vector<16xi32> to vector<16xi32>
        %mul3A_908 = arith.constant 10240 : i32
        %mul3A_909 = vector.broadcast %mul3A_908 : i32 to vector<16xi32>
        %mul3A_910 = arith.muli %get3A_907, %mul3A_909 : vector<16xi32>
        %get3A_911 = arith.constant 224 : index
        %get3A_912 = tpu.vector_load %arg8[%get3A_911] {strides = array<i32>} : memref<640xi32, #tpu.memory_space<vmem>>, vector<16xi32>,
        %get3A_913 = vector.shape_cast %get3A_912 : vector<16xi32> to vector<16xi32>
        %add3A_914 = arith.addi %mul3A_910, %get3A_913 : vector<16xi32>
        %swap3A_915 = arith.constant 224 : index
        %swap3A_916 = tpu.vector_load %arg14[%swap3A_915] {strides = array<i32>} : memref<640xi32, #tpu.memory_space<vmem>>, vector<16xi32>,
        %swap3A_917 = vector.shape_cast %swap3A_916 : vector<16xi32> to vector<16xi32>
        %swap3A_918 = vector.shape_cast %add3A_914 : vector<16xi32> to vector<16xi32>
        tpu.vector_store %arg14[%swap3A_915], %swap3A_918 {strides = array<i32>} : memref<640xi32, #tpu.memory_space<vmem>>, vector<16xi32>,
        %get3A_919 = arith.constant 240 : index
        %get3A_920 = tpu.vector_load %arg10[%get3A_919] {strides = array<i32>} : memref<640xi32, #tpu.memory_space<vmem>>, vector<16xi32>,
        %get3A_921 = vector.shape_cast %get3A_920 : vector<16xi32> to vector<16xi32>
        %mul3A_922 = arith.constant 10240 : i32
        %mul3A_923 = vector.broadcast %mul3A_922 : i32 to vector<16xi32>
        %mul3A_924 = arith.muli %get3A_921, %mul3A_923 : vector<16xi32>
        %get3A_925 = arith.constant 240 : index
        %get3A_926 = tpu.vector_load %arg8[%get3A_925] {strides = array<i32>} : memref<640xi32, #tpu.memory_space<vmem>>, vector<16xi32>,
        %get3A_927 = vector.shape_cast %get3A_926 : vector<16xi32> to vector<16xi32>
        %add3A_928 = arith.addi %mul3A_924, %get3A_927 : vector<16xi32>
        %swap3A_929 = arith.constant 240 : index
        %swap3A_930 = tpu.vector_load %arg14[%swap3A_929] {strides = array<i32>} : memref<640xi32, #tpu.memory_space<vmem>>, vector<16xi32>,
        %swap3A_931 = vector.shape_cast %swap3A_930 : vector<16xi32> to vector<16xi32>
        %swap3A_932 = vector.shape_cast %add3A_928 : vector<16xi32> to vector<16xi32>
        tpu.vector_store %arg14[%swap3A_929], %swap3A_932 {strides = array<i32>} : memref<640xi32, #tpu.memory_space<vmem>>, vector<16xi32>,
        %get3A_933 = arith.constant 256 : index
        %get3A_934 = tpu.vector_load %arg10[%get3A_933] {strides = array<i32>} : memref<640xi32, #tpu.memory_space<vmem>>, vector<16xi32>,
        %get3A_935 = vector.shape_cast %get3A_934 : vector<16xi32> to vector<16xi32>
        %mul3A_936 = arith.constant 10240 : i32
        %mul3A_937 = vector.broadcast %mul3A_936 : i32 to vector<16xi32>
        %mul3A_938 = arith.muli %get3A_935, %mul3A_937 : vector<16xi32>
        %get3A_939 = arith.constant 256 : index
        %get3A_940 = tpu.vector_load %arg8[%get3A_939] {strides = array<i32>} : memref<640xi32, #tpu.memory_space<vmem>>, vector<16xi32>,
        %get3A_941 = vector.shape_cast %get3A_940 : vector<16xi32> to vector<16xi32>
        %add3A_942 = arith.addi %mul3A_938, %get3A_941 : vector<16xi32>
        %swap3A_943 = arith.constant 256 : index
        %swap3A_944 = tpu.vector_load %arg14[%swap3A_943] {strides = array<i32>} : memref<640xi32, #tpu.memory_space<vmem>>, vector<16xi32>,
        %swap3A_945 = vector.shape_cast %swap3A_944 : vector<16xi32> to vector<16xi32>
        %swap3A_946 = vector.shape_cast %add3A_942 : vector<16xi32> to vector<16xi32>
        tpu.vector_store %arg14[%swap3A_943], %swap3A_946 {strides = array<i32>} : memref<640xi32, #tpu.memory_space<vmem>>, vector<16xi32>,
        %get3A_947 = arith.constant 272 : index
        %get3A_948 = tpu.vector_load %arg10[%get3A_947] {strides = array<i32>} : memref<640xi32, #tpu.memory_space<vmem>>, vector<16xi32>,
        %get3A_949 = vector.shape_cast %get3A_948 : vector<16xi32> to vector<16xi32>
        %mul3A_950 = arith.constant 10240 : i32
        %mul3A_951 = vector.broadcast %mul3A_950 : i32 to vector<16xi32>
        %mul3A_952 = arith.muli %get3A_949, %mul3A_951 : vector<16xi32>
        %get3A_953 = arith.constant 272 : index
        %get3A_954 = tpu.vector_load %arg8[%get3A_953] {strides = array<i32>} : memref<640xi32, #tpu.memory_space<vmem>>, vector<16xi32>,
        %get3A_955 = vector.shape_cast %get3A_954 : vector<16xi32> to vector<16xi32>
        %add3A_956 = arith.addi %mul3A_952, %get3A_955 : vector<16xi32>
        %swap3A_957 = arith.constant 272 : index
        %swap3A_958 = tpu.vector_load %arg14[%swap3A_957] {strides = array<i32>} : memref<640xi32, #tpu.memory_space<vmem>>, vector<16xi32>,
        %swap3A_959 = vector.shape_cast %swap3A_958 : vector<16xi32> to vector<16xi32>
        %swap3A_960 = vector.shape_cast %add3A_956 : vector<16xi32> to vector<16xi32>
        tpu.vector_store %arg14[%swap3A_957], %swap3A_960 {strides = array<i32>} : memref<640xi32, #tpu.memory_space<vmem>>, vector<16xi32>,
        %get3A_961 = arith.constant 288 : index
        %get3A_962 = tpu.vector_load %arg10[%get3A_961] {strides = array<i32>} : memref<640xi32, #tpu.memory_space<vmem>>, vector<16xi32>,
        %get3A_963 = vector.shape_cast %get3A_962 : vector<16xi32> to vector<16xi32>
        %mul3A_964 = arith.constant 10240 : i32
        %mul3A_965 = vector.broadcast %mul3A_964 : i32 to vector<16xi32>
        %mul3A_966 = arith.muli %get3A_963, %mul3A_965 : vector<16xi32>
        %get3A_967 = arith.constant 288 : index
        %get3A_968 = tpu.vector_load %arg8[%get3A_967] {strides = array<i32>} : memref<640xi32, #tpu.memory_space<vmem>>, vector<16xi32>,
        %get3A_969 = vector.shape_cast %get3A_968 : vector<16xi32> to vector<16xi32>
        %add3A_970 = arith.addi %mul3A_966, %get3A_969 : vector<16xi32>
        %swap3A_971 = arith.constant 288 : index
        %swap3A_972 = tpu.vector_load %arg14[%swap3A_971] {strides = array<i32>} : memref<640xi32, #tpu.memory_space<vmem>>, vector<16xi32>,
        %swap3A_973 = vector.shape_cast %swap3A_972 : vector<16xi32> to vector<16xi32>
        %swap3A_974 = vector.shape_cast %add3A_970 : vector<16xi32> to vector<16xi32>
        tpu.vector_store %arg14[%swap3A_971], %swap3A_974 {strides = array<i32>} : memref<640xi32, #tpu.memory_space<vmem>>, vector<16xi32>,
        %get3A_975 = arith.constant 304 : index
        %get3A_976 = tpu.vector_load %arg10[%get3A_975] {strides = array<i32>} : memref<640xi32, #tpu.memory_space<vmem>>, vector<16xi32>,
        %get3A_977 = vector.shape_cast %get3A_976 : vector<16xi32> to vector<16xi32>
        %mul3A_978 = arith.constant 10240 : i32
        %mul3A_979 = vector.broadcast %mul3A_978 : i32 to vector<16xi32>
        %mul3A_980 = arith.muli %get3A_977, %mul3A_979 : vector<16xi32>
        %get3A_981 = arith.constant 304 : index
        %get3A_982 = tpu.vector_load %arg8[%get3A_981] {strides = array<i32>} : memref<640xi32, #tpu.memory_space<vmem>>, vector<16xi32>,
        %get3A_983 = vector.shape_cast %get3A_982 : vector<16xi32> to vector<16xi32>
        %add3A_984 = arith.addi %mul3A_980, %get3A_983 : vector<16xi32>
        %swap3A_985 = arith.constant 304 : index
        %swap3A_986 = tpu.vector_load %arg14[%swap3A_985] {strides = array<i32>} : memref<640xi32, #tpu.memory_space<vmem>>, vector<16xi32>,
        %swap3A_987 = vector.shape_cast %swap3A_986 : vector<16xi32> to vector<16xi32>
        %swap3A_988 = vector.shape_cast %add3A_984 : vector<16xi32> to vector<16xi32>
        tpu.vector_store %arg14[%swap3A_985], %swap3A_988 {strides = array<i32>} : memref<640xi32, #tpu.memory_space<vmem>>, vector<16xi32>,
        %get3A_989 = arith.constant 320 : index
        %get3A_990 = tpu.vector_load %arg10[%get3A_989] {strides = array<i32>} : memref<640xi32, #tpu.memory_space<vmem>>, vector<16xi32>,
        %get3A_991 = vector.shape_cast %get3A_990 : vector<16xi32> to vector<16xi32>
        %mul3A_992 = arith.constant 10240 : i32
        %mul3A_993 = vector.broadcast %mul3A_992 : i32 to vector<16xi32>
        %mul3A_994 = arith.muli %get3A_991, %mul3A_993 : vector<16xi32>
        %get3A_995 = arith.constant 320 : index
        %get3A_996 = tpu.vector_load %arg8[%get3A_995] {strides = array<i32>} : memref<640xi32, #tpu.memory_space<vmem>>, vector<16xi32>,
        %get3A_997 = vector.shape_cast %get3A_996 : vector<16xi32> to vector<16xi32>
        %add3A_998 = arith.addi %mul3A_994, %get3A_997 : vector<16xi32>
        %swap3A_999 = arith.constant 320 : index
        %swap3A_1000 = tpu.vector_load %arg14[%swap3A_999] {strides = array<i32>} : memref<640xi32, #tpu.memory_space<vmem>>, vector<16xi32>,
        %swap3A_1001 = vector.shape_cast %swap3A_1000 : vector<16xi32> to vector<16xi32>
        %swap3A_1002 = vector.shape_cast %add3A_998 : vector<16xi32> to vector<16xi32>
        tpu.vector_store %arg14[%swap3A_999], %swap3A_1002 {strides = array<i32>} : memref<640xi32, #tpu.memory_space<vmem>>, vector<16xi32>,
        %get3A_1003 = arith.constant 336 : index
        %get3A_1004 = tpu.vector_load %arg10[%get3A_1003] {strides = array<i32>} : memref<640xi32, #tpu.memory_space<vmem>>, vector<16xi32>,
        %get3A_1005 = vector.shape_cast %get3A_1004 : vector<16xi32> to vector<16xi32>
        %mul3A_1006 = arith.constant 10240 : i32
        %mul3A_1007 = vector.broadcast %mul3A_1006 : i32 to vector<16xi32>
        %mul3A_1008 = arith.muli %get3A_1005, %mul3A_1007 : vector<16xi32>
        %get3A_1009 = arith.constant 336 : index
        %get3A_1010 = tpu.vector_load %arg8[%get3A_1009] {strides = array<i32>} : memref<640xi32, #tpu.memory_space<vmem>>, vector<16xi32>,
        %get3A_1011 = vector.shape_cast %get3A_1010 : vector<16xi32> to vector<16xi32>
        %add3A_1012 = arith.addi %mul3A_1008, %get3A_1011 : vector<16xi32>
        %swap3A_1013 = arith.constant 336 : index
        %swap3A_1014 = tpu.vector_load %arg14[%swap3A_1013] {strides = array<i32>} : memref<640xi32, #tpu.memory_space<vmem>>, vector<16xi32>,
        %swap3A_1015 = vector.shape_cast %swap3A_1014 : vector<16xi32> to vector<16xi32>
        %swap3A_1016 = vector.shape_cast %add3A_1012 : vector<16xi32> to vector<16xi32>
        tpu.vector_store %arg14[%swap3A_1013], %swap3A_1016 {strides = array<i32>} : memref<640xi32, #tpu.memory_space<vmem>>, vector<16xi32>,
        %get3A_1017 = arith.constant 352 : index
        %get3A_1018 = tpu.vector_load %arg10[%get3A_1017] {strides = array<i32>} : memref<640xi32, #tpu.memory_space<vmem>>, vector<16xi32>,
        %get3A_1019 = vector.shape_cast %get3A_1018 : vector<16xi32> to vector<16xi32>
        %mul3A_1020 = arith.constant 10240 : i32
        %mul3A_1021 = vector.broadcast %mul3A_1020 : i32 to vector<16xi32>
        %mul3A_1022 = arith.muli %get3A_1019, %mul3A_1021 : vector<16xi32>
        %get3A_1023 = arith.constant 352 : index
        %get3A_1024 = tpu.vector_load %arg8[%get3A_1023] {strides = array<i32>} : memref<640xi32, #tpu.memory_space<vmem>>, vector<16xi32>,
        %get3A_1025 = vector.shape_cast %get3A_1024 : vector<16xi32> to vector<16xi32>
        %add3A_1026 = arith.addi %mul3A_1022, %get3A_1025 : vector<16xi32>
        %swap3A_1027 = arith.constant 352 : index
        %swap3A_1028 = tpu.vector_load %arg14[%swap3A_1027] {strides = array<i32>} : memref<640xi32, #tpu.memory_space<vmem>>, vector<16xi32>,
        %swap3A_1029 = vector.shape_cast %swap3A_1028 : vector<16xi32> to vector<16xi32>
        %swap3A_1030 = vector.shape_cast %add3A_1026 : vector<16xi32> to vector<16xi32>
        tpu.vector_store %arg14[%swap3A_1027], %swap3A_1030 {strides = array<i32>} : memref<640xi32, #tpu.memory_space<vmem>>, vector<16xi32>,
        %get3A_1031 = arith.constant 368 : index
        %get3A_1032 = tpu.vector_load %arg10[%get3A_1031] {strides = array<i32>} : memref<640xi32, #tpu.memory_space<vmem>>, vector<16xi32>,
        %get3A_1033 = vector.shape_cast %get3A_1032 : vector<16xi32> to vector<16xi32>
        %mul3A_1034 = arith.constant 10240 : i32
        %mul3A_1035 = vector.broadcast %mul3A_1034 : i32 to vector<16xi32>
        %mul3A_1036 = arith.muli %get3A_1033, %mul3A_1035 : vector<16xi32>
        %get3A_1037 = arith.constant 368 : index
        %get3A_1038 = tpu.vector_load %arg8[%get3A_1037] {strides = array<i32>} : memref<640xi32, #tpu.memory_space<vmem>>, vector<16xi32>,
        %get3A_1039 = vector.shape_cast %get3A_1038 : vector<16xi32> to vector<16xi32>
        %add3A_1040 = arith.addi %mul3A_1036, %get3A_1039 : vector<16xi32>
        %swap3A_1041 = arith.constant 368 : index
        %swap3A_1042 = tpu.vector_load %arg14[%swap3A_1041] {strides = array<i32>} : memref<640xi32, #tpu.memory_space<vmem>>, vector<16xi32>,
        %swap3A_1043 = vector.shape_cast %swap3A_1042 : vector<16xi32> to vector<16xi32>
        %swap3A_1044 = vector.shape_cast %add3A_1040 : vector<16xi32> to vector<16xi32>
        tpu.vector_store %arg14[%swap3A_1041], %swap3A_1044 {strides = array<i32>} : memref<640xi32, #tpu.memory_space<vmem>>, vector<16xi32>,
        %get3A_1045 = arith.constant 384 : index
        %get3A_1046 = tpu.vector_load %arg10[%get3A_1045] {strides = array<i32>} : memref<640xi32, #tpu.memory_space<vmem>>, vector<16xi32>,
        %get3A_1047 = vector.shape_cast %get3A_1046 : vector<16xi32> to vector<16xi32>
        %mul3A_1048 = arith.constant 10240 : i32
        %mul3A_1049 = vector.broadcast %mul3A_1048 : i32 to vector<16xi32>
        %mul3A_1050 = arith.muli %get3A_1047, %mul3A_1049 : vector<16xi32>
        %get3A_1051 = arith.constant 384 : index
        %get3A_1052 = tpu.vector_load %arg8[%get3A_1051] {strides = array<i32>} : memref<640xi32, #tpu.memory_space<vmem>>, vector<16xi32>,
        %get3A_1053 = vector.shape_cast %get3A_1052 : vector<16xi32> to vector<16xi32>
        %add3A_1054 = arith.addi %mul3A_1050, %get3A_1053 : vector<16xi32>
        %swap3A_1055 = arith.constant 384 : index
        %swap3A_1056 = tpu.vector_load %arg14[%swap3A_1055] {strides = array<i32>} : memref<640xi32, #tpu.memory_space<vmem>>, vector<16xi32>,
        %swap3A_1057 = vector.shape_cast %swap3A_1056 : vector<16xi32> to vector<16xi32>
        %swap3A_1058 = vector.shape_cast %add3A_1054 : vector<16xi32> to vector<16xi32>
        tpu.vector_store %arg14[%swap3A_1055], %swap3A_1058 {strides = array<i32>} : memref<640xi32, #tpu.memory_space<vmem>>, vector<16xi32>,
        %get3A_1059 = arith.constant 400 : index
        %get3A_1060 = tpu.vector_load %arg10[%get3A_1059] {strides = array<i32>} : memref<640xi32, #tpu.memory_space<vmem>>, vector<16xi32>,
        %get3A_1061 = vector.shape_cast %get3A_1060 : vector<16xi32> to vector<16xi32>
        %mul3A_1062 = arith.constant 10240 : i32
        %mul3A_1063 = vector.broadcast %mul3A_1062 : i32 to vector<16xi32>
        %mul3A_1064 = arith.muli %get3A_1061, %mul3A_1063 : vector<16xi32>
        %get3A_1065 = arith.constant 400 : index
        %get3A_1066 = tpu.vector_load %arg8[%get3A_1065] {strides = array<i32>} : memref<640xi32, #tpu.memory_space<vmem>>, vector<16xi32>,
        %get3A_1067 = vector.shape_cast %get3A_1066 : vector<16xi32> to vector<16xi32>
        %add3A_1068 = arith.addi %mul3A_1064, %get3A_1067 : vector<16xi32>
        %swap3A_1069 = arith.constant 400 : index
        %swap3A_1070 = tpu.vector_load %arg14[%swap3A_1069] {strides = array<i32>} : memref<640xi32, #tpu.memory_space<vmem>>, vector<16xi32>,
        %swap3A_1071 = vector.shape_cast %swap3A_1070 : vector<16xi32> to vector<16xi32>
        %swap3A_1072 = vector.shape_cast %add3A_1068 : vector<16xi32> to vector<16xi32>
        tpu.vector_store %arg14[%swap3A_1069], %swap3A_1072 {strides = array<i32>} : memref<640xi32, #tpu.memory_space<vmem>>, vector<16xi32>,
        %get3A_1073 = arith.constant 416 : index
        %get3A_1074 = tpu.vector_load %arg10[%get3A_1073] {strides = array<i32>} : memref<640xi32, #tpu.memory_space<vmem>>, vector<16xi32>,
        %get3A_1075 = vector.shape_cast %get3A_1074 : vector<16xi32> to vector<16xi32>
        %mul3A_1076 = arith.constant 10240 : i32
        %mul3A_1077 = vector.broadcast %mul3A_1076 : i32 to vector<16xi32>
        %mul3A_1078 = arith.muli %get3A_1075, %mul3A_1077 : vector<16xi32>
        %get3A_1079 = arith.constant 416 : index
        %get3A_1080 = tpu.vector_load %arg8[%get3A_1079] {strides = array<i32>} : memref<640xi32, #tpu.memory_space<vmem>>, vector<16xi32>,
        %get3A_1081 = vector.shape_cast %get3A_1080 : vector<16xi32> to vector<16xi32>
        %add3A_1082 = arith.addi %mul3A_1078, %get3A_1081 : vector<16xi32>
        %swap3A_1083 = arith.constant 416 : index
        %swap3A_1084 = tpu.vector_load %arg14[%swap3A_1083] {strides = array<i32>} : memref<640xi32, #tpu.memory_space<vmem>>, vector<16xi32>,
        %swap3A_1085 = vector.shape_cast %swap3A_1084 : vector<16xi32> to vector<16xi32>
        %swap3A_1086 = vector.shape_cast %add3A_1082 : vector<16xi32> to vector<16xi32>
        tpu.vector_store %arg14[%swap3A_1083], %swap3A_1086 {strides = array<i32>} : memref<640xi32, #tpu.memory_space<vmem>>, vector<16xi32>,
        %get3A_1087 = arith.constant 432 : index
        %get3A_1088 = tpu.vector_load %arg10[%get3A_1087] {strides = array<i32>} : memref<640xi32, #tpu.memory_space<vmem>>, vector<16xi32>,
        %get3A_1089 = vector.shape_cast %get3A_1088 : vector<16xi32> to vector<16xi32>
        %mul3A_1090 = arith.constant 10240 : i32
        %mul3A_1091 = vector.broadcast %mul3A_1090 : i32 to vector<16xi32>
        %mul3A_1092 = arith.muli %get3A_1089, %mul3A_1091 : vector<16xi32>
        %get3A_1093 = arith.constant 432 : index
        %get3A_1094 = tpu.vector_load %arg8[%get3A_1093] {strides = array<i32>} : memref<640xi32, #tpu.memory_space<vmem>>, vector<16xi32>,
        %get3A_1095 = vector.shape_cast %get3A_1094 : vector<16xi32> to vector<16xi32>
        %add3A_1096 = arith.addi %mul3A_1092, %get3A_1095 : vector<16xi32>
        %swap3A_1097 = arith.constant 432 : index
        %swap3A_1098 = tpu.vector_load %arg14[%swap3A_1097] {strides = array<i32>} : memref<640xi32, #tpu.memory_space<vmem>>, vector<16xi32>,
        %swap3A_1099 = vector.shape_cast %swap3A_1098 : vector<16xi32> to vector<16xi32>
        %swap3A_1100 = vector.shape_cast %add3A_1096 : vector<16xi32> to vector<16xi32>
        tpu.vector_store %arg14[%swap3A_1097], %swap3A_1100 {strides = array<i32>} : memref<640xi32, #tpu.memory_space<vmem>>, vector<16xi32>,
        %get3A_1101 = arith.constant 448 : index
        %get3A_1102 = tpu.vector_load %arg10[%get3A_1101] {strides = array<i32>} : memref<640xi32, #tpu.memory_space<vmem>>, vector<16xi32>,
        %get3A_1103 = vector.shape_cast %get3A_1102 : vector<16xi32> to vector<16xi32>
        %mul3A_1104 = arith.constant 10240 : i32
        %mul3A_1105 = vector.broadcast %mul3A_1104 : i32 to vector<16xi32>
        %mul3A_1106 = arith.muli %get3A_1103, %mul3A_1105 : vector<16xi32>
        %get3A_1107 = arith.constant 448 : index
        %get3A_1108 = tpu.vector_load %arg8[%get3A_1107] {strides = array<i32>} : memref<640xi32, #tpu.memory_space<vmem>>, vector<16xi32>,
        %get3A_1109 = vector.shape_cast %get3A_1108 : vector<16xi32> to vector<16xi32>
        %add3A_1110 = arith.addi %mul3A_1106, %get3A_1109 : vector<16xi32>
        %swap3A_1111 = arith.constant 448 : index
        %swap3A_1112 = tpu.vector_load %arg14[%swap3A_1111] {strides = array<i32>} : memref<640xi32, #tpu.memory_space<vmem>>, vector<16xi32>,
        %swap3A_1113 = vector.shape_cast %swap3A_1112 : vector<16xi32> to vector<16xi32>
        %swap3A_1114 = vector.shape_cast %add3A_1110 : vector<16xi32> to vector<16xi32>
        tpu.vector_store %arg14[%swap3A_1111], %swap3A_1114 {strides = array<i32>} : memref<640xi32, #tpu.memory_space<vmem>>, vector<16xi32>,
        %get3A_1115 = arith.constant 464 : index
        %get3A_1116 = tpu.vector_load %arg10[%get3A_1115] {strides = array<i32>} : memref<640xi32, #tpu.memory_space<vmem>>, vector<16xi32>,
        %get3A_1117 = vector.shape_cast %get3A_1116 : vector<16xi32> to vector<16xi32>
        %mul3A_1118 = arith.constant 10240 : i32
        %mul3A_1119 = vector.broadcast %mul3A_1118 : i32 to vector<16xi32>
        %mul3A_1120 = arith.muli %get3A_1117, %mul3A_1119 : vector<16xi32>
        %get3A_1121 = arith.constant 464 : index
        %get3A_1122 = tpu.vector_load %arg8[%get3A_1121] {strides = array<i32>} : memref<640xi32, #tpu.memory_space<vmem>>, vector<16xi32>,
        %get3A_1123 = vector.shape_cast %get3A_1122 : vector<16xi32> to vector<16xi32>
        %add3A_1124 = arith.addi %mul3A_1120, %get3A_1123 : vector<16xi32>
        %swap3A_1125 = arith.constant 464 : index
        %swap3A_1126 = tpu.vector_load %arg14[%swap3A_1125] {strides = array<i32>} : memref<640xi32, #tpu.memory_space<vmem>>, vector<16xi32>,
        %swap3A_1127 = vector.shape_cast %swap3A_1126 : vector<16xi32> to vector<16xi32>
        %swap3A_1128 = vector.shape_cast %add3A_1124 : vector<16xi32> to vector<16xi32>
        tpu.vector_store %arg14[%swap3A_1125], %swap3A_1128 {strides = array<i32>} : memref<640xi32, #tpu.memory_space<vmem>>, vector<16xi32>,
        %get3A_1129 = arith.constant 480 : index
        %get3A_1130 = tpu.vector_load %arg10[%get3A_1129] {strides = array<i32>} : memref<640xi32, #tpu.memory_space<vmem>>, vector<16xi32>,
        %get3A_1131 = vector.shape_cast %get3A_1130 : vector<16xi32> to vector<16xi32>
        %mul3A_1132 = arith.constant 10240 : i32
        %mul3A_1133 = vector.broadcast %mul3A_1132 : i32 to vector<16xi32>
        %mul3A_1134 = arith.muli %get3A_1131, %mul3A_1133 : vector<16xi32>
        %get3A_1135 = arith.constant 480 : index
        %get3A_1136 = tpu.vector_load %arg8[%get3A_1135] {strides = array<i32>} : memref<640xi32, #tpu.memory_space<vmem>>, vector<16xi32>,
        %get3A_1137 = vector.shape_cast %get3A_1136 : vector<16xi32> to vector<16xi32>
        %add3A_1138 = arith.addi %mul3A_1134, %get3A_1137 : vector<16xi32>
        %swap3A_1139 = arith.constant 480 : index
        %swap3A_1140 = tpu.vector_load %arg14[%swap3A_1139] {strides = array<i32>} : memref<640xi32, #tpu.memory_space<vmem>>, vector<16xi32>,
        %swap3A_1141 = vector.shape_cast %swap3A_1140 : vector<16xi32> to vector<16xi32>
        %swap3A_1142 = vector.shape_cast %add3A_1138 : vector<16xi32> to vector<16xi32>
        tpu.vector_store %arg14[%swap3A_1139], %swap3A_1142 {strides = array<i32>} : memref<640xi32, #tpu.memory_space<vmem>>, vector<16xi32>,
        %get3A_1143 = arith.constant 496 : index
        %get3A_1144 = tpu.vector_load %arg10[%get3A_1143] {strides = array<i32>} : memref<640xi32, #tpu.memory_space<vmem>>, vector<16xi32>,
        %get3A_1145 = vector.shape_cast %get3A_1144 : vector<16xi32> to vector<16xi32>
        %mul3A_1146 = arith.constant 10240 : i32
        %mul3A_1147 = vector.broadcast %mul3A_1146 : i32 to vector<16xi32>
        %mul3A_1148 = arith.muli %get3A_1145, %mul3A_1147 : vector<16xi32>
        %get3A_1149 = arith.constant 496 : index
        %get3A_1150 = tpu.vector_load %arg8[%get3A_1149] {strides = array<i32>} : memref<640xi32, #tpu.memory_space<vmem>>, vector<16xi32>,
        %get3A_1151 = vector.shape_cast %get3A_1150 : vector<16xi32> to vector<16xi32>
        %add3A_1152 = arith.addi %mul3A_1148, %get3A_1151 : vector<16xi32>
        %swap3A_1153 = arith.constant 496 : index
        %swap3A_1154 = tpu.vector_load %arg14[%swap3A_1153] {strides = array<i32>} : memref<640xi32, #tpu.memory_space<vmem>>, vector<16xi32>,
        %swap3A_1155 = vector.shape_cast %swap3A_1154 : vector<16xi32> to vector<16xi32>
        %swap3A_1156 = vector.shape_cast %add3A_1152 : vector<16xi32> to vector<16xi32>
        tpu.vector_store %arg14[%swap3A_1153], %swap3A_1156 {strides = array<i32>} : memref<640xi32, #tpu.memory_space<vmem>>, vector<16xi32>,
        %get3A_1157 = arith.constant 512 : index
        %get3A_1158 = tpu.vector_load %arg10[%get3A_1157] {strides = array<i32>} : memref<640xi32, #tpu.memory_space<vmem>>, vector<16xi32>,
        %get3A_1159 = vector.shape_cast %get3A_1158 : vector<16xi32> to vector<16xi32>
        %mul3A_1160 = arith.constant 10240 : i32
        %mul3A_1161 = vector.broadcast %mul3A_1160 : i32 to vector<16xi32>
        %mul3A_1162 = arith.muli %get3A_1159, %mul3A_1161 : vector<16xi32>
        %get3A_1163 = arith.constant 512 : index
        %get3A_1164 = tpu.vector_load %arg8[%get3A_1163] {strides = array<i32>} : memref<640xi32, #tpu.memory_space<vmem>>, vector<16xi32>,
        %get3A_1165 = vector.shape_cast %get3A_1164 : vector<16xi32> to vector<16xi32>
        %add3A_1166 = arith.addi %mul3A_1162, %get3A_1165 : vector<16xi32>
        %swap3A_1167 = arith.constant 512 : index
        %swap3A_1168 = tpu.vector_load %arg14[%swap3A_1167] {strides = array<i32>} : memref<640xi32, #tpu.memory_space<vmem>>, vector<16xi32>,
        %swap3A_1169 = vector.shape_cast %swap3A_1168 : vector<16xi32> to vector<16xi32>
        %swap3A_1170 = vector.shape_cast %add3A_1166 : vector<16xi32> to vector<16xi32>
        tpu.vector_store %arg14[%swap3A_1167], %swap3A_1170 {strides = array<i32>} : memref<640xi32, #tpu.memory_space<vmem>>, vector<16xi32>,
        %get3A_1171 = arith.constant 528 : index
        %get3A_1172 = tpu.vector_load %arg10[%get3A_1171] {strides = array<i32>} : memref<640xi32, #tpu.memory_space<vmem>>, vector<16xi32>,
        %get3A_1173 = vector.shape_cast %get3A_1172 : vector<16xi32> to vector<16xi32>
        %mul3A_1174 = arith.constant 10240 : i32
        %mul3A_1175 = vector.broadcast %mul3A_1174 : i32 to vector<16xi32>
        %mul3A_1176 = arith.muli %get3A_1173, %mul3A_1175 : vector<16xi32>
        %get3A_1177 = arith.constant 528 : index
        %get3A_1178 = tpu.vector_load %arg8[%get3A_1177] {strides = array<i32>} : memref<640xi32, #tpu.memory_space<vmem>>, vector<16xi32>,
        %get3A_1179 = vector.shape_cast %get3A_1178 : vector<16xi32> to vector<16xi32>
        %add3A_1180 = arith.addi %mul3A_1176, %get3A_1179 : vector<16xi32>
        %swap3A_1181 = arith.constant 528 : index
        %swap3A_1182 = tpu.vector_load %arg14[%swap3A_1181] {strides = array<i32>} : memref<640xi32, #tpu.memory_space<vmem>>, vector<16xi32>,
        %swap3A_1183 = vector.shape_cast %swap3A_1182 : vector<16xi32> to vector<16xi32>
        %swap3A_1184 = vector.shape_cast %add3A_1180 : vector<16xi32> to vector<16xi32>
        tpu.vector_store %arg14[%swap3A_1181], %swap3A_1184 {strides = array<i32>} : memref<640xi32, #tpu.memory_space<vmem>>, vector<16xi32>,
        %get3A_1185 = arith.constant 544 : index
        %get3A_1186 = tpu.vector_load %arg10[%get3A_1185] {strides = array<i32>} : memref<640xi32, #tpu.memory_space<vmem>>, vector<16xi32>,
        %get3A_1187 = vector.shape_cast %get3A_1186 : vector<16xi32> to vector<16xi32>
        %mul3A_1188 = arith.constant 10240 : i32
        %mul3A_1189 = vector.broadcast %mul3A_1188 : i32 to vector<16xi32>
        %mul3A_1190 = arith.muli %get3A_1187, %mul3A_1189 : vector<16xi32>
        %get3A_1191 = arith.constant 544 : index
        %get3A_1192 = tpu.vector_load %arg8[%get3A_1191] {strides = array<i32>} : memref<640xi32, #tpu.memory_space<vmem>>, vector<16xi32>,
        %get3A_1193 = vector.shape_cast %get3A_1192 : vector<16xi32> to vector<16xi32>
        %add3A_1194 = arith.addi %mul3A_1190, %get3A_1193 : vector<16xi32>
        %swap3A_1195 = arith.constant 544 : index
        %swap3A_1196 = tpu.vector_load %arg14[%swap3A_1195] {strides = array<i32>} : memref<640xi32, #tpu.memory_space<vmem>>, vector<16xi32>,
        %swap3A_1197 = vector.shape_cast %swap3A_1196 : vector<16xi32> to vector<16xi32>
        %swap3A_1198 = vector.shape_cast %add3A_1194 : vector<16xi32> to vector<16xi32>
        tpu.vector_store %arg14[%swap3A_1195], %swap3A_1198 {strides = array<i32>} : memref<640xi32, #tpu.memory_space<vmem>>, vector<16xi32>,
        %get3A_1199 = arith.constant 560 : index
        %get3A_1200 = tpu.vector_load %arg10[%get3A_1199] {strides = array<i32>} : memref<640xi32, #tpu.memory_space<vmem>>, vector<16xi32>,
        %get3A_1201 = vector.shape_cast %get3A_1200 : vector<16xi32> to vector<16xi32>
        %mul3A_1202 = arith.constant 10240 : i32
        %mul3A_1203 = vector.broadcast %mul3A_1202 : i32 to vector<16xi32>
        %mul3A_1204 = arith.muli %get3A_1201, %mul3A_1203 : vector<16xi32>
        %get3A_1205 = arith.constant 560 : index
        %get3A_1206 = tpu.vector_load %arg8[%get3A_1205] {strides = array<i32>} : memref<640xi32, #tpu.memory_space<vmem>>, vector<16xi32>,
        %get3A_1207 = vector.shape_cast %get3A_1206 : vector<16xi32> to vector<16xi32>
        %add3A_1208 = arith.addi %mul3A_1204, %get3A_1207 : vector<16xi32>
        %swap3A_1209 = arith.constant 560 : index
        %swap3A_1210 = tpu.vector_load %arg14[%swap3A_1209] {strides = array<i32>} : memref<640xi32, #tpu.memory_space<vmem>>, vector<16xi32>,
        %swap3A_1211 = vector.shape_cast %swap3A_1210 : vector<16xi32> to vector<16xi32>
        %swap3A_1212 = vector.shape_cast %add3A_1208 : vector<16xi32> to vector<16xi32>
        tpu.vector_store %arg14[%swap3A_1209], %swap3A_1212 {strides = array<i32>} : memref<640xi32, #tpu.memory_space<vmem>>, vector<16xi32>,
        %get3A_1213 = arith.constant 576 : index
        %get3A_1214 = tpu.vector_load %arg10[%get3A_1213] {strides = array<i32>} : memref<640xi32, #tpu.memory_space<vmem>>, vector<16xi32>,
        %get3A_1215 = vector.shape_cast %get3A_1214 : vector<16xi32> to vector<16xi32>
        %mul3A_1216 = arith.constant 10240 : i32
        %mul3A_1217 = vector.broadcast %mul3A_1216 : i32 to vector<16xi32>
        %mul3A_1218 = arith.muli %get3A_1215, %mul3A_1217 : vector<16xi32>
        %get3A_1219 = arith.constant 576 : index
        %get3A_1220 = tpu.vector_load %arg8[%get3A_1219] {strides = array<i32>} : memref<640xi32, #tpu.memory_space<vmem>>, vector<16xi32>,
        %get3A_1221 = vector.shape_cast %get3A_1220 : vector<16xi32> to vector<16xi32>
        %add3A_1222 = arith.addi %mul3A_1218, %get3A_1221 : vector<16xi32>
        %swap3A_1223 = arith.constant 576 : index
        %swap3A_1224 = tpu.vector_load %arg14[%swap3A_1223] {strides = array<i32>} : memref<640xi32, #tpu.memory_space<vmem>>, vector<16xi32>,
        %swap3A_1225 = vector.shape_cast %swap3A_1224 : vector<16xi32> to vector<16xi32>
        %swap3A_1226 = vector.shape_cast %add3A_1222 : vector<16xi32> to vector<16xi32>
        tpu.vector_store %arg14[%swap3A_1223], %swap3A_1226 {strides = array<i32>} : memref<640xi32, #tpu.memory_space<vmem>>, vector<16xi32>,
        %get3A_1227 = arith.constant 592 : index
        %get3A_1228 = tpu.vector_load %arg10[%get3A_1227] {strides = array<i32>} : memref<640xi32, #tpu.memory_space<vmem>>, vector<16xi32>,
        %get3A_1229 = vector.shape_cast %get3A_1228 : vector<16xi32> to vector<16xi32>
        %mul3A_1230 = arith.constant 10240 : i32
        %mul3A_1231 = vector.broadcast %mul3A_1230 : i32 to vector<16xi32>
        %mul3A_1232 = arith.muli %get3A_1229, %mul3A_1231 : vector<16xi32>
        %get3A_1233 = arith.constant 592 : index
        %get3A_1234 = tpu.vector_load %arg8[%get3A_1233] {strides = array<i32>} : memref<640xi32, #tpu.memory_space<vmem>>, vector<16xi32>,
        %get3A_1235 = vector.shape_cast %get3A_1234 : vector<16xi32> to vector<16xi32>
        %add3A_1236 = arith.addi %mul3A_1232, %get3A_1235 : vector<16xi32>
        %swap3A_1237 = arith.constant 592 : index
        %swap3A_1238 = tpu.vector_load %arg14[%swap3A_1237] {strides = array<i32>} : memref<640xi32, #tpu.memory_space<vmem>>, vector<16xi32>,
        %swap3A_1239 = vector.shape_cast %swap3A_1238 : vector<16xi32> to vector<16xi32>
        %swap3A_1240 = vector.shape_cast %add3A_1236 : vector<16xi32> to vector<16xi32>
        tpu.vector_store %arg14[%swap3A_1237], %swap3A_1240 {strides = array<i32>} : memref<640xi32, #tpu.memory_space<vmem>>, vector<16xi32>,
        %get3A_1241 = arith.constant 608 : index
        %get3A_1242 = tpu.vector_load %arg10[%get3A_1241] {strides = array<i32>} : memref<640xi32, #tpu.memory_space<vmem>>, vector<16xi32>,
        %get3A_1243 = vector.shape_cast %get3A_1242 : vector<16xi32> to vector<16xi32>
        %mul3A_1244 = arith.constant 10240 : i32
        %mul3A_1245 = vector.broadcast %mul3A_1244 : i32 to vector<16xi32>
        %mul3A_1246 = arith.muli %get3A_1243, %mul3A_1245 : vector<16xi32>
        %get3A_1247 = arith.constant 608 : index
        %get3A_1248 = tpu.vector_load %arg8[%get3A_1247] {strides = array<i32>} : memref<640xi32, #tpu.memory_space<vmem>>, vector<16xi32>,
        %get3A_1249 = vector.shape_cast %get3A_1248 : vector<16xi32> to vector<16xi32>
        %add3A_1250 = arith.addi %mul3A_1246, %get3A_1249 : vector<16xi32>
        %swap3A_1251 = arith.constant 608 : index
        %swap3A_1252 = tpu.vector_load %arg14[%swap3A_1251] {strides = array<i32>} : memref<640xi32, #tpu.memory_space<vmem>>, vector<16xi32>,
        %swap3A_1253 = vector.shape_cast %swap3A_1252 : vector<16xi32> to vector<16xi32>
        %swap3A_1254 = vector.shape_cast %add3A_1250 : vector<16xi32> to vector<16xi32>
        tpu.vector_store %arg14[%swap3A_1251], %swap3A_1254 {strides = array<i32>} : memref<640xi32, #tpu.memory_space<vmem>>, vector<16xi32>,
        %get3A_1255 = arith.constant 624 : index
        %get3A_1256 = tpu.vector_load %arg10[%get3A_1255] {strides = array<i32>} : memref<640xi32, #tpu.memory_space<vmem>>, vector<16xi32>,
        %get3A_1257 = vector.shape_cast %get3A_1256 : vector<16xi32> to vector<16xi32>
        %mul3A_1258 = arith.constant 10240 : i32
        %mul3A_1259 = vector.broadcast %mul3A_1258 : i32 to vector<16xi32>
        %mul3A_1260 = arith.muli %get3A_1257, %mul3A_1259 : vector<16xi32>
        %get3A_1261 = arith.constant 624 : index
        %get3A_1262 = tpu.vector_load %arg8[%get3A_1261] {strides = array<i32>} : memref<640xi32, #tpu.memory_space<vmem>>, vector<16xi32>,
        %get3A_1263 = vector.shape_cast %get3A_1262 : vector<16xi32> to vector<16xi32>
        %add3A_1264 = arith.addi %mul3A_1260, %get3A_1263 : vector<16xi32>
        %swap3A_1265 = arith.constant 624 : index
        %swap3A_1266 = tpu.vector_load %arg14[%swap3A_1265] {strides = array<i32>} : memref<640xi32, #tpu.memory_space<vmem>>, vector<16xi32>,
        %swap3A_1267 = vector.shape_cast %swap3A_1266 : vector<16xi32> to vector<16xi32>
        %swap3A_1268 = vector.shape_cast %add3A_1264 : vector<16xi32> to vector<16xi32>
        tpu.vector_store %arg14[%swap3A_1265], %swap3A_1268 {strides = array<i32>} : memref<640xi32, #tpu.memory_space<vmem>>, vector<16xi32>,
        %dma_start3A_1269 = arith.constant 0 : i32
        %dma_start3A_1270 = arith.constant 0 : i32
        %dma_start3A_1271 = tpu.memref_slice %arg2[%dma_start3A_1269, %dma_start3A_1270] : memref<71680x32xf32, #tpu.memory_space<hbm>> -> memref<71680x32xf32, #tpu.memory_space<hbm>>
        tpu.enqueue_indirect_dma source(%dma_start3A_1271 : memref<71680x32xf32, #tpu.memory_space<hbm>>) target(%arg16 : memref<640x32xf32, #tpu.memory_space<vmem>>) offsets(%arg14 : memref<640xi32, #tpu.memory_space<vmem>>) semaphore(%arg21 : memref<!tpu.dma_semaphore, #tpu.memory_space<semaphore_mem>>)
      } else {
      }
      %lt3A_693 = arith.cmpi slt, %add3A_674, %select_n3A : i32
      %convert_element_type3A_694 = arith.extui %lt3A_693 : i1 to i32
      %cond3A_695 = arith.constant 0 : i32
      %cond3A_696 = arith.cmpi ne, %convert_element_type3A_694, %cond3A_695 : i32
      scf.if %cond3A_696 {
        %mul3A_697 = arith.constant 32 : i32
        %mul3A_698 = arith.muli %add3A_674, %mul3A_697 : i32
        %add3A_699 = arith.addi %add3A, %mul3A_698 : i32
        %mul3A_700 = arith.constant 640 : i32
        %mul3A_701 = arith.muli %add3A_699, %mul3A_700 : i32
        %dma_start3A_702 = tpu.memref_slice %arg3[%mul3A_701] : memref<320000xi32, #tpu.memory_space<hbm>> -> memref<640xi32, #tpu.memory_space<hbm>>
        %dma_start3A_703 = tpu.memref_slice %arg3[%mul3A_701] : memref<320000xi32, #tpu.memory_space<hbm>> -> memref<640xi32, #tpu.memory_space<hbm>>
        tpu.enqueue_dma source(%dma_start3A_703 : memref<640xi32, #tpu.memory_space<hbm>>) target(%arg9 : memref<640xi32, #tpu.memory_space<vmem>>) target_semaphore(%arg20 : memref<!tpu.dma_semaphore, #tpu.memory_space<semaphore_mem>>)
        %dma_start3A_704 = tpu.memref_slice %arg4[%mul3A_701] : memref<320000xi32, #tpu.memory_space<hbm>> -> memref<640xi32, #tpu.memory_space<hbm>>
        %dma_start3A_705 = tpu.memref_slice %arg4[%mul3A_701] : memref<320000xi32, #tpu.memory_space<hbm>> -> memref<640xi32, #tpu.memory_space<hbm>>
        tpu.enqueue_dma source(%dma_start3A_705 : memref<640xi32, #tpu.memory_space<hbm>>) target(%arg11 : memref<640xi32, #tpu.memory_space<vmem>>) target_semaphore(%arg20 : memref<!tpu.dma_semaphore, #tpu.memory_space<semaphore_mem>>)
        %dma_start3A_706 = tpu.memref_slice %arg5[%mul3A_701] : memref<320000xi32, #tpu.memory_space<hbm>> -> memref<640xi32, #tpu.memory_space<hbm>>
        %dma_start3A_707 = tpu.memref_slice %arg5[%mul3A_701] : memref<320000xi32, #tpu.memory_space<hbm>> -> memref<640xi32, #tpu.memory_space<hbm>>
        tpu.enqueue_dma source(%dma_start3A_707 : memref<640xi32, #tpu.memory_space<hbm>>) target(%arg13 : memref<640xi32, #tpu.memory_space<vmem>>) target_semaphore(%arg20 : memref<!tpu.dma_semaphore, #tpu.memory_space<semaphore_mem>>)
      } else {
      }
    }
    %while3A_648 = arith.constant 1 : i32
    scf.for %while3A_662 = %while3A_646 to %while3A_642 step %while3A_648  : i32 {
      %mul3A_663 = arith.constant 2 : i32
      %mul3A_664 = arith.muli %mul3A_663, %while3A_662 : i32
      %add3A_665 = arith.constant 1 : i32
      %add3A_666 = arith.addi %mul3A_664, %add3A_665 : i32
      %mul3A_667 = arith.constant 2 : i32
      %mul3A_668 = arith.muli %mul3A_667, %while3A_662 : i32
      %add3A_669 = arith.constant 2 : i32
      %add3A_670 = arith.addi %mul3A_668, %add3A_669 : i32
      %mul3A_671 = arith.constant 2 : i32
      %mul3A_672 = arith.muli %mul3A_671, %while3A_662 : i32
      %add3A_673 = arith.constant 3 : i32
      %add3A_674 = arith.addi %mul3A_672, %add3A_673 : i32
      %lt3A = arith.cmpi slt, %add3A_666, %select_n3A : i32
      %convert_element_type3A_675 = arith.extui %lt3A : i1 to i32
      %cond3A_676 = arith.constant 0 : i32
      %cond3A_677 = arith.cmpi ne, %convert_element_type3A_675, %cond3A_676 : i32
      scf.if %cond3A_677 {
        %dma_wait3A_697 = arith.constant 0 : i32
        %dma_wait3A_698 = tpu.memref_slice %arg3[%dma_wait3A_697] : memref<320000xi32, #tpu.memory_space<hbm>> -> memref<640xi32, #tpu.memory_space<hbm>>
        %dma_wait3A_699 = arith.constant 0 : i32
        %dma_wait3A_700 = tpu.memref_slice %arg3[%dma_wait3A_699] : memref<320000xi32, #tpu.memory_space<hbm>> -> memref<640xi32, #tpu.memory_space<hbm>>
        tpu.wait_dma2 semaphore(%arg20 : memref<!tpu.dma_semaphore, #tpu.memory_space<semaphore_mem>>) src(%dma_wait3A_700 : memref<640xi32, #tpu.memory_space<hbm>>) dst(%arg9 : memref<640xi32, #tpu.memory_space<vmem>>)
        %dma_wait3A_701 = arith.constant 0 : i32
        %dma_wait3A_702 = tpu.memref_slice %arg4[%dma_wait3A_701] : memref<320000xi32, #tpu.memory_space<hbm>> -> memref<640xi32, #tpu.memory_space<hbm>>
        %dma_wait3A_703 = arith.constant 0 : i32
        %dma_wait3A_704 = tpu.memref_slice %arg4[%dma_wait3A_703] : memref<320000xi32, #tpu.memory_space<hbm>> -> memref<640xi32, #tpu.memory_space<hbm>>
        tpu.wait_dma2 semaphore(%arg20 : memref<!tpu.dma_semaphore, #tpu.memory_space<semaphore_mem>>) src(%dma_wait3A_704 : memref<640xi32, #tpu.memory_space<hbm>>) dst(%arg11 : memref<640xi32, #tpu.memory_space<vmem>>)
        %dma_wait3A_705 = arith.constant 0 : i32
        %dma_wait3A_706 = tpu.memref_slice %arg5[%dma_wait3A_705] : memref<320000xi32, #tpu.memory_space<hbm>> -> memref<640xi32, #tpu.memory_space<hbm>>
        %dma_wait3A_707 = arith.constant 0 : i32
        %dma_wait3A_708 = tpu.memref_slice %arg5[%dma_wait3A_707] : memref<320000xi32, #tpu.memory_space<hbm>> -> memref<640xi32, #tpu.memory_space<hbm>>
        tpu.wait_dma2 semaphore(%arg20 : memref<!tpu.dma_semaphore, #tpu.memory_space<semaphore_mem>>) src(%dma_wait3A_708 : memref<640xi32, #tpu.memory_space<hbm>>) dst(%arg13 : memref<640xi32, #tpu.memory_space<vmem>>)
        %get3A_709 = arith.constant 0 : index
        %get3A_710 = tpu.vector_load %arg11[%get3A_709] {strides = array<i32>} : memref<640xi32, #tpu.memory_space<vmem>>, vector<16xi32>,
        %get3A_711 = vector.shape_cast %get3A_710 : vector<16xi32> to vector<16xi32>
        %mul3A_712 = arith.constant 10240 : i32
        %mul3A_713 = vector.broadcast %mul3A_712 : i32 to vector<16xi32>
        %mul3A_714 = arith.muli %get3A_711, %mul3A_713 : vector<16xi32>
        %get3A_715 = arith.constant 0 : index
        %get3A_716 = tpu.vector_load %arg9[%get3A_715] {strides = array<i32>} : memref<640xi32, #tpu.memory_space<vmem>>, vector<16xi32>,
        %get3A_717 = vector.shape_cast %get3A_716 : vector<16xi32> to vector<16xi32>
        %add3A_718 = arith.addi %mul3A_714, %get3A_717 : vector<16xi32>
        %swap3A_719 = arith.constant 0 : index
        %swap3A_720 = tpu.vector_load %arg15[%swap3A_719] {strides = array<i32>} : memref<640xi32, #tpu.memory_space<vmem>>, vector<16xi32>,
        %swap3A_721 = vector.shape_cast %swap3A_720 : vector<16xi32> to vector<16xi32>
        %swap3A_722 = vector.shape_cast %add3A_718 : vector<16xi32> to vector<16xi32>
        tpu.vector_store %arg15[%swap3A_719], %swap3A_722 {strides = array<i32>} : memref<640xi32, #tpu.memory_space<vmem>>, vector<16xi32>,
        %get3A_723 = arith.constant 16 : index
        %get3A_724 = tpu.vector_load %arg11[%get3A_723] {strides = array<i32>} : memref<640xi32, #tpu.memory_space<vmem>>, vector<16xi32>,
        %get3A_725 = vector.shape_cast %get3A_724 : vector<16xi32> to vector<16xi32>
        %mul3A_726 = arith.constant 10240 : i32
        %mul3A_727 = vector.broadcast %mul3A_726 : i32 to vector<16xi32>
        %mul3A_728 = arith.muli %get3A_725, %mul3A_727 : vector<16xi32>
        %get3A_729 = arith.constant 16 : index
        %get3A_730 = tpu.vector_load %arg9[%get3A_729] {strides = array<i32>} : memref<640xi32, #tpu.memory_space<vmem>>, vector<16xi32>,
        %get3A_731 = vector.shape_cast %get3A_730 : vector<16xi32> to vector<16xi32>
        %add3A_732 = arith.addi %mul3A_728, %get3A_731 : vector<16xi32>
        %swap3A_733 = arith.constant 16 : index
        %swap3A_734 = tpu.vector_load %arg15[%swap3A_733] {strides = array<i32>} : memref<640xi32, #tpu.memory_space<vmem>>, vector<16xi32>,
        %swap3A_735 = vector.shape_cast %swap3A_734 : vector<16xi32> to vector<16xi32>
        %swap3A_736 = vector.shape_cast %add3A_732 : vector<16xi32> to vector<16xi32>
        tpu.vector_store %arg15[%swap3A_733], %swap3A_736 {strides = array<i32>} : memref<640xi32, #tpu.memory_space<vmem>>, vector<16xi32>,
        %get3A_737 = arith.constant 32 : index
        %get3A_738 = tpu.vector_load %arg11[%get3A_737] {strides = array<i32>} : memref<640xi32, #tpu.memory_space<vmem>>, vector<16xi32>,
        %get3A_739 = vector.shape_cast %get3A_738 : vector<16xi32> to vector<16xi32>
        %mul3A_740 = arith.constant 10240 : i32
        %mul3A_741 = vector.broadcast %mul3A_740 : i32 to vector<16xi32>
        %mul3A_742 = arith.muli %get3A_739, %mul3A_741 : vector<16xi32>
        %get3A_743 = arith.constant 32 : index
        %get3A_744 = tpu.vector_load %arg9[%get3A_743] {strides = array<i32>} : memref<640xi32, #tpu.memory_space<vmem>>, vector<16xi32>,
        %get3A_745 = vector.shape_cast %get3A_744 : vector<16xi32> to vector<16xi32>
        %add3A_746 = arith.addi %mul3A_742, %get3A_745 : vector<16xi32>
        %swap3A_747 = arith.constant 32 : index
        %swap3A_748 = tpu.vector_load %arg15[%swap3A_747] {strides = array<i32>} : memref<640xi32, #tpu.memory_space<vmem>>, vector<16xi32>,
        %swap3A_749 = vector.shape_cast %swap3A_748 : vector<16xi32> to vector<16xi32>
        %swap3A_750 = vector.shape_cast %add3A_746 : vector<16xi32> to vector<16xi32>
        tpu.vector_store %arg15[%swap3A_747], %swap3A_750 {strides = array<i32>} : memref<640xi32, #tpu.memory_space<vmem>>, vector<16xi32>,
        %get3A_751 = arith.constant 48 : index
        %get3A_752 = tpu.vector_load %arg11[%get3A_751] {strides = array<i32>} : memref<640xi32, #tpu.memory_space<vmem>>, vector<16xi32>,
        %get3A_753 = vector.shape_cast %get3A_752 : vector<16xi32> to vector<16xi32>
        %mul3A_754 = arith.constant 10240 : i32
        %mul3A_755 = vector.broadcast %mul3A_754 : i32 to vector<16xi32>
        %mul3A_756 = arith.muli %get3A_753, %mul3A_755 : vector<16xi32>
        %get3A_757 = arith.constant 48 : index
        %get3A_758 = tpu.vector_load %arg9[%get3A_757] {strides = array<i32>} : memref<640xi32, #tpu.memory_space<vmem>>, vector<16xi32>,
        %get3A_759 = vector.shape_cast %get3A_758 : vector<16xi32> to vector<16xi32>
        %add3A_760 = arith.addi %mul3A_756, %get3A_759 : vector<16xi32>
        %swap3A_761 = arith.constant 48 : index
        %swap3A_762 = tpu.vector_load %arg15[%swap3A_761] {strides = array<i32>} : memref<640xi32, #tpu.memory_space<vmem>>, vector<16xi32>,
        %swap3A_763 = vector.shape_cast %swap3A_762 : vector<16xi32> to vector<16xi32>
        %swap3A_764 = vector.shape_cast %add3A_760 : vector<16xi32> to vector<16xi32>
        tpu.vector_store %arg15[%swap3A_761], %swap3A_764 {strides = array<i32>} : memref<640xi32, #tpu.memory_space<vmem>>, vector<16xi32>,
        %get3A_765 = arith.constant 64 : index
        %get3A_766 = tpu.vector_load %arg11[%get3A_765] {strides = array<i32>} : memref<640xi32, #tpu.memory_space<vmem>>, vector<16xi32>,
        %get3A_767 = vector.shape_cast %get3A_766 : vector<16xi32> to vector<16xi32>
        %mul3A_768 = arith.constant 10240 : i32
        %mul3A_769 = vector.broadcast %mul3A_768 : i32 to vector<16xi32>
        %mul3A_770 = arith.muli %get3A_767, %mul3A_769 : vector<16xi32>
        %get3A_771 = arith.constant 64 : index
        %get3A_772 = tpu.vector_load %arg9[%get3A_771] {strides = array<i32>} : memref<640xi32, #tpu.memory_space<vmem>>, vector<16xi32>,
        %get3A_773 = vector.shape_cast %get3A_772 : vector<16xi32> to vector<16xi32>
        %add3A_774 = arith.addi %mul3A_770, %get3A_773 : vector<16xi32>
        %swap3A_775 = arith.constant 64 : index
        %swap3A_776 = tpu.vector_load %arg15[%swap3A_775] {strides = array<i32>} : memref<640xi32, #tpu.memory_space<vmem>>, vector<16xi32>,
        %swap3A_777 = vector.shape_cast %swap3A_776 : vector<16xi32> to vector<16xi32>
        %swap3A_778 = vector.shape_cast %add3A_774 : vector<16xi32> to vector<16xi32>
        tpu.vector_store %arg15[%swap3A_775], %swap3A_778 {strides = array<i32>} : memref<640xi32, #tpu.memory_space<vmem>>, vector<16xi32>,
        %get3A_779 = arith.constant 80 : index
        %get3A_780 = tpu.vector_load %arg11[%get3A_779] {strides = array<i32>} : memref<640xi32, #tpu.memory_space<vmem>>, vector<16xi32>,
        %get3A_781 = vector.shape_cast %get3A_780 : vector<16xi32> to vector<16xi32>
        %mul3A_782 = arith.constant 10240 : i32
        %mul3A_783 = vector.broadcast %mul3A_782 : i32 to vector<16xi32>
        %mul3A_784 = arith.muli %get3A_781, %mul3A_783 : vector<16xi32>
        %get3A_785 = arith.constant 80 : index
        %get3A_786 = tpu.vector_load %arg9[%get3A_785] {strides = array<i32>} : memref<640xi32, #tpu.memory_space<vmem>>, vector<16xi32>,
        %get3A_787 = vector.shape_cast %get3A_786 : vector<16xi32> to vector<16xi32>
        %add3A_788 = arith.addi %mul3A_784, %get3A_787 : vector<16xi32>
        %swap3A_789 = arith.constant 80 : index
        %swap3A_790 = tpu.vector_load %arg15[%swap3A_789] {strides = array<i32>} : memref<640xi32, #tpu.memory_space<vmem>>, vector<16xi32>,
        %swap3A_791 = vector.shape_cast %swap3A_790 : vector<16xi32> to vector<16xi32>
        %swap3A_792 = vector.shape_cast %add3A_788 : vector<16xi32> to vector<16xi32>
        tpu.vector_store %arg15[%swap3A_789], %swap3A_792 {strides = array<i32>} : memref<640xi32, #tpu.memory_space<vmem>>, vector<16xi32>,
        %get3A_793 = arith.constant 96 : index
        %get3A_794 = tpu.vector_load %arg11[%get3A_793] {strides = array<i32>} : memref<640xi32, #tpu.memory_space<vmem>>, vector<16xi32>,
        %get3A_795 = vector.shape_cast %get3A_794 : vector<16xi32> to vector<16xi32>
        %mul3A_796 = arith.constant 10240 : i32
        %mul3A_797 = vector.broadcast %mul3A_796 : i32 to vector<16xi32>
        %mul3A_798 = arith.muli %get3A_795, %mul3A_797 : vector<16xi32>
        %get3A_799 = arith.constant 96 : index
        %get3A_800 = tpu.vector_load %arg9[%get3A_799] {strides = array<i32>} : memref<640xi32, #tpu.memory_space<vmem>>, vector<16xi32>,
        %get3A_801 = vector.shape_cast %get3A_800 : vector<16xi32> to vector<16xi32>
        %add3A_802 = arith.addi %mul3A_798, %get3A_801 : vector<16xi32>
        %swap3A_803 = arith.constant 96 : index
        %swap3A_804 = tpu.vector_load %arg15[%swap3A_803] {strides = array<i32>} : memref<640xi32, #tpu.memory_space<vmem>>, vector<16xi32>,
        %swap3A_805 = vector.shape_cast %swap3A_804 : vector<16xi32> to vector<16xi32>
        %swap3A_806 = vector.shape_cast %add3A_802 : vector<16xi32> to vector<16xi32>
        tpu.vector_store %arg15[%swap3A_803], %swap3A_806 {strides = array<i32>} : memref<640xi32, #tpu.memory_space<vmem>>, vector<16xi32>,
        %get3A_807 = arith.constant 112 : index
        %get3A_808 = tpu.vector_load %arg11[%get3A_807] {strides = array<i32>} : memref<640xi32, #tpu.memory_space<vmem>>, vector<16xi32>,
        %get3A_809 = vector.shape_cast %get3A_808 : vector<16xi32> to vector<16xi32>
        %mul3A_810 = arith.constant 10240 : i32
        %mul3A_811 = vector.broadcast %mul3A_810 : i32 to vector<16xi32>
        %mul3A_812 = arith.muli %get3A_809, %mul3A_811 : vector<16xi32>
        %get3A_813 = arith.constant 112 : index
        %get3A_814 = tpu.vector_load %arg9[%get3A_813] {strides = array<i32>} : memref<640xi32, #tpu.memory_space<vmem>>, vector<16xi32>,
        %get3A_815 = vector.shape_cast %get3A_814 : vector<16xi32> to vector<16xi32>
        %add3A_816 = arith.addi %mul3A_812, %get3A_815 : vector<16xi32>
        %swap3A_817 = arith.constant 112 : index
        %swap3A_818 = tpu.vector_load %arg15[%swap3A_817] {strides = array<i32>} : memref<640xi32, #tpu.memory_space<vmem>>, vector<16xi32>,
        %swap3A_819 = vector.shape_cast %swap3A_818 : vector<16xi32> to vector<16xi32>
        %swap3A_820 = vector.shape_cast %add3A_816 : vector<16xi32> to vector<16xi32>
        tpu.vector_store %arg15[%swap3A_817], %swap3A_820 {strides = array<i32>} : memref<640xi32, #tpu.memory_space<vmem>>, vector<16xi32>,
        %get3A_821 = arith.constant 128 : index
        %get3A_822 = tpu.vector_load %arg11[%get3A_821] {strides = array<i32>} : memref<640xi32, #tpu.memory_space<vmem>>, vector<16xi32>,
        %get3A_823 = vector.shape_cast %get3A_822 : vector<16xi32> to vector<16xi32>
        %mul3A_824 = arith.constant 10240 : i32
        %mul3A_825 = vector.broadcast %mul3A_824 : i32 to vector<16xi32>
        %mul3A_826 = arith.muli %get3A_823, %mul3A_825 : vector<16xi32>
        %get3A_827 = arith.constant 128 : index
        %get3A_828 = tpu.vector_load %arg9[%get3A_827] {strides = array<i32>} : memref<640xi32, #tpu.memory_space<vmem>>, vector<16xi32>,
        %get3A_829 = vector.shape_cast %get3A_828 : vector<16xi32> to vector<16xi32>
        %add3A_830 = arith.addi %mul3A_826, %get3A_829 : vector<16xi32>
        %swap3A_831 = arith.constant 128 : index
        %swap3A_832 = tpu.vector_load %arg15[%swap3A_831] {strides = array<i32>} : memref<640xi32, #tpu.memory_space<vmem>>, vector<16xi32>,
        %swap3A_833 = vector.shape_cast %swap3A_832 : vector<16xi32> to vector<16xi32>
        %swap3A_834 = vector.shape_cast %add3A_830 : vector<16xi32> to vector<16xi32>
        tpu.vector_store %arg15[%swap3A_831], %swap3A_834 {strides = array<i32>} : memref<640xi32, #tpu.memory_space<vmem>>, vector<16xi32>,
        %get3A_835 = arith.constant 144 : index
        %get3A_836 = tpu.vector_load %arg11[%get3A_835] {strides = array<i32>} : memref<640xi32, #tpu.memory_space<vmem>>, vector<16xi32>,
        %get3A_837 = vector.shape_cast %get3A_836 : vector<16xi32> to vector<16xi32>
        %mul3A_838 = arith.constant 10240 : i32
        %mul3A_839 = vector.broadcast %mul3A_838 : i32 to vector<16xi32>
        %mul3A_840 = arith.muli %get3A_837, %mul3A_839 : vector<16xi32>
        %get3A_841 = arith.constant 144 : index
        %get3A_842 = tpu.vector_load %arg9[%get3A_841] {strides = array<i32>} : memref<640xi32, #tpu.memory_space<vmem>>, vector<16xi32>,
        %get3A_843 = vector.shape_cast %get3A_842 : vector<16xi32> to vector<16xi32>
        %add3A_844 = arith.addi %mul3A_840, %get3A_843 : vector<16xi32>
        %swap3A_845 = arith.constant 144 : index
        %swap3A_846 = tpu.vector_load %arg15[%swap3A_845] {strides = array<i32>} : memref<640xi32, #tpu.memory_space<vmem>>, vector<16xi32>,
        %swap3A_847 = vector.shape_cast %swap3A_846 : vector<16xi32> to vector<16xi32>
        %swap3A_848 = vector.shape_cast %add3A_844 : vector<16xi32> to vector<16xi32>
        tpu.vector_store %arg15[%swap3A_845], %swap3A_848 {strides = array<i32>} : memref<640xi32, #tpu.memory_space<vmem>>, vector<16xi32>,
        %get3A_849 = arith.constant 160 : index
        %get3A_850 = tpu.vector_load %arg11[%get3A_849] {strides = array<i32>} : memref<640xi32, #tpu.memory_space<vmem>>, vector<16xi32>,
        %get3A_851 = vector.shape_cast %get3A_850 : vector<16xi32> to vector<16xi32>
        %mul3A_852 = arith.constant 10240 : i32
        %mul3A_853 = vector.broadcast %mul3A_852 : i32 to vector<16xi32>
        %mul3A_854 = arith.muli %get3A_851, %mul3A_853 : vector<16xi32>
        %get3A_855 = arith.constant 160 : index
        %get3A_856 = tpu.vector_load %arg9[%get3A_855] {strides = array<i32>} : memref<640xi32, #tpu.memory_space<vmem>>, vector<16xi32>,
        %get3A_857 = vector.shape_cast %get3A_856 : vector<16xi32> to vector<16xi32>
        %add3A_858 = arith.addi %mul3A_854, %get3A_857 : vector<16xi32>
        %swap3A_859 = arith.constant 160 : index
        %swap3A_860 = tpu.vector_load %arg15[%swap3A_859] {strides = array<i32>} : memref<640xi32, #tpu.memory_space<vmem>>, vector<16xi32>,
        %swap3A_861 = vector.shape_cast %swap3A_860 : vector<16xi32> to vector<16xi32>
        %swap3A_862 = vector.shape_cast %add3A_858 : vector<16xi32> to vector<16xi32>
        tpu.vector_store %arg15[%swap3A_859], %swap3A_862 {strides = array<i32>} : memref<640xi32, #tpu.memory_space<vmem>>, vector<16xi32>,
        %get3A_863 = arith.constant 176 : index
        %get3A_864 = tpu.vector_load %arg11[%get3A_863] {strides = array<i32>} : memref<640xi32, #tpu.memory_space<vmem>>, vector<16xi32>,
        %get3A_865 = vector.shape_cast %get3A_864 : vector<16xi32> to vector<16xi32>
        %mul3A_866 = arith.constant 10240 : i32
        %mul3A_867 = vector.broadcast %mul3A_866 : i32 to vector<16xi32>
        %mul3A_868 = arith.muli %get3A_865, %mul3A_867 : vector<16xi32>
        %get3A_869 = arith.constant 176 : index
        %get3A_870 = tpu.vector_load %arg9[%get3A_869] {strides = array<i32>} : memref<640xi32, #tpu.memory_space<vmem>>, vector<16xi32>,
        %get3A_871 = vector.shape_cast %get3A_870 : vector<16xi32> to vector<16xi32>
        %add3A_872 = arith.addi %mul3A_868, %get3A_871 : vector<16xi32>
        %swap3A_873 = arith.constant 176 : index
        %swap3A_874 = tpu.vector_load %arg15[%swap3A_873] {strides = array<i32>} : memref<640xi32, #tpu.memory_space<vmem>>, vector<16xi32>,
        %swap3A_875 = vector.shape_cast %swap3A_874 : vector<16xi32> to vector<16xi32>
        %swap3A_876 = vector.shape_cast %add3A_872 : vector<16xi32> to vector<16xi32>
        tpu.vector_store %arg15[%swap3A_873], %swap3A_876 {strides = array<i32>} : memref<640xi32, #tpu.memory_space<vmem>>, vector<16xi32>,
        %get3A_877 = arith.constant 192 : index
        %get3A_878 = tpu.vector_load %arg11[%get3A_877] {strides = array<i32>} : memref<640xi32, #tpu.memory_space<vmem>>, vector<16xi32>,
        %get3A_879 = vector.shape_cast %get3A_878 : vector<16xi32> to vector<16xi32>
        %mul3A_880 = arith.constant 10240 : i32
        %mul3A_881 = vector.broadcast %mul3A_880 : i32 to vector<16xi32>
        %mul3A_882 = arith.muli %get3A_879, %mul3A_881 : vector<16xi32>
        %get3A_883 = arith.constant 192 : index
        %get3A_884 = tpu.vector_load %arg9[%get3A_883] {strides = array<i32>} : memref<640xi32, #tpu.memory_space<vmem>>, vector<16xi32>,
        %get3A_885 = vector.shape_cast %get3A_884 : vector<16xi32> to vector<16xi32>
        %add3A_886 = arith.addi %mul3A_882, %get3A_885 : vector<16xi32>
        %swap3A_887 = arith.constant 192 : index
        %swap3A_888 = tpu.vector_load %arg15[%swap3A_887] {strides = array<i32>} : memref<640xi32, #tpu.memory_space<vmem>>, vector<16xi32>,
        %swap3A_889 = vector.shape_cast %swap3A_888 : vector<16xi32> to vector<16xi32>
        %swap3A_890 = vector.shape_cast %add3A_886 : vector<16xi32> to vector<16xi32>
        tpu.vector_store %arg15[%swap3A_887], %swap3A_890 {strides = array<i32>} : memref<640xi32, #tpu.memory_space<vmem>>, vector<16xi32>,
        %get3A_891 = arith.constant 208 : index
        %get3A_892 = tpu.vector_load %arg11[%get3A_891] {strides = array<i32>} : memref<640xi32, #tpu.memory_space<vmem>>, vector<16xi32>,
        %get3A_893 = vector.shape_cast %get3A_892 : vector<16xi32> to vector<16xi32>
        %mul3A_894 = arith.constant 10240 : i32
        %mul3A_895 = vector.broadcast %mul3A_894 : i32 to vector<16xi32>
        %mul3A_896 = arith.muli %get3A_893, %mul3A_895 : vector<16xi32>
        %get3A_897 = arith.constant 208 : index
        %get3A_898 = tpu.vector_load %arg9[%get3A_897] {strides = array<i32>} : memref<640xi32, #tpu.memory_space<vmem>>, vector<16xi32>,
        %get3A_899 = vector.shape_cast %get3A_898 : vector<16xi32> to vector<16xi32>
        %add3A_900 = arith.addi %mul3A_896, %get3A_899 : vector<16xi32>
        %swap3A_901 = arith.constant 208 : index
        %swap3A_902 = tpu.vector_load %arg15[%swap3A_901] {strides = array<i32>} : memref<640xi32, #tpu.memory_space<vmem>>, vector<16xi32>,
        %swap3A_903 = vector.shape_cast %swap3A_902 : vector<16xi32> to vector<16xi32>
        %swap3A_904 = vector.shape_cast %add3A_900 : vector<16xi32> to vector<16xi32>
        tpu.vector_store %arg15[%swap3A_901], %swap3A_904 {strides = array<i32>} : memref<640xi32, #tpu.memory_space<vmem>>, vector<16xi32>,
        %get3A_905 = arith.constant 224 : index
        %get3A_906 = tpu.vector_load %arg11[%get3A_905] {strides = array<i32>} : memref<640xi32, #tpu.memory_space<vmem>>, vector<16xi32>,
        %get3A_907 = vector.shape_cast %get3A_906 : vector<16xi32> to vector<16xi32>
        %mul3A_908 = arith.constant 10240 : i32
        %mul3A_909 = vector.broadcast %mul3A_908 : i32 to vector<16xi32>
        %mul3A_910 = arith.muli %get3A_907, %mul3A_909 : vector<16xi32>
        %get3A_911 = arith.constant 224 : index
        %get3A_912 = tpu.vector_load %arg9[%get3A_911] {strides = array<i32>} : memref<640xi32, #tpu.memory_space<vmem>>, vector<16xi32>,
        %get3A_913 = vector.shape_cast %get3A_912 : vector<16xi32> to vector<16xi32>
        %add3A_914 = arith.addi %mul3A_910, %get3A_913 : vector<16xi32>
        %swap3A_915 = arith.constant 224 : index
        %swap3A_916 = tpu.vector_load %arg15[%swap3A_915] {strides = array<i32>} : memref<640xi32, #tpu.memory_space<vmem>>, vector<16xi32>,
        %swap3A_917 = vector.shape_cast %swap3A_916 : vector<16xi32> to vector<16xi32>
        %swap3A_918 = vector.shape_cast %add3A_914 : vector<16xi32> to vector<16xi32>
        tpu.vector_store %arg15[%swap3A_915], %swap3A_918 {strides = array<i32>} : memref<640xi32, #tpu.memory_space<vmem>>, vector<16xi32>,
        %get3A_919 = arith.constant 240 : index
        %get3A_920 = tpu.vector_load %arg11[%get3A_919] {strides = array<i32>} : memref<640xi32, #tpu.memory_space<vmem>>, vector<16xi32>,
        %get3A_921 = vector.shape_cast %get3A_920 : vector<16xi32> to vector<16xi32>
        %mul3A_922 = arith.constant 10240 : i32
        %mul3A_923 = vector.broadcast %mul3A_922 : i32 to vector<16xi32>
        %mul3A_924 = arith.muli %get3A_921, %mul3A_923 : vector<16xi32>
        %get3A_925 = arith.constant 240 : index
        %get3A_926 = tpu.vector_load %arg9[%get3A_925] {strides = array<i32>} : memref<640xi32, #tpu.memory_space<vmem>>, vector<16xi32>,
        %get3A_927 = vector.shape_cast %get3A_926 : vector<16xi32> to vector<16xi32>
        %add3A_928 = arith.addi %mul3A_924, %get3A_927 : vector<16xi32>
        %swap3A_929 = arith.constant 240 : index
        %swap3A_930 = tpu.vector_load %arg15[%swap3A_929] {strides = array<i32>} : memref<640xi32, #tpu.memory_space<vmem>>, vector<16xi32>,
        %swap3A_931 = vector.shape_cast %swap3A_930 : vector<16xi32> to vector<16xi32>
        %swap3A_932 = vector.shape_cast %add3A_928 : vector<16xi32> to vector<16xi32>
        tpu.vector_store %arg15[%swap3A_929], %swap3A_932 {strides = array<i32>} : memref<640xi32, #tpu.memory_space<vmem>>, vector<16xi32>,
        %get3A_933 = arith.constant 256 : index
        %get3A_934 = tpu.vector_load %arg11[%get3A_933] {strides = array<i32>} : memref<640xi32, #tpu.memory_space<vmem>>, vector<16xi32>,
        %get3A_935 = vector.shape_cast %get3A_934 : vector<16xi32> to vector<16xi32>
        %mul3A_936 = arith.constant 10240 : i32
        %mul3A_937 = vector.broadcast %mul3A_936 : i32 to vector<16xi32>
        %mul3A_938 = arith.muli %get3A_935, %mul3A_937 : vector<16xi32>
        %get3A_939 = arith.constant 256 : index
        %get3A_940 = tpu.vector_load %arg9[%get3A_939] {strides = array<i32>} : memref<640xi32, #tpu.memory_space<vmem>>, vector<16xi32>,
        %get3A_941 = vector.shape_cast %get3A_940 : vector<16xi32> to vector<16xi32>
        %add3A_942 = arith.addi %mul3A_938, %get3A_941 : vector<16xi32>
        %swap3A_943 = arith.constant 256 : index
        %swap3A_944 = tpu.vector_load %arg15[%swap3A_943] {strides = array<i32>} : memref<640xi32, #tpu.memory_space<vmem>>, vector<16xi32>,
        %swap3A_945 = vector.shape_cast %swap3A_944 : vector<16xi32> to vector<16xi32>
        %swap3A_946 = vector.shape_cast %add3A_942 : vector<16xi32> to vector<16xi32>
        tpu.vector_store %arg15[%swap3A_943], %swap3A_946 {strides = array<i32>} : memref<640xi32, #tpu.memory_space<vmem>>, vector<16xi32>,
        %get3A_947 = arith.constant 272 : index
        %get3A_948 = tpu.vector_load %arg11[%get3A_947] {strides = array<i32>} : memref<640xi32, #tpu.memory_space<vmem>>, vector<16xi32>,
        %get3A_949 = vector.shape_cast %get3A_948 : vector<16xi32> to vector<16xi32>
        %mul3A_950 = arith.constant 10240 : i32
        %mul3A_951 = vector.broadcast %mul3A_950 : i32 to vector<16xi32>
        %mul3A_952 = arith.muli %get3A_949, %mul3A_951 : vector<16xi32>
        %get3A_953 = arith.constant 272 : index
        %get3A_954 = tpu.vector_load %arg9[%get3A_953] {strides = array<i32>} : memref<640xi32, #tpu.memory_space<vmem>>, vector<16xi32>,
        %get3A_955 = vector.shape_cast %get3A_954 : vector<16xi32> to vector<16xi32>
        %add3A_956 = arith.addi %mul3A_952, %get3A_955 : vector<16xi32>
        %swap3A_957 = arith.constant 272 : index
        %swap3A_958 = tpu.vector_load %arg15[%swap3A_957] {strides = array<i32>} : memref<640xi32, #tpu.memory_space<vmem>>, vector<16xi32>,
        %swap3A_959 = vector.shape_cast %swap3A_958 : vector<16xi32> to vector<16xi32>
        %swap3A_960 = vector.shape_cast %add3A_956 : vector<16xi32> to vector<16xi32>
        tpu.vector_store %arg15[%swap3A_957], %swap3A_960 {strides = array<i32>} : memref<640xi32, #tpu.memory_space<vmem>>, vector<16xi32>,
        %get3A_961 = arith.constant 288 : index
        %get3A_962 = tpu.vector_load %arg11[%get3A_961] {strides = array<i32>} : memref<640xi32, #tpu.memory_space<vmem>>, vector<16xi32>,
        %get3A_963 = vector.shape_cast %get3A_962 : vector<16xi32> to vector<16xi32>
        %mul3A_964 = arith.constant 10240 : i32
        %mul3A_965 = vector.broadcast %mul3A_964 : i32 to vector<16xi32>
        %mul3A_966 = arith.muli %get3A_963, %mul3A_965 : vector<16xi32>
        %get3A_967 = arith.constant 288 : index
        %get3A_968 = tpu.vector_load %arg9[%get3A_967] {strides = array<i32>} : memref<640xi32, #tpu.memory_space<vmem>>, vector<16xi32>,
        %get3A_969 = vector.shape_cast %get3A_968 : vector<16xi32> to vector<16xi32>
        %add3A_970 = arith.addi %mul3A_966, %get3A_969 : vector<16xi32>
        %swap3A_971 = arith.constant 288 : index
        %swap3A_972 = tpu.vector_load %arg15[%swap3A_971] {strides = array<i32>} : memref<640xi32, #tpu.memory_space<vmem>>, vector<16xi32>,
        %swap3A_973 = vector.shape_cast %swap3A_972 : vector<16xi32> to vector<16xi32>
        %swap3A_974 = vector.shape_cast %add3A_970 : vector<16xi32> to vector<16xi32>
        tpu.vector_store %arg15[%swap3A_971], %swap3A_974 {strides = array<i32>} : memref<640xi32, #tpu.memory_space<vmem>>, vector<16xi32>,
        %get3A_975 = arith.constant 304 : index
        %get3A_976 = tpu.vector_load %arg11[%get3A_975] {strides = array<i32>} : memref<640xi32, #tpu.memory_space<vmem>>, vector<16xi32>,
        %get3A_977 = vector.shape_cast %get3A_976 : vector<16xi32> to vector<16xi32>
        %mul3A_978 = arith.constant 10240 : i32
        %mul3A_979 = vector.broadcast %mul3A_978 : i32 to vector<16xi32>
        %mul3A_980 = arith.muli %get3A_977, %mul3A_979 : vector<16xi32>
        %get3A_981 = arith.constant 304 : index
        %get3A_982 = tpu.vector_load %arg9[%get3A_981] {strides = array<i32>} : memref<640xi32, #tpu.memory_space<vmem>>, vector<16xi32>,
        %get3A_983 = vector.shape_cast %get3A_982 : vector<16xi32> to vector<16xi32>
        %add3A_984 = arith.addi %mul3A_980, %get3A_983 : vector<16xi32>
        %swap3A_985 = arith.constant 304 : index
        %swap3A_986 = tpu.vector_load %arg15[%swap3A_985] {strides = array<i32>} : memref<640xi32, #tpu.memory_space<vmem>>, vector<16xi32>,
        %swap3A_987 = vector.shape_cast %swap3A_986 : vector<16xi32> to vector<16xi32>
        %swap3A_988 = vector.shape_cast %add3A_984 : vector<16xi32> to vector<16xi32>
        tpu.vector_store %arg15[%swap3A_985], %swap3A_988 {strides = array<i32>} : memref<640xi32, #tpu.memory_space<vmem>>, vector<16xi32>,
        %get3A_989 = arith.constant 320 : index
        %get3A_990 = tpu.vector_load %arg11[%get3A_989] {strides = array<i32>} : memref<640xi32, #tpu.memory_space<vmem>>, vector<16xi32>,
        %get3A_991 = vector.shape_cast %get3A_990 : vector<16xi32> to vector<16xi32>
        %mul3A_992 = arith.constant 10240 : i32
        %mul3A_993 = vector.broadcast %mul3A_992 : i32 to vector<16xi32>
        %mul3A_994 = arith.muli %get3A_991, %mul3A_993 : vector<16xi32>
        %get3A_995 = arith.constant 320 : index
        %get3A_996 = tpu.vector_load %arg9[%get3A_995] {strides = array<i32>} : memref<640xi32, #tpu.memory_space<vmem>>, vector<16xi32>,
        %get3A_997 = vector.shape_cast %get3A_996 : vector<16xi32> to vector<16xi32>
        %add3A_998 = arith.addi %mul3A_994, %get3A_997 : vector<16xi32>
        %swap3A_999 = arith.constant 320 : index
        %swap3A_1000 = tpu.vector_load %arg15[%swap3A_999] {strides = array<i32>} : memref<640xi32, #tpu.memory_space<vmem>>, vector<16xi32>,
        %swap3A_1001 = vector.shape_cast %swap3A_1000 : vector<16xi32> to vector<16xi32>
        %swap3A_1002 = vector.shape_cast %add3A_998 : vector<16xi32> to vector<16xi32>
        tpu.vector_store %arg15[%swap3A_999], %swap3A_1002 {strides = array<i32>} : memref<640xi32, #tpu.memory_space<vmem>>, vector<16xi32>,
        %get3A_1003 = arith.constant 336 : index
        %get3A_1004 = tpu.vector_load %arg11[%get3A_1003] {strides = array<i32>} : memref<640xi32, #tpu.memory_space<vmem>>, vector<16xi32>,
        %get3A_1005 = vector.shape_cast %get3A_1004 : vector<16xi32> to vector<16xi32>
        %mul3A_1006 = arith.constant 10240 : i32
        %mul3A_1007 = vector.broadcast %mul3A_1006 : i32 to vector<16xi32>
        %mul3A_1008 = arith.muli %get3A_1005, %mul3A_1007 : vector<16xi32>
        %get3A_1009 = arith.constant 336 : index
        %get3A_1010 = tpu.vector_load %arg9[%get3A_1009] {strides = array<i32>} : memref<640xi32, #tpu.memory_space<vmem>>, vector<16xi32>,
        %get3A_1011 = vector.shape_cast %get3A_1010 : vector<16xi32> to vector<16xi32>
        %add3A_1012 = arith.addi %mul3A_1008, %get3A_1011 : vector<16xi32>
        %swap3A_1013 = arith.constant 336 : index
        %swap3A_1014 = tpu.vector_load %arg15[%swap3A_1013] {strides = array<i32>} : memref<640xi32, #tpu.memory_space<vmem>>, vector<16xi32>,
        %swap3A_1015 = vector.shape_cast %swap3A_1014 : vector<16xi32> to vector<16xi32>
        %swap3A_1016 = vector.shape_cast %add3A_1012 : vector<16xi32> to vector<16xi32>
        tpu.vector_store %arg15[%swap3A_1013], %swap3A_1016 {strides = array<i32>} : memref<640xi32, #tpu.memory_space<vmem>>, vector<16xi32>,
        %get3A_1017 = arith.constant 352 : index
        %get3A_1018 = tpu.vector_load %arg11[%get3A_1017] {strides = array<i32>} : memref<640xi32, #tpu.memory_space<vmem>>, vector<16xi32>,
        %get3A_1019 = vector.shape_cast %get3A_1018 : vector<16xi32> to vector<16xi32>
        %mul3A_1020 = arith.constant 10240 : i32
        %mul3A_1021 = vector.broadcast %mul3A_1020 : i32 to vector<16xi32>
        %mul3A_1022 = arith.muli %get3A_1019, %mul3A_1021 : vector<16xi32>
        %get3A_1023 = arith.constant 352 : index
        %get3A_1024 = tpu.vector_load %arg9[%get3A_1023] {strides = array<i32>} : memref<640xi32, #tpu.memory_space<vmem>>, vector<16xi32>,
        %get3A_1025 = vector.shape_cast %get3A_1024 : vector<16xi32> to vector<16xi32>
        %add3A_1026 = arith.addi %mul3A_1022, %get3A_1025 : vector<16xi32>
        %swap3A_1027 = arith.constant 352 : index
        %swap3A_1028 = tpu.vector_load %arg15[%swap3A_1027] {strides = array<i32>} : memref<640xi32, #tpu.memory_space<vmem>>, vector<16xi32>,
        %swap3A_1029 = vector.shape_cast %swap3A_1028 : vector<16xi32> to vector<16xi32>
        %swap3A_1030 = vector.shape_cast %add3A_1026 : vector<16xi32> to vector<16xi32>
        tpu.vector_store %arg15[%swap3A_1027], %swap3A_1030 {strides = array<i32>} : memref<640xi32, #tpu.memory_space<vmem>>, vector<16xi32>,
        %get3A_1031 = arith.constant 368 : index
        %get3A_1032 = tpu.vector_load %arg11[%get3A_1031] {strides = array<i32>} : memref<640xi32, #tpu.memory_space<vmem>>, vector<16xi32>,
        %get3A_1033 = vector.shape_cast %get3A_1032 : vector<16xi32> to vector<16xi32>
        %mul3A_1034 = arith.constant 10240 : i32
        %mul3A_1035 = vector.broadcast %mul3A_1034 : i32 to vector<16xi32>
        %mul3A_1036 = arith.muli %get3A_1033, %mul3A_1035 : vector<16xi32>
        %get3A_1037 = arith.constant 368 : index
        %get3A_1038 = tpu.vector_load %arg9[%get3A_1037] {strides = array<i32>} : memref<640xi32, #tpu.memory_space<vmem>>, vector<16xi32>,
        %get3A_1039 = vector.shape_cast %get3A_1038 : vector<16xi32> to vector<16xi32>
        %add3A_1040 = arith.addi %mul3A_1036, %get3A_1039 : vector<16xi32>
        %swap3A_1041 = arith.constant 368 : index
        %swap3A_1042 = tpu.vector_load %arg15[%swap3A_1041] {strides = array<i32>} : memref<640xi32, #tpu.memory_space<vmem>>, vector<16xi32>,
        %swap3A_1043 = vector.shape_cast %swap3A_1042 : vector<16xi32> to vector<16xi32>
        %swap3A_1044 = vector.shape_cast %add3A_1040 : vector<16xi32> to vector<16xi32>
        tpu.vector_store %arg15[%swap3A_1041], %swap3A_1044 {strides = array<i32>} : memref<640xi32, #tpu.memory_space<vmem>>, vector<16xi32>,
        %get3A_1045 = arith.constant 384 : index
        %get3A_1046 = tpu.vector_load %arg11[%get3A_1045] {strides = array<i32>} : memref<640xi32, #tpu.memory_space<vmem>>, vector<16xi32>,
        %get3A_1047 = vector.shape_cast %get3A_1046 : vector<16xi32> to vector<16xi32>
        %mul3A_1048 = arith.constant 10240 : i32
        %mul3A_1049 = vector.broadcast %mul3A_1048 : i32 to vector<16xi32>
        %mul3A_1050 = arith.muli %get3A_1047, %mul3A_1049 : vector<16xi32>
        %get3A_1051 = arith.constant 384 : index
        %get3A_1052 = tpu.vector_load %arg9[%get3A_1051] {strides = array<i32>} : memref<640xi32, #tpu.memory_space<vmem>>, vector<16xi32>,
        %get3A_1053 = vector.shape_cast %get3A_1052 : vector<16xi32> to vector<16xi32>
        %add3A_1054 = arith.addi %mul3A_1050, %get3A_1053 : vector<16xi32>
        %swap3A_1055 = arith.constant 384 : index
        %swap3A_1056 = tpu.vector_load %arg15[%swap3A_1055] {strides = array<i32>} : memref<640xi32, #tpu.memory_space<vmem>>, vector<16xi32>,
        %swap3A_1057 = vector.shape_cast %swap3A_1056 : vector<16xi32> to vector<16xi32>
        %swap3A_1058 = vector.shape_cast %add3A_1054 : vector<16xi32> to vector<16xi32>
        tpu.vector_store %arg15[%swap3A_1055], %swap3A_1058 {strides = array<i32>} : memref<640xi32, #tpu.memory_space<vmem>>, vector<16xi32>,
        %get3A_1059 = arith.constant 400 : index
        %get3A_1060 = tpu.vector_load %arg11[%get3A_1059] {strides = array<i32>} : memref<640xi32, #tpu.memory_space<vmem>>, vector<16xi32>,
        %get3A_1061 = vector.shape_cast %get3A_1060 : vector<16xi32> to vector<16xi32>
        %mul3A_1062 = arith.constant 10240 : i32
        %mul3A_1063 = vector.broadcast %mul3A_1062 : i32 to vector<16xi32>
        %mul3A_1064 = arith.muli %get3A_1061, %mul3A_1063 : vector<16xi32>
        %get3A_1065 = arith.constant 400 : index
        %get3A_1066 = tpu.vector_load %arg9[%get3A_1065] {strides = array<i32>} : memref<640xi32, #tpu.memory_space<vmem>>, vector<16xi32>,
        %get3A_1067 = vector.shape_cast %get3A_1066 : vector<16xi32> to vector<16xi32>
        %add3A_1068 = arith.addi %mul3A_1064, %get3A_1067 : vector<16xi32>
        %swap3A_1069 = arith.constant 400 : index
        %swap3A_1070 = tpu.vector_load %arg15[%swap3A_1069] {strides = array<i32>} : memref<640xi32, #tpu.memory_space<vmem>>, vector<16xi32>,
        %swap3A_1071 = vector.shape_cast %swap3A_1070 : vector<16xi32> to vector<16xi32>
        %swap3A_1072 = vector.shape_cast %add3A_1068 : vector<16xi32> to vector<16xi32>
        tpu.vector_store %arg15[%swap3A_1069], %swap3A_1072 {strides = array<i32>} : memref<640xi32, #tpu.memory_space<vmem>>, vector<16xi32>,
        %get3A_1073 = arith.constant 416 : index
        %get3A_1074 = tpu.vector_load %arg11[%get3A_1073] {strides = array<i32>} : memref<640xi32, #tpu.memory_space<vmem>>, vector<16xi32>,
        %get3A_1075 = vector.shape_cast %get3A_1074 : vector<16xi32> to vector<16xi32>
        %mul3A_1076 = arith.constant 10240 : i32
        %mul3A_1077 = vector.broadcast %mul3A_1076 : i32 to vector<16xi32>
        %mul3A_1078 = arith.muli %get3A_1075, %mul3A_1077 : vector<16xi32>
        %get3A_1079 = arith.constant 416 : index
        %get3A_1080 = tpu.vector_load %arg9[%get3A_1079] {strides = array<i32>} : memref<640xi32, #tpu.memory_space<vmem>>, vector<16xi32>,
        %get3A_1081 = vector.shape_cast %get3A_1080 : vector<16xi32> to vector<16xi32>
        %add3A_1082 = arith.addi %mul3A_1078, %get3A_1081 : vector<16xi32>
        %swap3A_1083 = arith.constant 416 : index
        %swap3A_1084 = tpu.vector_load %arg15[%swap3A_1083] {strides = array<i32>} : memref<640xi32, #tpu.memory_space<vmem>>, vector<16xi32>,
        %swap3A_1085 = vector.shape_cast %swap3A_1084 : vector<16xi32> to vector<16xi32>
        %swap3A_1086 = vector.shape_cast %add3A_1082 : vector<16xi32> to vector<16xi32>
        tpu.vector_store %arg15[%swap3A_1083], %swap3A_1086 {strides = array<i32>} : memref<640xi32, #tpu.memory_space<vmem>>, vector<16xi32>,
        %get3A_1087 = arith.constant 432 : index
        %get3A_1088 = tpu.vector_load %arg11[%get3A_1087] {strides = array<i32>} : memref<640xi32, #tpu.memory_space<vmem>>, vector<16xi32>,
        %get3A_1089 = vector.shape_cast %get3A_1088 : vector<16xi32> to vector<16xi32>
        %mul3A_1090 = arith.constant 10240 : i32
        %mul3A_1091 = vector.broadcast %mul3A_1090 : i32 to vector<16xi32>
        %mul3A_1092 = arith.muli %get3A_1089, %mul3A_1091 : vector<16xi32>
        %get3A_1093 = arith.constant 432 : index
        %get3A_1094 = tpu.vector_load %arg9[%get3A_1093] {strides = array<i32>} : memref<640xi32, #tpu.memory_space<vmem>>, vector<16xi32>,
        %get3A_1095 = vector.shape_cast %get3A_1094 : vector<16xi32> to vector<16xi32>
        %add3A_1096 = arith.addi %mul3A_1092, %get3A_1095 : vector<16xi32>
        %swap3A_1097 = arith.constant 432 : index
        %swap3A_1098 = tpu.vector_load %arg15[%swap3A_1097] {strides = array<i32>} : memref<640xi32, #tpu.memory_space<vmem>>, vector<16xi32>,
        %swap3A_1099 = vector.shape_cast %swap3A_1098 : vector<16xi32> to vector<16xi32>
        %swap3A_1100 = vector.shape_cast %add3A_1096 : vector<16xi32> to vector<16xi32>
        tpu.vector_store %arg15[%swap3A_1097], %swap3A_1100 {strides = array<i32>} : memref<640xi32, #tpu.memory_space<vmem>>, vector<16xi32>,
        %get3A_1101 = arith.constant 448 : index
        %get3A_1102 = tpu.vector_load %arg11[%get3A_1101] {strides = array<i32>} : memref<640xi32, #tpu.memory_space<vmem>>, vector<16xi32>,
        %get3A_1103 = vector.shape_cast %get3A_1102 : vector<16xi32> to vector<16xi32>
        %mul3A_1104 = arith.constant 10240 : i32
        %mul3A_1105 = vector.broadcast %mul3A_1104 : i32 to vector<16xi32>
        %mul3A_1106 = arith.muli %get3A_1103, %mul3A_1105 : vector<16xi32>
        %get3A_1107 = arith.constant 448 : index
        %get3A_1108 = tpu.vector_load %arg9[%get3A_1107] {strides = array<i32>} : memref<640xi32, #tpu.memory_space<vmem>>, vector<16xi32>,
        %get3A_1109 = vector.shape_cast %get3A_1108 : vector<16xi32> to vector<16xi32>
        %add3A_1110 = arith.addi %mul3A_1106, %get3A_1109 : vector<16xi32>
        %swap3A_1111 = arith.constant 448 : index
        %swap3A_1112 = tpu.vector_load %arg15[%swap3A_1111] {strides = array<i32>} : memref<640xi32, #tpu.memory_space<vmem>>, vector<16xi32>,
        %swap3A_1113 = vector.shape_cast %swap3A_1112 : vector<16xi32> to vector<16xi32>
        %swap3A_1114 = vector.shape_cast %add3A_1110 : vector<16xi32> to vector<16xi32>
        tpu.vector_store %arg15[%swap3A_1111], %swap3A_1114 {strides = array<i32>} : memref<640xi32, #tpu.memory_space<vmem>>, vector<16xi32>,
        %get3A_1115 = arith.constant 464 : index
        %get3A_1116 = tpu.vector_load %arg11[%get3A_1115] {strides = array<i32>} : memref<640xi32, #tpu.memory_space<vmem>>, vector<16xi32>,
        %get3A_1117 = vector.shape_cast %get3A_1116 : vector<16xi32> to vector<16xi32>
        %mul3A_1118 = arith.constant 10240 : i32
        %mul3A_1119 = vector.broadcast %mul3A_1118 : i32 to vector<16xi32>
        %mul3A_1120 = arith.muli %get3A_1117, %mul3A_1119 : vector<16xi32>
        %get3A_1121 = arith.constant 464 : index
        %get3A_1122 = tpu.vector_load %arg9[%get3A_1121] {strides = array<i32>} : memref<640xi32, #tpu.memory_space<vmem>>, vector<16xi32>,
        %get3A_1123 = vector.shape_cast %get3A_1122 : vector<16xi32> to vector<16xi32>
        %add3A_1124 = arith.addi %mul3A_1120, %get3A_1123 : vector<16xi32>
        %swap3A_1125 = arith.constant 464 : index
        %swap3A_1126 = tpu.vector_load %arg15[%swap3A_1125] {strides = array<i32>} : memref<640xi32, #tpu.memory_space<vmem>>, vector<16xi32>,
        %swap3A_1127 = vector.shape_cast %swap3A_1126 : vector<16xi32> to vector<16xi32>
        %swap3A_1128 = vector.shape_cast %add3A_1124 : vector<16xi32> to vector<16xi32>
        tpu.vector_store %arg15[%swap3A_1125], %swap3A_1128 {strides = array<i32>} : memref<640xi32, #tpu.memory_space<vmem>>, vector<16xi32>,
        %get3A_1129 = arith.constant 480 : index
        %get3A_1130 = tpu.vector_load %arg11[%get3A_1129] {strides = array<i32>} : memref<640xi32, #tpu.memory_space<vmem>>, vector<16xi32>,
        %get3A_1131 = vector.shape_cast %get3A_1130 : vector<16xi32> to vector<16xi32>
        %mul3A_1132 = arith.constant 10240 : i32
        %mul3A_1133 = vector.broadcast %mul3A_1132 : i32 to vector<16xi32>
        %mul3A_1134 = arith.muli %get3A_1131, %mul3A_1133 : vector<16xi32>
        %get3A_1135 = arith.constant 480 : index
        %get3A_1136 = tpu.vector_load %arg9[%get3A_1135] {strides = array<i32>} : memref<640xi32, #tpu.memory_space<vmem>>, vector<16xi32>,
        %get3A_1137 = vector.shape_cast %get3A_1136 : vector<16xi32> to vector<16xi32>
        %add3A_1138 = arith.addi %mul3A_1134, %get3A_1137 : vector<16xi32>
        %swap3A_1139 = arith.constant 480 : index
        %swap3A_1140 = tpu.vector_load %arg15[%swap3A_1139] {strides = array<i32>} : memref<640xi32, #tpu.memory_space<vmem>>, vector<16xi32>,
        %swap3A_1141 = vector.shape_cast %swap3A_1140 : vector<16xi32> to vector<16xi32>
        %swap3A_1142 = vector.shape_cast %add3A_1138 : vector<16xi32> to vector<16xi32>
        tpu.vector_store %arg15[%swap3A_1139], %swap3A_1142 {strides = array<i32>} : memref<640xi32, #tpu.memory_space<vmem>>, vector<16xi32>,
        %get3A_1143 = arith.constant 496 : index
        %get3A_1144 = tpu.vector_load %arg11[%get3A_1143] {strides = array<i32>} : memref<640xi32, #tpu.memory_space<vmem>>, vector<16xi32>,
        %get3A_1145 = vector.shape_cast %get3A_1144 : vector<16xi32> to vector<16xi32>
        %mul3A_1146 = arith.constant 10240 : i32
        %mul3A_1147 = vector.broadcast %mul3A_1146 : i32 to vector<16xi32>
        %mul3A_1148 = arith.muli %get3A_1145, %mul3A_1147 : vector<16xi32>
        %get3A_1149 = arith.constant 496 : index
        %get3A_1150 = tpu.vector_load %arg9[%get3A_1149] {strides = array<i32>} : memref<640xi32, #tpu.memory_space<vmem>>, vector<16xi32>,
        %get3A_1151 = vector.shape_cast %get3A_1150 : vector<16xi32> to vector<16xi32>
        %add3A_1152 = arith.addi %mul3A_1148, %get3A_1151 : vector<16xi32>
        %swap3A_1153 = arith.constant 496 : index
        %swap3A_1154 = tpu.vector_load %arg15[%swap3A_1153] {strides = array<i32>} : memref<640xi32, #tpu.memory_space<vmem>>, vector<16xi32>,
        %swap3A_1155 = vector.shape_cast %swap3A_1154 : vector<16xi32> to vector<16xi32>
        %swap3A_1156 = vector.shape_cast %add3A_1152 : vector<16xi32> to vector<16xi32>
        tpu.vector_store %arg15[%swap3A_1153], %swap3A_1156 {strides = array<i32>} : memref<640xi32, #tpu.memory_space<vmem>>, vector<16xi32>,
        %get3A_1157 = arith.constant 512 : index
        %get3A_1158 = tpu.vector_load %arg11[%get3A_1157] {strides = array<i32>} : memref<640xi32, #tpu.memory_space<vmem>>, vector<16xi32>,
        %get3A_1159 = vector.shape_cast %get3A_1158 : vector<16xi32> to vector<16xi32>
        %mul3A_1160 = arith.constant 10240 : i32
        %mul3A_1161 = vector.broadcast %mul3A_1160 : i32 to vector<16xi32>
        %mul3A_1162 = arith.muli %get3A_1159, %mul3A_1161 : vector<16xi32>
        %get3A_1163 = arith.constant 512 : index
        %get3A_1164 = tpu.vector_load %arg9[%get3A_1163] {strides = array<i32>} : memref<640xi32, #tpu.memory_space<vmem>>, vector<16xi32>,
        %get3A_1165 = vector.shape_cast %get3A_1164 : vector<16xi32> to vector<16xi32>
        %add3A_1166 = arith.addi %mul3A_1162, %get3A_1165 : vector<16xi32>
        %swap3A_1167 = arith.constant 512 : index
        %swap3A_1168 = tpu.vector_load %arg15[%swap3A_1167] {strides = array<i32>} : memref<640xi32, #tpu.memory_space<vmem>>, vector<16xi32>,
        %swap3A_1169 = vector.shape_cast %swap3A_1168 : vector<16xi32> to vector<16xi32>
        %swap3A_1170 = vector.shape_cast %add3A_1166 : vector<16xi32> to vector<16xi32>
        tpu.vector_store %arg15[%swap3A_1167], %swap3A_1170 {strides = array<i32>} : memref<640xi32, #tpu.memory_space<vmem>>, vector<16xi32>,
        %get3A_1171 = arith.constant 528 : index
        %get3A_1172 = tpu.vector_load %arg11[%get3A_1171] {strides = array<i32>} : memref<640xi32, #tpu.memory_space<vmem>>, vector<16xi32>,
        %get3A_1173 = vector.shape_cast %get3A_1172 : vector<16xi32> to vector<16xi32>
        %mul3A_1174 = arith.constant 10240 : i32
        %mul3A_1175 = vector.broadcast %mul3A_1174 : i32 to vector<16xi32>
        %mul3A_1176 = arith.muli %get3A_1173, %mul3A_1175 : vector<16xi32>
        %get3A_1177 = arith.constant 528 : index
        %get3A_1178 = tpu.vector_load %arg9[%get3A_1177] {strides = array<i32>} : memref<640xi32, #tpu.memory_space<vmem>>, vector<16xi32>,
        %get3A_1179 = vector.shape_cast %get3A_1178 : vector<16xi32> to vector<16xi32>
        %add3A_1180 = arith.addi %mul3A_1176, %get3A_1179 : vector<16xi32>
        %swap3A_1181 = arith.constant 528 : index
        %swap3A_1182 = tpu.vector_load %arg15[%swap3A_1181] {strides = array<i32>} : memref<640xi32, #tpu.memory_space<vmem>>, vector<16xi32>,
        %swap3A_1183 = vector.shape_cast %swap3A_1182 : vector<16xi32> to vector<16xi32>
        %swap3A_1184 = vector.shape_cast %add3A_1180 : vector<16xi32> to vector<16xi32>
        tpu.vector_store %arg15[%swap3A_1181], %swap3A_1184 {strides = array<i32>} : memref<640xi32, #tpu.memory_space<vmem>>, vector<16xi32>,
        %get3A_1185 = arith.constant 544 : index
        %get3A_1186 = tpu.vector_load %arg11[%get3A_1185] {strides = array<i32>} : memref<640xi32, #tpu.memory_space<vmem>>, vector<16xi32>,
        %get3A_1187 = vector.shape_cast %get3A_1186 : vector<16xi32> to vector<16xi32>
        %mul3A_1188 = arith.constant 10240 : i32
        %mul3A_1189 = vector.broadcast %mul3A_1188 : i32 to vector<16xi32>
        %mul3A_1190 = arith.muli %get3A_1187, %mul3A_1189 : vector<16xi32>
        %get3A_1191 = arith.constant 544 : index
        %get3A_1192 = tpu.vector_load %arg9[%get3A_1191] {strides = array<i32>} : memref<640xi32, #tpu.memory_space<vmem>>, vector<16xi32>,
        %get3A_1193 = vector.shape_cast %get3A_1192 : vector<16xi32> to vector<16xi32>
        %add3A_1194 = arith.addi %mul3A_1190, %get3A_1193 : vector<16xi32>
        %swap3A_1195 = arith.constant 544 : index
        %swap3A_1196 = tpu.vector_load %arg15[%swap3A_1195] {strides = array<i32>} : memref<640xi32, #tpu.memory_space<vmem>>, vector<16xi32>,
        %swap3A_1197 = vector.shape_cast %swap3A_1196 : vector<16xi32> to vector<16xi32>
        %swap3A_1198 = vector.shape_cast %add3A_1194 : vector<16xi32> to vector<16xi32>
        tpu.vector_store %arg15[%swap3A_1195], %swap3A_1198 {strides = array<i32>} : memref<640xi32, #tpu.memory_space<vmem>>, vector<16xi32>,
        %get3A_1199 = arith.constant 560 : index
        %get3A_1200 = tpu.vector_load %arg11[%get3A_1199] {strides = array<i32>} : memref<640xi32, #tpu.memory_space<vmem>>, vector<16xi32>,
        %get3A_1201 = vector.shape_cast %get3A_1200 : vector<16xi32> to vector<16xi32>
        %mul3A_1202 = arith.constant 10240 : i32
        %mul3A_1203 = vector.broadcast %mul3A_1202 : i32 to vector<16xi32>
        %mul3A_1204 = arith.muli %get3A_1201, %mul3A_1203 : vector<16xi32>
        %get3A_1205 = arith.constant 560 : index
        %get3A_1206 = tpu.vector_load %arg9[%get3A_1205] {strides = array<i32>} : memref<640xi32, #tpu.memory_space<vmem>>, vector<16xi32>,
        %get3A_1207 = vector.shape_cast %get3A_1206 : vector<16xi32> to vector<16xi32>
        %add3A_1208 = arith.addi %mul3A_1204, %get3A_1207 : vector<16xi32>
        %swap3A_1209 = arith.constant 560 : index
        %swap3A_1210 = tpu.vector_load %arg15[%swap3A_1209] {strides = array<i32>} : memref<640xi32, #tpu.memory_space<vmem>>, vector<16xi32>,
        %swap3A_1211 = vector.shape_cast %swap3A_1210 : vector<16xi32> to vector<16xi32>
        %swap3A_1212 = vector.shape_cast %add3A_1208 : vector<16xi32> to vector<16xi32>
        tpu.vector_store %arg15[%swap3A_1209], %swap3A_1212 {strides = array<i32>} : memref<640xi32, #tpu.memory_space<vmem>>, vector<16xi32>,
        %get3A_1213 = arith.constant 576 : index
        %get3A_1214 = tpu.vector_load %arg11[%get3A_1213] {strides = array<i32>} : memref<640xi32, #tpu.memory_space<vmem>>, vector<16xi32>,
        %get3A_1215 = vector.shape_cast %get3A_1214 : vector<16xi32> to vector<16xi32>
        %mul3A_1216 = arith.constant 10240 : i32
        %mul3A_1217 = vector.broadcast %mul3A_1216 : i32 to vector<16xi32>
        %mul3A_1218 = arith.muli %get3A_1215, %mul3A_1217 : vector<16xi32>
        %get3A_1219 = arith.constant 576 : index
        %get3A_1220 = tpu.vector_load %arg9[%get3A_1219] {strides = array<i32>} : memref<640xi32, #tpu.memory_space<vmem>>, vector<16xi32>,
        %get3A_1221 = vector.shape_cast %get3A_1220 : vector<16xi32> to vector<16xi32>
        %add3A_1222 = arith.addi %mul3A_1218, %get3A_1221 : vector<16xi32>
        %swap3A_1223 = arith.constant 576 : index
        %swap3A_1224 = tpu.vector_load %arg15[%swap3A_1223] {strides = array<i32>} : memref<640xi32, #tpu.memory_space<vmem>>, vector<16xi32>,
        %swap3A_1225 = vector.shape_cast %swap3A_1224 : vector<16xi32> to vector<16xi32>
        %swap3A_1226 = vector.shape_cast %add3A_1222 : vector<16xi32> to vector<16xi32>
        tpu.vector_store %arg15[%swap3A_1223], %swap3A_1226 {strides = array<i32>} : memref<640xi32, #tpu.memory_space<vmem>>, vector<16xi32>,
        %get3A_1227 = arith.constant 592 : index
        %get3A_1228 = tpu.vector_load %arg11[%get3A_1227] {strides = array<i32>} : memref<640xi32, #tpu.memory_space<vmem>>, vector<16xi32>,
        %get3A_1229 = vector.shape_cast %get3A_1228 : vector<16xi32> to vector<16xi32>
        %mul3A_1230 = arith.constant 10240 : i32
        %mul3A_1231 = vector.broadcast %mul3A_1230 : i32 to vector<16xi32>
        %mul3A_1232 = arith.muli %get3A_1229, %mul3A_1231 : vector<16xi32>
        %get3A_1233 = arith.constant 592 : index
        %get3A_1234 = tpu.vector_load %arg9[%get3A_1233] {strides = array<i32>} : memref<640xi32, #tpu.memory_space<vmem>>, vector<16xi32>,
        %get3A_1235 = vector.shape_cast %get3A_1234 : vector<16xi32> to vector<16xi32>
        %add3A_1236 = arith.addi %mul3A_1232, %get3A_1235 : vector<16xi32>
        %swap3A_1237 = arith.constant 592 : index
        %swap3A_1238 = tpu.vector_load %arg15[%swap3A_1237] {strides = array<i32>} : memref<640xi32, #tpu.memory_space<vmem>>, vector<16xi32>,
        %swap3A_1239 = vector.shape_cast %swap3A_1238 : vector<16xi32> to vector<16xi32>
        %swap3A_1240 = vector.shape_cast %add3A_1236 : vector<16xi32> to vector<16xi32>
        tpu.vector_store %arg15[%swap3A_1237], %swap3A_1240 {strides = array<i32>} : memref<640xi32, #tpu.memory_space<vmem>>, vector<16xi32>,
        %get3A_1241 = arith.constant 608 : index
        %get3A_1242 = tpu.vector_load %arg11[%get3A_1241] {strides = array<i32>} : memref<640xi32, #tpu.memory_space<vmem>>, vector<16xi32>,
        %get3A_1243 = vector.shape_cast %get3A_1242 : vector<16xi32> to vector<16xi32>
        %mul3A_1244 = arith.constant 10240 : i32
        %mul3A_1245 = vector.broadcast %mul3A_1244 : i32 to vector<16xi32>
        %mul3A_1246 = arith.muli %get3A_1243, %mul3A_1245 : vector<16xi32>
        %get3A_1247 = arith.constant 608 : index
        %get3A_1248 = tpu.vector_load %arg9[%get3A_1247] {strides = array<i32>} : memref<640xi32, #tpu.memory_space<vmem>>, vector<16xi32>,
        %get3A_1249 = vector.shape_cast %get3A_1248 : vector<16xi32> to vector<16xi32>
        %add3A_1250 = arith.addi %mul3A_1246, %get3A_1249 : vector<16xi32>
        %swap3A_1251 = arith.constant 608 : index
        %swap3A_1252 = tpu.vector_load %arg15[%swap3A_1251] {strides = array<i32>} : memref<640xi32, #tpu.memory_space<vmem>>, vector<16xi32>,
        %swap3A_1253 = vector.shape_cast %swap3A_1252 : vector<16xi32> to vector<16xi32>
        %swap3A_1254 = vector.shape_cast %add3A_1250 : vector<16xi32> to vector<16xi32>
        tpu.vector_store %arg15[%swap3A_1251], %swap3A_1254 {strides = array<i32>} : memref<640xi32, #tpu.memory_space<vmem>>, vector<16xi32>,
        %get3A_1255 = arith.constant 624 : index
        %get3A_1256 = tpu.vector_load %arg11[%get3A_1255] {strides = array<i32>} : memref<640xi32, #tpu.memory_space<vmem>>, vector<16xi32>,
        %get3A_1257 = vector.shape_cast %get3A_1256 : vector<16xi32> to vector<16xi32>
        %mul3A_1258 = arith.constant 10240 : i32
        %mul3A_1259 = vector.broadcast %mul3A_1258 : i32 to vector<16xi32>
        %mul3A_1260 = arith.muli %get3A_1257, %mul3A_1259 : vector<16xi32>
        %get3A_1261 = arith.constant 624 : index
        %get3A_1262 = tpu.vector_load %arg9[%get3A_1261] {strides = array<i32>} : memref<640xi32, #tpu.memory_space<vmem>>, vector<16xi32>,
        %get3A_1263 = vector.shape_cast %get3A_1262 : vector<16xi32> to vector<16xi32>
        %add3A_1264 = arith.addi %mul3A_1260, %get3A_1263 : vector<16xi32>
        %swap3A_1265 = arith.constant 624 : index
        %swap3A_1266 = tpu.vector_load %arg15[%swap3A_1265] {strides = array<i32>} : memref<640xi32, #tpu.memory_space<vmem>>, vector<16xi32>,
        %swap3A_1267 = vector.shape_cast %swap3A_1266 : vector<16xi32> to vector<16xi32>
        %swap3A_1268 = vector.shape_cast %add3A_1264 : vector<16xi32> to vector<16xi32>
        tpu.vector_store %arg15[%swap3A_1265], %swap3A_1268 {strides = array<i32>} : memref<640xi32, #tpu.memory_space<vmem>>, vector<16xi32>,
        %dma_start3A_1269 = arith.constant 0 : i32
        %dma_start3A_1270 = arith.constant 0 : i32
        %dma_start3A_1271 = tpu.memref_slice %arg2[%dma_start3A_1269, %dma_start3A_1270] : memref<71680x32xf32, #tpu.memory_space<hbm>> -> memref<71680x32xf32, #tpu.memory_space<hbm>>
        tpu.enqueue_indirect_dma source(%dma_start3A_1271 : memref<71680x32xf32, #tpu.memory_space<hbm>>) target(%arg17 : memref<640x32xf32, #tpu.memory_space<vmem>>) offsets(%arg15 : memref<640xi32, #tpu.memory_space<vmem>>) semaphore(%arg22 : memref<!tpu.dma_semaphore, #tpu.memory_space<semaphore_mem>>)
      } else {
      }
      %dma_wait3A_678 = arith.constant 0 : i32
      %dma_wait3A_679 = arith.constant 0 : i32
      %dma_wait3A_680 = tpu.memref_slice %arg2[%dma_wait3A_678, %dma_wait3A_679] : memref<71680x32xf32, #tpu.memory_space<hbm>> -> memref<71680x32xf32, #tpu.memory_space<hbm>>
      tpu.wait_indirect_dma semaphore(%arg21 : memref<!tpu.dma_semaphore, #tpu.memory_space<semaphore_mem>>) src(%dma_wait3A_680 : memref<71680x32xf32, #tpu.memory_space<hbm>>) dst(%arg16 : memref<640x32xf32, #tpu.memory_space<vmem>>)
      "tpu.region"() ({
        %run_scoped3A = tpu.sem_alloc : memref<!tpu.dma_semaphore, #tpu.memory_space<semaphore_mem>>
        %dma_start3A_697 = arith.constant 0 : i32
        %dma_start3A_698 = arith.constant 0 : i32
        %dma_start3A_699 = tpu.memref_slice %arg18[%dma_start3A_697, %dma_start3A_698] : memref<10000x32xf32, #tpu.memory_space<vmem_shared>> -> memref<10000x32xf32, #tpu.memory_space<vmem_shared>>
        tpu.enqueue_indirect_dma source(%arg16 : memref<640x32xf32, #tpu.memory_space<vmem>>) target(%dma_start3A_699 : memref<10000x32xf32, #tpu.memory_space<vmem_shared>>) offsets(%arg12 : memref<640xi32, #tpu.memory_space<vmem>>) semaphore(%run_scoped3A : memref<!tpu.dma_semaphore, #tpu.memory_space<semaphore_mem>>) {add = true}
        %dma_wait3A_700 = arith.constant 0 : i32
        %dma_wait3A_701 = arith.constant 0 : i32
        %dma_wait3A_702 = tpu.memref_slice %arg18[%dma_wait3A_700, %dma_wait3A_701] : memref<10000x32xf32, #tpu.memory_space<vmem_shared>> -> memref<10000x32xf32, #tpu.memory_space<vmem_shared>>
        tpu.wait_indirect_dma semaphore(%run_scoped3A : memref<!tpu.dma_semaphore, #tpu.memory_space<semaphore_mem>>) src(%arg16 : memref<640x32xf32, #tpu.memory_space<vmem>>) dst(%dma_wait3A_702 : memref<10000x32xf32, #tpu.memory_space<vmem_shared>>)
        tpu.yield
      }) : () -> ()
      %lt3A_681 = arith.cmpi slt, %add3A_670, %select_n3A : i32
      %convert_element_type3A_682 = arith.extui %lt3A_681 : i1 to i32
      %cond3A_683 = arith.constant 0 : i32
      %cond3A_684 = arith.cmpi ne, %convert_element_type3A_682, %cond3A_683 : i32
      scf.if %cond3A_684 {
        %mul3A_697 = arith.constant 32 : i32
        %mul3A_698 = arith.muli %add3A_670, %mul3A_697 : i32
        %add3A_699 = arith.addi %add3A, %mul3A_698 : i32
        %mul3A_700 = arith.constant 640 : i32
        %mul3A_701 = arith.muli %add3A_699, %mul3A_700 : i32
        %dma_start3A_702 = tpu.memref_slice %arg3[%mul3A_701] : memref<320000xi32, #tpu.memory_space<hbm>> -> memref<640xi32, #tpu.memory_space<hbm>>
        %dma_start3A_703 = tpu.memref_slice %arg3[%mul3A_701] : memref<320000xi32, #tpu.memory_space<hbm>> -> memref<640xi32, #tpu.memory_space<hbm>>
        tpu.enqueue_dma source(%dma_start3A_703 : memref<640xi32, #tpu.memory_space<hbm>>) target(%arg8 : memref<640xi32, #tpu.memory_space<vmem>>) target_semaphore(%arg19 : memref<!tpu.dma_semaphore, #tpu.memory_space<semaphore_mem>>)
        %dma_start3A_704 = tpu.memref_slice %arg4[%mul3A_701] : memref<320000xi32, #tpu.memory_space<hbm>> -> memref<640xi32, #tpu.memory_space<hbm>>
        %dma_start3A_705 = tpu.memref_slice %arg4[%mul3A_701] : memref<320000xi32, #tpu.memory_space<hbm>> -> memref<640xi32, #tpu.memory_space<hbm>>
        tpu.enqueue_dma source(%dma_start3A_705 : memref<640xi32, #tpu.memory_space<hbm>>) target(%arg10 : memref<640xi32, #tpu.memory_space<vmem>>) target_semaphore(%arg19 : memref<!tpu.dma_semaphore, #tpu.memory_space<semaphore_mem>>)
        %dma_start3A_706 = tpu.memref_slice %arg5[%mul3A_701] : memref<320000xi32, #tpu.memory_space<hbm>> -> memref<640xi32, #tpu.memory_space<hbm>>
        %dma_start3A_707 = tpu.memref_slice %arg5[%mul3A_701] : memref<320000xi32, #tpu.memory_space<hbm>> -> memref<640xi32, #tpu.memory_space<hbm>>
        tpu.enqueue_dma source(%dma_start3A_707 : memref<640xi32, #tpu.memory_space<hbm>>) target(%arg12 : memref<640xi32, #tpu.memory_space<vmem>>) target_semaphore(%arg19 : memref<!tpu.dma_semaphore, #tpu.memory_space<semaphore_mem>>)
      } else {
      }
      %lt3A_685 = arith.cmpi slt, %add3A_666, %select_n3A : i32
      %convert_element_type3A_686 = arith.extui %lt3A_685 : i1 to i32
      %cond3A_687 = arith.constant 0 : i32
      %cond3A_688 = arith.cmpi ne, %convert_element_type3A_686, %cond3A_687 : i32
      scf.if %cond3A_688 {
        %dma_wait3A_697 = arith.constant 0 : i32
        %dma_wait3A_698 = arith.constant 0 : i32
        %dma_wait3A_699 = tpu.memref_slice %arg2[%dma_wait3A_697, %dma_wait3A_698] : memref<71680x32xf32, #tpu.memory_space<hbm>> -> memref<71680x32xf32, #tpu.memory_space<hbm>>
        tpu.wait_indirect_dma semaphore(%arg22 : memref<!tpu.dma_semaphore, #tpu.memory_space<semaphore_mem>>) src(%dma_wait3A_699 : memref<71680x32xf32, #tpu.memory_space<hbm>>) dst(%arg17 : memref<640x32xf32, #tpu.memory_space<vmem>>)
        "tpu.region"() ({
          %run_scoped3A = tpu.sem_alloc : memref<!tpu.dma_semaphore, #tpu.memory_space<semaphore_mem>>
          %dma_start3A_700 = arith.constant 0 : i32
          %dma_start3A_701 = arith.constant 0 : i32
          %dma_start3A_702 = tpu.memref_slice %arg18[%dma_start3A_700, %dma_start3A_701] : memref<10000x32xf32, #tpu.memory_space<vmem_shared>> -> memref<10000x32xf32, #tpu.memory_space<vmem_shared>>
          tpu.enqueue_indirect_dma source(%arg17 : memref<640x32xf32, #tpu.memory_space<vmem>>) target(%dma_start3A_702 : memref<10000x32xf32, #tpu.memory_space<vmem_shared>>) offsets(%arg13 : memref<640xi32, #tpu.memory_space<vmem>>) semaphore(%run_scoped3A : memref<!tpu.dma_semaphore, #tpu.memory_space<semaphore_mem>>) {add = true}
          %dma_wait3A_703 = arith.constant 0 : i32
          %dma_wait3A_704 = arith.constant 0 : i32
          %dma_wait3A_705 = tpu.memref_slice %arg18[%dma_wait3A_703, %dma_wait3A_704] : memref<10000x32xf32, #tpu.memory_space<vmem_shared>> -> memref<10000x32xf32, #tpu.memory_space<vmem_shared>>
          tpu.wait_indirect_dma semaphore(%run_scoped3A : memref<!tpu.dma_semaphore, #tpu.memory_space<semaphore_mem>>) src(%arg17 : memref<640x32xf32, #tpu.memory_space<vmem>>) dst(%dma_wait3A_705 : memref<10000x32xf32, #tpu.memory_space<vmem_shared>>)
          tpu.yield
        }) : () -> ()
      } else {
      }
      %lt3A_689 = arith.cmpi slt, %add3A_670, %select_n3A : i32
      %convert_element_type3A_690 = arith.extui %lt3A_689 : i1 to i32
      %cond3A_691 = arith.constant 0 : i32
      %cond3A_692 = arith.cmpi ne, %convert_element_type3A_690, %cond3A_691 : i32
      scf.if %cond3A_692 {
        %dma_wait3A_697 = arith.constant 0 : i32
        %dma_wait3A_698 = tpu.memref_slice %arg3[%dma_wait3A_697] : memref<320000xi32, #tpu.memory_space<hbm>> -> memref<640xi32, #tpu.memory_space<hbm>>
        %dma_wait3A_699 = arith.constant 0 : i32
        %dma_wait3A_700 = tpu.memref_slice %arg3[%dma_wait3A_699] : memref<320000xi32, #tpu.memory_space<hbm>> -> memref<640xi32, #tpu.memory_space<hbm>>
        tpu.wait_dma2 semaphore(%arg19 : memref<!tpu.dma_semaphore, #tpu.memory_space<semaphore_mem>>) src(%dma_wait3A_700 : memref<640xi32, #tpu.memory_space<hbm>>) dst(%arg8 : memref<640xi32, #tpu.memory_space<vmem>>)
        %dma_wait3A_701 = arith.constant 0 : i32
        %dma_wait3A_702 = tpu.memref_slice %arg4[%dma_wait3A_701] : memref<320000xi32, #tpu.memory_space<hbm>> -> memref<640xi32, #tpu.memory_space<hbm>>
        %dma_wait3A_703 = arith.constant 0 : i32
        %dma_wait3A_704 = tpu.memref_slice %arg4[%dma_wait3A_703] : memref<320000xi32, #tpu.memory_space<hbm>> -> memref<640xi32, #tpu.memory_space<hbm>>
        tpu.wait_dma2 semaphore(%arg19 : memref<!tpu.dma_semaphore, #tpu.memory_space<semaphore_mem>>) src(%dma_wait3A_704 : memref<640xi32, #tpu.memory_space<hbm>>) dst(%arg10 : memref<640xi32, #tpu.memory_space<vmem>>)
        %dma_wait3A_705 = arith.constant 0 : i32
        %dma_wait3A_706 = tpu.memref_slice %arg5[%dma_wait3A_705] : memref<320000xi32, #tpu.memory_space<hbm>> -> memref<640xi32, #tpu.memory_space<hbm>>
        %dma_wait3A_707 = arith.constant 0 : i32
        %dma_wait3A_708 = tpu.memref_slice %arg5[%dma_wait3A_707] : memref<320000xi32, #tpu.memory_space<hbm>> -> memref<640xi32, #tpu.memory_space<hbm>>
        tpu.wait_dma2 semaphore(%arg19 : memref<!tpu.dma_semaphore, #tpu.memory_space<semaphore_mem>>) src(%dma_wait3A_708 : memref<640xi32, #tpu.memory_space<hbm>>) dst(%arg12 : memref<640xi32, #tpu.memory_space<vmem>>)
        %get3A_709 = arith.constant 0 : index
        %get3A_710 = tpu.vector_load %arg10[%get3A_709] {strides = array<i32>} : memref<640xi32, #tpu.memory_space<vmem>>, vector<16xi32>,
        %get3A_711 = vector.shape_cast %get3A_710 : vector<16xi32> to vector<16xi32>
        %mul3A_712 = arith.constant 10240 : i32
        %mul3A_713 = vector.broadcast %mul3A_712 : i32 to vector<16xi32>
        %mul3A_714 = arith.muli %get3A_711, %mul3A_713 : vector<16xi32>
        %get3A_715 = arith.constant 0 : index
        %get3A_716 = tpu.vector_load %arg8[%get3A_715] {strides = array<i32>} : memref<640xi32, #tpu.memory_space<vmem>>, vector<16xi32>,
        %get3A_717 = vector.shape_cast %get3A_716 : vector<16xi32> to vector<16xi32>
        %add3A_718 = arith.addi %mul3A_714, %get3A_717 : vector<16xi32>
        %swap3A_719 = arith.constant 0 : index
        %swap3A_720 = tpu.vector_load %arg14[%swap3A_719] {strides = array<i32>} : memref<640xi32, #tpu.memory_space<vmem>>, vector<16xi32>,
        %swap3A_721 = vector.shape_cast %swap3A_720 : vector<16xi32> to vector<16xi32>
        %swap3A_722 = vector.shape_cast %add3A_718 : vector<16xi32> to vector<16xi32>
        tpu.vector_store %arg14[%swap3A_719], %swap3A_722 {strides = array<i32>} : memref<640xi32, #tpu.memory_space<vmem>>, vector<16xi32>,
        %get3A_723 = arith.constant 16 : index
        %get3A_724 = tpu.vector_load %arg10[%get3A_723] {strides = array<i32>} : memref<640xi32, #tpu.memory_space<vmem>>, vector<16xi32>,
        %get3A_725 = vector.shape_cast %get3A_724 : vector<16xi32> to vector<16xi32>
        %mul3A_726 = arith.constant 10240 : i32
        %mul3A_727 = vector.broadcast %mul3A_726 : i32 to vector<16xi32>
        %mul3A_728 = arith.muli %get3A_725, %mul3A_727 : vector<16xi32>
        %get3A_729 = arith.constant 16 : index
        %get3A_730 = tpu.vector_load %arg8[%get3A_729] {strides = array<i32>} : memref<640xi32, #tpu.memory_space<vmem>>, vector<16xi32>,
        %get3A_731 = vector.shape_cast %get3A_730 : vector<16xi32> to vector<16xi32>
        %add3A_732 = arith.addi %mul3A_728, %get3A_731 : vector<16xi32>
        %swap3A_733 = arith.constant 16 : index
        %swap3A_734 = tpu.vector_load %arg14[%swap3A_733] {strides = array<i32>} : memref<640xi32, #tpu.memory_space<vmem>>, vector<16xi32>,
        %swap3A_735 = vector.shape_cast %swap3A_734 : vector<16xi32> to vector<16xi32>
        %swap3A_736 = vector.shape_cast %add3A_732 : vector<16xi32> to vector<16xi32>
        tpu.vector_store %arg14[%swap3A_733], %swap3A_736 {strides = array<i32>} : memref<640xi32, #tpu.memory_space<vmem>>, vector<16xi32>,
        %get3A_737 = arith.constant 32 : index
        %get3A_738 = tpu.vector_load %arg10[%get3A_737] {strides = array<i32>} : memref<640xi32, #tpu.memory_space<vmem>>, vector<16xi32>,
        %get3A_739 = vector.shape_cast %get3A_738 : vector<16xi32> to vector<16xi32>
        %mul3A_740 = arith.constant 10240 : i32
        %mul3A_741 = vector.broadcast %mul3A_740 : i32 to vector<16xi32>
        %mul3A_742 = arith.muli %get3A_739, %mul3A_741 : vector<16xi32>
        %get3A_743 = arith.constant 32 : index
        %get3A_744 = tpu.vector_load %arg8[%get3A_743] {strides = array<i32>} : memref<640xi32, #tpu.memory_space<vmem>>, vector<16xi32>,
        %get3A_745 = vector.shape_cast %get3A_744 : vector<16xi32> to vector<16xi32>
        %add3A_746 = arith.addi %mul3A_742, %get3A_745 : vector<16xi32>
        %swap3A_747 = arith.constant 32 : index
        %swap3A_748 = tpu.vector_load %arg14[%swap3A_747] {strides = array<i32>} : memref<640xi32, #tpu.memory_space<vmem>>, vector<16xi32>,
        %swap3A_749 = vector.shape_cast %swap3A_748 : vector<16xi32> to vector<16xi32>
        %swap3A_750 = vector.shape_cast %add3A_746 : vector<16xi32> to vector<16xi32>
        tpu.vector_store %arg14[%swap3A_747], %swap3A_750 {strides = array<i32>} : memref<640xi32, #tpu.memory_space<vmem>>, vector<16xi32>,
        %get3A_751 = arith.constant 48 : index
        %get3A_752 = tpu.vector_load %arg10[%get3A_751] {strides = array<i32>} : memref<640xi32, #tpu.memory_space<vmem>>, vector<16xi32>,
        %get3A_753 = vector.shape_cast %get3A_752 : vector<16xi32> to vector<16xi32>
        %mul3A_754 = arith.constant 10240 : i32
        %mul3A_755 = vector.broadcast %mul3A_754 : i32 to vector<16xi32>
        %mul3A_756 = arith.muli %get3A_753, %mul3A_755 : vector<16xi32>
        %get3A_757 = arith.constant 48 : index
        %get3A_758 = tpu.vector_load %arg8[%get3A_757] {strides = array<i32>} : memref<640xi32, #tpu.memory_space<vmem>>, vector<16xi32>,
        %get3A_759 = vector.shape_cast %get3A_758 : vector<16xi32> to vector<16xi32>
        %add3A_760 = arith.addi %mul3A_756, %get3A_759 : vector<16xi32>
        %swap3A_761 = arith.constant 48 : index
        %swap3A_762 = tpu.vector_load %arg14[%swap3A_761] {strides = array<i32>} : memref<640xi32, #tpu.memory_space<vmem>>, vector<16xi32>,
        %swap3A_763 = vector.shape_cast %swap3A_762 : vector<16xi32> to vector<16xi32>
        %swap3A_764 = vector.shape_cast %add3A_760 : vector<16xi32> to vector<16xi32>
        tpu.vector_store %arg14[%swap3A_761], %swap3A_764 {strides = array<i32>} : memref<640xi32, #tpu.memory_space<vmem>>, vector<16xi32>,
        %get3A_765 = arith.constant 64 : index
        %get3A_766 = tpu.vector_load %arg10[%get3A_765] {strides = array<i32>} : memref<640xi32, #tpu.memory_space<vmem>>, vector<16xi32>,
        %get3A_767 = vector.shape_cast %get3A_766 : vector<16xi32> to vector<16xi32>
        %mul3A_768 = arith.constant 10240 : i32
        %mul3A_769 = vector.broadcast %mul3A_768 : i32 to vector<16xi32>
        %mul3A_770 = arith.muli %get3A_767, %mul3A_769 : vector<16xi32>
        %get3A_771 = arith.constant 64 : index
        %get3A_772 = tpu.vector_load %arg8[%get3A_771] {strides = array<i32>} : memref<640xi32, #tpu.memory_space<vmem>>, vector<16xi32>,
        %get3A_773 = vector.shape_cast %get3A_772 : vector<16xi32> to vector<16xi32>
        %add3A_774 = arith.addi %mul3A_770, %get3A_773 : vector<16xi32>
        %swap3A_775 = arith.constant 64 : index
        %swap3A_776 = tpu.vector_load %arg14[%swap3A_775] {strides = array<i32>} : memref<640xi32, #tpu.memory_space<vmem>>, vector<16xi32>,
        %swap3A_777 = vector.shape_cast %swap3A_776 : vector<16xi32> to vector<16xi32>
        %swap3A_778 = vector.shape_cast %add3A_774 : vector<16xi32> to vector<16xi32>
        tpu.vector_store %arg14[%swap3A_775], %swap3A_778 {strides = array<i32>} : memref<640xi32, #tpu.memory_space<vmem>>, vector<16xi32>,
        %get3A_779 = arith.constant 80 : index
        %get3A_780 = tpu.vector_load %arg10[%get3A_779] {strides = array<i32>} : memref<640xi32, #tpu.memory_space<vmem>>, vector<16xi32>,
        %get3A_781 = vector.shape_cast %get3A_780 : vector<16xi32> to vector<16xi32>
        %mul3A_782 = arith.constant 10240 : i32
        %mul3A_783 = vector.broadcast %mul3A_782 : i32 to vector<16xi32>
        %mul3A_784 = arith.muli %get3A_781, %mul3A_783 : vector<16xi32>
        %get3A_785 = arith.constant 80 : index
        %get3A_786 = tpu.vector_load %arg8[%get3A_785] {strides = array<i32>} : memref<640xi32, #tpu.memory_space<vmem>>, vector<16xi32>,
        %get3A_787 = vector.shape_cast %get3A_786 : vector<16xi32> to vector<16xi32>
        %add3A_788 = arith.addi %mul3A_784, %get3A_787 : vector<16xi32>
        %swap3A_789 = arith.constant 80 : index
        %swap3A_790 = tpu.vector_load %arg14[%swap3A_789] {strides = array<i32>} : memref<640xi32, #tpu.memory_space<vmem>>, vector<16xi32>,
        %swap3A_791 = vector.shape_cast %swap3A_790 : vector<16xi32> to vector<16xi32>
        %swap3A_792 = vector.shape_cast %add3A_788 : vector<16xi32> to vector<16xi32>
        tpu.vector_store %arg14[%swap3A_789], %swap3A_792 {strides = array<i32>} : memref<640xi32, #tpu.memory_space<vmem>>, vector<16xi32>,
        %get3A_793 = arith.constant 96 : index
        %get3A_794 = tpu.vector_load %arg10[%get3A_793] {strides = array<i32>} : memref<640xi32, #tpu.memory_space<vmem>>, vector<16xi32>,
        %get3A_795 = vector.shape_cast %get3A_794 : vector<16xi32> to vector<16xi32>
        %mul3A_796 = arith.constant 10240 : i32
        %mul3A_797 = vector.broadcast %mul3A_796 : i32 to vector<16xi32>
        %mul3A_798 = arith.muli %get3A_795, %mul3A_797 : vector<16xi32>
        %get3A_799 = arith.constant 96 : index
        %get3A_800 = tpu.vector_load %arg8[%get3A_799] {strides = array<i32>} : memref<640xi32, #tpu.memory_space<vmem>>, vector<16xi32>,
        %get3A_801 = vector.shape_cast %get3A_800 : vector<16xi32> to vector<16xi32>
        %add3A_802 = arith.addi %mul3A_798, %get3A_801 : vector<16xi32>
        %swap3A_803 = arith.constant 96 : index
        %swap3A_804 = tpu.vector_load %arg14[%swap3A_803] {strides = array<i32>} : memref<640xi32, #tpu.memory_space<vmem>>, vector<16xi32>,
        %swap3A_805 = vector.shape_cast %swap3A_804 : vector<16xi32> to vector<16xi32>
        %swap3A_806 = vector.shape_cast %add3A_802 : vector<16xi32> to vector<16xi32>
        tpu.vector_store %arg14[%swap3A_803], %swap3A_806 {strides = array<i32>} : memref<640xi32, #tpu.memory_space<vmem>>, vector<16xi32>,
        %get3A_807 = arith.constant 112 : index
        %get3A_808 = tpu.vector_load %arg10[%get3A_807] {strides = array<i32>} : memref<640xi32, #tpu.memory_space<vmem>>, vector<16xi32>,
        %get3A_809 = vector.shape_cast %get3A_808 : vector<16xi32> to vector<16xi32>
        %mul3A_810 = arith.constant 10240 : i32
        %mul3A_811 = vector.broadcast %mul3A_810 : i32 to vector<16xi32>
        %mul3A_812 = arith.muli %get3A_809, %mul3A_811 : vector<16xi32>
        %get3A_813 = arith.constant 112 : index
        %get3A_814 = tpu.vector_load %arg8[%get3A_813] {strides = array<i32>} : memref<640xi32, #tpu.memory_space<vmem>>, vector<16xi32>,
        %get3A_815 = vector.shape_cast %get3A_814 : vector<16xi32> to vector<16xi32>
        %add3A_816 = arith.addi %mul3A_812, %get3A_815 : vector<16xi32>
        %swap3A_817 = arith.constant 112 : index
        %swap3A_818 = tpu.vector_load %arg14[%swap3A_817] {strides = array<i32>} : memref<640xi32, #tpu.memory_space<vmem>>, vector<16xi32>,
        %swap3A_819 = vector.shape_cast %swap3A_818 : vector<16xi32> to vector<16xi32>
        %swap3A_820 = vector.shape_cast %add3A_816 : vector<16xi32> to vector<16xi32>
        tpu.vector_store %arg14[%swap3A_817], %swap3A_820 {strides = array<i32>} : memref<640xi32, #tpu.memory_space<vmem>>, vector<16xi32>,
        %get3A_821 = arith.constant 128 : index
        %get3A_822 = tpu.vector_load %arg10[%get3A_821] {strides = array<i32>} : memref<640xi32, #tpu.memory_space<vmem>>, vector<16xi32>,
        %get3A_823 = vector.shape_cast %get3A_822 : vector<16xi32> to vector<16xi32>
        %mul3A_824 = arith.constant 10240 : i32
        %mul3A_825 = vector.broadcast %mul3A_824 : i32 to vector<16xi32>
        %mul3A_826 = arith.muli %get3A_823, %mul3A_825 : vector<16xi32>
        %get3A_827 = arith.constant 128 : index
        %get3A_828 = tpu.vector_load %arg8[%get3A_827] {strides = array<i32>} : memref<640xi32, #tpu.memory_space<vmem>>, vector<16xi32>,
        %get3A_829 = vector.shape_cast %get3A_828 : vector<16xi32> to vector<16xi32>
        %add3A_830 = arith.addi %mul3A_826, %get3A_829 : vector<16xi32>
        %swap3A_831 = arith.constant 128 : index
        %swap3A_832 = tpu.vector_load %arg14[%swap3A_831] {strides = array<i32>} : memref<640xi32, #tpu.memory_space<vmem>>, vector<16xi32>,
        %swap3A_833 = vector.shape_cast %swap3A_832 : vector<16xi32> to vector<16xi32>
        %swap3A_834 = vector.shape_cast %add3A_830 : vector<16xi32> to vector<16xi32>
        tpu.vector_store %arg14[%swap3A_831], %swap3A_834 {strides = array<i32>} : memref<640xi32, #tpu.memory_space<vmem>>, vector<16xi32>,
        %get3A_835 = arith.constant 144 : index
        %get3A_836 = tpu.vector_load %arg10[%get3A_835] {strides = array<i32>} : memref<640xi32, #tpu.memory_space<vmem>>, vector<16xi32>,
        %get3A_837 = vector.shape_cast %get3A_836 : vector<16xi32> to vector<16xi32>
        %mul3A_838 = arith.constant 10240 : i32
        %mul3A_839 = vector.broadcast %mul3A_838 : i32 to vector<16xi32>
        %mul3A_840 = arith.muli %get3A_837, %mul3A_839 : vector<16xi32>
        %get3A_841 = arith.constant 144 : index
        %get3A_842 = tpu.vector_load %arg8[%get3A_841] {strides = array<i32>} : memref<640xi32, #tpu.memory_space<vmem>>, vector<16xi32>,
        %get3A_843 = vector.shape_cast %get3A_842 : vector<16xi32> to vector<16xi32>
        %add3A_844 = arith.addi %mul3A_840, %get3A_843 : vector<16xi32>
        %swap3A_845 = arith.constant 144 : index
        %swap3A_846 = tpu.vector_load %arg14[%swap3A_845] {strides = array<i32>} : memref<640xi32, #tpu.memory_space<vmem>>, vector<16xi32>,
        %swap3A_847 = vector.shape_cast %swap3A_846 : vector<16xi32> to vector<16xi32>
        %swap3A_848 = vector.shape_cast %add3A_844 : vector<16xi32> to vector<16xi32>
        tpu.vector_store %arg14[%swap3A_845], %swap3A_848 {strides = array<i32>} : memref<640xi32, #tpu.memory_space<vmem>>, vector<16xi32>,
        %get3A_849 = arith.constant 160 : index
        %get3A_850 = tpu.vector_load %arg10[%get3A_849] {strides = array<i32>} : memref<640xi32, #tpu.memory_space<vmem>>, vector<16xi32>,
        %get3A_851 = vector.shape_cast %get3A_850 : vector<16xi32> to vector<16xi32>
        %mul3A_852 = arith.constant 10240 : i32
        %mul3A_853 = vector.broadcast %mul3A_852 : i32 to vector<16xi32>
        %mul3A_854 = arith.muli %get3A_851, %mul3A_853 : vector<16xi32>
        %get3A_855 = arith.constant 160 : index
        %get3A_856 = tpu.vector_load %arg8[%get3A_855] {strides = array<i32>} : memref<640xi32, #tpu.memory_space<vmem>>, vector<16xi32>,
        %get3A_857 = vector.shape_cast %get3A_856 : vector<16xi32> to vector<16xi32>
        %add3A_858 = arith.addi %mul3A_854, %get3A_857 : vector<16xi32>
        %swap3A_859 = arith.constant 160 : index
        %swap3A_860 = tpu.vector_load %arg14[%swap3A_859] {strides = array<i32>} : memref<640xi32, #tpu.memory_space<vmem>>, vector<16xi32>,
        %swap3A_861 = vector.shape_cast %swap3A_860 : vector<16xi32> to vector<16xi32>
        %swap3A_862 = vector.shape_cast %add3A_858 : vector<16xi32> to vector<16xi32>
        tpu.vector_store %arg14[%swap3A_859], %swap3A_862 {strides = array<i32>} : memref<640xi32, #tpu.memory_space<vmem>>, vector<16xi32>,
        %get3A_863 = arith.constant 176 : index
        %get3A_864 = tpu.vector_load %arg10[%get3A_863] {strides = array<i32>} : memref<640xi32, #tpu.memory_space<vmem>>, vector<16xi32>,
        %get3A_865 = vector.shape_cast %get3A_864 : vector<16xi32> to vector<16xi32>
        %mul3A_866 = arith.constant 10240 : i32
        %mul3A_867 = vector.broadcast %mul3A_866 : i32 to vector<16xi32>
        %mul3A_868 = arith.muli %get3A_865, %mul3A_867 : vector<16xi32>
        %get3A_869 = arith.constant 176 : index
        %get3A_870 = tpu.vector_load %arg8[%get3A_869] {strides = array<i32>} : memref<640xi32, #tpu.memory_space<vmem>>, vector<16xi32>,
        %get3A_871 = vector.shape_cast %get3A_870 : vector<16xi32> to vector<16xi32>
        %add3A_872 = arith.addi %mul3A_868, %get3A_871 : vector<16xi32>
        %swap3A_873 = arith.constant 176 : index
        %swap3A_874 = tpu.vector_load %arg14[%swap3A_873] {strides = array<i32>} : memref<640xi32, #tpu.memory_space<vmem>>, vector<16xi32>,
        %swap3A_875 = vector.shape_cast %swap3A_874 : vector<16xi32> to vector<16xi32>
        %swap3A_876 = vector.shape_cast %add3A_872 : vector<16xi32> to vector<16xi32>
        tpu.vector_store %arg14[%swap3A_873], %swap3A_876 {strides = array<i32>} : memref<640xi32, #tpu.memory_space<vmem>>, vector<16xi32>,
        %get3A_877 = arith.constant 192 : index
        %get3A_878 = tpu.vector_load %arg10[%get3A_877] {strides = array<i32>} : memref<640xi32, #tpu.memory_space<vmem>>, vector<16xi32>,
        %get3A_879 = vector.shape_cast %get3A_878 : vector<16xi32> to vector<16xi32>
        %mul3A_880 = arith.constant 10240 : i32
        %mul3A_881 = vector.broadcast %mul3A_880 : i32 to vector<16xi32>
        %mul3A_882 = arith.muli %get3A_879, %mul3A_881 : vector<16xi32>
        %get3A_883 = arith.constant 192 : index
        %get3A_884 = tpu.vector_load %arg8[%get3A_883] {strides = array<i32>} : memref<640xi32, #tpu.memory_space<vmem>>, vector<16xi32>,
        %get3A_885 = vector.shape_cast %get3A_884 : vector<16xi32> to vector<16xi32>
        %add3A_886 = arith.addi %mul3A_882, %get3A_885 : vector<16xi32>
        %swap3A_887 = arith.constant 192 : index
        %swap3A_888 = tpu.vector_load %arg14[%swap3A_887] {strides = array<i32>} : memref<640xi32, #tpu.memory_space<vmem>>, vector<16xi32>,
        %swap3A_889 = vector.shape_cast %swap3A_888 : vector<16xi32> to vector<16xi32>
        %swap3A_890 = vector.shape_cast %add3A_886 : vector<16xi32> to vector<16xi32>
        tpu.vector_store %arg14[%swap3A_887], %swap3A_890 {strides = array<i32>} : memref<640xi32, #tpu.memory_space<vmem>>, vector<16xi32>,
        %get3A_891 = arith.constant 208 : index
        %get3A_892 = tpu.vector_load %arg10[%get3A_891] {strides = array<i32>} : memref<640xi32, #tpu.memory_space<vmem>>, vector<16xi32>,
        %get3A_893 = vector.shape_cast %get3A_892 : vector<16xi32> to vector<16xi32>
        %mul3A_894 = arith.constant 10240 : i32
        %mul3A_895 = vector.broadcast %mul3A_894 : i32 to vector<16xi32>
        %mul3A_896 = arith.muli %get3A_893, %mul3A_895 : vector<16xi32>
        %get3A_897 = arith.constant 208 : index
        %get3A_898 = tpu.vector_load %arg8[%get3A_897] {strides = array<i32>} : memref<640xi32, #tpu.memory_space<vmem>>, vector<16xi32>,
        %get3A_899 = vector.shape_cast %get3A_898 : vector<16xi32> to vector<16xi32>
        %add3A_900 = arith.addi %mul3A_896, %get3A_899 : vector<16xi32>
        %swap3A_901 = arith.constant 208 : index
        %swap3A_902 = tpu.vector_load %arg14[%swap3A_901] {strides = array<i32>} : memref<640xi32, #tpu.memory_space<vmem>>, vector<16xi32>,
        %swap3A_903 = vector.shape_cast %swap3A_902 : vector<16xi32> to vector<16xi32>
        %swap3A_904 = vector.shape_cast %add3A_900 : vector<16xi32> to vector<16xi32>
        tpu.vector_store %arg14[%swap3A_901], %swap3A_904 {strides = array<i32>} : memref<640xi32, #tpu.memory_space<vmem>>, vector<16xi32>,
        %get3A_905 = arith.constant 224 : index
        %get3A_906 = tpu.vector_load %arg10[%get3A_905] {strides = array<i32>} : memref<640xi32, #tpu.memory_space<vmem>>, vector<16xi32>,
        %get3A_907 = vector.shape_cast %get3A_906 : vector<16xi32> to vector<16xi32>
        %mul3A_908 = arith.constant 10240 : i32
        %mul3A_909 = vector.broadcast %mul3A_908 : i32 to vector<16xi32>
        %mul3A_910 = arith.muli %get3A_907, %mul3A_909 : vector<16xi32>
        %get3A_911 = arith.constant 224 : index
        %get3A_912 = tpu.vector_load %arg8[%get3A_911] {strides = array<i32>} : memref<640xi32, #tpu.memory_space<vmem>>, vector<16xi32>,
        %get3A_913 = vector.shape_cast %get3A_912 : vector<16xi32> to vector<16xi32>
        %add3A_914 = arith.addi %mul3A_910, %get3A_913 : vector<16xi32>
        %swap3A_915 = arith.constant 224 : index
        %swap3A_916 = tpu.vector_load %arg14[%swap3A_915] {strides = array<i32>} : memref<640xi32, #tpu.memory_space<vmem>>, vector<16xi32>,
        %swap3A_917 = vector.shape_cast %swap3A_916 : vector<16xi32> to vector<16xi32>
        %swap3A_918 = vector.shape_cast %add3A_914 : vector<16xi32> to vector<16xi32>
        tpu.vector_store %arg14[%swap3A_915], %swap3A_918 {strides = array<i32>} : memref<640xi32, #tpu.memory_space<vmem>>, vector<16xi32>,
        %get3A_919 = arith.constant 240 : index
        %get3A_920 = tpu.vector_load %arg10[%get3A_919] {strides = array<i32>} : memref<640xi32, #tpu.memory_space<vmem>>, vector<16xi32>,
        %get3A_921 = vector.shape_cast %get3A_920 : vector<16xi32> to vector<16xi32>
        %mul3A_922 = arith.constant 10240 : i32
        %mul3A_923 = vector.broadcast %mul3A_922 : i32 to vector<16xi32>
        %mul3A_924 = arith.muli %get3A_921, %mul3A_923 : vector<16xi32>
        %get3A_925 = arith.constant 240 : index
        %get3A_926 = tpu.vector_load %arg8[%get3A_925] {strides = array<i32>} : memref<640xi32, #tpu.memory_space<vmem>>, vector<16xi32>,
        %get3A_927 = vector.shape_cast %get3A_926 : vector<16xi32> to vector<16xi32>
        %add3A_928 = arith.addi %mul3A_924, %get3A_927 : vector<16xi32>
        %swap3A_929 = arith.constant 240 : index
        %swap3A_930 = tpu.vector_load %arg14[%swap3A_929] {strides = array<i32>} : memref<640xi32, #tpu.memory_space<vmem>>, vector<16xi32>,
        %swap3A_931 = vector.shape_cast %swap3A_930 : vector<16xi32> to vector<16xi32>
        %swap3A_932 = vector.shape_cast %add3A_928 : vector<16xi32> to vector<16xi32>
        tpu.vector_store %arg14[%swap3A_929], %swap3A_932 {strides = array<i32>} : memref<640xi32, #tpu.memory_space<vmem>>, vector<16xi32>,
        %get3A_933 = arith.constant 256 : index
        %get3A_934 = tpu.vector_load %arg10[%get3A_933] {strides = array<i32>} : memref<640xi32, #tpu.memory_space<vmem>>, vector<16xi32>,
        %get3A_935 = vector.shape_cast %get3A_934 : vector<16xi32> to vector<16xi32>
        %mul3A_936 = arith.constant 10240 : i32
        %mul3A_937 = vector.broadcast %mul3A_936 : i32 to vector<16xi32>
        %mul3A_938 = arith.muli %get3A_935, %mul3A_937 : vector<16xi32>
        %get3A_939 = arith.constant 256 : index
        %get3A_940 = tpu.vector_load %arg8[%get3A_939] {strides = array<i32>} : memref<640xi32, #tpu.memory_space<vmem>>, vector<16xi32>,
        %get3A_941 = vector.shape_cast %get3A_940 : vector<16xi32> to vector<16xi32>
        %add3A_942 = arith.addi %mul3A_938, %get3A_941 : vector<16xi32>
        %swap3A_943 = arith.constant 256 : index
        %swap3A_944 = tpu.vector_load %arg14[%swap3A_943] {strides = array<i32>} : memref<640xi32, #tpu.memory_space<vmem>>, vector<16xi32>,
        %swap3A_945 = vector.shape_cast %swap3A_944 : vector<16xi32> to vector<16xi32>
        %swap3A_946 = vector.shape_cast %add3A_942 : vector<16xi32> to vector<16xi32>
        tpu.vector_store %arg14[%swap3A_943], %swap3A_946 {strides = array<i32>} : memref<640xi32, #tpu.memory_space<vmem>>, vector<16xi32>,
        %get3A_947 = arith.constant 272 : index
        %get3A_948 = tpu.vector_load %arg10[%get3A_947] {strides = array<i32>} : memref<640xi32, #tpu.memory_space<vmem>>, vector<16xi32>,
        %get3A_949 = vector.shape_cast %get3A_948 : vector<16xi32> to vector<16xi32>
        %mul3A_950 = arith.constant 10240 : i32
        %mul3A_951 = vector.broadcast %mul3A_950 : i32 to vector<16xi32>
        %mul3A_952 = arith.muli %get3A_949, %mul3A_951 : vector<16xi32>
        %get3A_953 = arith.constant 272 : index
        %get3A_954 = tpu.vector_load %arg8[%get3A_953] {strides = array<i32>} : memref<640xi32, #tpu.memory_space<vmem>>, vector<16xi32>,
        %get3A_955 = vector.shape_cast %get3A_954 : vector<16xi32> to vector<16xi32>
        %add3A_956 = arith.addi %mul3A_952, %get3A_955 : vector<16xi32>
        %swap3A_957 = arith.constant 272 : index
        %swap3A_958 = tpu.vector_load %arg14[%swap3A_957] {strides = array<i32>} : memref<640xi32, #tpu.memory_space<vmem>>, vector<16xi32>,
        %swap3A_959 = vector.shape_cast %swap3A_958 : vector<16xi32> to vector<16xi32>
        %swap3A_960 = vector.shape_cast %add3A_956 : vector<16xi32> to vector<16xi32>
        tpu.vector_store %arg14[%swap3A_957], %swap3A_960 {strides = array<i32>} : memref<640xi32, #tpu.memory_space<vmem>>, vector<16xi32>,
        %get3A_961 = arith.constant 288 : index
        %get3A_962 = tpu.vector_load %arg10[%get3A_961] {strides = array<i32>} : memref<640xi32, #tpu.memory_space<vmem>>, vector<16xi32>,
        %get3A_963 = vector.shape_cast %get3A_962 : vector<16xi32> to vector<16xi32>
        %mul3A_964 = arith.constant 10240 : i32
        %mul3A_965 = vector.broadcast %mul3A_964 : i32 to vector<16xi32>
        %mul3A_966 = arith.muli %get3A_963, %mul3A_965 : vector<16xi32>
        %get3A_967 = arith.constant 288 : index
        %get3A_968 = tpu.vector_load %arg8[%get3A_967] {strides = array<i32>} : memref<640xi32, #tpu.memory_space<vmem>>, vector<16xi32>,
        %get3A_969 = vector.shape_cast %get3A_968 : vector<16xi32> to vector<16xi32>
        %add3A_970 = arith.addi %mul3A_966, %get3A_969 : vector<16xi32>
        %swap3A_971 = arith.constant 288 : index
        %swap3A_972 = tpu.vector_load %arg14[%swap3A_971] {strides = array<i32>} : memref<640xi32, #tpu.memory_space<vmem>>, vector<16xi32>,
        %swap3A_973 = vector.shape_cast %swap3A_972 : vector<16xi32> to vector<16xi32>
        %swap3A_974 = vector.shape_cast %add3A_970 : vector<16xi32> to vector<16xi32>
        tpu.vector_store %arg14[%swap3A_971], %swap3A_974 {strides = array<i32>} : memref<640xi32, #tpu.memory_space<vmem>>, vector<16xi32>,
        %get3A_975 = arith.constant 304 : index
        %get3A_976 = tpu.vector_load %arg10[%get3A_975] {strides = array<i32>} : memref<640xi32, #tpu.memory_space<vmem>>, vector<16xi32>,
        %get3A_977 = vector.shape_cast %get3A_976 : vector<16xi32> to vector<16xi32>
        %mul3A_978 = arith.constant 10240 : i32
        %mul3A_979 = vector.broadcast %mul3A_978 : i32 to vector<16xi32>
        %mul3A_980 = arith.muli %get3A_977, %mul3A_979 : vector<16xi32>
        %get3A_981 = arith.constant 304 : index
        %get3A_982 = tpu.vector_load %arg8[%get3A_981] {strides = array<i32>} : memref<640xi32, #tpu.memory_space<vmem>>, vector<16xi32>,
        %get3A_983 = vector.shape_cast %get3A_982 : vector<16xi32> to vector<16xi32>
        %add3A_984 = arith.addi %mul3A_980, %get3A_983 : vector<16xi32>
        %swap3A_985 = arith.constant 304 : index
        %swap3A_986 = tpu.vector_load %arg14[%swap3A_985] {strides = array<i32>} : memref<640xi32, #tpu.memory_space<vmem>>, vector<16xi32>,
        %swap3A_987 = vector.shape_cast %swap3A_986 : vector<16xi32> to vector<16xi32>
        %swap3A_988 = vector.shape_cast %add3A_984 : vector<16xi32> to vector<16xi32>
        tpu.vector_store %arg14[%swap3A_985], %swap3A_988 {strides = array<i32>} : memref<640xi32, #tpu.memory_space<vmem>>, vector<16xi32>,
        %get3A_989 = arith.constant 320 : index
        %get3A_990 = tpu.vector_load %arg10[%get3A_989] {strides = array<i32>} : memref<640xi32, #tpu.memory_space<vmem>>, vector<16xi32>,
        %get3A_991 = vector.shape_cast %get3A_990 : vector<16xi32> to vector<16xi32>
        %mul3A_992 = arith.constant 10240 : i32
        %mul3A_993 = vector.broadcast %mul3A_992 : i32 to vector<16xi32>
        %mul3A_994 = arith.muli %get3A_991, %mul3A_993 : vector<16xi32>
        %get3A_995 = arith.constant 320 : index
        %get3A_996 = tpu.vector_load %arg8[%get3A_995] {strides = array<i32>} : memref<640xi32, #tpu.memory_space<vmem>>, vector<16xi32>,
        %get3A_997 = vector.shape_cast %get3A_996 : vector<16xi32> to vector<16xi32>
        %add3A_998 = arith.addi %mul3A_994, %get3A_997 : vector<16xi32>
        %swap3A_999 = arith.constant 320 : index
        %swap3A_1000 = tpu.vector_load %arg14[%swap3A_999] {strides = array<i32>} : memref<640xi32, #tpu.memory_space<vmem>>, vector<16xi32>,
        %swap3A_1001 = vector.shape_cast %swap3A_1000 : vector<16xi32> to vector<16xi32>
        %swap3A_1002 = vector.shape_cast %add3A_998 : vector<16xi32> to vector<16xi32>
        tpu.vector_store %arg14[%swap3A_999], %swap3A_1002 {strides = array<i32>} : memref<640xi32, #tpu.memory_space<vmem>>, vector<16xi32>,
        %get3A_1003 = arith.constant 336 : index
        %get3A_1004 = tpu.vector_load %arg10[%get3A_1003] {strides = array<i32>} : memref<640xi32, #tpu.memory_space<vmem>>, vector<16xi32>,
        %get3A_1005 = vector.shape_cast %get3A_1004 : vector<16xi32> to vector<16xi32>
        %mul3A_1006 = arith.constant 10240 : i32
        %mul3A_1007 = vector.broadcast %mul3A_1006 : i32 to vector<16xi32>
        %mul3A_1008 = arith.muli %get3A_1005, %mul3A_1007 : vector<16xi32>
        %get3A_1009 = arith.constant 336 : index
        %get3A_1010 = tpu.vector_load %arg8[%get3A_1009] {strides = array<i32>} : memref<640xi32, #tpu.memory_space<vmem>>, vector<16xi32>,
        %get3A_1011 = vector.shape_cast %get3A_1010 : vector<16xi32> to vector<16xi32>
        %add3A_1012 = arith.addi %mul3A_1008, %get3A_1011 : vector<16xi32>
        %swap3A_1013 = arith.constant 336 : index
        %swap3A_1014 = tpu.vector_load %arg14[%swap3A_1013] {strides = array<i32>} : memref<640xi32, #tpu.memory_space<vmem>>, vector<16xi32>,
        %swap3A_1015 = vector.shape_cast %swap3A_1014 : vector<16xi32> to vector<16xi32>
        %swap3A_1016 = vector.shape_cast %add3A_1012 : vector<16xi32> to vector<16xi32>
        tpu.vector_store %arg14[%swap3A_1013], %swap3A_1016 {strides = array<i32>} : memref<640xi32, #tpu.memory_space<vmem>>, vector<16xi32>,
        %get3A_1017 = arith.constant 352 : index
        %get3A_1018 = tpu.vector_load %arg10[%get3A_1017] {strides = array<i32>} : memref<640xi32, #tpu.memory_space<vmem>>, vector<16xi32>,
        %get3A_1019 = vector.shape_cast %get3A_1018 : vector<16xi32> to vector<16xi32>
        %mul3A_1020 = arith.constant 10240 : i32
        %mul3A_1021 = vector.broadcast %mul3A_1020 : i32 to vector<16xi32>
        %mul3A_1022 = arith.muli %get3A_1019, %mul3A_1021 : vector<16xi32>
        %get3A_1023 = arith.constant 352 : index
        %get3A_1024 = tpu.vector_load %arg8[%get3A_1023] {strides = array<i32>} : memref<640xi32, #tpu.memory_space<vmem>>, vector<16xi32>,
        %get3A_1025 = vector.shape_cast %get3A_1024 : vector<16xi32> to vector<16xi32>
        %add3A_1026 = arith.addi %mul3A_1022, %get3A_1025 : vector<16xi32>
        %swap3A_1027 = arith.constant 352 : index
        %swap3A_1028 = tpu.vector_load %arg14[%swap3A_1027] {strides = array<i32>} : memref<640xi32, #tpu.memory_space<vmem>>, vector<16xi32>,
        %swap3A_1029 = vector.shape_cast %swap3A_1028 : vector<16xi32> to vector<16xi32>
        %swap3A_1030 = vector.shape_cast %add3A_1026 : vector<16xi32> to vector<16xi32>
        tpu.vector_store %arg14[%swap3A_1027], %swap3A_1030 {strides = array<i32>} : memref<640xi32, #tpu.memory_space<vmem>>, vector<16xi32>,
        %get3A_1031 = arith.constant 368 : index
        %get3A_1032 = tpu.vector_load %arg10[%get3A_1031] {strides = array<i32>} : memref<640xi32, #tpu.memory_space<vmem>>, vector<16xi32>,
        %get3A_1033 = vector.shape_cast %get3A_1032 : vector<16xi32> to vector<16xi32>
        %mul3A_1034 = arith.constant 10240 : i32
        %mul3A_1035 = vector.broadcast %mul3A_1034 : i32 to vector<16xi32>
        %mul3A_1036 = arith.muli %get3A_1033, %mul3A_1035 : vector<16xi32>
        %get3A_1037 = arith.constant 368 : index
        %get3A_1038 = tpu.vector_load %arg8[%get3A_1037] {strides = array<i32>} : memref<640xi32, #tpu.memory_space<vmem>>, vector<16xi32>,
        %get3A_1039 = vector.shape_cast %get3A_1038 : vector<16xi32> to vector<16xi32>
        %add3A_1040 = arith.addi %mul3A_1036, %get3A_1039 : vector<16xi32>
        %swap3A_1041 = arith.constant 368 : index
        %swap3A_1042 = tpu.vector_load %arg14[%swap3A_1041] {strides = array<i32>} : memref<640xi32, #tpu.memory_space<vmem>>, vector<16xi32>,
        %swap3A_1043 = vector.shape_cast %swap3A_1042 : vector<16xi32> to vector<16xi32>
        %swap3A_1044 = vector.shape_cast %add3A_1040 : vector<16xi32> to vector<16xi32>
        tpu.vector_store %arg14[%swap3A_1041], %swap3A_1044 {strides = array<i32>} : memref<640xi32, #tpu.memory_space<vmem>>, vector<16xi32>,
        %get3A_1045 = arith.constant 384 : index
        %get3A_1046 = tpu.vector_load %arg10[%get3A_1045] {strides = array<i32>} : memref<640xi32, #tpu.memory_space<vmem>>, vector<16xi32>,
        %get3A_1047 = vector.shape_cast %get3A_1046 : vector<16xi32> to vector<16xi32>
        %mul3A_1048 = arith.constant 10240 : i32
        %mul3A_1049 = vector.broadcast %mul3A_1048 : i32 to vector<16xi32>
        %mul3A_1050 = arith.muli %get3A_1047, %mul3A_1049 : vector<16xi32>
        %get3A_1051 = arith.constant 384 : index
        %get3A_1052 = tpu.vector_load %arg8[%get3A_1051] {strides = array<i32>} : memref<640xi32, #tpu.memory_space<vmem>>, vector<16xi32>,
        %get3A_1053 = vector.shape_cast %get3A_1052 : vector<16xi32> to vector<16xi32>
        %add3A_1054 = arith.addi %mul3A_1050, %get3A_1053 : vector<16xi32>
        %swap3A_1055 = arith.constant 384 : index
        %swap3A_1056 = tpu.vector_load %arg14[%swap3A_1055] {strides = array<i32>} : memref<640xi32, #tpu.memory_space<vmem>>, vector<16xi32>,
        %swap3A_1057 = vector.shape_cast %swap3A_1056 : vector<16xi32> to vector<16xi32>
        %swap3A_1058 = vector.shape_cast %add3A_1054 : vector<16xi32> to vector<16xi32>
        tpu.vector_store %arg14[%swap3A_1055], %swap3A_1058 {strides = array<i32>} : memref<640xi32, #tpu.memory_space<vmem>>, vector<16xi32>,
        %get3A_1059 = arith.constant 400 : index
        %get3A_1060 = tpu.vector_load %arg10[%get3A_1059] {strides = array<i32>} : memref<640xi32, #tpu.memory_space<vmem>>, vector<16xi32>,
        %get3A_1061 = vector.shape_cast %get3A_1060 : vector<16xi32> to vector<16xi32>
        %mul3A_1062 = arith.constant 10240 : i32
        %mul3A_1063 = vector.broadcast %mul3A_1062 : i32 to vector<16xi32>
        %mul3A_1064 = arith.muli %get3A_1061, %mul3A_1063 : vector<16xi32>
        %get3A_1065 = arith.constant 400 : index
        %get3A_1066 = tpu.vector_load %arg8[%get3A_1065] {strides = array<i32>} : memref<640xi32, #tpu.memory_space<vmem>>, vector<16xi32>,
        %get3A_1067 = vector.shape_cast %get3A_1066 : vector<16xi32> to vector<16xi32>
        %add3A_1068 = arith.addi %mul3A_1064, %get3A_1067 : vector<16xi32>
        %swap3A_1069 = arith.constant 400 : index
        %swap3A_1070 = tpu.vector_load %arg14[%swap3A_1069] {strides = array<i32>} : memref<640xi32, #tpu.memory_space<vmem>>, vector<16xi32>,
        %swap3A_1071 = vector.shape_cast %swap3A_1070 : vector<16xi32> to vector<16xi32>
        %swap3A_1072 = vector.shape_cast %add3A_1068 : vector<16xi32> to vector<16xi32>
        tpu.vector_store %arg14[%swap3A_1069], %swap3A_1072 {strides = array<i32>} : memref<640xi32, #tpu.memory_space<vmem>>, vector<16xi32>,
        %get3A_1073 = arith.constant 416 : index
        %get3A_1074 = tpu.vector_load %arg10[%get3A_1073] {strides = array<i32>} : memref<640xi32, #tpu.memory_space<vmem>>, vector<16xi32>,
        %get3A_1075 = vector.shape_cast %get3A_1074 : vector<16xi32> to vector<16xi32>
        %mul3A_1076 = arith.constant 10240 : i32
        %mul3A_1077 = vector.broadcast %mul3A_1076 : i32 to vector<16xi32>
        %mul3A_1078 = arith.muli %get3A_1075, %mul3A_1077 : vector<16xi32>
        %get3A_1079 = arith.constant 416 : index
        %get3A_1080 = tpu.vector_load %arg8[%get3A_1079] {strides = array<i32>} : memref<640xi32, #tpu.memory_space<vmem>>, vector<16xi32>,
        %get3A_1081 = vector.shape_cast %get3A_1080 : vector<16xi32> to vector<16xi32>
        %add3A_1082 = arith.addi %mul3A_1078, %get3A_1081 : vector<16xi32>
        %swap3A_1083 = arith.constant 416 : index
        %swap3A_1084 = tpu.vector_load %arg14[%swap3A_1083] {strides = array<i32>} : memref<640xi32, #tpu.memory_space<vmem>>, vector<16xi32>,
        %swap3A_1085 = vector.shape_cast %swap3A_1084 : vector<16xi32> to vector<16xi32>
        %swap3A_1086 = vector.shape_cast %add3A_1082 : vector<16xi32> to vector<16xi32>
        tpu.vector_store %arg14[%swap3A_1083], %swap3A_1086 {strides = array<i32>} : memref<640xi32, #tpu.memory_space<vmem>>, vector<16xi32>,
        %get3A_1087 = arith.constant 432 : index
        %get3A_1088 = tpu.vector_load %arg10[%get3A_1087] {strides = array<i32>} : memref<640xi32, #tpu.memory_space<vmem>>, vector<16xi32>,
        %get3A_1089 = vector.shape_cast %get3A_1088 : vector<16xi32> to vector<16xi32>
        %mul3A_1090 = arith.constant 10240 : i32
        %mul3A_1091 = vector.broadcast %mul3A_1090 : i32 to vector<16xi32>
        %mul3A_1092 = arith.muli %get3A_1089, %mul3A_1091 : vector<16xi32>
        %get3A_1093 = arith.constant 432 : index
        %get3A_1094 = tpu.vector_load %arg8[%get3A_1093] {strides = array<i32>} : memref<640xi32, #tpu.memory_space<vmem>>, vector<16xi32>,
        %get3A_1095 = vector.shape_cast %get3A_1094 : vector<16xi32> to vector<16xi32>
        %add3A_1096 = arith.addi %mul3A_1092, %get3A_1095 : vector<16xi32>
        %swap3A_1097 = arith.constant 432 : index
        %swap3A_1098 = tpu.vector_load %arg14[%swap3A_1097] {strides = array<i32>} : memref<640xi32, #tpu.memory_space<vmem>>, vector<16xi32>,
        %swap3A_1099 = vector.shape_cast %swap3A_1098 : vector<16xi32> to vector<16xi32>
        %swap3A_1100 = vector.shape_cast %add3A_1096 : vector<16xi32> to vector<16xi32>
        tpu.vector_store %arg14[%swap3A_1097], %swap3A_1100 {strides = array<i32>} : memref<640xi32, #tpu.memory_space<vmem>>, vector<16xi32>,
        %get3A_1101 = arith.constant 448 : index
        %get3A_1102 = tpu.vector_load %arg10[%get3A_1101] {strides = array<i32>} : memref<640xi32, #tpu.memory_space<vmem>>, vector<16xi32>,
        %get3A_1103 = vector.shape_cast %get3A_1102 : vector<16xi32> to vector<16xi32>
        %mul3A_1104 = arith.constant 10240 : i32
        %mul3A_1105 = vector.broadcast %mul3A_1104 : i32 to vector<16xi32>
        %mul3A_1106 = arith.muli %get3A_1103, %mul3A_1105 : vector<16xi32>
        %get3A_1107 = arith.constant 448 : index
        %get3A_1108 = tpu.vector_load %arg8[%get3A_1107] {strides = array<i32>} : memref<640xi32, #tpu.memory_space<vmem>>, vector<16xi32>,
        %get3A_1109 = vector.shape_cast %get3A_1108 : vector<16xi32> to vector<16xi32>
        %add3A_1110 = arith.addi %mul3A_1106, %get3A_1109 : vector<16xi32>
        %swap3A_1111 = arith.constant 448 : index
        %swap3A_1112 = tpu.vector_load %arg14[%swap3A_1111] {strides = array<i32>} : memref<640xi32, #tpu.memory_space<vmem>>, vector<16xi32>,
        %swap3A_1113 = vector.shape_cast %swap3A_1112 : vector<16xi32> to vector<16xi32>
        %swap3A_1114 = vector.shape_cast %add3A_1110 : vector<16xi32> to vector<16xi32>
        tpu.vector_store %arg14[%swap3A_1111], %swap3A_1114 {strides = array<i32>} : memref<640xi32, #tpu.memory_space<vmem>>, vector<16xi32>,
        %get3A_1115 = arith.constant 464 : index
        %get3A_1116 = tpu.vector_load %arg10[%get3A_1115] {strides = array<i32>} : memref<640xi32, #tpu.memory_space<vmem>>, vector<16xi32>,
        %get3A_1117 = vector.shape_cast %get3A_1116 : vector<16xi32> to vector<16xi32>
        %mul3A_1118 = arith.constant 10240 : i32
        %mul3A_1119 = vector.broadcast %mul3A_1118 : i32 to vector<16xi32>
        %mul3A_1120 = arith.muli %get3A_1117, %mul3A_1119 : vector<16xi32>
        %get3A_1121 = arith.constant 464 : index
        %get3A_1122 = tpu.vector_load %arg8[%get3A_1121] {strides = array<i32>} : memref<640xi32, #tpu.memory_space<vmem>>, vector<16xi32>,
        %get3A_1123 = vector.shape_cast %get3A_1122 : vector<16xi32> to vector<16xi32>
        %add3A_1124 = arith.addi %mul3A_1120, %get3A_1123 : vector<16xi32>
        %swap3A_1125 = arith.constant 464 : index
        %swap3A_1126 = tpu.vector_load %arg14[%swap3A_1125] {strides = array<i32>} : memref<640xi32, #tpu.memory_space<vmem>>, vector<16xi32>,
        %swap3A_1127 = vector.shape_cast %swap3A_1126 : vector<16xi32> to vector<16xi32>
        %swap3A_1128 = vector.shape_cast %add3A_1124 : vector<16xi32> to vector<16xi32>
        tpu.vector_store %arg14[%swap3A_1125], %swap3A_1128 {strides = array<i32>} : memref<640xi32, #tpu.memory_space<vmem>>, vector<16xi32>,
        %get3A_1129 = arith.constant 480 : index
        %get3A_1130 = tpu.vector_load %arg10[%get3A_1129] {strides = array<i32>} : memref<640xi32, #tpu.memory_space<vmem>>, vector<16xi32>,
        %get3A_1131 = vector.shape_cast %get3A_1130 : vector<16xi32> to vector<16xi32>
        %mul3A_1132 = arith.constant 10240 : i32
        %mul3A_1133 = vector.broadcast %mul3A_1132 : i32 to vector<16xi32>
        %mul3A_1134 = arith.muli %get3A_1131, %mul3A_1133 : vector<16xi32>
        %get3A_1135 = arith.constant 480 : index
        %get3A_1136 = tpu.vector_load %arg8[%get3A_1135] {strides = array<i32>} : memref<640xi32, #tpu.memory_space<vmem>>, vector<16xi32>,
        %get3A_1137 = vector.shape_cast %get3A_1136 : vector<16xi32> to vector<16xi32>
        %add3A_1138 = arith.addi %mul3A_1134, %get3A_1137 : vector<16xi32>
        %swap3A_1139 = arith.constant 480 : index
        %swap3A_1140 = tpu.vector_load %arg14[%swap3A_1139] {strides = array<i32>} : memref<640xi32, #tpu.memory_space<vmem>>, vector<16xi32>,
        %swap3A_1141 = vector.shape_cast %swap3A_1140 : vector<16xi32> to vector<16xi32>
        %swap3A_1142 = vector.shape_cast %add3A_1138 : vector<16xi32> to vector<16xi32>
        tpu.vector_store %arg14[%swap3A_1139], %swap3A_1142 {strides = array<i32>} : memref<640xi32, #tpu.memory_space<vmem>>, vector<16xi32>,
        %get3A_1143 = arith.constant 496 : index
        %get3A_1144 = tpu.vector_load %arg10[%get3A_1143] {strides = array<i32>} : memref<640xi32, #tpu.memory_space<vmem>>, vector<16xi32>,
        %get3A_1145 = vector.shape_cast %get3A_1144 : vector<16xi32> to vector<16xi32>
        %mul3A_1146 = arith.constant 10240 : i32
        %mul3A_1147 = vector.broadcast %mul3A_1146 : i32 to vector<16xi32>
        %mul3A_1148 = arith.muli %get3A_1145, %mul3A_1147 : vector<16xi32>
        %get3A_1149 = arith.constant 496 : index
        %get3A_1150 = tpu.vector_load %arg8[%get3A_1149] {strides = array<i32>} : memref<640xi32, #tpu.memory_space<vmem>>, vector<16xi32>,
        %get3A_1151 = vector.shape_cast %get3A_1150 : vector<16xi32> to vector<16xi32>
        %add3A_1152 = arith.addi %mul3A_1148, %get3A_1151 : vector<16xi32>
        %swap3A_1153 = arith.constant 496 : index
        %swap3A_1154 = tpu.vector_load %arg14[%swap3A_1153] {strides = array<i32>} : memref<640xi32, #tpu.memory_space<vmem>>, vector<16xi32>,
        %swap3A_1155 = vector.shape_cast %swap3A_1154 : vector<16xi32> to vector<16xi32>
        %swap3A_1156 = vector.shape_cast %add3A_1152 : vector<16xi32> to vector<16xi32>
        tpu.vector_store %arg14[%swap3A_1153], %swap3A_1156 {strides = array<i32>} : memref<640xi32, #tpu.memory_space<vmem>>, vector<16xi32>,
        %get3A_1157 = arith.constant 512 : index
        %get3A_1158 = tpu.vector_load %arg10[%get3A_1157] {strides = array<i32>} : memref<640xi32, #tpu.memory_space<vmem>>, vector<16xi32>,
        %get3A_1159 = vector.shape_cast %get3A_1158 : vector<16xi32> to vector<16xi32>
        %mul3A_1160 = arith.constant 10240 : i32
        %mul3A_1161 = vector.broadcast %mul3A_1160 : i32 to vector<16xi32>
        %mul3A_1162 = arith.muli %get3A_1159, %mul3A_1161 : vector<16xi32>
        %get3A_1163 = arith.constant 512 : index
        %get3A_1164 = tpu.vector_load %arg8[%get3A_1163] {strides = array<i32>} : memref<640xi32, #tpu.memory_space<vmem>>, vector<16xi32>,
        %get3A_1165 = vector.shape_cast %get3A_1164 : vector<16xi32> to vector<16xi32>
        %add3A_1166 = arith.addi %mul3A_1162, %get3A_1165 : vector<16xi32>
        %swap3A_1167 = arith.constant 512 : index
        %swap3A_1168 = tpu.vector_load %arg14[%swap3A_1167] {strides = array<i32>} : memref<640xi32, #tpu.memory_space<vmem>>, vector<16xi32>,
        %swap3A_1169 = vector.shape_cast %swap3A_1168 : vector<16xi32> to vector<16xi32>
        %swap3A_1170 = vector.shape_cast %add3A_1166 : vector<16xi32> to vector<16xi32>
        tpu.vector_store %arg14[%swap3A_1167], %swap3A_1170 {strides = array<i32>} : memref<640xi32, #tpu.memory_space<vmem>>, vector<16xi32>,
        %get3A_1171 = arith.constant 528 : index
        %get3A_1172 = tpu.vector_load %arg10[%get3A_1171] {strides = array<i32>} : memref<640xi32, #tpu.memory_space<vmem>>, vector<16xi32>,
        %get3A_1173 = vector.shape_cast %get3A_1172 : vector<16xi32> to vector<16xi32>
        %mul3A_1174 = arith.constant 10240 : i32
        %mul3A_1175 = vector.broadcast %mul3A_1174 : i32 to vector<16xi32>
        %mul3A_1176 = arith.muli %get3A_1173, %mul3A_1175 : vector<16xi32>
        %get3A_1177 = arith.constant 528 : index
        %get3A_1178 = tpu.vector_load %arg8[%get3A_1177] {strides = array<i32>} : memref<640xi32, #tpu.memory_space<vmem>>, vector<16xi32>,
        %get3A_1179 = vector.shape_cast %get3A_1178 : vector<16xi32> to vector<16xi32>
        %add3A_1180 = arith.addi %mul3A_1176, %get3A_1179 : vector<16xi32>
        %swap3A_1181 = arith.constant 528 : index
        %swap3A_1182 = tpu.vector_load %arg14[%swap3A_1181] {strides = array<i32>} : memref<640xi32, #tpu.memory_space<vmem>>, vector<16xi32>,
        %swap3A_1183 = vector.shape_cast %swap3A_1182 : vector<16xi32> to vector<16xi32>
        %swap3A_1184 = vector.shape_cast %add3A_1180 : vector<16xi32> to vector<16xi32>
        tpu.vector_store %arg14[%swap3A_1181], %swap3A_1184 {strides = array<i32>} : memref<640xi32, #tpu.memory_space<vmem>>, vector<16xi32>,
        %get3A_1185 = arith.constant 544 : index
        %get3A_1186 = tpu.vector_load %arg10[%get3A_1185] {strides = array<i32>} : memref<640xi32, #tpu.memory_space<vmem>>, vector<16xi32>,
        %get3A_1187 = vector.shape_cast %get3A_1186 : vector<16xi32> to vector<16xi32>
        %mul3A_1188 = arith.constant 10240 : i32
        %mul3A_1189 = vector.broadcast %mul3A_1188 : i32 to vector<16xi32>
        %mul3A_1190 = arith.muli %get3A_1187, %mul3A_1189 : vector<16xi32>
        %get3A_1191 = arith.constant 544 : index
        %get3A_1192 = tpu.vector_load %arg8[%get3A_1191] {strides = array<i32>} : memref<640xi32, #tpu.memory_space<vmem>>, vector<16xi32>,
        %get3A_1193 = vector.shape_cast %get3A_1192 : vector<16xi32> to vector<16xi32>
        %add3A_1194 = arith.addi %mul3A_1190, %get3A_1193 : vector<16xi32>
        %swap3A_1195 = arith.constant 544 : index
        %swap3A_1196 = tpu.vector_load %arg14[%swap3A_1195] {strides = array<i32>} : memref<640xi32, #tpu.memory_space<vmem>>, vector<16xi32>,
        %swap3A_1197 = vector.shape_cast %swap3A_1196 : vector<16xi32> to vector<16xi32>
        %swap3A_1198 = vector.shape_cast %add3A_1194 : vector<16xi32> to vector<16xi32>
        tpu.vector_store %arg14[%swap3A_1195], %swap3A_1198 {strides = array<i32>} : memref<640xi32, #tpu.memory_space<vmem>>, vector<16xi32>,
        %get3A_1199 = arith.constant 560 : index
        %get3A_1200 = tpu.vector_load %arg10[%get3A_1199] {strides = array<i32>} : memref<640xi32, #tpu.memory_space<vmem>>, vector<16xi32>,
        %get3A_1201 = vector.shape_cast %get3A_1200 : vector<16xi32> to vector<16xi32>
        %mul3A_1202 = arith.constant 10240 : i32
        %mul3A_1203 = vector.broadcast %mul3A_1202 : i32 to vector<16xi32>
        %mul3A_1204 = arith.muli %get3A_1201, %mul3A_1203 : vector<16xi32>
        %get3A_1205 = arith.constant 560 : index
        %get3A_1206 = tpu.vector_load %arg8[%get3A_1205] {strides = array<i32>} : memref<640xi32, #tpu.memory_space<vmem>>, vector<16xi32>,
        %get3A_1207 = vector.shape_cast %get3A_1206 : vector<16xi32> to vector<16xi32>
        %add3A_1208 = arith.addi %mul3A_1204, %get3A_1207 : vector<16xi32>
        %swap3A_1209 = arith.constant 560 : index
        %swap3A_1210 = tpu.vector_load %arg14[%swap3A_1209] {strides = array<i32>} : memref<640xi32, #tpu.memory_space<vmem>>, vector<16xi32>,
        %swap3A_1211 = vector.shape_cast %swap3A_1210 : vector<16xi32> to vector<16xi32>
        %swap3A_1212 = vector.shape_cast %add3A_1208 : vector<16xi32> to vector<16xi32>
        tpu.vector_store %arg14[%swap3A_1209], %swap3A_1212 {strides = array<i32>} : memref<640xi32, #tpu.memory_space<vmem>>, vector<16xi32>,
        %get3A_1213 = arith.constant 576 : index
        %get3A_1214 = tpu.vector_load %arg10[%get3A_1213] {strides = array<i32>} : memref<640xi32, #tpu.memory_space<vmem>>, vector<16xi32>,
        %get3A_1215 = vector.shape_cast %get3A_1214 : vector<16xi32> to vector<16xi32>
        %mul3A_1216 = arith.constant 10240 : i32
        %mul3A_1217 = vector.broadcast %mul3A_1216 : i32 to vector<16xi32>
        %mul3A_1218 = arith.muli %get3A_1215, %mul3A_1217 : vector<16xi32>
        %get3A_1219 = arith.constant 576 : index
        %get3A_1220 = tpu.vector_load %arg8[%get3A_1219] {strides = array<i32>} : memref<640xi32, #tpu.memory_space<vmem>>, vector<16xi32>,
        %get3A_1221 = vector.shape_cast %get3A_1220 : vector<16xi32> to vector<16xi32>
        %add3A_1222 = arith.addi %mul3A_1218, %get3A_1221 : vector<16xi32>
        %swap3A_1223 = arith.constant 576 : index
        %swap3A_1224 = tpu.vector_load %arg14[%swap3A_1223] {strides = array<i32>} : memref<640xi32, #tpu.memory_space<vmem>>, vector<16xi32>,
        %swap3A_1225 = vector.shape_cast %swap3A_1224 : vector<16xi32> to vector<16xi32>
        %swap3A_1226 = vector.shape_cast %add3A_1222 : vector<16xi32> to vector<16xi32>
        tpu.vector_store %arg14[%swap3A_1223], %swap3A_1226 {strides = array<i32>} : memref<640xi32, #tpu.memory_space<vmem>>, vector<16xi32>,
        %get3A_1227 = arith.constant 592 : index
        %get3A_1228 = tpu.vector_load %arg10[%get3A_1227] {strides = array<i32>} : memref<640xi32, #tpu.memory_space<vmem>>, vector<16xi32>,
        %get3A_1229 = vector.shape_cast %get3A_1228 : vector<16xi32> to vector<16xi32>
        %mul3A_1230 = arith.constant 10240 : i32
        %mul3A_1231 = vector.broadcast %mul3A_1230 : i32 to vector<16xi32>
        %mul3A_1232 = arith.muli %get3A_1229, %mul3A_1231 : vector<16xi32>
        %get3A_1233 = arith.constant 592 : index
        %get3A_1234 = tpu.vector_load %arg8[%get3A_1233] {strides = array<i32>} : memref<640xi32, #tpu.memory_space<vmem>>, vector<16xi32>,
        %get3A_1235 = vector.shape_cast %get3A_1234 : vector<16xi32> to vector<16xi32>
        %add3A_1236 = arith.addi %mul3A_1232, %get3A_1235 : vector<16xi32>
        %swap3A_1237 = arith.constant 592 : index
        %swap3A_1238 = tpu.vector_load %arg14[%swap3A_1237] {strides = array<i32>} : memref<640xi32, #tpu.memory_space<vmem>>, vector<16xi32>,
        %swap3A_1239 = vector.shape_cast %swap3A_1238 : vector<16xi32> to vector<16xi32>
        %swap3A_1240 = vector.shape_cast %add3A_1236 : vector<16xi32> to vector<16xi32>
        tpu.vector_store %arg14[%swap3A_1237], %swap3A_1240 {strides = array<i32>} : memref<640xi32, #tpu.memory_space<vmem>>, vector<16xi32>,
        %get3A_1241 = arith.constant 608 : index
        %get3A_1242 = tpu.vector_load %arg10[%get3A_1241] {strides = array<i32>} : memref<640xi32, #tpu.memory_space<vmem>>, vector<16xi32>,
        %get3A_1243 = vector.shape_cast %get3A_1242 : vector<16xi32> to vector<16xi32>
        %mul3A_1244 = arith.constant 10240 : i32
        %mul3A_1245 = vector.broadcast %mul3A_1244 : i32 to vector<16xi32>
        %mul3A_1246 = arith.muli %get3A_1243, %mul3A_1245 : vector<16xi32>
        %get3A_1247 = arith.constant 608 : index
        %get3A_1248 = tpu.vector_load %arg8[%get3A_1247] {strides = array<i32>} : memref<640xi32, #tpu.memory_space<vmem>>, vector<16xi32>,
        %get3A_1249 = vector.shape_cast %get3A_1248 : vector<16xi32> to vector<16xi32>
        %add3A_1250 = arith.addi %mul3A_1246, %get3A_1249 : vector<16xi32>
        %swap3A_1251 = arith.constant 608 : index
        %swap3A_1252 = tpu.vector_load %arg14[%swap3A_1251] {strides = array<i32>} : memref<640xi32, #tpu.memory_space<vmem>>, vector<16xi32>,
        %swap3A_1253 = vector.shape_cast %swap3A_1252 : vector<16xi32> to vector<16xi32>
        %swap3A_1254 = vector.shape_cast %add3A_1250 : vector<16xi32> to vector<16xi32>
        tpu.vector_store %arg14[%swap3A_1251], %swap3A_1254 {strides = array<i32>} : memref<640xi32, #tpu.memory_space<vmem>>, vector<16xi32>,
        %get3A_1255 = arith.constant 624 : index
        %get3A_1256 = tpu.vector_load %arg10[%get3A_1255] {strides = array<i32>} : memref<640xi32, #tpu.memory_space<vmem>>, vector<16xi32>,
        %get3A_1257 = vector.shape_cast %get3A_1256 : vector<16xi32> to vector<16xi32>
        %mul3A_1258 = arith.constant 10240 : i32
        %mul3A_1259 = vector.broadcast %mul3A_1258 : i32 to vector<16xi32>
        %mul3A_1260 = arith.muli %get3A_1257, %mul3A_1259 : vector<16xi32>
        %get3A_1261 = arith.constant 624 : index
        %get3A_1262 = tpu.vector_load %arg8[%get3A_1261] {strides = array<i32>} : memref<640xi32, #tpu.memory_space<vmem>>, vector<16xi32>,
        %get3A_1263 = vector.shape_cast %get3A_1262 : vector<16xi32> to vector<16xi32>
        %add3A_1264 = arith.addi %mul3A_1260, %get3A_1263 : vector<16xi32>
        %swap3A_1265 = arith.constant 624 : index
        %swap3A_1266 = tpu.vector_load %arg14[%swap3A_1265] {strides = array<i32>} : memref<640xi32, #tpu.memory_space<vmem>>, vector<16xi32>,
        %swap3A_1267 = vector.shape_cast %swap3A_1266 : vector<16xi32> to vector<16xi32>
        %swap3A_1268 = vector.shape_cast %add3A_1264 : vector<16xi32> to vector<16xi32>
        tpu.vector_store %arg14[%swap3A_1265], %swap3A_1268 {strides = array<i32>} : memref<640xi32, #tpu.memory_space<vmem>>, vector<16xi32>,
        %dma_start3A_1269 = arith.constant 0 : i32
        %dma_start3A_1270 = arith.constant 0 : i32
        %dma_start3A_1271 = tpu.memref_slice %arg2[%dma_start3A_1269, %dma_start3A_1270] : memref<71680x32xf32, #tpu.memory_space<hbm>> -> memref<71680x32xf32, #tpu.memory_space<hbm>>
        tpu.enqueue_indirect_dma source(%dma_start3A_1271 : memref<71680x32xf32, #tpu.memory_space<hbm>>) target(%arg16 : memref<640x32xf32, #tpu.memory_space<vmem>>) offsets(%arg14 : memref<640xi32, #tpu.memory_space<vmem>>) semaphore(%arg21 : memref<!tpu.dma_semaphore, #tpu.memory_space<semaphore_mem>>)
      } else {
      }
      %lt3A_693 = arith.cmpi slt, %add3A_674, %select_n3A : i32
      %convert_element_type3A_694 = arith.extui %lt3A_693 : i1 to i32
      %cond3A_695 = arith.constant 0 : i32
      %cond3A_696 = arith.cmpi ne, %convert_element_type3A_694, %cond3A_695 : i32
      scf.if %cond3A_696 {
        %mul3A_697 = arith.constant 32 : i32
        %mul3A_698 = arith.muli %add3A_674, %mul3A_697 : i32
        %add3A_699 = arith.addi %add3A, %mul3A_698 : i32
        %mul3A_700 = arith.constant 640 : i32
        %mul3A_701 = arith.muli %add3A_699, %mul3A_700 : i32
        %dma_start3A_702 = tpu.memref_slice %arg3[%mul3A_701] : memref<320000xi32, #tpu.memory_space<hbm>> -> memref<640xi32, #tpu.memory_space<hbm>>
        %dma_start3A_703 = tpu.memref_slice %arg3[%mul3A_701] : memref<320000xi32, #tpu.memory_space<hbm>> -> memref<640xi32, #tpu.memory_space<hbm>>
        tpu.enqueue_dma source(%dma_start3A_703 : memref<640xi32, #tpu.memory_space<hbm>>) target(%arg9 : memref<640xi32, #tpu.memory_space<vmem>>) target_semaphore(%arg20 : memref<!tpu.dma_semaphore, #tpu.memory_space<semaphore_mem>>)
        %dma_start3A_704 = tpu.memref_slice %arg4[%mul3A_701] : memref<320000xi32, #tpu.memory_space<hbm>> -> memref<640xi32, #tpu.memory_space<hbm>>
        %dma_start3A_705 = tpu.memref_slice %arg4[%mul3A_701] : memref<320000xi32, #tpu.memory_space<hbm>> -> memref<640xi32, #tpu.memory_space<hbm>>
        tpu.enqueue_dma source(%dma_start3A_705 : memref<640xi32, #tpu.memory_space<hbm>>) target(%arg11 : memref<640xi32, #tpu.memory_space<vmem>>) target_semaphore(%arg20 : memref<!tpu.dma_semaphore, #tpu.memory_space<semaphore_mem>>)
        %dma_start3A_706 = tpu.memref_slice %arg5[%mul3A_701] : memref<320000xi32, #tpu.memory_space<hbm>> -> memref<640xi32, #tpu.memory_space<hbm>>
        %dma_start3A_707 = tpu.memref_slice %arg5[%mul3A_701] : memref<320000xi32, #tpu.memory_space<hbm>> -> memref<640xi32, #tpu.memory_space<hbm>>
        tpu.enqueue_dma source(%dma_start3A_707 : memref<640xi32, #tpu.memory_space<hbm>>) target(%arg13 : memref<640xi32, #tpu.memory_space<vmem>>) target_semaphore(%arg20 : memref<!tpu.dma_semaphore, #tpu.memory_space<semaphore_mem>>)
      } else {
      }
    }
    %barrier3A_649 = arith.constant 0 : index
    tpu.barrier barrier_id(%barrier3A_649)
    %mul3A_650 = arith.constant 624 : i32
    %mul3A_651 = arith.muli %arg1, %mul3A_650 : i32
    %mul3A_652 = arith.constant 10240 : i32
    %mul3A_653 = arith.muli %arg0, %mul3A_652 : i32
    %mul3A_654 = arith.constant 624 : i32
    %mul3A_655 = arith.muli %arg1, %mul3A_654 : i32
    %add3A_656 = arith.addi %mul3A_653, %mul3A_655 : i32
    "tpu.region"() ({
      %run_scoped3A = tpu.sem_alloc : memref<!tpu.dma_semaphore, #tpu.memory_space<semaphore_mem>>
      %dma_start3A_662 = arith.constant 0 : i32
      %dma_start3A_663 = tpu.memref_slice %arg7[%add3A_656, %dma_start3A_662] : memref<20480x32xf32, #tpu.memory_space<hbm>> -> memref<624x32xf32, #tpu.memory_space<hbm>>
      %dma_start3A_664 = arith.constant 0 : i32
      %dma_start3A_665 = tpu.memref_slice %arg18[%mul3A_651, %dma_start3A_664] : memref<10000x32xf32, #tpu.memory_space<vmem_shared>> -> memref<624x32xf32, #tpu.memory_space<vmem_shared>>
      tpu.enqueue_dma source(%dma_start3A_665 : memref<624x32xf32, #tpu.memory_space<vmem_shared>>) target(%dma_start3A_663 : memref<624x32xf32, #tpu.memory_space<hbm>>) target_semaphore(%run_scoped3A : memref<!tpu.dma_semaphore, #tpu.memory_space<semaphore_mem>>)
      %dma_wait3A_666 = arith.constant 0 : i32
      %dma_wait3A_667 = tpu.memref_slice %arg7[%add3A_656, %dma_wait3A_666] : memref<20480x32xf32, #tpu.memory_space<hbm>> -> memref<624x32xf32, #tpu.memory_space<hbm>>
      %dma_wait3A_668 = arith.constant 0 : i32
      %dma_wait3A_669 = tpu.memref_slice %arg18[%mul3A_651, %dma_wait3A_668] : memref<10000x32xf32, #tpu.memory_space<vmem_shared>> -> memref<624x32xf32, #tpu.memory_space<vmem_shared>>
      tpu.wait_dma2 semaphore(%run_scoped3A : memref<!tpu.dma_semaphore, #tpu.memory_space<semaphore_mem>>) src(%dma_wait3A_669 : memref<624x32xf32, #tpu.memory_space<vmem_shared>>) dst(%dma_wait3A_667 : memref<624x32xf32, #tpu.memory_space<hbm>>)
      tpu.yield
    }) : () -> ()
    %eq3A_657 = arith.constant 15 : i32
    %eq3A_658 = arith.cmpi eq, %arg1, %eq3A_657 : i32
    %convert_element_type3A_659 = arith.extui %eq3A_658 : i1 to i32
    %cond3A_660 = arith.constant 0 : i32
    %cond3A_661 = arith.cmpi ne, %convert_element_type3A_659, %cond3A_660 : i32
    scf.if %cond3A_661 {
      %mul3A_662 = arith.constant 10240 : i32
      %mul3A_663 = arith.muli %arg0, %mul3A_662 : i32
      %add3A_664 = arith.constant 9984 : i32
      %add3A_665 = arith.addi %mul3A_663, %add3A_664 : i32
      "tpu.region"() ({
        %run_scoped3A = tpu.sem_alloc : memref<!tpu.dma_semaphore, #tpu.memory_space<semaphore_mem>>
        %dma_start3A_666 = arith.constant 0 : i32
        %dma_start3A_667 = tpu.memref_slice %arg7[%add3A_665, %dma_start3A_666] : memref<20480x32xf32, #tpu.memory_space<hbm>> -> memref<16x32xf32, #tpu.memory_space<hbm>>
        %dma_start3A_668 = arith.constant 9984 : i32
        %dma_start3A_669 = arith.constant 0 : i32
        %dma_start3A_670 = tpu.memref_slice %arg18[%dma_start3A_668, %dma_start3A_669] : memref<10000x32xf32, #tpu.memory_space<vmem_shared>> -> memref<16x32xf32, #tpu.memory_space<vmem_shared>>
        tpu.enqueue_dma source(%dma_start3A_670 : memref<16x32xf32, #tpu.memory_space<vmem_shared>>) target(%dma_start3A_667 : memref<16x32xf32, #tpu.memory_space<hbm>>) target_semaphore(%run_scoped3A : memref<!tpu.dma_semaphore, #tpu.memory_space<semaphore_mem>>)
        %dma_wait3A_671 = arith.constant 0 : i32
        %dma_wait3A_672 = tpu.memref_slice %arg7[%add3A_665, %dma_wait3A_671] : memref<20480x32xf32, #tpu.memory_space<hbm>> -> memref<16x32xf32, #tpu.memory_space<hbm>>
        %dma_wait3A_673 = arith.constant 9984 : i32
        %dma_wait3A_674 = arith.constant 0 : i32
        %dma_wait3A_675 = tpu.memref_slice %arg18[%dma_wait3A_673, %dma_wait3A_674] : memref<10000x32xf32, #tpu.memory_space<vmem_shared>> -> memref<16x32xf32, #tpu.memory_space<vmem_shared>>
        tpu.wait_dma2 semaphore(%run_scoped3A : memref<!tpu.dma_semaphore, #tpu.memory_space<semaphore_mem>>) src(%dma_wait3A_675 : memref<16x32xf32, #tpu.memory_space<vmem_shared>>) dst(%dma_wait3A_672 : memref<16x32xf32, #tpu.memory_space<hbm>>)
        tpu.yield
      }) : () -> ()
    } else {
    }
    return
  }
}

module attributes {stable_mosaic.version = 14 : i64} {
  func.func @_stage1_body(%arg0: i32, %arg1: memref<512x512xf32, #tpu.memory_space<vmem>>, %arg2: memref<7x512x128xf32, #tpu.memory_space<vmem>>, %arg3: memref<512x128xf32, #tpu.memory_space<vmem>>, %arg4: memref<7x512x128xf32, #tpu.memory_space<vmem>>, %arg5: memref<512x128xf32, #tpu.memory_space<vmem>>) attributes {dimension_semantics = [#tpu.dimension_semantics<arbitrary>], iteration_bounds = array<i64: 5>, scalar_prefetch = 0 : i64, scratch_operands = 0 : i64, tpu.core_type = #tpu.core_type<tc>, window_params = [{transform_indices = @transform_0, window_bounds = array<i64: 512, 512>}, {pipeline_mode = #tpu.pipeline_mode<synchronous>, transform_indices = @transform_1, window_bounds = array<i64: 7, 512, 128>}, {pipeline_mode = #tpu.pipeline_mode<synchronous>, transform_indices = @transform_2, window_bounds = array<i64: 512, 128>}, {transform_indices = @transform_3, window_bounds = array<i64: 7, 512, 128>}, {transform_indices = @transform_4, window_bounds = array<i64: 512, 128>}]} {
    %get3A = arith.constant 0 : index
    %get3A_0 = arith.constant 0 : index
    %get3A_1 = vector.load %arg1[%get3A, %get3A_0] : memref<512x512xf32, #tpu.memory_space<vmem>>, vector<512x512xf32>
    %get3A_2 = arith.constant 0 : index
    %get3A_3 = arith.constant 0 : index
    %get3A_4 = arith.constant 0 : index
    %get3A_5 = vector.load %arg2[%get3A_2, %get3A_3, %get3A_4] : memref<7x512x128xf32, #tpu.memory_space<vmem>>, vector<1x512x128xf32>
    %get3A_6 = vector.shape_cast %get3A_5 : vector<1x512x128xf32> to vector<512x128xf32>
    %dot_general3A = arith.constant dense<0.000000e+00> : vector<512x128xf32>
    %dot_general3A_7 = tpu.matmul %get3A_1, %get3A_6, %dot_general3A {dimension_numbers = #tpu.dot_dimension_numbers<[1], [0], [0], [1], [0, 0, 1, 1], [], []>, transpose_lhs_hint = false} : vector<512x512xf32>, vector<512x128xf32>, vector<512x128xf32> -> vector<512x128xf32>
    %swap3A = arith.constant 0 : index
    %swap3A_8 = arith.constant 0 : index
    %swap3A_9 = arith.constant 0 : index
    %swap3A_10 = vector.load %arg4[%swap3A, %swap3A_8, %swap3A_9] : memref<7x512x128xf32, #tpu.memory_space<vmem>>, vector<1x512x128xf32>
    %swap3A_11 = vector.shape_cast %swap3A_10 : vector<1x512x128xf32> to vector<512x128xf32>
    %swap3A_12 = vector.shape_cast %dot_general3A_7 : vector<512x128xf32> to vector<1x512x128xf32>
    tpu.vector_store %arg4[%swap3A, %swap3A_8, %swap3A_9], %swap3A_12 {strides = array<i32>} : memref<7x512x128xf32, #tpu.memory_space<vmem>>, vector<1x512x128xf32>,
    %get3A_13 = arith.constant 1 : index
    %get3A_14 = arith.constant 0 : index
    %get3A_15 = arith.constant 0 : index
    %get3A_16 = vector.load %arg2[%get3A_13, %get3A_14, %get3A_15] : memref<7x512x128xf32, #tpu.memory_space<vmem>>, vector<1x512x128xf32>
    %get3A_17 = vector.shape_cast %get3A_16 : vector<1x512x128xf32> to vector<512x128xf32>
    %dot_general3A_18 = arith.constant dense<0.000000e+00> : vector<512x128xf32>
    %dot_general3A_19 = tpu.matmul %get3A_1, %get3A_17, %dot_general3A_18 {dimension_numbers = #tpu.dot_dimension_numbers<[1], [0], [0], [1], [0, 0, 1, 1], [], []>, transpose_lhs_hint = false} : vector<512x512xf32>, vector<512x128xf32>, vector<512x128xf32> -> vector<512x128xf32>
    %swap3A_20 = arith.constant 1 : index
    %swap3A_21 = arith.constant 0 : index
    %swap3A_22 = arith.constant 0 : index
    %swap3A_23 = vector.load %arg4[%swap3A_20, %swap3A_21, %swap3A_22] : memref<7x512x128xf32, #tpu.memory_space<vmem>>, vector<1x512x128xf32>
    %swap3A_24 = vector.shape_cast %swap3A_23 : vector<1x512x128xf32> to vector<512x128xf32>
    %swap3A_25 = vector.shape_cast %dot_general3A_19 : vector<512x128xf32> to vector<1x512x128xf32>
    tpu.vector_store %arg4[%swap3A_20, %swap3A_21, %swap3A_22], %swap3A_25 {strides = array<i32>} : memref<7x512x128xf32, #tpu.memory_space<vmem>>, vector<1x512x128xf32>,
    %get3A_26 = arith.constant 2 : index
    %get3A_27 = arith.constant 0 : index
    %get3A_28 = arith.constant 0 : index
    %get3A_29 = vector.load %arg2[%get3A_26, %get3A_27, %get3A_28] : memref<7x512x128xf32, #tpu.memory_space<vmem>>, vector<1x512x128xf32>
    %get3A_30 = vector.shape_cast %get3A_29 : vector<1x512x128xf32> to vector<512x128xf32>
    %dot_general3A_31 = arith.constant dense<0.000000e+00> : vector<512x128xf32>
    %dot_general3A_32 = tpu.matmul %get3A_1, %get3A_30, %dot_general3A_31 {dimension_numbers = #tpu.dot_dimension_numbers<[1], [0], [0], [1], [0, 0, 1, 1], [], []>, transpose_lhs_hint = false} : vector<512x512xf32>, vector<512x128xf32>, vector<512x128xf32> -> vector<512x128xf32>
    %swap3A_33 = arith.constant 2 : index
    %swap3A_34 = arith.constant 0 : index
    %swap3A_35 = arith.constant 0 : index
    %swap3A_36 = vector.load %arg4[%swap3A_33, %swap3A_34, %swap3A_35] : memref<7x512x128xf32, #tpu.memory_space<vmem>>, vector<1x512x128xf32>
    %swap3A_37 = vector.shape_cast %swap3A_36 : vector<1x512x128xf32> to vector<512x128xf32>
    %swap3A_38 = vector.shape_cast %dot_general3A_32 : vector<512x128xf32> to vector<1x512x128xf32>
    tpu.vector_store %arg4[%swap3A_33, %swap3A_34, %swap3A_35], %swap3A_38 {strides = array<i32>} : memref<7x512x128xf32, #tpu.memory_space<vmem>>, vector<1x512x128xf32>,
    %get3A_39 = arith.constant 3 : index
    %get3A_40 = arith.constant 0 : index
    %get3A_41 = arith.constant 0 : index
    %get3A_42 = vector.load %arg2[%get3A_39, %get3A_40, %get3A_41] : memref<7x512x128xf32, #tpu.memory_space<vmem>>, vector<1x512x128xf32>
    %get3A_43 = vector.shape_cast %get3A_42 : vector<1x512x128xf32> to vector<512x128xf32>
    %dot_general3A_44 = arith.constant dense<0.000000e+00> : vector<512x128xf32>
    %dot_general3A_45 = tpu.matmul %get3A_1, %get3A_43, %dot_general3A_44 {dimension_numbers = #tpu.dot_dimension_numbers<[1], [0], [0], [1], [0, 0, 1, 1], [], []>, transpose_lhs_hint = false} : vector<512x512xf32>, vector<512x128xf32>, vector<512x128xf32> -> vector<512x128xf32>
    %swap3A_46 = arith.constant 3 : index
    %swap3A_47 = arith.constant 0 : index
    %swap3A_48 = arith.constant 0 : index
    %swap3A_49 = vector.load %arg4[%swap3A_46, %swap3A_47, %swap3A_48] : memref<7x512x128xf32, #tpu.memory_space<vmem>>, vector<1x512x128xf32>
    %swap3A_50 = vector.shape_cast %swap3A_49 : vector<1x512x128xf32> to vector<512x128xf32>
    %swap3A_51 = vector.shape_cast %dot_general3A_45 : vector<512x128xf32> to vector<1x512x128xf32>
    tpu.vector_store %arg4[%swap3A_46, %swap3A_47, %swap3A_48], %swap3A_51 {strides = array<i32>} : memref<7x512x128xf32, #tpu.memory_space<vmem>>, vector<1x512x128xf32>,
    %get3A_52 = arith.constant 4 : index
    %get3A_53 = arith.constant 0 : index
    %get3A_54 = arith.constant 0 : index
    %get3A_55 = vector.load %arg2[%get3A_52, %get3A_53, %get3A_54] : memref<7x512x128xf32, #tpu.memory_space<vmem>>, vector<1x512x128xf32>
    %get3A_56 = vector.shape_cast %get3A_55 : vector<1x512x128xf32> to vector<512x128xf32>
    %dot_general3A_57 = arith.constant dense<0.000000e+00> : vector<512x128xf32>
    %dot_general3A_58 = tpu.matmul %get3A_1, %get3A_56, %dot_general3A_57 {dimension_numbers = #tpu.dot_dimension_numbers<[1], [0], [0], [1], [0, 0, 1, 1], [], []>, transpose_lhs_hint = false} : vector<512x512xf32>, vector<512x128xf32>, vector<512x128xf32> -> vector<512x128xf32>
    %swap3A_59 = arith.constant 4 : index
    %swap3A_60 = arith.constant 0 : index
    %swap3A_61 = arith.constant 0 : index
    %swap3A_62 = vector.load %arg4[%swap3A_59, %swap3A_60, %swap3A_61] : memref<7x512x128xf32, #tpu.memory_space<vmem>>, vector<1x512x128xf32>
    %swap3A_63 = vector.shape_cast %swap3A_62 : vector<1x512x128xf32> to vector<512x128xf32>
    %swap3A_64 = vector.shape_cast %dot_general3A_58 : vector<512x128xf32> to vector<1x512x128xf32>
    tpu.vector_store %arg4[%swap3A_59, %swap3A_60, %swap3A_61], %swap3A_64 {strides = array<i32>} : memref<7x512x128xf32, #tpu.memory_space<vmem>>, vector<1x512x128xf32>,
    %get3A_65 = arith.constant 5 : index
    %get3A_66 = arith.constant 0 : index
    %get3A_67 = arith.constant 0 : index
    %get3A_68 = vector.load %arg2[%get3A_65, %get3A_66, %get3A_67] : memref<7x512x128xf32, #tpu.memory_space<vmem>>, vector<1x512x128xf32>
    %get3A_69 = vector.shape_cast %get3A_68 : vector<1x512x128xf32> to vector<512x128xf32>
    %dot_general3A_70 = arith.constant dense<0.000000e+00> : vector<512x128xf32>
    %dot_general3A_71 = tpu.matmul %get3A_1, %get3A_69, %dot_general3A_70 {dimension_numbers = #tpu.dot_dimension_numbers<[1], [0], [0], [1], [0, 0, 1, 1], [], []>, transpose_lhs_hint = false} : vector<512x512xf32>, vector<512x128xf32>, vector<512x128xf32> -> vector<512x128xf32>
    %swap3A_72 = arith.constant 5 : index
    %swap3A_73 = arith.constant 0 : index
    %swap3A_74 = arith.constant 0 : index
    %swap3A_75 = vector.load %arg4[%swap3A_72, %swap3A_73, %swap3A_74] : memref<7x512x128xf32, #tpu.memory_space<vmem>>, vector<1x512x128xf32>
    %swap3A_76 = vector.shape_cast %swap3A_75 : vector<1x512x128xf32> to vector<512x128xf32>
    %swap3A_77 = vector.shape_cast %dot_general3A_71 : vector<512x128xf32> to vector<1x512x128xf32>
    tpu.vector_store %arg4[%swap3A_72, %swap3A_73, %swap3A_74], %swap3A_77 {strides = array<i32>} : memref<7x512x128xf32, #tpu.memory_space<vmem>>, vector<1x512x128xf32>,
    %get3A_78 = arith.constant 6 : index
    %get3A_79 = arith.constant 0 : index
    %get3A_80 = arith.constant 0 : index
    %get3A_81 = vector.load %arg2[%get3A_78, %get3A_79, %get3A_80] : memref<7x512x128xf32, #tpu.memory_space<vmem>>, vector<1x512x128xf32>
    %get3A_82 = vector.shape_cast %get3A_81 : vector<1x512x128xf32> to vector<512x128xf32>
    %dot_general3A_83 = arith.constant dense<0.000000e+00> : vector<512x128xf32>
    %dot_general3A_84 = tpu.matmul %get3A_1, %get3A_82, %dot_general3A_83 {dimension_numbers = #tpu.dot_dimension_numbers<[1], [0], [0], [1], [0, 0, 1, 1], [], []>, transpose_lhs_hint = false} : vector<512x512xf32>, vector<512x128xf32>, vector<512x128xf32> -> vector<512x128xf32>
    %swap3A_85 = arith.constant 6 : index
    %swap3A_86 = arith.constant 0 : index
    %swap3A_87 = arith.constant 0 : index
    %swap3A_88 = vector.load %arg4[%swap3A_85, %swap3A_86, %swap3A_87] : memref<7x512x128xf32, #tpu.memory_space<vmem>>, vector<1x512x128xf32>
    %swap3A_89 = vector.shape_cast %swap3A_88 : vector<1x512x128xf32> to vector<512x128xf32>
    %swap3A_90 = vector.shape_cast %dot_general3A_84 : vector<512x128xf32> to vector<1x512x128xf32>
    tpu.vector_store %arg4[%swap3A_85, %swap3A_86, %swap3A_87], %swap3A_90 {strides = array<i32>} : memref<7x512x128xf32, #tpu.memory_space<vmem>>, vector<1x512x128xf32>,
    %get3A_91 = arith.constant 0 : index
    %get3A_92 = arith.constant 0 : index
    %get3A_93 = vector.load %arg3[%get3A_91, %get3A_92] : memref<512x128xf32, #tpu.memory_space<vmem>>, vector<512x128xf32>
    %dot_general3A_94 = arith.constant dense<0.000000e+00> : vector<512x128xf32>
    %dot_general3A_95 = tpu.matmul %get3A_1, %get3A_93, %dot_general3A_94 {dimension_numbers = #tpu.dot_dimension_numbers<[1], [0], [0], [1], [0, 0, 1, 1], [], []>, transpose_lhs_hint = false} : vector<512x512xf32>, vector<512x128xf32>, vector<512x128xf32> -> vector<512x128xf32>
    %swap3A_96 = arith.constant 0 : index
    %swap3A_97 = arith.constant 0 : index
    %swap3A_98 = vector.load %arg5[%swap3A_96, %swap3A_97] : memref<512x128xf32, #tpu.memory_space<vmem>>, vector<512x128xf32>
    tpu.vector_store %arg5[%swap3A_96, %swap3A_97], %dot_general3A_95 {strides = array<i32>} : memref<512x128xf32, #tpu.memory_space<vmem>>, vector<512x128xf32>,
    return
  }
  func.func @transform_0(%arg0: i32) -> (i32, i32) {
    %c0_i32 = arith.constant 0 : i32
    %c0_i32_0 = arith.constant 0 : i32
    return %arg0, %c0_i32 : i32, i32
  }
  func.func @transform_1(%arg0: i32) -> (i32, i32, i32) {
    %c0_i32 = arith.constant 0 : i32
    %c0_i32_0 = arith.constant 0 : i32
    %c0_i32_1 = arith.constant 0 : i32
    %c0_i32_2 = arith.constant 0 : i32
    return %c0_i32, %c0_i32_0, %c0_i32_1 : i32, i32, i32
  }
  func.func @transform_2(%arg0: i32) -> (i32, i32) {
    %c0_i32 = arith.constant 0 : i32
    %c0_i32_0 = arith.constant 0 : i32
    %c0_i32_1 = arith.constant 0 : i32
    return %c0_i32, %c0_i32_0 : i32, i32
  }
  func.func @transform_3(%arg0: i32) -> (i32, i32, i32) {
    %c0_i32 = arith.constant 0 : i32
    %c0_i32_0 = arith.constant 0 : i32
    %c0_i32_1 = arith.constant 0 : i32
    return %c0_i32, %arg0, %c0_i32_0 : i32, i32, i32
  }
  func.func @transform_4(%arg0: i32) -> (i32, i32) {
    %c0_i32 = arith.constant 0 : i32
    %c0_i32_0 = arith.constant 0 : i32
    return %arg0, %c0_i32 : i32, i32
  }
}

module attributes {stable_mosaic.version = 14 : i64} {
  func.func @_stage3_body(%arg0: i32, %arg1: memref<512x128xf32, #tpu.memory_space<vmem>>, %arg2: memref<512x128xf32, #tpu.memory_space<vmem>>, %arg3: memref<512x128xf32, #tpu.memory_space<vmem>>, %arg4: memref<1x128xf32, #tpu.memory_space<vmem>>, %arg5: memref<128x128xf32, #tpu.memory_space<vmem>>, %arg6: memref<1x128xf32, #tpu.memory_space<vmem>>, %arg7: memref<512x128xf32, #tpu.memory_space<vmem>>) attributes {dimension_semantics = [#tpu.dimension_semantics<arbitrary>], iteration_bounds = array<i64: 5>, scalar_prefetch = 0 : i64, scratch_operands = 0 : i64, tpu.core_type = #tpu.core_type<tc>, window_params = [{transform_indices = @transform_0, window_bounds = array<i64: 512, 128>}, {transform_indices = @transform_1, window_bounds = array<i64: 512, 128>}, {transform_indices = @transform_2, window_bounds = array<i64: 512, 128>}, {pipeline_mode = #tpu.pipeline_mode<synchronous>, transform_indices = @transform_3, window_bounds = array<i64: 1, 128>}, {pipeline_mode = #tpu.pipeline_mode<synchronous>, transform_indices = @transform_4, window_bounds = array<i64: 128, 128>}, {pipeline_mode = #tpu.pipeline_mode<synchronous>, transform_indices = @transform_5, window_bounds = array<i64: 1, 128>}, {transform_indices = @transform_6, window_bounds = array<i64: 512, 128>}]} {
    %get3A = arith.constant 0 : index
    %get3A_0 = arith.constant 0 : index
    %get3A_1 = vector.load %arg1[%get3A, %get3A_0] : memref<512x128xf32, #tpu.memory_space<vmem>>, vector<512x128xf32>
    %get3A_2 = arith.constant 0 : index
    %get3A_3 = arith.constant 0 : index
    %get3A_4 = vector.load %arg2[%get3A_2, %get3A_3] : memref<512x128xf32, #tpu.memory_space<vmem>>, vector<512x128xf32>
    %add3A = arith.addf %get3A_1, %get3A_4 : vector<512x128xf32>
    %get3A_5 = arith.constant 0 : index
    %get3A_6 = arith.constant 0 : index
    %get3A_7 = vector.load %arg3[%get3A_5, %get3A_6] : memref<512x128xf32, #tpu.memory_space<vmem>>, vector<512x128xf32>
    %add3A_8 = arith.addf %add3A, %get3A_7 : vector<512x128xf32>
    %get3A_9 = arith.constant 0 : index
    %get3A_10 = arith.constant 0 : index
    %get3A_11 = vector.load %arg4[%get3A_9, %get3A_10] : memref<1x128xf32, #tpu.memory_space<vmem>>, vector<1x128xf32>
    %add3A_12 = vector.broadcast %get3A_11 : vector<1x128xf32> to vector<512x128xf32>
    %add3A_13 = arith.addf %add3A_8, %add3A_12 : vector<512x128xf32>
    %integer_pow3A = arith.mulf %add3A_13, %add3A_13 : vector<512x128xf32>
    %integer_pow3A_14 = arith.mulf %add3A_13, %integer_pow3A : vector<512x128xf32>
    %mul3A = arith.constant 4.471500e-02 : f32
    %mul3A_15 = vector.broadcast %mul3A : f32 to vector<512x128xf32>
    %mul3A_16 = arith.mulf %mul3A_15, %integer_pow3A_14 : vector<512x128xf32>
    %add3A_17 = arith.addf %add3A_13, %mul3A_16 : vector<512x128xf32>
    %mul3A_18 = arith.constant 0.797884583 : f32
    %mul3A_19 = vector.broadcast %mul3A_18 : f32 to vector<512x128xf32>
    %mul3A_20 = arith.mulf %mul3A_19, %add3A_17 : vector<512x128xf32>
    %tanh3A = math.tanh %mul3A_20 : vector<512x128xf32>
    %add3A_21 = arith.constant 1.000000e+00 : f32
    %add3A_22 = vector.broadcast %add3A_21 : f32 to vector<512x128xf32>
    %add3A_23 = arith.addf %add3A_22, %tanh3A : vector<512x128xf32>
    %mul3A_24 = arith.constant 5.000000e-01 : f32
    %mul3A_25 = vector.broadcast %mul3A_24 : f32 to vector<512x128xf32>
    %mul3A_26 = arith.mulf %mul3A_25, %add3A_23 : vector<512x128xf32>
    %mul3A_27 = arith.mulf %add3A_13, %mul3A_26 : vector<512x128xf32>
    %get3A_28 = arith.constant 0 : index
    %get3A_29 = arith.constant 0 : index
    %get3A_30 = vector.load %arg5[%get3A_28, %get3A_29] : memref<128x128xf32, #tpu.memory_space<vmem>>, vector<128x128xf32>
    %dot_general3A = arith.constant dense<0.000000e+00> : vector<512x128xf32>
    %dot_general3A_31 = tpu.matmul %mul3A_27, %get3A_30, %dot_general3A {dimension_numbers = #tpu.dot_dimension_numbers<[1], [0], [0], [1], [0, 0, 1, 1], [], []>, transpose_lhs_hint = false} : vector<512x128xf32>, vector<128x128xf32>, vector<512x128xf32> -> vector<512x128xf32>
    %get3A_32 = arith.constant 0 : index
    %get3A_33 = arith.constant 0 : index
    %get3A_34 = vector.load %arg6[%get3A_32, %get3A_33] : memref<1x128xf32, #tpu.memory_space<vmem>>, vector<1x128xf32>
    %add3A_35 = vector.broadcast %get3A_34 : vector<1x128xf32> to vector<512x128xf32>
    %add3A_36 = arith.addf %dot_general3A_31, %add3A_35 : vector<512x128xf32>
    %swap3A = arith.constant 0 : index
    %swap3A_37 = arith.constant 0 : index
    %swap3A_38 = vector.load %arg7[%swap3A, %swap3A_37] : memref<512x128xf32, #tpu.memory_space<vmem>>, vector<512x128xf32>
    tpu.vector_store %arg7[%swap3A, %swap3A_37], %add3A_36 {strides = array<i32>} : memref<512x128xf32, #tpu.memory_space<vmem>>, vector<512x128xf32>,
    return
  }
  func.func @transform_0(%arg0: i32) -> (i32, i32) {
    %c0_i32 = arith.constant 0 : i32
    %c0_i32_0 = arith.constant 0 : i32
    return %arg0, %c0_i32 : i32, i32
  }
  func.func @transform_1(%arg0: i32) -> (i32, i32) {
    %c0_i32 = arith.constant 0 : i32
    %c0_i32_0 = arith.constant 0 : i32
    return %arg0, %c0_i32 : i32, i32
  }
  func.func @transform_2(%arg0: i32) -> (i32, i32) {
    %c0_i32 = arith.constant 0 : i32
    %c0_i32_0 = arith.constant 0 : i32
    return %arg0, %c0_i32 : i32, i32
  }
  func.func @transform_3(%arg0: i32) -> (i32, i32) {
    %c0_i32 = arith.constant 0 : i32
    %c0_i32_0 = arith.constant 0 : i32
    %c0_i32_1 = arith.constant 0 : i32
    return %c0_i32, %c0_i32_0 : i32, i32
  }
  func.func @transform_4(%arg0: i32) -> (i32, i32) {
    %c0_i32 = arith.constant 0 : i32
    %c0_i32_0 = arith.constant 0 : i32
    %c0_i32_1 = arith.constant 0 : i32
    return %c0_i32, %c0_i32_0 : i32, i32
  }
  func.func @transform_5(%arg0: i32) -> (i32, i32) {
    %c0_i32 = arith.constant 0 : i32
    %c0_i32_0 = arith.constant 0 : i32
    %c0_i32_1 = arith.constant 0 : i32
    return %c0_i32, %c0_i32_0 : i32, i32
  }
  func.func @transform_6(%arg0: i32) -> (i32, i32) {
    %c0_i32 = arith.constant 0 : i32
    %c0_i32_0 = arith.constant 0 : i32
    return %arg0, %c0_i32 : i32, i32
  }
}

</mosaic_0001>

<sc_bundles>
// kernel: kernel.5.cloned.1.call-start
scs
__scs_entry_jumppad:
0x0: {  	(pc) =	sbr.rel $0x88, $3  }
0x1: {  	(tag) =	ssettag $0x0;
	lr =	simm.s32 $0x1  }
0x2: {  	[smem:$0x3F97] =	sst lr;
	_ =	strace $0xD0000000  }
0x3: {  	_ = 	snop  }
0x4: {  	_ = 	snop  }
0x5: {  	_ = 	snop  }
0x6: {  	_ = 	snop  }
0x7: {  	_ = 	snop  }
__scs_overlays_trampoline_lowered:
0x8: {  	[smem:$0x3FA6] =	sst s0  }
0x9: {  	[smem:$0x3FA7] =	sst s1  }
0xa: {  	[smem:$0x3FA8] =	sst s2  }
0xb: {  	[smem:$0x3FA9] =	sst s3  }
0xc: {  	[smem:$0x3FAA] =	sst s4  }
0xd: {  	[smem:$0x3FAB] =	sst s5  }
0xe: {  	[smem:$0x3FAC] =	sst s6  }
0xf: {  	[smem:$0x3FAD] =	sst s7  }
0x10: {  	[smem:$0x3FAE] =	sst s8  }
0x11: {  	[smem:$0x3FAF] =	sst s9;
	s0 =	simm.s32 @!p0 $0x0  }
0x12: {  	s1 =	sld [smem:$0x3F95];
	s0 =	simm.s32 @p0 $0x1  }
0x13: {  	[smem:$0x3FB0] =	sst s0;
	s0 =	simm.s32 @!p1 $0x0  }
0x14: {  	s2 =	sld [smem:$0x3F94];
	s0 =	simm.s32 @p1 $0x1  }
0x15: {  	[smem:$0x3FB1] =	sst s0;
	s0 =	simm.s32 @!p2 $0x0  }
0x16: {  	s3 =	sld [smem:$0x3FDB];
	s0 =	simm.s32 @p2 $0x1  }
0x17: {  	s4 =	simm.s32 $0x1BF5;
	[smem:$0x3FB3] =	sst s0  }
0x18: {  	s0 =	sld [smem:$0x3F96];
	_ =	swait.ge [sflag:s4], $0x0  }
0x19: {  	s7 =	sld [smem:$0x3F97]  }
0x1a: {  	s8 =	sadd.s32 $0xFFFFE003, lr  }
0x1b: {  	s9 =	sadd.s32 $0xFFFFFEF7, lr;
	s5 =	simm.s32 $0xFFFFFFFF;
	p2 =	slt.u32 s8, $0xFFFFF086  }
0x1c: {  	p1 =	slt.u32 s9, $0xF7A;
	s5 =	simm.s32 @!p2 $0x0  }
0x1d: {  	s5 =	simm.s32 @p1 $0x1;
	p0 =	seq.s32 s7, s2  }
0x1e: {  	s7 =	smul.u32 @!p0 $0xF7A, s2;
	p2 =	seq.s32 @!p0 s5, $0x0  }
0x1f: {  	s9 =	smul.u32 $0xF7A, s1;
	s8 =	simm.s32 @!p0 $0x1BF5;
	p2 =	por !p2, p0  }
0x20: {  	[sflag:s8] =	ssyncset.s32 @!p0 $0xFFFFF086;
	s6 =	sadd.s32 @!p0 s3, s7;
	s7 =	simm.s32 @!p0 $0x108  }
0x21: {  	s3 =	sadd.s32 s3, s9;
	s6 =	sadd.s32 @!p0 $0x88, s6;
	s7 =	simm.s32 @p2 $0x1082  }
0x22: {  	[simem:s7], [sflag:s8] =	dma.local @!p0 [hbm:s6], $0xF7A  }
0x23: {  	s9 =	sor.u32 $0xD0000000, s2;
	s6 =	simm.s32 $0x108;
	_ =	swait.ge @!p0 [sflag:s8], $0x0  }
0x24: {  	s3 =	sadd.s32 $0x88, s3;
	s6 =	simm.s32 @!p1 $0x1082;
	[sflag:s4] =	ssyncset.s32 $0xFFFFF086  }
0x25: {  	[simem:s6], [sflag:s4] =	dma.local [hbm:s3], $0xF7A  }
0x26: {  	[smem:$0x3F97] =	sst s1;
	(tag) =	ssettag s2;
	_ =	strace s9  }
0x27: {  	s1 =	sld [smem:$0x3FA7]  }
0x28: {  	s2 =	sld [smem:$0x3FA8]  }
0x29: {  	s4 =	sld [smem:$0x3FAA]  }
0x2a: {  	p0 =	seq.s32 s5, $0x0;
	s5 =	sld [smem:$0x3FAB]  }
0x2b: {  	s6 =	sld [smem:$0x3FAC]  }
0x2c: {  	s7 =	sld [smem:$0x3FAD]  }
0x2d: {  	s3 =	simm.s32 $0x108;
	s8 =	sld [smem:$0x3FAE]  }
0x2e: {  	s3 =	simm.s32 @!p0 $0x1082;
	s9 =	sld [smem:$0x3FAF]  }
0x2f: {  	lr =	sadd.s32 s0, s3;
	s0 =	sld [smem:$0x3FA6]  }
0x30: {  	s3 =	sld [smem:$0x3FA9]  }
0x31: {  	[smem:$0x3FB2] =	sst s10  }
0x32: {  	s10 =	sld [smem:$0x3FB0];
	_ =	sdelay $0x3  }
0x33: {  	p0 =	seq.s32 s10, $0x1;
	s10 =	sld [smem:$0x3FB2];
	_ =	sdelay $0x3  }
0x34: {  	[smem:$0x3FB2] =	sst s10  }
0x35: {  	s10 =	sld [smem:$0x3FB1];
	_ =	sdelay $0x3  }
0x36: {  	p1 =	seq.s32 s10, $0x1;
	s10 =	sld [smem:$0x3FB2];
	_ =	sdelay $0x3  }
0x37: {  	[smem:$0x3FB2] =	sst s10  }
0x38: {  	s10 =	sld [smem:$0x3FB3]  }
0x39: {  	_ = 	snop;
	(pc) =	sbr.ind lr, $3  }
0x3a: {  	_ = 	snop  }
0x3b: {  	_ = 	snop  }
0x3c: {  	p2 =	seq.s32 s10, $0x1;
	s10 =	sld [smem:$0x3FB2]  }
0x3d: {  	_ =	shalt  }
0x3e: {  	_ =	shalt  }
0x3f: {  	_ =	shalt  }
0x40: {  	_ =	shalt  }
0x41: {  	_ =	shalt  }
0x42: {  	_ =	shalt  }
0x43: {  	_ =	shalt  }
0x44: {  	_ =	shalt  }
0x45: {  	_ =	shalt  }
0x46: {  	_ =	shalt  }
0x47: {  	_ =	shalt  }
0x48: {  	_ =	shalt  }
0x49: {  	_ =	shalt  }
0x4a: {  	_ =	shalt  }
0x4b: {  	_ =	shalt  }
0x4c: {  	_ =	shalt  }
0x4d: {  	_ =	shalt  }
0x4e: {  	_ =	shalt  }
0x4f: {  	_ =	shalt  }
0x50: {  	_ =	shalt  }
0x51: {  	_ =	shalt  }
0x52: {  	_ =	shalt  }
0x53: {  	_ =	shalt  }
0x54: {  	_ =	shalt  }
0x55: {  	_ =	shalt  }
0x56: {  	_ =	shalt  }
0x57: {  	_ =	shalt  }
0x58: {  	_ =	shalt  }
0x59: {  	_ =	shalt  }
0x5a: {  	_ =	shalt  }
0x5b: {  	_ =	shalt  }
0x5c: {  	_ =	shalt  }
0x5d: {  	_ =	shalt  }
0x5e: {  	_ =	shalt  }
0x5f: {  	_ =	shalt  }
0x60: {  	_ =	shalt  }
0x61: {  	_ =	shalt  }
0x62: {  	_ =	shalt  }
0x63: {  	_ =	shalt  }
0x64: {  	_ =	shalt  }
0x65: {  	_ =	shalt  }
0x66: {  	_ =	shalt  }
0x67: {  	_ =	shalt  }
0x68: {  	_ =	shalt  }
0x69: {  	_ =	shalt  }
0x6a: {  	_ =	shalt  }
0x6b: {  	_ =	shalt  }
0x6c: {  	_ =	shalt  }
0x6d: {  	_ =	shalt  }
0x6e: {  	_ =	shalt  }
0x6f: {  	_ =	shalt  }
0x70: {  	_ =	shalt  }
0x71: {  	_ =	shalt  }
0x72: {  	_ =	shalt  }
0x73: {  	_ =	shalt  }
0x74: {  	_ =	shalt  }
0x75: {  	_ =	shalt  }
0x76: {  	_ =	shalt  }
0x77: {  	_ =	shalt  }
0x78: {  	_ =	shalt  }
0x79: {  	_ =	shalt  }
0x7a: {  	_ =	shalt  }
0x7b: {  	_ =	shalt  }
0x7c: {  	_ =	shalt  }
0x7d: {  	_ =	shalt  }
0x7e: {  	_ =	shalt  }
0x7f: {  	_ =	shalt  }
0x80: {  	_ =	shalt  }
0x81: {  	_ =	shalt  }
0x82: {  	_ =	shalt  }
0x83: {  	_ =	shalt  }
0x84: {  	_ =	shalt  }
0x85: {  	_ =	shalt  }
0x86: {  	_ =	shalt  }
0x87: {  	_ =	shalt  }
.Lfunc_end0:
.L_simem_size_0:
called_computation_lowered:
.L_overlay_start_0:
0x88: {  	s2 =	sld [smem:$0x3FD9]  }
0x89: {  	s3 =	sld [smem:$0x3FFE];
	_ =	sdelay $0x1  }
0x8a: {  	s1 =	srdreg.scid  }
0x8b: {  	s0 =	sand.u32 $0x1, s1  }
0x8c: {  	s17 =	sshll.u32 s0, $0xA;
	s2 =	sadd.s32 s3, s2  }
0x8d: {  	s2 =	sadd.s32 s2, s17  }
0x8e: {  	[smem:$0x3FBE] =	sst s2  }
0x8f: {  	_ = 	snop  }
0x90: {  	s2 =	sld [smem:$0x3FC7]  }
0x91: {  	s18 =	sld [smem:$0x3FD0];
	(tm) =	ssettm $0x1  }
0x92: {  	s4 =	sld [smem:$0x3FFB];
	_ =	sdelay $0x3  }
0x93: {  	_ =	strace s4  }
0x94: {  	s4 =	sld [smem:$0x3FFC];
	_ =	sdelay $0x3  }
0x95: {  	_ =	strace s4  }
0x96: {  	s4 =	sld [smem:$0x3FFD];
	_ =	sdelay $0x3  }
0x97: {  	_ =	strace s4  }
0x98: {  	_ =	strace $0x8FFFFFFF  }
0x99: {  	s19 =	sld [smem:$0x3FDB];
	_ =	sdelay $0x1  }
0x9a: {  	s5 =	simm.s32 $_scs_section_size  }
0x9b: {  	s6 =	simm.s32 $_size__tile_overlayer_lowered;
	s7 =	simm.s32 $_tile_overlayer_lowered  }
0x9c: {  	s22 =	simm.s32 $0x1BFF;
	s21 =	sshll.u32 s7, $0x1;
	s4 =	sadd.s32 s5, s19  }
0x9d: {  	s8 =	simm.s32 $0x0;
	s20 =	sshll.u32 s6, $0x1;
	s6 =	sadd.s32 s21, s4  }
0x9e: {  	[timem:s8], [sflag:s22] =	dma.local [hbm:s6], s20  }
0x9f: {  	_ =	swait.ge [sflag:s22], s20  }
0xa0: {  	s5 =	ssub.s32 $0x0, s20;
	[sflag:s22] =	ssyncset.done $0x0  }
0xa1: {  	[sflag:s22] =	ssyncadd.s32 s5;
	_ =	sdelay $0x1  }
0xa2: {  	s23 =	simm.s32 $0x1B8B  }
0xa3: {  	_ =	swait.ge [sflag:s23], $0x1  }
0xa4: {  	[sflag:s23] =	ssyncset.done $0x0  }
0xa5: {  	s25 =	simm.s32 $0x1B8E;
	s24 =	sld [smem:$0x3FFE];
	[sflag:s23] =	ssyncadd.s32 $0xFFFFFFFF  }
0xa6: {  	s26 =	simm.s32 $execute0_lowered;
	[smem:$0x3FD2] =	sst s25  }
0xa7: {  	s6 =	sshll.u32 s26, $0x1;
	_ =	strace $0x80000046;
	[dreg:$0x1] =	wrdreg $0xFFFFFFFF  }
0xa8: {  	s28 =	simm.s32 $_size_execute0_lowered;
	s4 =	sadd.s32 s4, s6;
	[dreg:$0x0] =	wrdreg $0x0  }
0xa9: {  	s6 =	sshll.u32 s28, $0x1;
	[dreg:$0x2] =	wrdreg s4  }
0xaa: {  	[dreg:$0x3] =	wrdreg s6  }
0xab: {  	[dreg:$0x4] =	wrdreg $0xC0  }
0xac: {  	_ =	task [dreg:s8], $0x5FFFF  }
0xad: {  	[dreg:$0x1] =	wrdreg $0xFFFFFFFF  }
0xae: {  	[dreg:$0x0] =	wrdreg $0x60  }
0xaf: {  	[dreg:$0x2] =	wrdreg s24  }
0xb0: {  	[dreg:$0x3] =	wrdreg s2  }
0xb1: {  	[dreg:$0x4] =	wrdreg s18  }
0xb2: {  	[dreg:$0x5] =	wrdreg $0xB4000  }
0xb3: {  	[dreg:$0x6] =	wrdreg $0x9  }
0xb4: {  	_ =	task.clear_ibuf [dreg:s8], $0x7FFFF;
	_ =	strace $0x90000046  }
0xb5: {  	s29 =	simm.s32 $0x9;
	_ =	strace $0x80000048  }
0xb6: {  	_ =	swait.ge [sflag:s29], $0x1  }
0xb7: {  	[sflag:s29] =	ssyncadd.s32 $0xFFFFFFFF  }
0xb8: {  	_ =	strace $0x90000048  }
0xb9: {  	_ =	sfence  }
0xba: {  	s30 =	sld [smem:$0x0];
	_ =	sdelay $0x2  }
0xbb: {  	s31 =	sshll.u32 s1, $0xD;
	s1 =	sshrl.u32 s1, $0x2  }
0xbc: {  	s3 =	sand.u32 $0x4000, s31;
	s1 =	sadd.s32 s1, s30  }
0xbd: {  	s0 =	sor.u32 s3, s0;
	s1 =	sshll.u32 s1, $0x11  }
0xbe: {  	s0 =	sor.u32 s1, s0  }
0xbf: {  	s0 =	sadd.s32 $0x8F2B, s0  }
0xc0: {  	[sflag:s0] =	ssyncadd.remote.s32 $0x1  }
0xc1: {  	_ =	sfence.sel $0xFFFF  }
0xc2: {  	[dreg:$0x0] =	wrdreg $0xFFFFFFFF;
	(pc) =	sbr.abs _section_cstart, $3  }
0xc3: {  	[dreg:$0x1] =	wrdreg $0xFFFFFFFF  }
0xc4: {  	_ =	task.clear_ibuf [dreg:s8], $0x2FFFF;
	_ =	strace $0x9FFFFFFF  }
0xc5: {  	(tm) =	ssettm $0x7FFFFFFF  }
tec
execute0_lowered:
.L_overlay_start_1:
0x0: {  	(tag) =	ssettag $0x1  }
0x1: {  	s0 =	rddreg [dreg:$0x0]  }
0x2: {  	s1 =	rddreg [dreg:$0x1]  }
0x3: {  	s5 =	rddreg [dreg:$0x2]  }
0x4: {  	s2 =	rddreg [dreg:$0x3];
	s3 =	simm.s32 $0x0  }
0x5: {  	s14 =	stileid.u32;
	s4 =	srdreg.scid;
	s28 =	simm.s32 $0x280  }
0x6: {  	s29 =	simm.s32 $0xF00;
	s30 =	simm.s32 $0x1400;
	s31 =	simm.s32 $0x6400  }
0x7: {  	[smem:$0x7FF] =	sst s3;
	s6 =	smul.u32 $0x4E00, s14;
	s8 =	sand.u32 $0x1, s4  }
0x8: {  	s4 =	sadd.s32 $0xB000, s0;
	s11 =	sadd.s32 $0x1200, s0;
	s18 =	sadd.s32 $0x5AE00, s0  }
0x9: {  	s19 =	sshll.u32 s14, $0x1;
	s17 =	smul.u32 $0x9C0, s14;
	s21 =	sshll.u32 s14, $0x6  }
0xa: {  	s23 =	sadd.s32 $0x4E000, s2;
	p0 =	sne.s32 s14, $0xF;
	_ =	strace $0x80000047  }
0xb: {  	s9 =	ssub.s32 $0x2, s8;
	[dreg:$0x7] =	wrdreg s23;
	s26 =	smul.u32 $0xA000, s8  }
0xc: {  	s7 =	sshrl.u32 s6, $0x3;
	s10 =	sshrl.u32 s9, $0x1;
	s6 =	sadd.s32 s6, s2  }
0xd: {  	s7 =	sadd.s32 s7, s0;
	s9 =	ssub.s32 s9, s10;
	s10 =	sor.u32 s8, s19  }
0xe: {  	[dreg:$0x5] =	wrdreg s6;
	s0 =	sadd.s32 $0x5AC00, s0;
	s19 =	smul.u32 $0x50000, s8  }
0xf: {  	s20 =	sadd.s32 $0x51000, s7;
	s13 =	smul.u32 $0x50, s10;
	s7 =	sor.u32 $0x1C05, s21  }
0x10: {  	s22 =	ssub.s32 $0x213, s10;
	s12 =	smul.u32 $0x280, s10;
	[dreg:$0x8] =	wrdreg s0  }
0x11: {  	s21 =	sadd.s32 s17, s26;
	[dreg:$0x6] =	wrdreg s20;
	s10 =	sshrl.u32 s22, $0x5  }
0x12: {  	s22 =	sshrl.u32 s19, $0x3;
	s17 =	sadd.s32 s18, s21;
	s19 =	smax.u32 s9, $0x1  }
0x13: {  	s24 =	sadd.s32 s11, s13;
	s25 =	sshrl.u32 s12, $0x3;
	s15 =	sadd.s32 s1, s13  }
0x14: {  	s16 =	sadd.s32 s5, s13;
	s23 =	sadd.s32 s18, s22;
	[dreg:$0x9] =	wrdreg s24  }
0x15: {  	[dreg:$0xa] =	wrdreg s15;
	s0 =	sadd.s32 $0xA00, s25;
	s24 =	smul.u32 $0xA0, s14  }
0x16: {  	[dreg:$0xb] =	wrdreg s16;
	s18 =	sadd.s32 $0x9C00, s23;
	s25 =	smul.u32 $0x50, s8  }
0x17: {  	s23 =	simm.s32 $0x5;
	s20 =	sadd.s32 s11, s0;
	s15 =	sadd.s32 s1, s0  }
.Ltmp0:
0x18: {  	s16 =	sadd.s32 s5, s0;
	s0 =	simm.s32 $0x3;
	(pc) =	sbr.rel .LBB2_1-.Ltmp0, $4  }
0x19: {  	[dreg:$0xc] =	wrdreg s20;
	s26 =	sadd.s32 s24, s11;
	s1 =	sadd.s32 s24, s1  }
0x1a: {  	s5 =	sadd.s32 s24, s5;
	s24 =	simm.s32 $0x1180;
	s20 =	sadd.s32 s25, s26  }
0x1b: {  	s21 =	sadd.s32 s25, s1;
	s22 =	sadd.s32 s25, s5;
	s25 =	simm.s32 $0xA00  }
0x1c: {  	s26 =	simm.s32 $0x1;
	s1 =	simm.s32 $0x2;
	s5 =	simm.s32 $0x0  }
.LBB2_7:
0x1d: {  	[bflag:$0x0] =	sbarrier.arrive $0xFFFF  }
0x1e: {  	[hbm:s17], [sflag:s7] =	dma.local [spmem:s6], $0x9C0  }
0x1f: {  	s5 =	sadd.s32 $0x1, s5;
	_ =	swait.ge [sflag:s23], $0x9C0  }
0x20: {  	p1 =	sne.s32 s5, s19;
	[sflag:s23] =	ssyncset.done $0x0  }
.Ltmp1:
0x21: {  	s6 =	simm.s32 @!p0 $0x5;
	[sflag:s23] =	ssyncadd.s32 $0xFFFFF640;
	(pc) =	sbr.rel @!p1 .LBB2_8-.Ltmp1, $4  }
0x22: {  	[hbm:s18], [sflag:s7] =	dma.local @!p0 [spmem:s8], $0x40  }
0x23: {  	_ =	swait.ge @!p0 [sflag:s6], $0x40  }
0x24: {  	[sflag:s6] =	ssyncset.done @!p0 $0x0  }
0x25: {  	[sflag:s6] =	ssyncadd.s32 @!p0 $0xFFFFFFC0  }
.LBB2_1:
0x26: {  	s6 =	rddreg [dreg:$0x5]  }
0x27: {  	s8 =	rddreg [dreg:$0x6];
	s6 =	sshrl.u32 s6, $0x3  }
0x28: {  	[spmem:s6], [sflag:s7] =	dma.local [hbm:s8], $0x9C0  }
0x29: {  	_ =	swait.ge [sflag:s23], $0x9C0  }
0x2a: {  	[sflag:s23] =	ssyncset.done $0x0;
	s8 =	rddreg [dreg:$0x7]  }
0x2b: {  	s9 =	rddreg [dreg:$0x8];
	[sflag:s23] =	ssyncadd.s32 $0xFFFFF640;
	s8 =	sshrl.u32 @!p0 s8, $0x3  }
0x2c: {  	[spmem:s8], [sflag:s7] =	dma.local @!p0 [hbm:s9], $0x40  }
0x2d: {  	s9 =	simm.s32 @!p0 $0x5  }
0x2e: {  	_ =	swait.ge @!p0 [sflag:s9], $0x40  }
0x2f: {  	[sflag:s9] =	ssyncset.done @!p0 $0x0  }
0x30: {  	[sflag:s9] =	ssyncadd.s32 @!p0 $0xFFFFFFC0  }
0x31: {  	[bflag:$0x0] =	sbarrier.arrive $0xFFFF  }
0x32: {  	s13 =	rddreg [dreg:$0x9]  }
0x33: {  	[tilespmem:s3], [sflag:$0x1] =	stream.linear.gather [hbm4b:s13+s3], $0x280, $0x38;
	[tilespmem:$0x10220] =	vst v63  }
0x34: {  	s11 =	simm.s32 $0x500;
	s14 =	rddreg [dreg:$0xa]  }
0x35: {  	[tilespmem:s11], [sflag:$0x1] =	stream.linear.gather [hbm4b:s14+s3], $0x280, $0x38;
	[tilespmem:$0x10220] =	vst v63  }
0x36: {  	s11 =	rddreg [dreg:$0xb]  }
0x37: {  	[tilespmem:s25], [sflag:$0x1] =	stream.linear.gather [hbm4b:s11+s3], $0x280, $0x38;
	[tilespmem:$0x10220] =	vst v63  }
0x38: {  	_ =	swait.ge [sflag:s26], $0x280  }
0x39: {  	[sflag:s26] =	ssyncset.done $0x0  }
0x3a: {  	[sflag:s26] =	ssyncadd.s32 $0xFFFFFD80  }
0x3b: {  	_ =	swait.ge [sflag:s26], $0x280  }
0x3c: {  	[sflag:s26] =	ssyncset.done $0x0  }
0x3d: {  	[sflag:s26] =	ssyncadd.s32 $0xFFFFFD80  }
0x3e: {  	_ =	swait.ge [sflag:s26], $0x280  }
0x3f: {  	[sflag:s26] =	ssyncset.done $0x0  }
0x40: {  	[sflag:s26] =	ssyncadd.s32 $0xFFFFFD80  }
0x41: {  	v0 =	vld [tilespmem:$0x500]  }
0x42: {  	v1 =	vld [tilespmem:$0x0]  }
0x43: {  	v2 =	vld [tilespmem:$0x510]  }
0x44: {  	v3 =	vld [tilespmem:$0x10]  }
0x45: {  	v4 =	vld [tilespmem:$0x520]  }
0x46: {  	v5 =	vld [tilespmem:$0x20]  }
0x47: {  	v6 =	vld [tilespmem:$0x530]  }
0x48: {  	v7 =	vld [tilespmem:$0x30]  }
0x49: {  	v8 =	vld [tilespmem:$0x540]  }
0x4a: {  	v9 =	vld [tilespmem:$0x40]  }
0x4b: {  	v10 =	vld [tilespmem:$0x550]  }
0x4c: {  	v11 =	vld [tilespmem:$0x50]  }
0x4d: {  	v12 =	vld [tilespmem:$0x560]  }
0x4e: {  	v13 =	vld [tilespmem:$0x60]  }
0x4f: {  	v14 =	vld [tilespmem:$0x570]  }
0x50: {  	v15 =	vld [tilespmem:$0x70]  }
0x51: {  	v16 =	vld [tilespmem:$0x580]  }
0x52: {  	v17 =	vld [tilespmem:$0x80]  }
0x53: {  	v18 =	vld [tilespmem:$0x590]  }
0x54: {  	v19 =	vld [tilespmem:$0x90]  }
0x55: {  	v20 =	vld [tilespmem:$0x5A0]  }
0x56: {  	v21 =	vld [tilespmem:$0xA0]  }
0x57: {  	v22 =	vld [tilespmem:$0x5B0]  }
0x58: {  	v23 =	vld [tilespmem:$0xB0]  }
0x59: {  	v24 =	vld [tilespmem:$0x5C0]  }
0x5a: {  	v25 =	vld [tilespmem:$0xC0]  }
0x5b: {  	v26 =	vld [tilespmem:$0x5D0]  }
0x5c: {  	v27 =	vld [tilespmem:$0xD0]  }
0x5d: {  	v28 =	vld [tilespmem:$0x5E0]  }
0x5e: {  	v29 =	vld [tilespmem:$0xE0]  }
0x5f: {  	v30 =	vld [tilespmem:$0x5F0]  }
0x60: {  	v31 =	vld [tilespmem:$0xF0]  }
0x61: {  	v32 =	vld [tilespmem:$0x600]  }
0x62: {  	v33 =	vld [tilespmem:$0x100]  }
0x63: {  	v34 =	vld [tilespmem:$0x610]  }
0x64: {  	v35 =	vld [tilespmem:$0x110]  }
0x65: {  	v36 =	vld [tilespmem:$0x620]  }
0x66: {  	v37 =	vld [tilespmem:$0x120]  }
0x67: {  	v38 =	vld [tilespmem:$0x630]  }
0x68: {  	v39 =	vld [tilespmem:$0x130]  }
0x69: {  	v40 =	vld [tilespmem:$0x640]  }
0x6a: {  	v41 =	vld [tilespmem:$0x140]  }
0x6b: {  	v42 =	vld [tilespmem:$0x650]  }
0x6c: {  	v43 =	vld [tilespmem:$0x150];
	v0 =	vmul.u32 $0x2800, v0  }
0x6d: {  	v44 =	vld [tilespmem:$0x660];
	v2 =	vmul.u32 $0x2800, v2  }
0x6e: {  	v58 =	vld [tilespmem:$0x680];
	v51 =	vmul.u32 $0x2800, v4;
	v0 =	vadd.s32 v1, v0  }
0x6f: {  	v63 =	vld [tilespmem:$0x690];
	v53 =	vmul.u32 $0x2800, v6;
	v52 =	vadd.s32 v3, v2;
	[tilespmem:$0xF00] =	vst v0  }
0x70: {  	v47 =	vld [tilespmem:$0x1F0];
	v55 =	vmul.u32 $0x2800, v8;
	v54 =	vadd.s32 v5, v51;
	[tilespmem:$0xF10] =	vst v52  }
0x71: {  	v50 =	vld [tilespmem:$0x700];
	v57 =	vmul.u32 $0x2800, v10;
	v56 =	vadd.s32 v7, v53;
	[tilespmem:$0xF20] =	vst v54  }
0x72: {  	v4 =	vld [tilespmem:$0x160];
	v60 =	vmul.u32 $0x2800, v12;
	v59 =	vadd.s32 v9, v55;
	[tilespmem:$0xF30] =	vst v56  }
0x73: {  	v62 =	vmul.u32 $0x2800, v14;
	v10 =	vld [tilespmem:$0x6A0];
	v61 =	vadd.s32 v11, v57;
	[tilespmem:$0xF40] =	vst v59  }
0x74: {  	v14 =	vmul.u32 $0x2800, v16;
	v12 =	vld [tilespmem:$0x6B0];
	v13 =	vadd.s32 v13, v60;
	[tilespmem:$0xF50] =	vst v61  }
0x75: {  	v16 =	vmul.u32 $0x2800, v18;
	v46 =	vmul.u32 $0x2800, v40;
	v40 =	vld [tilespmem:$0x750];
	v15 =	vadd.s32 v15, v62;
	[tilespmem:$0xF60] =	vst v13  }
0x76: {  	v18 =	vmul.u32 $0x2800, v20;
	v3 =	vld [tilespmem:$0x670];
	v17 =	vadd.s32 v17, v14;
	[tilespmem:$0xF70] =	vst v15  }
0x77: {  	v20 =	vmul.u32 $0x2800, v22;
	v5 =	vld [tilespmem:$0x170];
	v19 =	vadd.s32 v19, v16;
	[tilespmem:$0xF80] =	vst v17  }
0x78: {  	v22 =	vmul.u32 $0x2800, v24;
	v7 =	vld [tilespmem:$0x180];
	v21 =	vadd.s32 v21, v18;
	[tilespmem:$0xF90] =	vst v19  }
0x79: {  	v24 =	vmul.u32 $0x2800, v26;
	v9 =	vld [tilespmem:$0x190];
	v23 =	vadd.s32 v23, v20;
	[tilespmem:$0xFA0] =	vst v21  }
0x7a: {  	v26 =	vmul.u32 $0x2800, v28;
	v11 =	vld [tilespmem:$0x1A0];
	v25 =	vadd.s32 v25, v22;
	[tilespmem:$0xFB0] =	vst v23  }
0x7b: {  	v28 =	vmul.u32 $0x2800, v30;
	v14 =	vld [tilespmem:$0x6C0];
	v27 =	vadd.s32 v27, v24;
	[tilespmem:$0xFC0] =	vst v25  }
0x7c: {  	v30 =	vmul.u32 $0x2800, v32;
	v16 =	vld [tilespmem:$0x6D0];
	v29 =	vadd.s32 v29, v26;
	[tilespmem:$0xFD0] =	vst v27  }
0x7d: {  	v32 =	vmul.u32 $0x2800, v34;
	v31 =	vadd.s32 v31, v28;
	v18 =	vld [tilespmem:$0x6E0];
	[tilespmem:$0xFE0] =	vst v29  }
0x7e: {  	v34 =	vmul.u32 $0x2800, v36;
	v33 =	vadd.s32 v33, v30;
	v20 =	vld [tilespmem:$0x6F0];
	[tilespmem:$0xFF0] =	vst v31  }
0x7f: {  	v38 =	vmul.u32 $0x2800, v38;
	v36 =	vadd.s32 v35, v32;
	v53 =	vld [tilespmem:$0x200];
	[tilespmem:$0x1000] =	vst v33  }
0x80: {  	v45 =	vadd.s32 v37, v34;
	v62 =	vld [tilespmem:$0x720];
	[tilespmem:$0x1010] =	vst v36  }
0x81: {  	v49 =	vmul.u32 $0x2800, v42;
	v48 =	vadd.s32 v39, v38;
	v28 =	vld [tilespmem:$0x730];
	[tilespmem:$0x1020] =	vst v45  }
0x82: {  	v51 =	vadd.s32 v41, v46;
	v34 =	vld [tilespmem:$0x740];
	[tilespmem:$0x1030] =	vst v48;
	v52 =	vmul.u32 $0x2800, v44  }
0x83: {  	v58 =	vmul.u32 $0x2800, v58;
	v13 =	vld [tilespmem:$0x1B0];
	[tilespmem:$0x1040] =	vst v51;
	v54 =	vadd.s32 v43, v49  }
0x84: {  	v37 =	vld [tilespmem:$0x240];
	v61 =	vmul.u32 $0x2800, v63;
	[tilespmem:$0x1050] =	vst v54;
	v57 =	vadd.s32 v4, v52  }
0x85: {  	v15 =	vld [tilespmem:$0x1C0];
	v24 =	vmul.u32 $0x2800, v10;
	[tilespmem:$0x1060] =	vst v57;
	v63 =	vadd.s32 v7, v58  }
0x86: {  	v17 =	vld [tilespmem:$0x1D0];
	v27 =	vmul.u32 $0x2800, v12;
	v26 =	vadd.s32 v9, v61;
	[tilespmem:$0x1080] =	vst v63  }
0x87: {  	v19 =	vld [tilespmem:$0x1E0];
	v55 =	vmul.u32 $0x2800, v3;
	v29 =	vadd.s32 v11, v24;
	[tilespmem:$0x1090] =	vst v26  }
0x88: {  	v46 =	vld [tilespmem:$0x760];
	v30 =	vmul.u32 $0x2800, v14;
	[tilespmem:$0x10A0] =	vst v29;
	v32 =	vadd.s32 v13, v27  }
0x89: {  	v56 =	vld [tilespmem:$0x710];
	v33 =	vmul.u32 $0x2800, v16;
	v60 =	vadd.s32 v5, v55;
	[tilespmem:$0x10B0] =	vst v32  }
0x8a: {  	v25 =	vld [tilespmem:$0x220];
	v36 =	vmul.u32 $0x2800, v18;
	v35 =	vadd.s32 v15, v30;
	[tilespmem:$0x1070] =	vst v60  }
0x8b: {  	v31 =	vld [tilespmem:$0x230];
	v39 =	vmul.u32 $0x2800, v20;
	v38 =	vadd.s32 v17, v33;
	[tilespmem:$0x10C0] =	vst v35  }
0x8c: {  	v42 =	vmul.u32 $0x2800, v50;
	v59 =	vld [tilespmem:$0x210];
	v41 =	vadd.s32 v19, v36;
	[tilespmem:$0x10D0] =	vst v38  }
0x8d: {  	v43 =	vld [tilespmem:$0x250];
	v48 =	vmul.u32 $0x2800, v62;
	v44 =	vadd.s32 v47, v39;
	[tilespmem:$0x10E0] =	vst v41  }
0x8e: {  	v49 =	vld [tilespmem:$0x770];
	v51 =	vmul.u32 $0x2800, v28;
	v47 =	vadd.s32 v53, v42;
	[tilespmem:$0x10F0] =	vst v44  }
0x8f: {  	v52 =	vld [tilespmem:$0x260];
	v54 =	vmul.u32 $0x2800, v34;
	v53 =	vadd.s32 v25, v48;
	[tilespmem:$0x1100] =	vst v47  }
0x90: {  	v45 =	vmul.u32 $0x2800, v56;
	v55 =	vld [tilespmem:$0x270];
	v56 =	vadd.s32 v31, v51;
	[tilespmem:$0x1120] =	vst v53  }
0x91: {  	v57 =	vmul.u32 $0x2800, v40;
	v58 =	vadd.s32 v37, v54;
	[tilespmem:$0x1130] =	vst v56  }
0x92: {  	v50 =	vadd.s32 v59, v45;
	v59 =	vmul.u32 $0x2800, v46;
	[tilespmem:$0x1140] =	vst v58  }
0x93: {  	v61 =	vmul.u32 $0x2800, v49;
	v60 =	vadd.s32 v43, v57;
	[tilespmem:$0x1110] =	vst v50  }
0x94: {  	[tilespmem:$0x1150] =	vst v60;
	v62 =	vadd.s32 v52, v59  }
0x95: {  	[tilespmem:$0x1160] =	vst v62;
	v63 =	vadd.s32 v55, v61  }
0x96: {  	[tilespmem:$0x1170] =	vst v63  }
0x97: {  	[tilespmem:s30], [sflag:$0x3] =	stream.indirect.gather [hbm4b:s4+s28], $0x20, s29, s28, $0xb8;
	[tilespmem:$0x10220] =	vst v63  }
0x98: {  	s12 =	rddreg [dreg:$0xc]  }
0x99: {  	[tilespmem:s28], [sflag:$0x2] =	stream.linear.gather [hbm4b:s12+s3], $0x280, $0x38;
	[tilespmem:$0x10220] =	vst v63  }
.Ltmp2:
0x9a: {  	_ = 	snop;
	(pc) =	sbr.rel .LBB2_2-.Ltmp2, $4  }
0x9b: {  	s13 =	simm.s32 $0x780  }
0x9c: {  	[tilespmem:s13], [sflag:$0x2] =	stream.linear.gather [hbm4b:s15+s3], $0x280, $0x38;
	[tilespmem:$0x10220] =	vst v63  }
0x9d: {  	s9 =	simm.s32 $0x3;
	s14 =	simm.s32 $0xC80;
	s11 =	simm.s32 $0x0  }
0x9e: {  	[tilespmem:s14], [sflag:$0x2] =	stream.linear.gather [hbm4b:s16+s3], $0x280, $0x38;
	[tilespmem:$0x10220] =	vst v63  }
.LBB2_6:
0x9f: {  	p1 =	sge.u32 s9, s10  }
0xa0: {  	s12 =	sadd.s32 @!p1 s11, s20  }
0xa1: {  	s13 =	simm.s32 @!p1 $0x0;
	s14 =	simm.s32 @!p1 $0x280;
	s12 =	sadd.s32 @!p1 $0x1E00, s12  }
0xa2: {  	[tilespmem:s14], [sflag:$0x2] =	stream.linear.gather @!p1 [hbm4b:s12+s13], $0x280, $0x38;
	[tilespmem:$0x10220] =	vst v63  }
0xa3: {  	s12 =	sadd.s32 @!p1 s11, s21  }
0xa4: {  	s14 =	simm.s32 @!p1 $0x780;
	s12 =	sadd.s32 @!p1 $0x1E00, s12  }
0xa5: {  	[tilespmem:s14], [sflag:$0x2] =	stream.linear.gather @!p1 [hbm4b:s12+s13], $0x280, $0x38;
	[tilespmem:$0x10220] =	vst v63  }
0xa6: {  	s12 =	sadd.s32 @!p1 s11, s22  }
0xa7: {  	s14 =	simm.s32 @!p1 $0xC80;
	s11 =	sadd.s32 $0x1400, s11;
	s12 =	sadd.s32 @!p1 $0x1E00, s12  }
0xa8: {  	[tilespmem:s14], [sflag:$0x2] =	stream.linear.gather @!p1 [hbm4b:s12+s13], $0x280, $0x38;
	[tilespmem:$0x10220] =	vst v63  }
0xa9: {  	p1 =	sne.s32 s11, $0xA000  }
.Ltmp3:
0xaa: {  	_ = 	snop;
	(pc) =	sbr.rel @!p1 .LBB2_7-.Ltmp3, $2  }
0xab: {  	_ =	sdelay $0x2  }
0xac: {  	s9 =	sadd.s32 $0x2, s9  }
.LBB2_2:
0xad: {  	s12 =	sadd.s32 $0xFFFFFFFE, s9  }
0xae: {  	p1 =	sge.u32 s12, s10  }
.Ltmp4:
0xaf: {  	_ = 	snop;
	(pc) =	sbr.rel @p1 .LBB2_4-.Ltmp4, $1  }
0xb0: {  	_ =	sdelay $0x3  }
0xb1: {  	_ =	swait.ge [sflag:s1], $0x280  }
0xb2: {  	[sflag:s1] =	ssyncset.done $0x0  }
0xb3: {  	[sflag:s1] =	ssyncadd.s32 $0xFFFFFD80  }
0xb4: {  	_ =	swait.ge [sflag:s1], $0x280  }
0xb5: {  	[sflag:s1] =	ssyncset.done $0x0  }
0xb6: {  	[sflag:s1] =	ssyncadd.s32 $0xFFFFFD80  }
0xb7: {  	_ =	swait.ge [sflag:s1], $0x280  }
0xb8: {  	[sflag:s1] =	ssyncset.done $0x0  }
0xb9: {  	[sflag:s1] =	ssyncadd.s32 $0xFFFFFD80  }
0xba: {  	v0 =	vld [tilespmem:$0x780]  }
0xbb: {  	v1 =	vld [tilespmem:$0x280]  }
0xbc: {  	v2 =	vld [tilespmem:$0x790]  }
0xbd: {  	v3 =	vld [tilespmem:$0x290]  }
0xbe: {  	v4 =	vld [tilespmem:$0x7A0]  }
0xbf: {  	v5 =	vld [tilespmem:$0x2A0]  }
0xc0: {  	v6 =	vld [tilespmem:$0x7B0]  }
0xc1: {  	v7 =	vld [tilespmem:$0x2B0]  }
0xc2: {  	v8 =	vld [tilespmem:$0x7C0]  }
0xc3: {  	v9 =	vld [tilespmem:$0x2C0]  }
0xc4: {  	v10 =	vld [tilespmem:$0x7D0]  }
0xc5: {  	v11 =	vld [tilespmem:$0x2D0]  }
0xc6: {  	v12 =	vld [tilespmem:$0x7E0]  }
0xc7: {  	v13 =	vld [tilespmem:$0x2E0]  }
0xc8: {  	v14 =	vld [tilespmem:$0x7F0]  }
0xc9: {  	v15 =	vld [tilespmem:$0x2F0]  }
0xca: {  	v16 =	vld [tilespmem:$0x800]  }
0xcb: {  	v17 =	vld [tilespmem:$0x300]  }
0xcc: {  	v18 =	vld [tilespmem:$0x810]  }
0xcd: {  	v19 =	vld [tilespmem:$0x310]  }
0xce: {  	v20 =	vld [tilespmem:$0x820]  }
0xcf: {  	v21 =	vld [tilespmem:$0x320]  }
0xd0: {  	v22 =	vld [tilespmem:$0x830]  }
0xd1: {  	v23 =	vld [tilespmem:$0x330]  }
0xd2: {  	v24 =	vld [tilespmem:$0x840]  }
0xd3: {  	v25 =	vld [tilespmem:$0x340]  }
0xd4: {  	v26 =	vld [tilespmem:$0x850]  }
0xd5: {  	v27 =	vld [tilespmem:$0x350]  }
0xd6: {  	v28 =	vld [tilespmem:$0x860]  }
0xd7: {  	v29 =	vld [tilespmem:$0x360]  }
0xd8: {  	v30 =	vld [tilespmem:$0x870]  }
0xd9: {  	v31 =	vld [tilespmem:$0x370]  }
0xda: {  	v32 =	vld [tilespmem:$0x880]  }
0xdb: {  	v33 =	vld [tilespmem:$0x380]  }
0xdc: {  	v34 =	vld [tilespmem:$0x890]  }
0xdd: {  	v35 =	vld [tilespmem:$0x390]  }
0xde: {  	v36 =	vld [tilespmem:$0x8A0]  }
0xdf: {  	v37 =	vld [tilespmem:$0x3A0]  }
0xe0: {  	v38 =	vld [tilespmem:$0x8B0]  }
0xe1: {  	v39 =	vld [tilespmem:$0x3B0]  }
0xe2: {  	v40 =	vld [tilespmem:$0x8C0]  }
0xe3: {  	v41 =	vld [tilespmem:$0x3C0]  }
0xe4: {  	v42 =	vld [tilespmem:$0x8D0]  }
0xe5: {  	v43 =	vld [tilespmem:$0x3D0];
	v0 =	vmul.u32 $0x2800, v0  }
0xe6: {  	v44 =	vld [tilespmem:$0x8E0];
	v2 =	vmul.u32 $0x2800, v2  }
0xe7: {  	v58 =	vld [tilespmem:$0x900];
	v51 =	vmul.u32 $0x2800, v4;
	v0 =	vadd.s32 v1, v0  }
0xe8: {  	v63 =	vld [tilespmem:$0x910];
	v53 =	vmul.u32 $0x2800, v6;
	v52 =	vadd.s32 v3, v2;
	[tilespmem:$0x1180] =	vst v0  }
0xe9: {  	v47 =	vld [tilespmem:$0x470];
	v55 =	vmul.u32 $0x2800, v8;
	v54 =	vadd.s32 v5, v51;
	[tilespmem:$0x1190] =	vst v52  }
0xea: {  	v50 =	vld [tilespmem:$0x980];
	v57 =	vmul.u32 $0x2800, v10;
	v56 =	vadd.s32 v7, v53;
	[tilespmem:$0x11A0] =	vst v54  }
0xeb: {  	v4 =	vld [tilespmem:$0x3E0];
	v60 =	vmul.u32 $0x2800, v12;
	v59 =	vadd.s32 v9, v55;
	[tilespmem:$0x11B0] =	vst v56  }
0xec: {  	v62 =	vmul.u32 $0x2800, v14;
	v10 =	vld [tilespmem:$0x920];
	v61 =	vadd.s32 v11, v57;
	[tilespmem:$0x11C0] =	vst v59  }
0xed: {  	v14 =	vmul.u32 $0x2800, v16;
	v12 =	vld [tilespmem:$0x930];
	v13 =	vadd.s32 v13, v60;
	[tilespmem:$0x11D0] =	vst v61  }
0xee: {  	v16 =	vmul.u32 $0x2800, v18;
	v46 =	vmul.u32 $0x2800, v40;
	v40 =	vld [tilespmem:$0x9D0];
	v15 =	vadd.s32 v15, v62;
	[tilespmem:$0x11E0] =	vst v13  }
0xef: {  	v18 =	vmul.u32 $0x2800, v20;
	v3 =	vld [tilespmem:$0x8F0];
	v17 =	vadd.s32 v17, v14;
	[tilespmem:$0x11F0] =	vst v15  }
0xf0: {  	v20 =	vmul.u32 $0x2800, v22;
	v5 =	vld [tilespmem:$0x3F0];
	v19 =	vadd.s32 v19, v16;
	[tilespmem:$0x1200] =	vst v17  }
0xf1: {  	v22 =	vmul.u32 $0x2800, v24;
	v7 =	vld [tilespmem:$0x400];
	v21 =	vadd.s32 v21, v18;
	[tilespmem:$0x1210] =	vst v19  }
0xf2: {  	v24 =	vmul.u32 $0x2800, v26;
	v9 =	vld [tilespmem:$0x410];
	v23 =	vadd.s32 v23, v20;
	[tilespmem:$0x1220] =	vst v21  }
0xf3: {  	v26 =	vmul.u32 $0x2800, v28;
	v11 =	vld [tilespmem:$0x420];
	v25 =	vadd.s32 v25, v22;
	[tilespmem:$0x1230] =	vst v23  }
0xf4: {  	v28 =	vmul.u32 $0x2800, v30;
	v14 =	vld [tilespmem:$0x940];
	v27 =	vadd.s32 v27, v24;
	[tilespmem:$0x1240] =	vst v25  }
0xf5: {  	v30 =	vmul.u32 $0x2800, v32;
	v16 =	vld [tilespmem:$0x950];
	v29 =	vadd.s32 v29, v26;
	[tilespmem:$0x1250] =	vst v27  }
0xf6: {  	v32 =	vmul.u32 $0x2800, v34;
	v31 =	vadd.s32 v31, v28;
	v18 =	vld [tilespmem:$0x960];
	[tilespmem:$0x1260] =	vst v29  }
0xf7: {  	v34 =	vmul.u32 $0x2800, v36;
	v33 =	vadd.s32 v33, v30;
	v20 =	vld [tilespmem:$0x970];
	[tilespmem:$0x1270] =	vst v31  }
0xf8: {  	v38 =	vmul.u32 $0x2800, v38;
	v36 =	vadd.s32 v35, v32;
	v53 =	vld [tilespmem:$0x480];
	[tilespmem:$0x1280] =	vst v33  }
0xf9: {  	v45 =	vadd.s32 v37, v34;
	v62 =	vld [tilespmem:$0x9A0];
	[tilespmem:$0x1290] =	vst v36  }
0xfa: {  	v49 =	vmul.u32 $0x2800, v42;
	v48 =	vadd.s32 v39, v38;
	v28 =	vld [tilespmem:$0x9B0];
	[tilespmem:$0x12A0] =	vst v45  }
0xfb: {  	v51 =	vadd.s32 v41, v46;
	v34 =	vld [tilespmem:$0x9C0];
	[tilespmem:$0x12B0] =	vst v48;
	v52 =	vmul.u32 $0x2800, v44  }
0xfc: {  	v58 =	vmul.u32 $0x2800, v58;
	v13 =	vld [tilespmem:$0x430];
	[tilespmem:$0x12C0] =	vst v51;
	v54 =	vadd.s32 v43, v49  }
0xfd: {  	v37 =	vld [tilespmem:$0x4C0];
	v61 =	vmul.u32 $0x2800, v63;
	[tilespmem:$0x12D0] =	vst v54;
	v57 =	vadd.s32 v4, v52  }
0xfe: {  	v15 =	vld [tilespmem:$0x440];
	v24 =	vmul.u32 $0x2800, v10;
	[tilespmem:$0x12E0] =	vst v57;
	v63 =	vadd.s32 v7, v58  }
0xff: {  	v17 =	vld [tilespmem:$0x450];
	v27 =	vmul.u32 $0x2800, v12;
	v26 =	vadd.s32 v9, v61;
	[tilespmem:$0x1300] =	vst v63  }
0x100: {  	v19 =	vld [tilespmem:$0x460];
	v55 =	vmul.u32 $0x2800, v3;
	v29 =	vadd.s32 v11, v24;
	[tilespmem:$0x1310] =	vst v26  }
0x101: {  	v46 =	vld [tilespmem:$0x9E0];
	v30 =	vmul.u32 $0x2800, v14;
	[tilespmem:$0x1320] =	vst v29;
	v32 =	vadd.s32 v13, v27  }
0x102: {  	v56 =	vld [tilespmem:$0x990];
	v33 =	vmul.u32 $0x2800, v16;
	v60 =	vadd.s32 v5, v55;
	[tilespmem:$0x1330] =	vst v32  }
0x103: {  	v25 =	vld [tilespmem:$0x4A0];
	v36 =	vmul.u32 $0x2800, v18;
	v35 =	vadd.s32 v15, v30;
	[tilespmem:$0x12F0] =	vst v60  }
0x104: {  	v31 =	vld [tilespmem:$0x4B0];
	v39 =	vmul.u32 $0x2800, v20;
	v38 =	vadd.s32 v17, v33;
	[tilespmem:$0x1340] =	vst v35  }
0x105: {  	v42 =	vmul.u32 $0x2800, v50;
	v59 =	vld [tilespmem:$0x490];
	v41 =	vadd.s32 v19, v36;
	[tilespmem:$0x1350] =	vst v38  }
0x106: {  	v43 =	vld [tilespmem:$0x4D0];
	v48 =	vmul.u32 $0x2800, v62;
	v44 =	vadd.s32 v47, v39;
	[tilespmem:$0x1360] =	vst v41  }
0x107: {  	v49 =	vld [tilespmem:$0x9F0];
	v51 =	vmul.u32 $0x2800, v28;
	v47 =	vadd.s32 v53, v42;
	[tilespmem:$0x1370] =	vst v44  }
0x108: {  	v52 =	vld [tilespmem:$0x4E0];
	v54 =	vmul.u32 $0x2800, v34;
	v53 =	vadd.s32 v25, v48;
	[tilespmem:$0x1380] =	vst v47  }
0x109: {  	v45 =	vmul.u32 $0x2800, v56;
	v55 =	vld [tilespmem:$0x4F0];
	v56 =	vadd.s32 v31, v51;
	[tilespmem:$0x13A0] =	vst v53  }
0x10a: {  	v57 =	vmul.u32 $0x2800, v40;
	v58 =	vadd.s32 v37, v54;
	[tilespmem:$0x13B0] =	vst v56  }
0x10b: {  	v50 =	vadd.s32 v59, v45;
	v59 =	vmul.u32 $0x2800, v46;
	[tilespmem:$0x13C0] =	vst v58  }
0x10c: {  	v61 =	vmul.u32 $0x2800, v49;
	v60 =	vadd.s32 v43, v57;
	[tilespmem:$0x1390] =	vst v50  }
0x10d: {  	[tilespmem:$0x13D0] =	vst v60;
	v62 =	vadd.s32 v52, v59  }
0x10e: {  	[tilespmem:$0x13E0] =	vst v62;
	v63 =	vadd.s32 v55, v61  }
0x10f: {  	[tilespmem:$0x13F0] =	vst v63  }
0x110: {  	[tilespmem:s31], [sflag:$0x4] =	stream.indirect.gather [hbm4b:s4+s28], $0x20, s24, s28, $0xb8;
	[tilespmem:$0x10220] =	vst v63  }
.LBB2_4:
0x111: {  	_ =	swait.ge [sflag:s0], $0x5000  }
0x112: {  	[sflag:s0] =	ssyncset.done $0x0  }
0x113: {  	s12 =	sadd.s32 $0xFFFFFFFF, s9;
	[sflag:s0] =	ssyncadd.s32 $0xFFFFB000  }
0x114: {  	[spmem:s2] =	stream.indirect.scatter.add.f32 [tilespmem:s30], [sflag:$0x5], $0x20, s25, s28, $0xb8;
	[tilespmem:$0x10220] =	vst v63  }
0x115: {  	p2 =	sge.u32 s12, s10;
	_ =	swait.ge [sflag:s23], $0x5000  }
0x116: {  	s12 =	sadd.s32 @!p2 s11, s20;
	[sflag:s23] =	ssyncset.done $0x0  }
0x117: {  	s13 =	simm.s32 @!p2 $0x0;
	s12 =	sadd.s32 @!p2 $0x1400, s12;
	[sflag:s23] =	ssyncadd.s32 $0xFFFFB000  }
0x118: {  	[tilespmem:s13], [sflag:$0x1] =	stream.linear.gather @!p2 [hbm4b:s12+s13], $0x280, $0x38;
	[tilespmem:$0x10220] =	vst v63  }
0x119: {  	s12 =	sadd.s32 @!p2 s11, s21  }
0x11a: {  	s14 =	simm.s32 @!p2 $0x500;
	s12 =	sadd.s32 @!p2 $0x1400, s12  }
0x11b: {  	[tilespmem:s14], [sflag:$0x1] =	stream.linear.gather @!p2 [hbm4b:s12+s13], $0x280, $0x38;
	[tilespmem:$0x10220] =	vst v63  }
0x11c: {  	s12 =	sadd.s32 @!p2 s11, s22  }
0x11d: {  	s14 =	simm.s32 @!p2 $0xA00;
	s12 =	sadd.s32 @!p2 $0x1400, s12  }
0x11e: {  	[tilespmem:s14], [sflag:$0x1] =	stream.linear.gather @!p2 [hbm4b:s12+s13], $0x280, $0x38;
	[tilespmem:$0x10220] =	vst v63  }
0x11f: {  	s12 =	simm.s32 @!p1 $0x4  }
0x120: {  	_ =	swait.ge @!p1 [sflag:s12], $0x5000  }
0x121: {  	s13 =	simm.s32 @!p1 $0xC80;
	[sflag:s12] =	ssyncset.done @!p1 $0x0  }
0x122: {  	s14 =	simm.s32 @!p1 $0x6400;
	[sflag:s12] =	ssyncadd.s32 @!p1 $0xFFFFB000;
	s12 =	simm.s32 @!p1 $0x280  }
0x123: {  	[spmem:s2] =	stream.indirect.scatter.add.f32 @!p1 [tilespmem:s14], [sflag:$0x5], $0x20, s13, s12, $0xb8;
	[tilespmem:$0x10220] =	vst v63  }
.Ltmp5:
0x124: {  	_ = 	snop;
	(pc) =	sbr.rel @p2 .LBB2_6-.Ltmp5, $4  }
0x125: {  	s12 =	simm.s32 @!p1 $0x5  }
0x126: {  	_ =	swait.ge @!p1 [sflag:s12], $0x5000  }
0x127: {  	[sflag:s12] =	ssyncset.done @!p1 $0x0  }
0x128: {  	[sflag:s12] =	ssyncadd.s32 @!p1 $0xFFFFB000  }
0x129: {  	_ =	swait.ge [sflag:s26], $0x280  }
0x12a: {  	[sflag:s26] =	ssyncset.done $0x0  }
0x12b: {  	[sflag:s26] =	ssyncadd.s32 $0xFFFFFD80  }
0x12c: {  	_ =	swait.ge [sflag:s26], $0x280  }
0x12d: {  	[sflag:s26] =	ssyncset.done $0x0  }
0x12e: {  	[sflag:s26] =	ssyncadd.s32 $0xFFFFFD80  }
0x12f: {  	_ =	swait.ge [sflag:s26], $0x280  }
0x130: {  	[sflag:s26] =	ssyncset.done $0x0  }
0x131: {  	[sflag:s26] =	ssyncadd.s32 $0xFFFFFD80  }
0x132: {  	v0 =	vld [tilespmem:$0x500]  }
0x133: {  	v1 =	vld [tilespmem:$0x0]  }
0x134: {  	v2 =	vld [tilespmem:$0x510]  }
0x135: {  	v3 =	vld [tilespmem:$0x10]  }
0x136: {  	v4 =	vld [tilespmem:$0x520]  }
0x137: {  	v5 =	vld [tilespmem:$0x20]  }
0x138: {  	v6 =	vld [tilespmem:$0x530]  }
0x139: {  	v7 =	vld [tilespmem:$0x30]  }
0x13a: {  	v8 =	vld [tilespmem:$0x540]  }
0x13b: {  	v9 =	vld [tilespmem:$0x40]  }
0x13c: {  	v10 =	vld [tilespmem:$0x550]  }
0x13d: {  	v11 =	vld [tilespmem:$0x50]  }
0x13e: {  	v12 =	vld [tilespmem:$0x560]  }
0x13f: {  	v13 =	vld [tilespmem:$0x60]  }
0x140: {  	v14 =	vld [tilespmem:$0x570]  }
0x141: {  	v15 =	vld [tilespmem:$0x70]  }
0x142: {  	v16 =	vld [tilespmem:$0x580]  }
0x143: {  	v17 =	vld [tilespmem:$0x80]  }
0x144: {  	v18 =	vld [tilespmem:$0x590]  }
0x145: {  	v19 =	vld [tilespmem:$0x90]  }
0x146: {  	v20 =	vld [tilespmem:$0x5A0]  }
0x147: {  	v21 =	vld [tilespmem:$0xA0]  }
0x148: {  	v22 =	vld [tilespmem:$0x5B0]  }
0x149: {  	v23 =	vld [tilespmem:$0xB0]  }
0x14a: {  	v24 =	vld [tilespmem:$0x5C0]  }
0x14b: {  	v25 =	vld [tilespmem:$0xC0]  }
0x14c: {  	v26 =	vld [tilespmem:$0x5D0]  }
0x14d: {  	v27 =	vld [tilespmem:$0xD0]  }
0x14e: {  	v28 =	vld [tilespmem:$0x5E0]  }
0x14f: {  	v29 =	vld [tilespmem:$0xE0]  }
0x150: {  	v30 =	vld [tilespmem:$0x5F0]  }
0x151: {  	v31 =	vld [tilespmem:$0xF0]  }
0x152: {  	v32 =	vld [tilespmem:$0x600]  }
0x153: {  	v33 =	vld [tilespmem:$0x100]  }
0x154: {  	v34 =	vld [tilespmem:$0x610]  }
0x155: {  	v35 =	vld [tilespmem:$0x110]  }
0x156: {  	v36 =	vld [tilespmem:$0x620]  }
0x157: {  	v37 =	vld [tilespmem:$0x120]  }
0x158: {  	v38 =	vld [tilespmem:$0x630]  }
0x159: {  	v39 =	vld [tilespmem:$0x130]  }
0x15a: {  	v40 =	vld [tilespmem:$0x640]  }
0x15b: {  	v41 =	vld [tilespmem:$0x140]  }
0x15c: {  	v42 =	vld [tilespmem:$0x650]  }
0x15d: {  	v43 =	vld [tilespmem:$0x150];
	v0 =	vmul.u32 $0x2800, v0  }
0x15e: {  	v44 =	vld [tilespmem:$0x660];
	v2 =	vmul.u32 $0x2800, v2  }
0x15f: {  	v58 =	vld [tilespmem:$0x680];
	v51 =	vmul.u32 $0x2800, v4;
	v0 =	vadd.s32 v1, v0  }
0x160: {  	v63 =	vld [tilespmem:$0x690];
	v53 =	vmul.u32 $0x2800, v6;
	v52 =	vadd.s32 v3, v2;
	[tilespmem:$0xF00] =	vst v0  }
0x161: {  	v47 =	vld [tilespmem:$0x1F0];
	v55 =	vmul.u32 $0x2800, v8;
	v54 =	vadd.s32 v5, v51;
	[tilespmem:$0xF10] =	vst v52  }
0x162: {  	v50 =	vld [tilespmem:$0x700];
	v57 =	vmul.u32 $0x2800, v10;
	v56 =	vadd.s32 v7, v53;
	[tilespmem:$0xF20] =	vst v54  }
0x163: {  	v4 =	vld [tilespmem:$0x160];
	v60 =	vmul.u32 $0x2800, v12;
	v59 =	vadd.s32 v9, v55;
	[tilespmem:$0xF30] =	vst v56  }
0x164: {  	v62 =	vmul.u32 $0x2800, v14;
	v10 =	vld [tilespmem:$0x6A0];
	v61 =	vadd.s32 v11, v57;
	[tilespmem:$0xF40] =	vst v59  }
0x165: {  	v14 =	vmul.u32 $0x2800, v16;
	v12 =	vld [tilespmem:$0x6B0];
	v13 =	vadd.s32 v13, v60;
	[tilespmem:$0xF50] =	vst v61  }
0x166: {  	v16 =	vmul.u32 $0x2800, v18;
	v46 =	vmul.u32 $0x2800, v40;
	v40 =	vld [tilespmem:$0x750];
	v15 =	vadd.s32 v15, v62;
	[tilespmem:$0xF60] =	vst v13  }
0x167: {  	v18 =	vmul.u32 $0x2800, v20;
	v3 =	vld [tilespmem:$0x670];
	v17 =	vadd.s32 v17, v14;
	[tilespmem:$0xF70] =	vst v15  }
0x168: {  	v20 =	vmul.u32 $0x2800, v22;
	v5 =	vld [tilespmem:$0x170];
	v19 =	vadd.s32 v19, v16;
	[tilespmem:$0xF80] =	vst v17  }
0x169: {  	v22 =	vmul.u32 $0x2800, v24;
	v7 =	vld [tilespmem:$0x180];
	v21 =	vadd.s32 v21, v18;
	[tilespmem:$0xF90] =	vst v19  }
0x16a: {  	v24 =	vmul.u32 $0x2800, v26;
	v9 =	vld [tilespmem:$0x190];
	v23 =	vadd.s32 v23, v20;
	[tilespmem:$0xFA0] =	vst v21  }
0x16b: {  	v26 =	vmul.u32 $0x2800, v28;
	v11 =	vld [tilespmem:$0x1A0];
	v25 =	vadd.s32 v25, v22;
	[tilespmem:$0xFB0] =	vst v23  }
0x16c: {  	v28 =	vmul.u32 $0x2800, v30;
	v14 =	vld [tilespmem:$0x6C0];
	v27 =	vadd.s32 v27, v24;
	[tilespmem:$0xFC0] =	vst v25  }
0x16d: {  	v30 =	vmul.u32 $0x2800, v32;
	v16 =	vld [tilespmem:$0x6D0];
	v29 =	vadd.s32 v29, v26;
	[tilespmem:$0xFD0] =	vst v27  }
0x16e: {  	v32 =	vmul.u32 $0x2800, v34;
	v31 =	vadd.s32 v31, v28;
	v18 =	vld [tilespmem:$0x6E0];
	[tilespmem:$0xFE0] =	vst v29  }
0x16f: {  	v34 =	vmul.u32 $0x2800, v36;
	v33 =	vadd.s32 v33, v30;
	v20 =	vld [tilespmem:$0x6F0];
	[tilespmem:$0xFF0] =	vst v31  }
0x170: {  	v38 =	vmul.u32 $0x2800, v38;
	v36 =	vadd.s32 v35, v32;
	v53 =	vld [tilespmem:$0x200];
	[tilespmem:$0x1000] =	vst v33  }
0x171: {  	v45 =	vadd.s32 v37, v34;
	v62 =	vld [tilespmem:$0x720];
	[tilespmem:$0x1010] =	vst v36  }
0x172: {  	v49 =	vmul.u32 $0x2800, v42;
	v48 =	vadd.s32 v39, v38;
	v28 =	vld [tilespmem:$0x730];
	[tilespmem:$0x1020] =	vst v45  }
0x173: {  	v51 =	vadd.s32 v41, v46;
	v34 =	vld [tilespmem:$0x740];
	[tilespmem:$0x1030] =	vst v48;
	v52 =	vmul.u32 $0x2800, v44  }
0x174: {  	v58 =	vmul.u32 $0x2800, v58;
	v13 =	vld [tilespmem:$0x1B0];
	[tilespmem:$0x1040] =	vst v51;
	v54 =	vadd.s32 v43, v49  }
0x175: {  	v37 =	vld [tilespmem:$0x240];
	v61 =	vmul.u32 $0x2800, v63;
	[tilespmem:$0x1050] =	vst v54;
	v57 =	vadd.s32 v4, v52  }
0x176: {  	v15 =	vld [tilespmem:$0x1C0];
	v24 =	vmul.u32 $0x2800, v10;
	[tilespmem:$0x1060] =	vst v57;
	v63 =	vadd.s32 v7, v58  }
0x177: {  	v17 =	vld [tilespmem:$0x1D0];
	v27 =	vmul.u32 $0x2800, v12;
	v26 =	vadd.s32 v9, v61;
	[tilespmem:$0x1080] =	vst v63  }
0x178: {  	v19 =	vld [tilespmem:$0x1E0];
	v55 =	vmul.u32 $0x2800, v3;
	v29 =	vadd.s32 v11, v24;
	[tilespmem:$0x1090] =	vst v26  }
0x179: {  	v46 =	vld [tilespmem:$0x760];
	v30 =	vmul.u32 $0x2800, v14;
	[tilespmem:$0x10A0] =	vst v29;
	v32 =	vadd.s32 v13, v27  }
0x17a: {  	v56 =	vld [tilespmem:$0x710];
	v33 =	vmul.u32 $0x2800, v16;
	v60 =	vadd.s32 v5, v55;
	[tilespmem:$0x10B0] =	vst v32  }
0x17b: {  	v25 =	vld [tilespmem:$0x220];
	v36 =	vmul.u32 $0x2800, v18;
	v35 =	vadd.s32 v15, v30;
	[tilespmem:$0x1070] =	vst v60  }
0x17c: {  	v31 =	vld [tilespmem:$0x230];
	v39 =	vmul.u32 $0x2800, v20;
	v38 =	vadd.s32 v17, v33;
	[tilespmem:$0x10C0] =	vst v35  }
0x17d: {  	v42 =	vmul.u32 $0x2800, v50;
	v59 =	vld [tilespmem:$0x210];
	v41 =	vadd.s32 v19, v36;
	[tilespmem:$0x10D0] =	vst v38  }
0x17e: {  	v43 =	vld [tilespmem:$0x250];
	v48 =	vmul.u32 $0x2800, v62;
	v44 =	vadd.s32 v47, v39;
	[tilespmem:$0x10E0] =	vst v41  }
0x17f: {  	v49 =	vld [tilespmem:$0x770];
	v51 =	vmul.u32 $0x2800, v28;
	v47 =	vadd.s32 v53, v42;
	[tilespmem:$0x10F0] =	vst v44  }
0x180: {  	v52 =	vld [tilespmem:$0x260];
	v54 =	vmul.u32 $0x2800, v34;
	v53 =	vadd.s32 v25, v48;
	[tilespmem:$0x1100] =	vst v47  }
0x181: {  	v45 =	vmul.u32 $0x2800, v56;
	v55 =	vld [tilespmem:$0x270];
	v56 =	vadd.s32 v31, v51;
	[tilespmem:$0x1120] =	vst v53  }
0x182: {  	v57 =	vmul.u32 $0x2800, v40;
	v58 =	vadd.s32 v37, v54;
	[tilespmem:$0x1130] =	vst v56  }
0x183: {  	v50 =	vadd.s32 v59, v45;
	v59 =	vmul.u32 $0x2800, v46;
	[tilespmem:$0x1140] =	vst v58  }
.Ltmp6:
0x184: {  	v61 =	vmul.u32 $0x2800, v49;
	v60 =	vadd.s32 v43, v57;
	[tilespmem:$0x1110] =	vst v50;
	(pc) =	sbr.rel .LBB2_6-.Ltmp6, $4  }
0x185: {  	[tilespmem:$0x1150] =	vst v60;
	v62 =	vadd.s32 v52, v59  }
0x186: {  	[tilespmem:$0x1160] =	vst v62;
	v63 =	vadd.s32 v55, v61  }
0x187: {  	[tilespmem:$0x1170] =	vst v63  }
0x188: {  	[tilespmem:s30], [sflag:$0x3] =	stream.indirect.gather [hbm4b:s4+s28], $0x20, s29, s28, $0xb8;
	[tilespmem:$0x10220] =	vst v63  }
.LBB2_8:
0x189: {  	_ =	sfence.sel $0x180000  }
0x18a: {  	[bflag:$0x0] =	sbarrier.arrive $0xFFFF  }
0x18b: {  	_ =	strace $0x90000047  }
0x18c: {  	s0 =	stileid.u32;
	[bflag:$0x2] =	sbarrier.arrive $0xFFFF  }
0x18d: {  	p0 =	sne.s32 s0, $0x0;
	s0 =	rddreg [dreg:$0x4]  }
0x18e: {  	s0 =	sadd.s32 @!p0 $0x100000, s0  }
0x18f: {  	[sflag:s0] =	ssyncadd.tile.s32 @!p0 $0x1;
	_ =	shalt  }
.Lfunc_end2:
_tile_overlayer_lowered:
.L_overlay_start_2:
0x190: {  	(tag) =	ssettag $0x2  }
0x191: {  	s0 =	rddreg [dreg:$0x0];
	s2 =	stileid.u32  }
0x192: {  	s1 =	rddreg [dreg:$0x1];
	p0 =	sne.s32 s2, $0x0  }
0x193: {  	s3 =	rddreg [dreg:$0x2];
	[bflag:$0x3] =	sbarrier.arrive $0xFFFF;
	s2 =	simm.s32 @!p0 $0x1C05  }
0x194: {  	[timem:s3], [sflag:s2] =	dma.local @!p0 [hbm:s0], s1  }
0x195: {  	s0 =	simm.s32 @!p0 $0x5  }
0x196: {  	_ =	swait.ge @!p0 [sflag:s0], s1  }
0x197: {  	s1 =	ssub.s32 @!p0 $0x0, s1;
	[sflag:s0] =	ssyncset.done @!p0 $0x0  }
0x198: {  	[sflag:s0] =	ssyncadd.s32 @!p0 s1  }
0x199: {  	[bflag:$0x3] =	sbarrier.arrive $0xFFFF  }
0x19a: {  	_ =	shalt  }

</sc_bundles>
